<compile_context>
chip_gen: v7x
topology: tpu7x:2x2x1
jax: 0.10.2.dev20260603
libtpu: 0.0.44.dev20260713+nightly
codegen_flags: <defaults>
</compile_context>

<pallas_src>
import jax
import jax.numpy as jnp
from jax import lax
from jax.experimental import pallas as pl
from jax.experimental.pallas import tpu as pltpu
from jax.experimental.pallas import tpu_sc as plsc

N = 10000
E = 160000
D = 256
H = 128
NC = 2
NS = 16
NPAD = 10240
RPT = NPAD // NS
EPT = E // NS
CHUNK = 50
NCHUNKS = EPT // CHUNK
NBUF = 3
NRND = NCHUNKS // NBUF
TAIL = NCHUNKS - NRND * NBUF
UNPACK_OFFS = list(range(0, CHUNK - 15, 16)) + (
    [CHUNK - 16] if CHUNK % 16 else [])
CHUNK_D = 80
NCHUNKS_D = EPT // CHUNK_D
WBT = 10
WBR = N // WBT

_f32 = jnp.float32


def _sc_mesh():
    return plsc.VectorSubcoreMesh(
        core_axis_name="c", subcore_axis_name="s", num_cores=NC,
        num_subcores=NS)


def _make_seg_body(with_deg):
    def body(*refs):
        it = iter(refs)
        y0_hbm, y1_hbm, pidx_hbm, zrows_hbm = [next(it) for _ in range(4)]
        z1d_hbm = next(it) if with_deg else None
        agg0_hbm, agg1_hbm = next(it), next(it)
        deg_hbm = next(it) if with_deg else None
        pidx = [next(it) for _ in range(NBUF)]
        sidx = [next(it) for _ in range(NBUF)]
        didx = [next(it) for _ in range(NBUF)]
        rows = [next(it) for _ in range(NBUF)]
        ones_v = next(it) if with_deg else None
        acc_sh = next(it)
        dacc_sh = next(it) if with_deg else None
        isem = [next(it) for _ in range(NBUF)]
        gsem = [next(it) for _ in range(NBUF)]
        ssem = [next(it) for _ in range(NBUF)]
        dsem = [next(it) for _ in range(NBUF)] if with_deg else None
        zsem = next(it)

        c = lax.axis_index("c")
        s = lax.axis_index("s")

        @pl.when(s < WBT)
        def _():
            pltpu.async_copy(zrows_hbm, acc_sh.at[pl.ds(s * WBR, WBR)], zsem)

        if with_deg:
            @pl.when((c == 0) & (s == 0))
            def _():
                pltpu.async_copy(z1d_hbm, dacc_sh, zsem)
            for off in UNPACK_OFFS:
                ones_v[pl.ds(off, 16)] = jnp.ones((16,), _f32)

        def start_pidx(i, b):
            pltpu.async_copy(pidx_hbm.at[s * NCHUNKS + i], pidx[b], isem[b])

        def wait_pidx(b):
            pltpu.make_async_copy(pidx_hbm.at[0], pidx[b], isem[b]).wait()

        def unpack(b):
            for off in UNPACK_OFFS:
                v = pidx[b][0, pl.ds(off, 16)]
                sidx[b][pl.ds(off, 16)] = v & 0xFFFF
                didx[b][pl.ds(off, 16)] = lax.shift_right_logical(v, 16)

        def start_gather(b):
            @pl.when(c == 0)
            def _():
                pltpu.async_copy(y0_hbm.at[sidx[b]], rows[b], gsem[b])

            @pl.when(c == 1)
            def _():
                pltpu.async_copy(y1_hbm.at[sidx[b]], rows[b], gsem[b])

        def wait_gather(b):
            pltpu.make_async_copy(y0_hbm.at[sidx[b]], rows[b], gsem[b]).wait()

        def start_scatter(b):
            pltpu.async_copy(rows[b], acc_sh.at[didx[b]], ssem[b], add=True)
            if with_deg:
                @pl.when(c == 0)
                def _():
                    pltpu.async_copy(ones_v, dacc_sh.at[didx[b]], dsem[b],
                                     add=True)

        def wait_scatter(b):
            pltpu.make_async_copy(rows[b], acc_sh.at[didx[b]], ssem[b]).wait()
            if with_deg:
                @pl.when(c == 0)
                def _():
                    pltpu.make_async_copy(ones_v, dacc_sh.at[didx[b]],
                                          dsem[b]).wait()

        for b in range(NBUF):
            start_pidx(b, b)
        for b in range(NBUF):
            wait_pidx(b)
            unpack(b)
            start_pidx(NBUF + b, b)
            start_gather(b)

        @pl.when(s < WBT)
        def _():
            pltpu.make_async_copy(zrows_hbm, acc_sh.at[pl.ds(0, WBR)],
                                  zsem).wait()

        if with_deg:
            @pl.when((c == 0) & (s == 0))
            def _():
                pltpu.make_async_copy(z1d_hbm, dacc_sh, zsem).wait()

        plsc.subcore_barrier()

        def rnd(r, carry):
            base = r * NBUF
            for b in range(NBUF):
                wait_gather(b)
                start_scatter(b)
            for b in range(NBUF):
                nxt = base + NBUF + b

                @pl.when(nxt < NCHUNKS)
                def _():
                    wait_scatter(b)
                    wait_pidx(b)
                    unpack(b)

                    @pl.when(nxt + NBUF < NCHUNKS)
                    def _():
                        start_pidx(nxt + NBUF, b)

                    start_gather(b)
            return carry

        lax.fori_loop(0, NRND, rnd, 0)

        for b in range(TAIL):
            wait_gather(b)
            start_scatter(b)
        for b in range(TAIL, NBUF):
            wait_scatter(b)
        for b in range(TAIL):
            wait_scatter(b)
        plsc.subcore_barrier()

        @pl.when(s < WBT)
        def _():
            rws = pl.ds(s * WBR, WBR)

            @pl.when(c == 0)
            def _():
                pltpu.sync_copy(acc_sh.at[rws], agg0_hbm.at[rws])

            @pl.when(c == 1)
            def _():
                pltpu.sync_copy(acc_sh.at[rws], agg1_hbm.at[rws])

        if with_deg:
            @pl.when((c == 0) & (s == 0))
            def _():
                pltpu.sync_copy(dacc_sh, deg_hbm)

    return body


def _make_seg_call(with_deg):
    out = [jax.ShapeDtypeStruct((N, H), _f32),
           jax.ShapeDtypeStruct((N, H), _f32)]
    if with_deg:
        out = out + [jax.ShapeDtypeStruct((N,), _f32)]
    scratch = (
        [pltpu.VMEM((1, CHUNK), jnp.int32) for _ in range(NBUF)]
        + [pltpu.VMEM((CHUNK,), jnp.int32) for _ in range(2 * NBUF)]
        + [pltpu.VMEM((CHUNK, H), _f32) for _ in range(NBUF)]
        + ([pltpu.VMEM((CHUNK,), _f32)] if with_deg else [])
        + [pltpu.VMEM_SHARED((N, H), _f32)]
        + ([pltpu.VMEM_SHARED((N,), _f32)] if with_deg else [])
        + [pltpu.SemaphoreType.DMA
           for _ in range((4 if with_deg else 3) * NBUF + 1)]
    )
    return pl.kernel(
        _make_seg_body(with_deg),
        out_type=out,
        mesh=_sc_mesh(),
        scratch_types=scratch,
    )


_seg_call = _make_seg_call(False)
_segdeg_call = _make_seg_call(True)


RB = 1000
GRID = N // RB

_H_OUT = [jax.ShapeDtypeStruct((N, H), _f32),
          jax.ShapeDtypeStruct((N, H), _f32)]
_H_SPECS = [pl.BlockSpec((RB, H), lambda i: (i, 0)),
            pl.BlockSpec((RB, H), lambda i: (i, 0))]


def _comb_body(a0_ref, a1_ref, deg_ref, h0_ref, h1_ref, b_ref,
               wn_ref, wr_ref, o0_ref, o1_ref):
    inv = 1.0 / jnp.maximum(deg_ref[...], 1.0)
    mean = jnp.concatenate([a0_ref[...], a1_ref[...]], axis=1) * inv
    h = jnp.concatenate([h0_ref[...], h1_ref[...]], axis=1)
    o = (jnp.dot(mean, wn_ref[...], preferred_element_type=_f32)
         + b_ref[...]
         + jnp.dot(h, wr_ref[...], preferred_element_type=_f32))
    o = jnp.maximum(o, 0.0)
    o0_ref[...] = o[:, :H]
    o1_ref[...] = o[:, H:]


_comb = pl.pallas_call(
    _comb_body,
    grid=(GRID,),
    in_specs=_H_SPECS + _H_SPECS[:1] * 0 + [
        pl.BlockSpec((RB, 1), lambda i: (i, 0)),
    ] + _H_SPECS + [
        pl.BlockSpec((1, D), lambda i: (0, 0)),
        pl.BlockSpec((D, D), lambda i: (0, 0)),
        pl.BlockSpec((D, D), lambda i: (0, 0)),
    ],
    out_specs=_H_SPECS,
    out_shape=_H_OUT,
)

FC_PAD = 128


def _final_body(a0_ref, a1_ref, deg_ref, h0_ref, h1_ref, b_ref,
                wn_ref, wr_ref, wfc_ref, bfc_ref, out_ref):
    inv = 1.0 / jnp.maximum(deg_ref[...], 1.0)
    mean = jnp.concatenate([a0_ref[...], a1_ref[...]], axis=1) * inv
    h = jnp.concatenate([h0_ref[...], h1_ref[...]], axis=1)
    h4 = (jnp.dot(mean, wn_ref[...], preferred_element_type=_f32)
          + b_ref[...]
          + jnp.dot(h, wr_ref[...], preferred_element_type=_f32))
    out_ref[...] = jnp.dot(h4, wfc_ref[...],
                           preferred_element_type=_f32) + bfc_ref[...]


_final = pl.pallas_call(
    _final_body,
    grid=(GRID,),
    in_specs=_H_SPECS + [
        pl.BlockSpec((RB, 1), lambda i: (i, 0)),
    ] + _H_SPECS + [
        pl.BlockSpec((1, D), lambda i: (0, 0)),
        pl.BlockSpec((D, D), lambda i: (0, 0)),
        pl.BlockSpec((D, D), lambda i: (0, 0)),
        pl.BlockSpec((D, FC_PAD), lambda i: (0, 0)),
        pl.BlockSpec((1, FC_PAD), lambda i: (0, 0)),
    ],
    out_specs=pl.BlockSpec((RB, FC_PAD), lambda i: (i, 0)),
    out_shape=jax.ShapeDtypeStruct((N, FC_PAD), _f32),
)


def kernel(x, edge_index, W_l1a_n, W_l1a_r, b_l1a, W_l1b_n, W_l1b_r, b_l1b,
           W_l2a_n, W_l2a_r, b_l2a, W_l2b_n, W_l2b_r, b_l2b, W_fc, b_fc):
    src = edge_index[0]
    dst = edge_index[1]
    pidx = (src | (dst << 16)).reshape(NS * NCHUNKS, 1, CHUNK)
    zrows = jnp.zeros((WBR, H), _f32)
    z1d = jnp.zeros((N,), _f32)

    wfc_pad = jnp.zeros((D, FC_PAD), _f32).at[:, :2].set(W_fc)
    bfc_pad = jnp.zeros((1, FC_PAD), _f32).at[0, :2].set(b_fc)

    h0, h1 = x[:, :H], x[:, H:]
    a0, a1, deg = _segdeg_call(h0, h1, pidx, zrows, z1d)
    deg = deg.reshape(N, 1)
    h0, h1 = _comb(a0, a1, deg, h0, h1, b_l1a.reshape(1, D),
                   W_l1a_n, W_l1a_r)
    a0, a1 = _seg_call(h0, h1, pidx, zrows)
    h0, h1 = _comb(a0, a1, deg, h0, h1, b_l1b.reshape(1, D),
                   W_l1b_n, W_l1b_r)
    a0, a1 = _seg_call(h0, h1, pidx, zrows)
    h0, h1 = _comb(a0, a1, deg, h0, h1, b_l2a.reshape(1, D),
                   W_l2a_n, W_l2a_r)
    a0, a1 = _seg_call(h0, h1, pidx, zrows)
    out = _final(a0, a1, deg, h0, h1, b_l2b.reshape(1, D),
                 W_l2b_n, W_l2b_r, wfc_pad, bfc_pad)
    return out[:, :2]

# --- scband reference (transcript-rebuilt; emitter-appended) ---
"""Pipeline reference for scband-graph-sagenet-2688649527831 (READ-ONLY COPY).

The authoritative reference and input builder live on the scoring server;
editing this copy changes nothing except your own understanding.
"""

import jax, jax.numpy as jnp
import numpy as np

N = 10000
E = 160000
D_IN = 256
D_HID = 256
D_OUT = 256

def _glorot(k, shape):
    lim = float(np.sqrt(6.0 / (shape[0] + shape[1])))
    return jax.random.uniform(k, shape, jnp.float32, -lim, lim)

def setup_inputs(seed: int = 0):
    key = jax.random.key(seed)
    ks = jax.random.split(key, 16)
    inp = {}
    inp["x"] = jax.random.normal(ks[0], (N, D_IN), jnp.float32)
    inp["edge_index"] = jax.random.randint(ks[1], (2, E), 0, N, jnp.int32)
    dims = [(D_IN, D_HID), (D_HID, D_HID), (D_HID, D_OUT), (D_OUT, D_OUT)]
    names = ["l1a", "l1b", "l2a", "l2b"]
    for i, (nm, (di, do)) in enumerate(zip(names, dims)):
        inp["W_" + nm + "_n"] = _glorot(ks[2 + 3 * i], (di, do))
        inp["W_" + nm + "_r"] = _glorot(ks[3 + 3 * i], (di, do))
        inp["b_" + nm] = jnp.zeros((do,), jnp.float32)
    inp["W_fc"] = _glorot(ks[14], (D_OUT, 2))
    inp["b_fc"] = jnp.zeros((2,), jnp.float32)
    return inp

def _sage(x, src, dst, Wn, Wr, b):
    # PyG SAGEConv with mean aggregation: out = lin_l(mean_{j in N(i)} x_j) + lin_r(x_i)
    agg = jax.ops.segment_sum(x[src], dst, num_segments=N)
    deg = jax.ops.segment_sum(jnp.ones((src.shape[0],), x.dtype), dst, num_segments=N)
    mean = agg / jnp.clip(deg, 1.0, None)[:, None]
    return mean @ Wn + b + x @ Wr

def reference(x, edge_index, W_l1a_n, W_l1a_r, b_l1a, W_l1b_n, W_l1b_r, b_l1b, W_l2a_n, W_l2a_r, b_l2a, W_l2b_n, W_l2b_r, b_l2b, W_fc, b_fc):
    src, dst = edge_index[0], edge_index[1]
    # conv1 = GraphSAGE(in, hidden, num_layers=2): relu between internal layers
    h = _sage(x, src, dst, W_l1a_n, W_l1a_r, b_l1a)
    h = jax.nn.relu(h)
    h = _sage(h, src, dst, W_l1b_n, W_l1b_r, b_l1b)
    # outer torch.relu + dropout (eval mode -> identity)
    h = jax.nn.relu(h)
    # conv2 = GraphSAGE(hidden, out, num_layers=2)
    h = _sage(h, src, dst, W_l2a_n, W_l2a_r, b_l2a)
    h = jax.nn.relu(h)
    h = _sage(h, src, dst, W_l2b_n, W_l2b_r, b_l2b)
    # final fc -> 2 classes
    out = h @ W_fc + b_fc
    return out

if __name__ == "__main__":
    import jax
    _d = setup_inputs()
    print(jax.jit(kernel)(*tuple(_d.values())))

</pallas_src>

<mosaic_0001>
#map = affine_map<(d0, d1) -> (0, 0)>
#map1 = affine_map<(d0, d1) -> (0, 0, 0)>
#map2 = affine_map<(d0, d1) -> (0)>
module attributes {stable_mosaic.version = 14 : i64} {
  func.func @body(%arg0: i32, %arg1: i32, %arg2: memref<10000x128xf32, #tpu.memory_space<hbm>>, %arg3: memref<10000x128xf32, #tpu.memory_space<hbm>>, %arg4: memref<3200x1x50xi32, #tpu.memory_space<hbm>>, %arg5: memref<1000x128xf32, #tpu.memory_space<hbm>>, %arg6: memref<10000xf32, #tpu.memory_space<hbm>>, %arg7: memref<10000x128xf32, #tpu.memory_space<hbm>>, %arg8: memref<10000x128xf32, #tpu.memory_space<hbm>>, %arg9: memref<10000xf32, #tpu.memory_space<hbm>>, %arg10: memref<1x50xi32, #tpu.memory_space<vmem>>, %arg11: memref<1x50xi32, #tpu.memory_space<vmem>>, %arg12: memref<1x50xi32, #tpu.memory_space<vmem>>, %arg13: memref<50xi32, #tpu.memory_space<vmem>>, %arg14: memref<50xi32, #tpu.memory_space<vmem>>, %arg15: memref<50xi32, #tpu.memory_space<vmem>>, %arg16: memref<50xi32, #tpu.memory_space<vmem>>, %arg17: memref<50xi32, #tpu.memory_space<vmem>>, %arg18: memref<50xi32, #tpu.memory_space<vmem>>, %arg19: memref<50x128xf32, #tpu.memory_space<vmem>>, %arg20: memref<50x128xf32, #tpu.memory_space<vmem>>, %arg21: memref<50x128xf32, #tpu.memory_space<vmem>>, %arg22: memref<50xf32, #tpu.memory_space<vmem>>, %arg23: memref<10000x128xf32, #tpu.memory_space<vmem_shared>>, %arg24: memref<10000xf32, #tpu.memory_space<vmem_shared>>, %arg25: memref<!tpu.dma_semaphore, #tpu.memory_space<semaphore_mem>>, %arg26: memref<!tpu.dma_semaphore, #tpu.memory_space<semaphore_mem>>, %arg27: memref<!tpu.dma_semaphore, #tpu.memory_space<semaphore_mem>>, %arg28: memref<!tpu.dma_semaphore, #tpu.memory_space<semaphore_mem>>, %arg29: memref<!tpu.dma_semaphore, #tpu.memory_space<semaphore_mem>>, %arg30: memref<!tpu.dma_semaphore, #tpu.memory_space<semaphore_mem>>, %arg31: memref<!tpu.dma_semaphore, #tpu.memory_space<semaphore_mem>>, %arg32: memref<!tpu.dma_semaphore, #tpu.memory_space<semaphore_mem>>, %arg33: memref<!tpu.dma_semaphore, #tpu.memory_space<semaphore_mem>>, %arg34: memref<!tpu.dma_semaphore, #tpu.memory_space<semaphore_mem>>, %arg35: memref<!tpu.dma_semaphore, #tpu.memory_space<semaphore_mem>>, %arg36: memref<!tpu.dma_semaphore, #tpu.memory_space<semaphore_mem>>, %arg37: memref<!tpu.dma_semaphore, #tpu.memory_space<semaphore_mem>>) attributes {dimension_semantics = [#tpu.dimension_semantics<core_parallel>, #tpu.dimension_semantics<subcore_parallel>], iteration_bounds = array<i64: 2, 16>, scalar_prefetch = 0 : i64, scratch_operands = 28 : i64, tpu.core_type = #tpu.core_type<sc_vector_subcore>, window_params = [{transform_indices = #map}, {transform_indices = #map}, {transform_indices = #map1}, {transform_indices = #map}, {transform_indices = #map2}, {transform_indices = #map}, {transform_indices = #map}, {transform_indices = #map2}]} {
    %lt3A = arith.constant 10 : i32
    %lt3A_0 = arith.cmpi slt, %arg1, %lt3A : i32
    %convert_element_type3A = arith.extui %lt3A_0 : i1 to i32
    %cond3A = arith.constant 0 : i32
    %cond3A_1 = arith.cmpi ne, %convert_element_type3A, %cond3A : i32
    scf.if %cond3A_1 {
      %mul3A_459 = arith.constant 1000 : i32
      %mul3A_460 = arith.muli %arg1, %mul3A_459 : i32
      %dma_start3A_461 = arith.constant 0 : i32
      %dma_start3A_462 = tpu.memref_slice %arg23[%mul3A_460, %dma_start3A_461] : memref<10000x128xf32, #tpu.memory_space<vmem_shared>> -> memref<1000x128xf32, #tpu.memory_space<vmem_shared>>
      tpu.enqueue_dma source(%arg5 : memref<1000x128xf32, #tpu.memory_space<hbm>>) target(%dma_start3A_462 : memref<1000x128xf32, #tpu.memory_space<vmem_shared>>) target_semaphore(%arg37 : memref<!tpu.dma_semaphore, #tpu.memory_space<semaphore_mem>>)
    } else {
    }
    %eq3A = arith.constant 0 : i32
    %eq3A_2 = arith.cmpi eq, %arg0, %eq3A : i32
    %eq3A_3 = arith.constant 0 : i32
    %eq3A_4 = arith.cmpi eq, %arg1, %eq3A_3 : i32
    %and3A = arith.andi %eq3A_2, %eq3A_4 : i1
    %convert_element_type3A_5 = arith.extui %and3A : i1 to i32
    %cond3A_6 = arith.constant 0 : i32
    %cond3A_7 = arith.cmpi ne, %convert_element_type3A_5, %cond3A_6 : i32
    scf.if %cond3A_7 {
      tpu.enqueue_dma source(%arg6 : memref<10000xf32, #tpu.memory_space<hbm>>) target(%arg24 : memref<10000xf32, #tpu.memory_space<vmem_shared>>) target_semaphore(%arg37 : memref<!tpu.dma_semaphore, #tpu.memory_space<semaphore_mem>>)
    } else {
    }
    %broadcast_in_dim3A = arith.constant 1.000000e+00 : f32
    %broadcast_in_dim3A_8 = vector.broadcast %broadcast_in_dim3A : f32 to vector<16xf32>
    %swap3A = arith.constant 0 : index
    %swap3A_9 = tpu.vector_load %arg22[%swap3A] {strides = array<i32>} : memref<50xf32, #tpu.memory_space<vmem>>, vector<16xf32>,
    %swap3A_10 = vector.shape_cast %swap3A_9 : vector<16xf32> to vector<16xf32>
    %swap3A_11 = vector.shape_cast %broadcast_in_dim3A_8 : vector<16xf32> to vector<16xf32>
    tpu.vector_store %arg22[%swap3A], %swap3A_11 {strides = array<i32>} : memref<50xf32, #tpu.memory_space<vmem>>, vector<16xf32>,
    %broadcast_in_dim3A_12 = arith.constant 1.000000e+00 : f32
    %broadcast_in_dim3A_13 = vector.broadcast %broadcast_in_dim3A_12 : f32 to vector<16xf32>
    %swap3A_14 = arith.constant 16 : index
    %swap3A_15 = tpu.vector_load %arg22[%swap3A_14] {strides = array<i32>} : memref<50xf32, #tpu.memory_space<vmem>>, vector<16xf32>,
    %swap3A_16 = vector.shape_cast %swap3A_15 : vector<16xf32> to vector<16xf32>
    %swap3A_17 = vector.shape_cast %broadcast_in_dim3A_13 : vector<16xf32> to vector<16xf32>
    tpu.vector_store %arg22[%swap3A_14], %swap3A_17 {strides = array<i32>} : memref<50xf32, #tpu.memory_space<vmem>>, vector<16xf32>,
    %broadcast_in_dim3A_18 = arith.constant 1.000000e+00 : f32
    %broadcast_in_dim3A_19 = vector.broadcast %broadcast_in_dim3A_18 : f32 to vector<16xf32>
    %swap3A_20 = arith.constant 32 : index
    %swap3A_21 = tpu.vector_load %arg22[%swap3A_20] {strides = array<i32>} : memref<50xf32, #tpu.memory_space<vmem>>, vector<16xf32>,
    %swap3A_22 = vector.shape_cast %swap3A_21 : vector<16xf32> to vector<16xf32>
    %swap3A_23 = vector.shape_cast %broadcast_in_dim3A_19 : vector<16xf32> to vector<16xf32>
    tpu.vector_store %arg22[%swap3A_20], %swap3A_23 {strides = array<i32>} : memref<50xf32, #tpu.memory_space<vmem>>, vector<16xf32>,
    %broadcast_in_dim3A_24 = arith.constant 1.000000e+00 : f32
    %broadcast_in_dim3A_25 = vector.broadcast %broadcast_in_dim3A_24 : f32 to vector<16xf32>
    %swap3A_26 = arith.constant 34 : index
    %swap3A_27 = tpu.vector_load %arg22[%swap3A_26] {strides = array<i32>} : memref<50xf32, #tpu.memory_space<vmem>>, vector<16xf32>,
    %swap3A_28 = vector.shape_cast %swap3A_27 : vector<16xf32> to vector<16xf32>
    %swap3A_29 = vector.shape_cast %broadcast_in_dim3A_25 : vector<16xf32> to vector<16xf32>
    tpu.vector_store %arg22[%swap3A_26], %swap3A_29 {strides = array<i32>} : memref<50xf32, #tpu.memory_space<vmem>>, vector<16xf32>,
    %mul3A = arith.constant 200 : i32
    %mul3A_30 = arith.muli %arg1, %mul3A : i32
    %add3A = arith.constant 0 : i32
    %add3A_31 = arith.addi %mul3A_30, %add3A : i32
    %dma_start3A = arith.constant 0 : i32
    %dma_start3A_32 = arith.constant 0 : i32
    %dma_start3A_33 = tpu.memref_slice %arg4[%add3A_31, %dma_start3A, %dma_start3A_32] : memref<3200x1x50xi32, #tpu.memory_space<hbm>> -> memref<1x1x50xi32, #tpu.memory_space<hbm>>
    %dma_start3A_34 = tpu.memref_squeeze %dma_start3A_33 : memref<1x1x50xi32, #tpu.memory_space<hbm>> -> memref<1x50xi32, #tpu.memory_space<hbm>>
    %dma_start3A_35 = arith.constant 0 : i32
    %dma_start3A_36 = arith.constant 0 : i32
    %dma_start3A_37 = tpu.memref_slice %arg4[%add3A_31, %dma_start3A_35, %dma_start3A_36] : memref<3200x1x50xi32, #tpu.memory_space<hbm>> -> memref<1x1x50xi32, #tpu.memory_space<hbm>>
    %dma_start3A_38 = tpu.memref_squeeze %dma_start3A_37 : memref<1x1x50xi32, #tpu.memory_space<hbm>> -> memref<1x50xi32, #tpu.memory_space<hbm>>
    tpu.enqueue_dma source(%dma_start3A_38 : memref<1x50xi32, #tpu.memory_space<hbm>>) target(%arg10 : memref<1x50xi32, #tpu.memory_space<vmem>>) target_semaphore(%arg25 : memref<!tpu.dma_semaphore, #tpu.memory_space<semaphore_mem>>)
    %mul3A_39 = arith.constant 200 : i32
    %mul3A_40 = arith.muli %arg1, %mul3A_39 : i32
    %add3A_41 = arith.constant 1 : i32
    %add3A_42 = arith.addi %mul3A_40, %add3A_41 : i32
    %dma_start3A_43 = arith.constant 0 : i32
    %dma_start3A_44 = arith.constant 0 : i32
    %dma_start3A_45 = tpu.memref_slice %arg4[%add3A_42, %dma_start3A_43, %dma_start3A_44] : memref<3200x1x50xi32, #tpu.memory_space<hbm>> -> memref<1x1x50xi32, #tpu.memory_space<hbm>>
    %dma_start3A_46 = tpu.memref_squeeze %dma_start3A_45 : memref<1x1x50xi32, #tpu.memory_space<hbm>> -> memref<1x50xi32, #tpu.memory_space<hbm>>
    %dma_start3A_47 = arith.constant 0 : i32
    %dma_start3A_48 = arith.constant 0 : i32
    %dma_start3A_49 = tpu.memref_slice %arg4[%add3A_42, %dma_start3A_47, %dma_start3A_48] : memref<3200x1x50xi32, #tpu.memory_space<hbm>> -> memref<1x1x50xi32, #tpu.memory_space<hbm>>
    %dma_start3A_50 = tpu.memref_squeeze %dma_start3A_49 : memref<1x1x50xi32, #tpu.memory_space<hbm>> -> memref<1x50xi32, #tpu.memory_space<hbm>>
    tpu.enqueue_dma source(%dma_start3A_50 : memref<1x50xi32, #tpu.memory_space<hbm>>) target(%arg11 : memref<1x50xi32, #tpu.memory_space<vmem>>) target_semaphore(%arg26 : memref<!tpu.dma_semaphore, #tpu.memory_space<semaphore_mem>>)
    %mul3A_51 = arith.constant 200 : i32
    %mul3A_52 = arith.muli %arg1, %mul3A_51 : i32
    %add3A_53 = arith.constant 2 : i32
    %add3A_54 = arith.addi %mul3A_52, %add3A_53 : i32
    %dma_start3A_55 = arith.constant 0 : i32
    %dma_start3A_56 = arith.constant 0 : i32
    %dma_start3A_57 = tpu.memref_slice %arg4[%add3A_54, %dma_start3A_55, %dma_start3A_56] : memref<3200x1x50xi32, #tpu.memory_space<hbm>> -> memref<1x1x50xi32, #tpu.memory_space<hbm>>
    %dma_start3A_58 = tpu.memref_squeeze %dma_start3A_57 : memref<1x1x50xi32, #tpu.memory_space<hbm>> -> memref<1x50xi32, #tpu.memory_space<hbm>>
    %dma_start3A_59 = arith.constant 0 : i32
    %dma_start3A_60 = arith.constant 0 : i32
    %dma_start3A_61 = tpu.memref_slice %arg4[%add3A_54, %dma_start3A_59, %dma_start3A_60] : memref<3200x1x50xi32, #tpu.memory_space<hbm>> -> memref<1x1x50xi32, #tpu.memory_space<hbm>>
    %dma_start3A_62 = tpu.memref_squeeze %dma_start3A_61 : memref<1x1x50xi32, #tpu.memory_space<hbm>> -> memref<1x50xi32, #tpu.memory_space<hbm>>
    tpu.enqueue_dma source(%dma_start3A_62 : memref<1x50xi32, #tpu.memory_space<hbm>>) target(%arg12 : memref<1x50xi32, #tpu.memory_space<vmem>>) target_semaphore(%arg27 : memref<!tpu.dma_semaphore, #tpu.memory_space<semaphore_mem>>)
    %dma_wait3A = arith.constant 0 : i32
    %dma_wait3A_63 = arith.constant 0 : i32
    %dma_wait3A_64 = arith.constant 0 : i32
    %dma_wait3A_65 = tpu.memref_slice %arg4[%dma_wait3A, %dma_wait3A_63, %dma_wait3A_64] : memref<3200x1x50xi32, #tpu.memory_space<hbm>> -> memref<1x1x50xi32, #tpu.memory_space<hbm>>
    %dma_wait3A_66 = tpu.memref_squeeze %dma_wait3A_65 : memref<1x1x50xi32, #tpu.memory_space<hbm>> -> memref<1x50xi32, #tpu.memory_space<hbm>>
    %dma_wait3A_67 = arith.constant 0 : i32
    %dma_wait3A_68 = arith.constant 0 : i32
    %dma_wait3A_69 = tpu.memref_slice %arg4[%dma_wait3A, %dma_wait3A_67, %dma_wait3A_68] : memref<3200x1x50xi32, #tpu.memory_space<hbm>> -> memref<1x1x50xi32, #tpu.memory_space<hbm>>
    %dma_wait3A_70 = tpu.memref_squeeze %dma_wait3A_69 : memref<1x1x50xi32, #tpu.memory_space<hbm>> -> memref<1x50xi32, #tpu.memory_space<hbm>>
    tpu.wait_dma2 semaphore(%arg25 : memref<!tpu.dma_semaphore, #tpu.memory_space<semaphore_mem>>) src(%dma_wait3A_70 : memref<1x50xi32, #tpu.memory_space<hbm>>) dst(%arg10 : memref<1x50xi32, #tpu.memory_space<vmem>>)
    %get3A = arith.constant 0 : i32
    %get3A_71 = arith.index_cast %get3A : i32 to index
    %get3A_72 = arith.constant 0 : index
    %get3A_73 = tpu.vector_load %arg10[%get3A_71, %get3A_72] {strides = array<i32>} : memref<1x50xi32, #tpu.memory_space<vmem>>, vector<1x16xi32>,
    %get3A_74 = vector.shape_cast %get3A_73 : vector<1x16xi32> to vector<16xi32>
    %and3A_75 = arith.constant 65535 : i32
    %and3A_76 = vector.broadcast %and3A_75 : i32 to vector<16xi32>
    %and3A_77 = arith.andi %get3A_74, %and3A_76 : vector<16xi32>
    %swap3A_78 = arith.constant 0 : index
    %swap3A_79 = tpu.vector_load %arg13[%swap3A_78] {strides = array<i32>} : memref<50xi32, #tpu.memory_space<vmem>>, vector<16xi32>,
    %swap3A_80 = vector.shape_cast %swap3A_79 : vector<16xi32> to vector<16xi32>
    %swap3A_81 = vector.shape_cast %and3A_77 : vector<16xi32> to vector<16xi32>
    tpu.vector_store %arg13[%swap3A_78], %swap3A_81 {strides = array<i32>} : memref<50xi32, #tpu.memory_space<vmem>>, vector<16xi32>,
    %shift_right_logical3A = arith.constant 16 : i32
    %shift_right_logical3A_82 = vector.broadcast %shift_right_logical3A : i32 to vector<16xi32>
    %shift_right_logical3A_83 = arith.shrui %get3A_74, %shift_right_logical3A_82 : vector<16xi32>
    %swap3A_84 = arith.constant 0 : index
    %swap3A_85 = tpu.vector_load %arg16[%swap3A_84] {strides = array<i32>} : memref<50xi32, #tpu.memory_space<vmem>>, vector<16xi32>,
    %swap3A_86 = vector.shape_cast %swap3A_85 : vector<16xi32> to vector<16xi32>
    %swap3A_87 = vector.shape_cast %shift_right_logical3A_83 : vector<16xi32> to vector<16xi32>
    tpu.vector_store %arg16[%swap3A_84], %swap3A_87 {strides = array<i32>} : memref<50xi32, #tpu.memory_space<vmem>>, vector<16xi32>,
    %get3A_88 = arith.constant 0 : i32
    %get3A_89 = arith.index_cast %get3A_88 : i32 to index
    %get3A_90 = arith.constant 16 : index
    %get3A_91 = tpu.vector_load %arg10[%get3A_89, %get3A_90] {strides = array<i32>} : memref<1x50xi32, #tpu.memory_space<vmem>>, vector<1x16xi32>,
    %get3A_92 = vector.shape_cast %get3A_91 : vector<1x16xi32> to vector<16xi32>
    %and3A_93 = arith.constant 65535 : i32
    %and3A_94 = vector.broadcast %and3A_93 : i32 to vector<16xi32>
    %and3A_95 = arith.andi %get3A_92, %and3A_94 : vector<16xi32>
    %swap3A_96 = arith.constant 16 : index
    %swap3A_97 = tpu.vector_load %arg13[%swap3A_96] {strides = array<i32>} : memref<50xi32, #tpu.memory_space<vmem>>, vector<16xi32>,
    %swap3A_98 = vector.shape_cast %swap3A_97 : vector<16xi32> to vector<16xi32>
    %swap3A_99 = vector.shape_cast %and3A_95 : vector<16xi32> to vector<16xi32>
    tpu.vector_store %arg13[%swap3A_96], %swap3A_99 {strides = array<i32>} : memref<50xi32, #tpu.memory_space<vmem>>, vector<16xi32>,
    %shift_right_logical3A_100 = arith.constant 16 : i32
    %shift_right_logical3A_101 = vector.broadcast %shift_right_logical3A_100 : i32 to vector<16xi32>
    %shift_right_logical3A_102 = arith.shrui %get3A_92, %shift_right_logical3A_101 : vector<16xi32>
    %swap3A_103 = arith.constant 16 : index
    %swap3A_104 = tpu.vector_load %arg16[%swap3A_103] {strides = array<i32>} : memref<50xi32, #tpu.memory_space<vmem>>, vector<16xi32>,
    %swap3A_105 = vector.shape_cast %swap3A_104 : vector<16xi32> to vector<16xi32>
    %swap3A_106 = vector.shape_cast %shift_right_logical3A_102 : vector<16xi32> to vector<16xi32>
    tpu.vector_store %arg16[%swap3A_103], %swap3A_106 {strides = array<i32>} : memref<50xi32, #tpu.memory_space<vmem>>, vector<16xi32>,
    %get3A_107 = arith.constant 0 : i32
    %get3A_108 = arith.index_cast %get3A_107 : i32 to index
    %get3A_109 = arith.constant 32 : index
    %get3A_110 = tpu.vector_load %arg10[%get3A_108, %get3A_109] {strides = array<i32>} : memref<1x50xi32, #tpu.memory_space<vmem>>, vector<1x16xi32>,
    %get3A_111 = vector.shape_cast %get3A_110 : vector<1x16xi32> to vector<16xi32>
    %and3A_112 = arith.constant 65535 : i32
    %and3A_113 = vector.broadcast %and3A_112 : i32 to vector<16xi32>
    %and3A_114 = arith.andi %get3A_111, %and3A_113 : vector<16xi32>
    %swap3A_115 = arith.constant 32 : index
    %swap3A_116 = tpu.vector_load %arg13[%swap3A_115] {strides = array<i32>} : memref<50xi32, #tpu.memory_space<vmem>>, vector<16xi32>,
    %swap3A_117 = vector.shape_cast %swap3A_116 : vector<16xi32> to vector<16xi32>
    %swap3A_118 = vector.shape_cast %and3A_114 : vector<16xi32> to vector<16xi32>
    tpu.vector_store %arg13[%swap3A_115], %swap3A_118 {strides = array<i32>} : memref<50xi32, #tpu.memory_space<vmem>>, vector<16xi32>,
    %shift_right_logical3A_119 = arith.constant 16 : i32
    %shift_right_logical3A_120 = vector.broadcast %shift_right_logical3A_119 : i32 to vector<16xi32>
    %shift_right_logical3A_121 = arith.shrui %get3A_111, %shift_right_logical3A_120 : vector<16xi32>
    %swap3A_122 = arith.constant 32 : index
    %swap3A_123 = tpu.vector_load %arg16[%swap3A_122] {strides = array<i32>} : memref<50xi32, #tpu.memory_space<vmem>>, vector<16xi32>,
    %swap3A_124 = vector.shape_cast %swap3A_123 : vector<16xi32> to vector<16xi32>
    %swap3A_125 = vector.shape_cast %shift_right_logical3A_121 : vector<16xi32> to vector<16xi32>
    tpu.vector_store %arg16[%swap3A_122], %swap3A_125 {strides = array<i32>} : memref<50xi32, #tpu.memory_space<vmem>>, vector<16xi32>,
    %get3A_126 = arith.constant 0 : i32
    %get3A_127 = arith.index_cast %get3A_126 : i32 to index
    %get3A_128 = arith.constant 34 : index
    %get3A_129 = tpu.vector_load %arg10[%get3A_127, %get3A_128] {strides = array<i32>} : memref<1x50xi32, #tpu.memory_space<vmem>>, vector<1x16xi32>,
    %get3A_130 = vector.shape_cast %get3A_129 : vector<1x16xi32> to vector<16xi32>
    %and3A_131 = arith.constant 65535 : i32
    %and3A_132 = vector.broadcast %and3A_131 : i32 to vector<16xi32>
    %and3A_133 = arith.andi %get3A_130, %and3A_132 : vector<16xi32>
    %swap3A_134 = arith.constant 34 : index
    %swap3A_135 = tpu.vector_load %arg13[%swap3A_134] {strides = array<i32>} : memref<50xi32, #tpu.memory_space<vmem>>, vector<16xi32>,
    %swap3A_136 = vector.shape_cast %swap3A_135 : vector<16xi32> to vector<16xi32>
    %swap3A_137 = vector.shape_cast %and3A_133 : vector<16xi32> to vector<16xi32>
    tpu.vector_store %arg13[%swap3A_134], %swap3A_137 {strides = array<i32>} : memref<50xi32, #tpu.memory_space<vmem>>, vector<16xi32>,
    %shift_right_logical3A_138 = arith.constant 16 : i32
    %shift_right_logical3A_139 = vector.broadcast %shift_right_logical3A_138 : i32 to vector<16xi32>
    %shift_right_logical3A_140 = arith.shrui %get3A_130, %shift_right_logical3A_139 : vector<16xi32>
    %swap3A_141 = arith.constant 34 : index
    %swap3A_142 = tpu.vector_load %arg16[%swap3A_141] {strides = array<i32>} : memref<50xi32, #tpu.memory_space<vmem>>, vector<16xi32>,
    %swap3A_143 = vector.shape_cast %swap3A_142 : vector<16xi32> to vector<16xi32>
    %swap3A_144 = vector.shape_cast %shift_right_logical3A_140 : vector<16xi32> to vector<16xi32>
    tpu.vector_store %arg16[%swap3A_141], %swap3A_144 {strides = array<i32>} : memref<50xi32, #tpu.memory_space<vmem>>, vector<16xi32>,
    %mul3A_145 = arith.constant 200 : i32
    %mul3A_146 = arith.muli %arg1, %mul3A_145 : i32
    %add3A_147 = arith.constant 3 : i32
    %add3A_148 = arith.addi %mul3A_146, %add3A_147 : i32
    %dma_start3A_149 = arith.constant 0 : i32
    %dma_start3A_150 = arith.constant 0 : i32
    %dma_start3A_151 = tpu.memref_slice %arg4[%add3A_148, %dma_start3A_149, %dma_start3A_150] : memref<3200x1x50xi32, #tpu.memory_space<hbm>> -> memref<1x1x50xi32, #tpu.memory_space<hbm>>
    %dma_start3A_152 = tpu.memref_squeeze %dma_start3A_151 : memref<1x1x50xi32, #tpu.memory_space<hbm>> -> memref<1x50xi32, #tpu.memory_space<hbm>>
    %dma_start3A_153 = arith.constant 0 : i32
    %dma_start3A_154 = arith.constant 0 : i32
    %dma_start3A_155 = tpu.memref_slice %arg4[%add3A_148, %dma_start3A_153, %dma_start3A_154] : memref<3200x1x50xi32, #tpu.memory_space<hbm>> -> memref<1x1x50xi32, #tpu.memory_space<hbm>>
    %dma_start3A_156 = tpu.memref_squeeze %dma_start3A_155 : memref<1x1x50xi32, #tpu.memory_space<hbm>> -> memref<1x50xi32, #tpu.memory_space<hbm>>
    tpu.enqueue_dma source(%dma_start3A_156 : memref<1x50xi32, #tpu.memory_space<hbm>>) target(%arg10 : memref<1x50xi32, #tpu.memory_space<vmem>>) target_semaphore(%arg25 : memref<!tpu.dma_semaphore, #tpu.memory_space<semaphore_mem>>)
    %eq3A_157 = arith.constant 0 : i32
    %eq3A_158 = arith.cmpi eq, %arg0, %eq3A_157 : i32
    %convert_element_type3A_159 = arith.extui %eq3A_158 : i1 to i32
    %cond3A_160 = arith.constant 0 : i32
    %cond3A_161 = arith.cmpi ne, %convert_element_type3A_159, %cond3A_160 : i32
    scf.if %cond3A_161 {
      %dma_start3A_459 = arith.constant 0 : i32
      %dma_start3A_460 = arith.constant 0 : i32
      %dma_start3A_461 = tpu.memref_slice %arg2[%dma_start3A_459, %dma_start3A_460] : memref<10000x128xf32, #tpu.memory_space<hbm>> -> memref<10000x128xf32, #tpu.memory_space<hbm>>
      tpu.enqueue_indirect_dma source(%dma_start3A_461 : memref<10000x128xf32, #tpu.memory_space<hbm>>) target(%arg19 : memref<50x128xf32, #tpu.memory_space<vmem>>) offsets(%arg13 : memref<50xi32, #tpu.memory_space<vmem>>) semaphore(%arg28 : memref<!tpu.dma_semaphore, #tpu.memory_space<semaphore_mem>>)
    } else {
    }
    %eq3A_162 = arith.constant 1 : i32
    %eq3A_163 = arith.cmpi eq, %arg0, %eq3A_162 : i32
    %convert_element_type3A_164 = arith.extui %eq3A_163 : i1 to i32
    %cond3A_165 = arith.constant 0 : i32
    %cond3A_166 = arith.cmpi ne, %convert_element_type3A_164, %cond3A_165 : i32
    scf.if %cond3A_166 {
      %dma_start3A_459 = arith.constant 0 : i32
      %dma_start3A_460 = arith.constant 0 : i32
      %dma_start3A_461 = tpu.memref_slice %arg3[%dma_start3A_459, %dma_start3A_460] : memref<10000x128xf32, #tpu.memory_space<hbm>> -> memref<10000x128xf32, #tpu.memory_space<hbm>>
      tpu.enqueue_indirect_dma source(%dma_start3A_461 : memref<10000x128xf32, #tpu.memory_space<hbm>>) target(%arg19 : memref<50x128xf32, #tpu.memory_space<vmem>>) offsets(%arg13 : memref<50xi32, #tpu.memory_space<vmem>>) semaphore(%arg28 : memref<!tpu.dma_semaphore, #tpu.memory_space<semaphore_mem>>)
    } else {
    }
    %dma_wait3A_167 = arith.constant 0 : i32
    %dma_wait3A_168 = arith.constant 0 : i32
    %dma_wait3A_169 = arith.constant 0 : i32
    %dma_wait3A_170 = tpu.memref_slice %arg4[%dma_wait3A_167, %dma_wait3A_168, %dma_wait3A_169] : memref<3200x1x50xi32, #tpu.memory_space<hbm>> -> memref<1x1x50xi32, #tpu.memory_space<hbm>>
    %dma_wait3A_171 = tpu.memref_squeeze %dma_wait3A_170 : memref<1x1x50xi32, #tpu.memory_space<hbm>> -> memref<1x50xi32, #tpu.memory_space<hbm>>
    %dma_wait3A_172 = arith.constant 0 : i32
    %dma_wait3A_173 = arith.constant 0 : i32
    %dma_wait3A_174 = tpu.memref_slice %arg4[%dma_wait3A_167, %dma_wait3A_172, %dma_wait3A_173] : memref<3200x1x50xi32, #tpu.memory_space<hbm>> -> memref<1x1x50xi32, #tpu.memory_space<hbm>>
    %dma_wait3A_175 = tpu.memref_squeeze %dma_wait3A_174 : memref<1x1x50xi32, #tpu.memory_space<hbm>> -> memref<1x50xi32, #tpu.memory_space<hbm>>
    tpu.wait_dma2 semaphore(%arg26 : memref<!tpu.dma_semaphore, #tpu.memory_space<semaphore_mem>>) src(%dma_wait3A_175 : memref<1x50xi32, #tpu.memory_space<hbm>>) dst(%arg11 : memref<1x50xi32, #tpu.memory_space<vmem>>)
    %get3A_176 = arith.constant 0 : i32
    %get3A_177 = arith.index_cast %get3A_176 : i32 to index
    %get3A_178 = arith.constant 0 : index
    %get3A_179 = tpu.vector_load %arg11[%get3A_177, %get3A_178] {strides = array<i32>} : memref<1x50xi32, #tpu.memory_space<vmem>>, vector<1x16xi32>,
    %get3A_180 = vector.shape_cast %get3A_179 : vector<1x16xi32> to vector<16xi32>
    %and3A_181 = arith.constant 65535 : i32
    %and3A_182 = vector.broadcast %and3A_181 : i32 to vector<16xi32>
    %and3A_183 = arith.andi %get3A_180, %and3A_182 : vector<16xi32>
    %swap3A_184 = arith.constant 0 : index
    %swap3A_185 = tpu.vector_load %arg14[%swap3A_184] {strides = array<i32>} : memref<50xi32, #tpu.memory_space<vmem>>, vector<16xi32>,
    %swap3A_186 = vector.shape_cast %swap3A_185 : vector<16xi32> to vector<16xi32>
    %swap3A_187 = vector.shape_cast %and3A_183 : vector<16xi32> to vector<16xi32>
    tpu.vector_store %arg14[%swap3A_184], %swap3A_187 {strides = array<i32>} : memref<50xi32, #tpu.memory_space<vmem>>, vector<16xi32>,
    %shift_right_logical3A_188 = arith.constant 16 : i32
    %shift_right_logical3A_189 = vector.broadcast %shift_right_logical3A_188 : i32 to vector<16xi32>
    %shift_right_logical3A_190 = arith.shrui %get3A_180, %shift_right_logical3A_189 : vector<16xi32>
    %swap3A_191 = arith.constant 0 : index
    %swap3A_192 = tpu.vector_load %arg17[%swap3A_191] {strides = array<i32>} : memref<50xi32, #tpu.memory_space<vmem>>, vector<16xi32>,
    %swap3A_193 = vector.shape_cast %swap3A_192 : vector<16xi32> to vector<16xi32>
    %swap3A_194 = vector.shape_cast %shift_right_logical3A_190 : vector<16xi32> to vector<16xi32>
    tpu.vector_store %arg17[%swap3A_191], %swap3A_194 {strides = array<i32>} : memref<50xi32, #tpu.memory_space<vmem>>, vector<16xi32>,
    %get3A_195 = arith.constant 0 : i32
    %get3A_196 = arith.index_cast %get3A_195 : i32 to index
    %get3A_197 = arith.constant 16 : index
    %get3A_198 = tpu.vector_load %arg11[%get3A_196, %get3A_197] {strides = array<i32>} : memref<1x50xi32, #tpu.memory_space<vmem>>, vector<1x16xi32>,
    %get3A_199 = vector.shape_cast %get3A_198 : vector<1x16xi32> to vector<16xi32>
    %and3A_200 = arith.constant 65535 : i32
    %and3A_201 = vector.broadcast %and3A_200 : i32 to vector<16xi32>
    %and3A_202 = arith.andi %get3A_199, %and3A_201 : vector<16xi32>
    %swap3A_203 = arith.constant 16 : index
    %swap3A_204 = tpu.vector_load %arg14[%swap3A_203] {strides = array<i32>} : memref<50xi32, #tpu.memory_space<vmem>>, vector<16xi32>,
    %swap3A_205 = vector.shape_cast %swap3A_204 : vector<16xi32> to vector<16xi32>
    %swap3A_206 = vector.shape_cast %and3A_202 : vector<16xi32> to vector<16xi32>
    tpu.vector_store %arg14[%swap3A_203], %swap3A_206 {strides = array<i32>} : memref<50xi32, #tpu.memory_space<vmem>>, vector<16xi32>,
    %shift_right_logical3A_207 = arith.constant 16 : i32
    %shift_right_logical3A_208 = vector.broadcast %shift_right_logical3A_207 : i32 to vector<16xi32>
    %shift_right_logical3A_209 = arith.shrui %get3A_199, %shift_right_logical3A_208 : vector<16xi32>
    %swap3A_210 = arith.constant 16 : index
    %swap3A_211 = tpu.vector_load %arg17[%swap3A_210] {strides = array<i32>} : memref<50xi32, #tpu.memory_space<vmem>>, vector<16xi32>,
    %swap3A_212 = vector.shape_cast %swap3A_211 : vector<16xi32> to vector<16xi32>
    %swap3A_213 = vector.shape_cast %shift_right_logical3A_209 : vector<16xi32> to vector<16xi32>
    tpu.vector_store %arg17[%swap3A_210], %swap3A_213 {strides = array<i32>} : memref<50xi32, #tpu.memory_space<vmem>>, vector<16xi32>,
    %get3A_214 = arith.constant 0 : i32
    %get3A_215 = arith.index_cast %get3A_214 : i32 to index
    %get3A_216 = arith.constant 32 : index
    %get3A_217 = tpu.vector_load %arg11[%get3A_215, %get3A_216] {strides = array<i32>} : memref<1x50xi32, #tpu.memory_space<vmem>>, vector<1x16xi32>,
    %get3A_218 = vector.shape_cast %get3A_217 : vector<1x16xi32> to vector<16xi32>
    %and3A_219 = arith.constant 65535 : i32
    %and3A_220 = vector.broadcast %and3A_219 : i32 to vector<16xi32>
    %and3A_221 = arith.andi %get3A_218, %and3A_220 : vector<16xi32>
    %swap3A_222 = arith.constant 32 : index
    %swap3A_223 = tpu.vector_load %arg14[%swap3A_222] {strides = array<i32>} : memref<50xi32, #tpu.memory_space<vmem>>, vector<16xi32>,
    %swap3A_224 = vector.shape_cast %swap3A_223 : vector<16xi32> to vector<16xi32>
    %swap3A_225 = vector.shape_cast %and3A_221 : vector<16xi32> to vector<16xi32>
    tpu.vector_store %arg14[%swap3A_222], %swap3A_225 {strides = array<i32>} : memref<50xi32, #tpu.memory_space<vmem>>, vector<16xi32>,
    %shift_right_logical3A_226 = arith.constant 16 : i32
    %shift_right_logical3A_227 = vector.broadcast %shift_right_logical3A_226 : i32 to vector<16xi32>
    %shift_right_logical3A_228 = arith.shrui %get3A_218, %shift_right_logical3A_227 : vector<16xi32>
    %swap3A_229 = arith.constant 32 : index
    %swap3A_230 = tpu.vector_load %arg17[%swap3A_229] {strides = array<i32>} : memref<50xi32, #tpu.memory_space<vmem>>, vector<16xi32>,
    %swap3A_231 = vector.shape_cast %swap3A_230 : vector<16xi32> to vector<16xi32>
    %swap3A_232 = vector.shape_cast %shift_right_logical3A_228 : vector<16xi32> to vector<16xi32>
    tpu.vector_store %arg17[%swap3A_229], %swap3A_232 {strides = array<i32>} : memref<50xi32, #tpu.memory_space<vmem>>, vector<16xi32>,
    %get3A_233 = arith.constant 0 : i32
    %get3A_234 = arith.index_cast %get3A_233 : i32 to index
    %get3A_235 = arith.constant 34 : index
    %get3A_236 = tpu.vector_load %arg11[%get3A_234, %get3A_235] {strides = array<i32>} : memref<1x50xi32, #tpu.memory_space<vmem>>, vector<1x16xi32>,
    %get3A_237 = vector.shape_cast %get3A_236 : vector<1x16xi32> to vector<16xi32>
    %and3A_238 = arith.constant 65535 : i32
    %and3A_239 = vector.broadcast %and3A_238 : i32 to vector<16xi32>
    %and3A_240 = arith.andi %get3A_237, %and3A_239 : vector<16xi32>
    %swap3A_241 = arith.constant 34 : index
    %swap3A_242 = tpu.vector_load %arg14[%swap3A_241] {strides = array<i32>} : memref<50xi32, #tpu.memory_space<vmem>>, vector<16xi32>,
    %swap3A_243 = vector.shape_cast %swap3A_242 : vector<16xi32> to vector<16xi32>
    %swap3A_244 = vector.shape_cast %and3A_240 : vector<16xi32> to vector<16xi32>
    tpu.vector_store %arg14[%swap3A_241], %swap3A_244 {strides = array<i32>} : memref<50xi32, #tpu.memory_space<vmem>>, vector<16xi32>,
    %shift_right_logical3A_245 = arith.constant 16 : i32
    %shift_right_logical3A_246 = vector.broadcast %shift_right_logical3A_245 : i32 to vector<16xi32>
    %shift_right_logical3A_247 = arith.shrui %get3A_237, %shift_right_logical3A_246 : vector<16xi32>
    %swap3A_248 = arith.constant 34 : index
    %swap3A_249 = tpu.vector_load %arg17[%swap3A_248] {strides = array<i32>} : memref<50xi32, #tpu.memory_space<vmem>>, vector<16xi32>,
    %swap3A_250 = vector.shape_cast %swap3A_249 : vector<16xi32> to vector<16xi32>
    %swap3A_251 = vector.shape_cast %shift_right_logical3A_247 : vector<16xi32> to vector<16xi32>
    tpu.vector_store %arg17[%swap3A_248], %swap3A_251 {strides = array<i32>} : memref<50xi32, #tpu.memory_space<vmem>>, vector<16xi32>,
    %mul3A_252 = arith.constant 200 : i32
    %mul3A_253 = arith.muli %arg1, %mul3A_252 : i32
    %add3A_254 = arith.constant 4 : i32
    %add3A_255 = arith.addi %mul3A_253, %add3A_254 : i32
    %dma_start3A_256 = arith.constant 0 : i32
    %dma_start3A_257 = arith.constant 0 : i32
    %dma_start3A_258 = tpu.memref_slice %arg4[%add3A_255, %dma_start3A_256, %dma_start3A_257] : memref<3200x1x50xi32, #tpu.memory_space<hbm>> -> memref<1x1x50xi32, #tpu.memory_space<hbm>>
    %dma_start3A_259 = tpu.memref_squeeze %dma_start3A_258 : memref<1x1x50xi32, #tpu.memory_space<hbm>> -> memref<1x50xi32, #tpu.memory_space<hbm>>
    %dma_start3A_260 = arith.constant 0 : i32
    %dma_start3A_261 = arith.constant 0 : i32
    %dma_start3A_262 = tpu.memref_slice %arg4[%add3A_255, %dma_start3A_260, %dma_start3A_261] : memref<3200x1x50xi32, #tpu.memory_space<hbm>> -> memref<1x1x50xi32, #tpu.memory_space<hbm>>
    %dma_start3A_263 = tpu.memref_squeeze %dma_start3A_262 : memref<1x1x50xi32, #tpu.memory_space<hbm>> -> memref<1x50xi32, #tpu.memory_space<hbm>>
    tpu.enqueue_dma source(%dma_start3A_263 : memref<1x50xi32, #tpu.memory_space<hbm>>) target(%arg11 : memref<1x50xi32, #tpu.memory_space<vmem>>) target_semaphore(%arg26 : memref<!tpu.dma_semaphore, #tpu.memory_space<semaphore_mem>>)
    %eq3A_264 = arith.constant 0 : i32
    %eq3A_265 = arith.cmpi eq, %arg0, %eq3A_264 : i32
    %convert_element_type3A_266 = arith.extui %eq3A_265 : i1 to i32
    %cond3A_267 = arith.constant 0 : i32
    %cond3A_268 = arith.cmpi ne, %convert_element_type3A_266, %cond3A_267 : i32
    scf.if %cond3A_268 {
      %dma_start3A_459 = arith.constant 0 : i32
      %dma_start3A_460 = arith.constant 0 : i32
      %dma_start3A_461 = tpu.memref_slice %arg2[%dma_start3A_459, %dma_start3A_460] : memref<10000x128xf32, #tpu.memory_space<hbm>> -> memref<10000x128xf32, #tpu.memory_space<hbm>>
      tpu.enqueue_indirect_dma source(%dma_start3A_461 : memref<10000x128xf32, #tpu.memory_space<hbm>>) target(%arg20 : memref<50x128xf32, #tpu.memory_space<vmem>>) offsets(%arg14 : memref<50xi32, #tpu.memory_space<vmem>>) semaphore(%arg29 : memref<!tpu.dma_semaphore, #tpu.memory_space<semaphore_mem>>)
    } else {
    }
    %eq3A_269 = arith.constant 1 : i32
    %eq3A_270 = arith.cmpi eq, %arg0, %eq3A_269 : i32
    %convert_element_type3A_271 = arith.extui %eq3A_270 : i1 to i32
    %cond3A_272 = arith.constant 0 : i32
    %cond3A_273 = arith.cmpi ne, %convert_element_type3A_271, %cond3A_272 : i32
    scf.if %cond3A_273 {
      %dma_start3A_459 = arith.constant 0 : i32
      %dma_start3A_460 = arith.constant 0 : i32
      %dma_start3A_461 = tpu.memref_slice %arg3[%dma_start3A_459, %dma_start3A_460] : memref<10000x128xf32, #tpu.memory_space<hbm>> -> memref<10000x128xf32, #tpu.memory_space<hbm>>
      tpu.enqueue_indirect_dma source(%dma_start3A_461 : memref<10000x128xf32, #tpu.memory_space<hbm>>) target(%arg20 : memref<50x128xf32, #tpu.memory_space<vmem>>) offsets(%arg14 : memref<50xi32, #tpu.memory_space<vmem>>) semaphore(%arg29 : memref<!tpu.dma_semaphore, #tpu.memory_space<semaphore_mem>>)
    } else {
    }
    %dma_wait3A_274 = arith.constant 0 : i32
    %dma_wait3A_275 = arith.constant 0 : i32
    %dma_wait3A_276 = arith.constant 0 : i32
    %dma_wait3A_277 = tpu.memref_slice %arg4[%dma_wait3A_274, %dma_wait3A_275, %dma_wait3A_276] : memref<3200x1x50xi32, #tpu.memory_space<hbm>> -> memref<1x1x50xi32, #tpu.memory_space<hbm>>
    %dma_wait3A_278 = tpu.memref_squeeze %dma_wait3A_277 : memref<1x1x50xi32, #tpu.memory_space<hbm>> -> memref<1x50xi32, #tpu.memory_space<hbm>>
    %dma_wait3A_279 = arith.constant 0 : i32
    %dma_wait3A_280 = arith.constant 0 : i32
    %dma_wait3A_281 = tpu.memref_slice %arg4[%dma_wait3A_274, %dma_wait3A_279, %dma_wait3A_280] : memref<3200x1x50xi32, #tpu.memory_space<hbm>> -> memref<1x1x50xi32, #tpu.memory_space<hbm>>
    %dma_wait3A_282 = tpu.memref_squeeze %dma_wait3A_281 : memref<1x1x50xi32, #tpu.memory_space<hbm>> -> memref<1x50xi32, #tpu.memory_space<hbm>>
    tpu.wait_dma2 semaphore(%arg27 : memref<!tpu.dma_semaphore, #tpu.memory_space<semaphore_mem>>) src(%dma_wait3A_282 : memref<1x50xi32, #tpu.memory_space<hbm>>) dst(%arg12 : memref<1x50xi32, #tpu.memory_space<vmem>>)
    %get3A_283 = arith.constant 0 : i32
    %get3A_284 = arith.index_cast %get3A_283 : i32 to index
    %get3A_285 = arith.constant 0 : index
    %get3A_286 = tpu.vector_load %arg12[%get3A_284, %get3A_285] {strides = array<i32>} : memref<1x50xi32, #tpu.memory_space<vmem>>, vector<1x16xi32>,
    %get3A_287 = vector.shape_cast %get3A_286 : vector<1x16xi32> to vector<16xi32>
    %and3A_288 = arith.constant 65535 : i32
    %and3A_289 = vector.broadcast %and3A_288 : i32 to vector<16xi32>
    %and3A_290 = arith.andi %get3A_287, %and3A_289 : vector<16xi32>
    %swap3A_291 = arith.constant 0 : index
    %swap3A_292 = tpu.vector_load %arg15[%swap3A_291] {strides = array<i32>} : memref<50xi32, #tpu.memory_space<vmem>>, vector<16xi32>,
    %swap3A_293 = vector.shape_cast %swap3A_292 : vector<16xi32> to vector<16xi32>
    %swap3A_294 = vector.shape_cast %and3A_290 : vector<16xi32> to vector<16xi32>
    tpu.vector_store %arg15[%swap3A_291], %swap3A_294 {strides = array<i32>} : memref<50xi32, #tpu.memory_space<vmem>>, vector<16xi32>,
    %shift_right_logical3A_295 = arith.constant 16 : i32
    %shift_right_logical3A_296 = vector.broadcast %shift_right_logical3A_295 : i32 to vector<16xi32>
    %shift_right_logical3A_297 = arith.shrui %get3A_287, %shift_right_logical3A_296 : vector<16xi32>
    %swap3A_298 = arith.constant 0 : index
    %swap3A_299 = tpu.vector_load %arg18[%swap3A_298] {strides = array<i32>} : memref<50xi32, #tpu.memory_space<vmem>>, vector<16xi32>,
    %swap3A_300 = vector.shape_cast %swap3A_299 : vector<16xi32> to vector<16xi32>
    %swap3A_301 = vector.shape_cast %shift_right_logical3A_297 : vector<16xi32> to vector<16xi32>
    tpu.vector_store %arg18[%swap3A_298], %swap3A_301 {strides = array<i32>} : memref<50xi32, #tpu.memory_space<vmem>>, vector<16xi32>,
    %get3A_302 = arith.constant 0 : i32
    %get3A_303 = arith.index_cast %get3A_302 : i32 to index
    %get3A_304 = arith.constant 16 : index
    %get3A_305 = tpu.vector_load %arg12[%get3A_303, %get3A_304] {strides = array<i32>} : memref<1x50xi32, #tpu.memory_space<vmem>>, vector<1x16xi32>,
    %get3A_306 = vector.shape_cast %get3A_305 : vector<1x16xi32> to vector<16xi32>
    %and3A_307 = arith.constant 65535 : i32
    %and3A_308 = vector.broadcast %and3A_307 : i32 to vector<16xi32>
    %and3A_309 = arith.andi %get3A_306, %and3A_308 : vector<16xi32>
    %swap3A_310 = arith.constant 16 : index
    %swap3A_311 = tpu.vector_load %arg15[%swap3A_310] {strides = array<i32>} : memref<50xi32, #tpu.memory_space<vmem>>, vector<16xi32>,
    %swap3A_312 = vector.shape_cast %swap3A_311 : vector<16xi32> to vector<16xi32>
    %swap3A_313 = vector.shape_cast %and3A_309 : vector<16xi32> to vector<16xi32>
    tpu.vector_store %arg15[%swap3A_310], %swap3A_313 {strides = array<i32>} : memref<50xi32, #tpu.memory_space<vmem>>, vector<16xi32>,
    %shift_right_logical3A_314 = arith.constant 16 : i32
    %shift_right_logical3A_315 = vector.broadcast %shift_right_logical3A_314 : i32 to vector<16xi32>
    %shift_right_logical3A_316 = arith.shrui %get3A_306, %shift_right_logical3A_315 : vector<16xi32>
    %swap3A_317 = arith.constant 16 : index
    %swap3A_318 = tpu.vector_load %arg18[%swap3A_317] {strides = array<i32>} : memref<50xi32, #tpu.memory_space<vmem>>, vector<16xi32>,
    %swap3A_319 = vector.shape_cast %swap3A_318 : vector<16xi32> to vector<16xi32>
    %swap3A_320 = vector.shape_cast %shift_right_logical3A_316 : vector<16xi32> to vector<16xi32>
    tpu.vector_store %arg18[%swap3A_317], %swap3A_320 {strides = array<i32>} : memref<50xi32, #tpu.memory_space<vmem>>, vector<16xi32>,
    %get3A_321 = arith.constant 0 : i32
    %get3A_322 = arith.index_cast %get3A_321 : i32 to index
    %get3A_323 = arith.constant 32 : index
    %get3A_324 = tpu.vector_load %arg12[%get3A_322, %get3A_323] {strides = array<i32>} : memref<1x50xi32, #tpu.memory_space<vmem>>, vector<1x16xi32>,
    %get3A_325 = vector.shape_cast %get3A_324 : vector<1x16xi32> to vector<16xi32>
    %and3A_326 = arith.constant 65535 : i32
    %and3A_327 = vector.broadcast %and3A_326 : i32 to vector<16xi32>
    %and3A_328 = arith.andi %get3A_325, %and3A_327 : vector<16xi32>
    %swap3A_329 = arith.constant 32 : index
    %swap3A_330 = tpu.vector_load %arg15[%swap3A_329] {strides = array<i32>} : memref<50xi32, #tpu.memory_space<vmem>>, vector<16xi32>,
    %swap3A_331 = vector.shape_cast %swap3A_330 : vector<16xi32> to vector<16xi32>
    %swap3A_332 = vector.shape_cast %and3A_328 : vector<16xi32> to vector<16xi32>
    tpu.vector_store %arg15[%swap3A_329], %swap3A_332 {strides = array<i32>} : memref<50xi32, #tpu.memory_space<vmem>>, vector<16xi32>,
    %shift_right_logical3A_333 = arith.constant 16 : i32
    %shift_right_logical3A_334 = vector.broadcast %shift_right_logical3A_333 : i32 to vector<16xi32>
    %shift_right_logical3A_335 = arith.shrui %get3A_325, %shift_right_logical3A_334 : vector<16xi32>
    %swap3A_336 = arith.constant 32 : index
    %swap3A_337 = tpu.vector_load %arg18[%swap3A_336] {strides = array<i32>} : memref<50xi32, #tpu.memory_space<vmem>>, vector<16xi32>,
    %swap3A_338 = vector.shape_cast %swap3A_337 : vector<16xi32> to vector<16xi32>
    %swap3A_339 = vector.shape_cast %shift_right_logical3A_335 : vector<16xi32> to vector<16xi32>
    tpu.vector_store %arg18[%swap3A_336], %swap3A_339 {strides = array<i32>} : memref<50xi32, #tpu.memory_space<vmem>>, vector<16xi32>,
    %get3A_340 = arith.constant 0 : i32
    %get3A_341 = arith.index_cast %get3A_340 : i32 to index
    %get3A_342 = arith.constant 34 : index
    %get3A_343 = tpu.vector_load %arg12[%get3A_341, %get3A_342] {strides = array<i32>} : memref<1x50xi32, #tpu.memory_space<vmem>>, vector<1x16xi32>,
    %get3A_344 = vector.shape_cast %get3A_343 : vector<1x16xi32> to vector<16xi32>
    %and3A_345 = arith.constant 65535 : i32
    %and3A_346 = vector.broadcast %and3A_345 : i32 to vector<16xi32>
    %and3A_347 = arith.andi %get3A_344, %and3A_346 : vector<16xi32>
    %swap3A_348 = arith.constant 34 : index
    %swap3A_349 = tpu.vector_load %arg15[%swap3A_348] {strides = array<i32>} : memref<50xi32, #tpu.memory_space<vmem>>, vector<16xi32>,
    %swap3A_350 = vector.shape_cast %swap3A_349 : vector<16xi32> to vector<16xi32>
    %swap3A_351 = vector.shape_cast %and3A_347 : vector<16xi32> to vector<16xi32>
    tpu.vector_store %arg15[%swap3A_348], %swap3A_351 {strides = array<i32>} : memref<50xi32, #tpu.memory_space<vmem>>, vector<16xi32>,
    %shift_right_logical3A_352 = arith.constant 16 : i32
    %shift_right_logical3A_353 = vector.broadcast %shift_right_logical3A_352 : i32 to vector<16xi32>
    %shift_right_logical3A_354 = arith.shrui %get3A_344, %shift_right_logical3A_353 : vector<16xi32>
    %swap3A_355 = arith.constant 34 : index
    %swap3A_356 = tpu.vector_load %arg18[%swap3A_355] {strides = array<i32>} : memref<50xi32, #tpu.memory_space<vmem>>, vector<16xi32>,
    %swap3A_357 = vector.shape_cast %swap3A_356 : vector<16xi32> to vector<16xi32>
    %swap3A_358 = vector.shape_cast %shift_right_logical3A_354 : vector<16xi32> to vector<16xi32>
    tpu.vector_store %arg18[%swap3A_355], %swap3A_358 {strides = array<i32>} : memref<50xi32, #tpu.memory_space<vmem>>, vector<16xi32>,
    %mul3A_359 = arith.constant 200 : i32
    %mul3A_360 = arith.muli %arg1, %mul3A_359 : i32
    %add3A_361 = arith.constant 5 : i32
    %add3A_362 = arith.addi %mul3A_360, %add3A_361 : i32
    %dma_start3A_363 = arith.constant 0 : i32
    %dma_start3A_364 = arith.constant 0 : i32
    %dma_start3A_365 = tpu.memref_slice %arg4[%add3A_362, %dma_start3A_363, %dma_start3A_364] : memref<3200x1x50xi32, #tpu.memory_space<hbm>> -> memref<1x1x50xi32, #tpu.memory_space<hbm>>
    %dma_start3A_366 = tpu.memref_squeeze %dma_start3A_365 : memref<1x1x50xi32, #tpu.memory_space<hbm>> -> memref<1x50xi32, #tpu.memory_space<hbm>>
    %dma_start3A_367 = arith.constant 0 : i32
    %dma_start3A_368 = arith.constant 0 : i32
    %dma_start3A_369 = tpu.memref_slice %arg4[%add3A_362, %dma_start3A_367, %dma_start3A_368] : memref<3200x1x50xi32, #tpu.memory_space<hbm>> -> memref<1x1x50xi32, #tpu.memory_space<hbm>>
    %dma_start3A_370 = tpu.memref_squeeze %dma_start3A_369 : memref<1x1x50xi32, #tpu.memory_space<hbm>> -> memref<1x50xi32, #tpu.memory_space<hbm>>
    tpu.enqueue_dma source(%dma_start3A_370 : memref<1x50xi32, #tpu.memory_space<hbm>>) target(%arg12 : memref<1x50xi32, #tpu.memory_space<vmem>>) target_semaphore(%arg27 : memref<!tpu.dma_semaphore, #tpu.memory_space<semaphore_mem>>)
    %eq3A_371 = arith.constant 0 : i32
    %eq3A_372 = arith.cmpi eq, %arg0, %eq3A_371 : i32
    %convert_element_type3A_373 = arith.extui %eq3A_372 : i1 to i32
    %cond3A_374 = arith.constant 0 : i32
    %cond3A_375 = arith.cmpi ne, %convert_element_type3A_373, %cond3A_374 : i32
    scf.if %cond3A_375 {
      %dma_start3A_459 = arith.constant 0 : i32
      %dma_start3A_460 = arith.constant 0 : i32
      %dma_start3A_461 = tpu.memref_slice %arg2[%dma_start3A_459, %dma_start3A_460] : memref<10000x128xf32, #tpu.memory_space<hbm>> -> memref<10000x128xf32, #tpu.memory_space<hbm>>
      tpu.enqueue_indirect_dma source(%dma_start3A_461 : memref<10000x128xf32, #tpu.memory_space<hbm>>) target(%arg21 : memref<50x128xf32, #tpu.memory_space<vmem>>) offsets(%arg15 : memref<50xi32, #tpu.memory_space<vmem>>) semaphore(%arg30 : memref<!tpu.dma_semaphore, #tpu.memory_space<semaphore_mem>>)
    } else {
    }
    %eq3A_376 = arith.constant 1 : i32
    %eq3A_377 = arith.cmpi eq, %arg0, %eq3A_376 : i32
    %convert_element_type3A_378 = arith.extui %eq3A_377 : i1 to i32
    %cond3A_379 = arith.constant 0 : i32
    %cond3A_380 = arith.cmpi ne, %convert_element_type3A_378, %cond3A_379 : i32
    scf.if %cond3A_380 {
      %dma_start3A_459 = arith.constant 0 : i32
      %dma_start3A_460 = arith.constant 0 : i32
      %dma_start3A_461 = tpu.memref_slice %arg3[%dma_start3A_459, %dma_start3A_460] : memref<10000x128xf32, #tpu.memory_space<hbm>> -> memref<10000x128xf32, #tpu.memory_space<hbm>>
      tpu.enqueue_indirect_dma source(%dma_start3A_461 : memref<10000x128xf32, #tpu.memory_space<hbm>>) target(%arg21 : memref<50x128xf32, #tpu.memory_space<vmem>>) offsets(%arg15 : memref<50xi32, #tpu.memory_space<vmem>>) semaphore(%arg30 : memref<!tpu.dma_semaphore, #tpu.memory_space<semaphore_mem>>)
    } else {
    }
    %lt3A_381 = arith.constant 10 : i32
    %lt3A_382 = arith.cmpi slt, %arg1, %lt3A_381 : i32
    %convert_element_type3A_383 = arith.extui %lt3A_382 : i1 to i32
    %cond3A_384 = arith.constant 0 : i32
    %cond3A_385 = arith.cmpi ne, %convert_element_type3A_383, %cond3A_384 : i32
    scf.if %cond3A_385 {
      %dma_wait3A_459 = arith.constant 0 : i32
      %dma_wait3A_460 = arith.constant 0 : i32
      %dma_wait3A_461 = tpu.memref_slice %arg23[%dma_wait3A_459, %dma_wait3A_460] : memref<10000x128xf32, #tpu.memory_space<vmem_shared>> -> memref<1000x128xf32, #tpu.memory_space<vmem_shared>>
      tpu.wait_dma2 semaphore(%arg37 : memref<!tpu.dma_semaphore, #tpu.memory_space<semaphore_mem>>) src(%arg5 : memref<1000x128xf32, #tpu.memory_space<hbm>>) dst(%dma_wait3A_461 : memref<1000x128xf32, #tpu.memory_space<vmem_shared>>)
    } else {
    }
    %eq3A_386 = arith.constant 0 : i32
    %eq3A_387 = arith.cmpi eq, %arg0, %eq3A_386 : i32
    %eq3A_388 = arith.constant 0 : i32
    %eq3A_389 = arith.cmpi eq, %arg1, %eq3A_388 : i32
    %and3A_390 = arith.andi %eq3A_387, %eq3A_389 : i1
    %convert_element_type3A_391 = arith.extui %and3A_390 : i1 to i32
    %cond3A_392 = arith.constant 0 : i32
    %cond3A_393 = arith.cmpi ne, %convert_element_type3A_391, %cond3A_392 : i32
    scf.if %cond3A_393 {
      tpu.wait_dma2 semaphore(%arg37 : memref<!tpu.dma_semaphore, #tpu.memory_space<semaphore_mem>>) src(%arg6 : memref<10000xf32, #tpu.memory_space<hbm>>) dst(%arg24 : memref<10000xf32, #tpu.memory_space<vmem_shared>>)
    } else {
    }
    %barrier3A = arith.constant 0 : index
    tpu.barrier barrier_id(%barrier3A)
    %scan3A = arith.constant 0 : i32
    %scan3A_394 = arith.constant 0 : i32
    %scan3A_395 = arith.constant 66 : i32
    %scan3A_396 = arith.addi %scan3A_394, %scan3A_395 : i32
    %scan3A_397 = arith.constant 1 : i32
    scf.for %scan3A_459 = %scan3A_394 to %scan3A_396 step %scan3A_397  : i32 {
      %mul3A_460 = arith.constant 3 : i32
      %mul3A_461 = arith.muli %scan3A_459, %mul3A_460 : i32
      %dma_wait3A_462 = arith.constant 0 : i32
      %dma_wait3A_463 = arith.constant 0 : i32
      %dma_wait3A_464 = tpu.memref_slice %arg2[%dma_wait3A_462, %dma_wait3A_463] : memref<10000x128xf32, #tpu.memory_space<hbm>> -> memref<10000x128xf32, #tpu.memory_space<hbm>>
      tpu.wait_indirect_dma semaphore(%arg28 : memref<!tpu.dma_semaphore, #tpu.memory_space<semaphore_mem>>) src(%dma_wait3A_464 : memref<10000x128xf32, #tpu.memory_space<hbm>>) dst(%arg19 : memref<50x128xf32, #tpu.memory_space<vmem>>)
      %dma_start3A_465 = arith.constant 0 : i32
      %dma_start3A_466 = arith.constant 0 : i32
      %dma_start3A_467 = tpu.memref_slice %arg23[%dma_start3A_465, %dma_start3A_466] : memref<10000x128xf32, #tpu.memory_space<vmem_shared>> -> memref<10000x128xf32, #tpu.memory_space<vmem_shared>>
      tpu.enqueue_indirect_dma source(%arg19 : memref<50x128xf32, #tpu.memory_space<vmem>>) target(%dma_start3A_467 : memref<10000x128xf32, #tpu.memory_space<vmem_shared>>) offsets(%arg16 : memref<50xi32, #tpu.memory_space<vmem>>) semaphore(%arg31 : memref<!tpu.dma_semaphore, #tpu.memory_space<semaphore_mem>>) {add = true}
      %eq3A_468 = arith.constant 0 : i32
      %eq3A_469 = arith.cmpi eq, %arg0, %eq3A_468 : i32
      %convert_element_type3A_470 = arith.extui %eq3A_469 : i1 to i32
      %cond3A_471 = arith.constant 0 : i32
      %cond3A_472 = arith.cmpi ne, %convert_element_type3A_470, %cond3A_471 : i32
      scf.if %cond3A_472 {
        %dma_start3A_522 = arith.constant 0 : i32
        %dma_start3A_523 = tpu.memref_slice %arg24[%dma_start3A_522] : memref<10000xf32, #tpu.memory_space<vmem_shared>> -> memref<10000xf32, #tpu.memory_space<vmem_shared>>
        tpu.enqueue_indirect_dma source(%arg22 : memref<50xf32, #tpu.memory_space<vmem>>) target(%dma_start3A_523 : memref<10000xf32, #tpu.memory_space<vmem_shared>>) offsets(%arg16 : memref<50xi32, #tpu.memory_space<vmem>>) semaphore(%arg34 : memref<!tpu.dma_semaphore, #tpu.memory_space<semaphore_mem>>) {add = true}
      } else {
      }
      %dma_wait3A_473 = arith.constant 0 : i32
      %dma_wait3A_474 = arith.constant 0 : i32
      %dma_wait3A_475 = tpu.memref_slice %arg2[%dma_wait3A_473, %dma_wait3A_474] : memref<10000x128xf32, #tpu.memory_space<hbm>> -> memref<10000x128xf32, #tpu.memory_space<hbm>>
      tpu.wait_indirect_dma semaphore(%arg29 : memref<!tpu.dma_semaphore, #tpu.memory_space<semaphore_mem>>) src(%dma_wait3A_475 : memref<10000x128xf32, #tpu.memory_space<hbm>>) dst(%arg20 : memref<50x128xf32, #tpu.memory_space<vmem>>)
      %dma_start3A_476 = arith.constant 0 : i32
      %dma_start3A_477 = arith.constant 0 : i32
      %dma_start3A_478 = tpu.memref_slice %arg23[%dma_start3A_476, %dma_start3A_477] : memref<10000x128xf32, #tpu.memory_space<vmem_shared>> -> memref<10000x128xf32, #tpu.memory_space<vmem_shared>>
      tpu.enqueue_indirect_dma source(%arg20 : memref<50x128xf32, #tpu.memory_space<vmem>>) target(%dma_start3A_478 : memref<10000x128xf32, #tpu.memory_space<vmem_shared>>) offsets(%arg17 : memref<50xi32, #tpu.memory_space<vmem>>) semaphore(%arg32 : memref<!tpu.dma_semaphore, #tpu.memory_space<semaphore_mem>>) {add = true}
      %eq3A_479 = arith.constant 0 : i32
      %eq3A_480 = arith.cmpi eq, %arg0, %eq3A_479 : i32
      %convert_element_type3A_481 = arith.extui %eq3A_480 : i1 to i32
      %cond3A_482 = arith.constant 0 : i32
      %cond3A_483 = arith.cmpi ne, %convert_element_type3A_481, %cond3A_482 : i32
      scf.if %cond3A_483 {
        %dma_start3A_522 = arith.constant 0 : i32
        %dma_start3A_523 = tpu.memref_slice %arg24[%dma_start3A_522] : memref<10000xf32, #tpu.memory_space<vmem_shared>> -> memref<10000xf32, #tpu.memory_space<vmem_shared>>
        tpu.enqueue_indirect_dma source(%arg22 : memref<50xf32, #tpu.memory_space<vmem>>) target(%dma_start3A_523 : memref<10000xf32, #tpu.memory_space<vmem_shared>>) offsets(%arg17 : memref<50xi32, #tpu.memory_space<vmem>>) semaphore(%arg35 : memref<!tpu.dma_semaphore, #tpu.memory_space<semaphore_mem>>) {add = true}
      } else {
      }
      %dma_wait3A_484 = arith.constant 0 : i32
      %dma_wait3A_485 = arith.constant 0 : i32
      %dma_wait3A_486 = tpu.memref_slice %arg2[%dma_wait3A_484, %dma_wait3A_485] : memref<10000x128xf32, #tpu.memory_space<hbm>> -> memref<10000x128xf32, #tpu.memory_space<hbm>>
      tpu.wait_indirect_dma semaphore(%arg30 : memref<!tpu.dma_semaphore, #tpu.memory_space<semaphore_mem>>) src(%dma_wait3A_486 : memref<10000x128xf32, #tpu.memory_space<hbm>>) dst(%arg21 : memref<50x128xf32, #tpu.memory_space<vmem>>)
      %dma_start3A_487 = arith.constant 0 : i32
      %dma_start3A_488 = arith.constant 0 : i32
      %dma_start3A_489 = tpu.memref_slice %arg23[%dma_start3A_487, %dma_start3A_488] : memref<10000x128xf32, #tpu.memory_space<vmem_shared>> -> memref<10000x128xf32, #tpu.memory_space<vmem_shared>>
      tpu.enqueue_indirect_dma source(%arg21 : memref<50x128xf32, #tpu.memory_space<vmem>>) target(%dma_start3A_489 : memref<10000x128xf32, #tpu.memory_space<vmem_shared>>) offsets(%arg18 : memref<50xi32, #tpu.memory_space<vmem>>) semaphore(%arg33 : memref<!tpu.dma_semaphore, #tpu.memory_space<semaphore_mem>>) {add = true}
      %eq3A_490 = arith.constant 0 : i32
      %eq3A_491 = arith.cmpi eq, %arg0, %eq3A_490 : i32
      %convert_element_type3A_492 = arith.extui %eq3A_491 : i1 to i32
      %cond3A_493 = arith.constant 0 : i32
      %cond3A_494 = arith.cmpi ne, %convert_element_type3A_492, %cond3A_493 : i32
      scf.if %cond3A_494 {
        %dma_start3A_522 = arith.constant 0 : i32
        %dma_start3A_523 = tpu.memref_slice %arg24[%dma_start3A_522] : memref<10000xf32, #tpu.memory_space<vmem_shared>> -> memref<10000xf32, #tpu.memory_space<vmem_shared>>
        tpu.enqueue_indirect_dma source(%arg22 : memref<50xf32, #tpu.memory_space<vmem>>) target(%dma_start3A_523 : memref<10000xf32, #tpu.memory_space<vmem_shared>>) offsets(%arg18 : memref<50xi32, #tpu.memory_space<vmem>>) semaphore(%arg36 : memref<!tpu.dma_semaphore, #tpu.memory_space<semaphore_mem>>) {add = true}
      } else {
      }
      %add3A_495 = arith.constant 3 : i32
      %add3A_496 = arith.addi %mul3A_461, %add3A_495 : i32
      %add3A_497 = arith.constant 0 : i32
      %add3A_498 = arith.addi %add3A_496, %add3A_497 : i32
      %lt3A_499 = arith.constant 200 : i32
      %lt3A_500 = arith.cmpi slt, %add3A_498, %lt3A_499 : i32
      %convert_element_type3A_501 = arith.extui %lt3A_500 : i1 to i32
      %cond3A_502 = arith.constant 0 : i32
      %cond3A_503 = arith.cmpi ne, %convert_element_type3A_501, %cond3A_502 : i32
      scf.if %cond3A_503 {
        %dma_wait3A_522 = arith.constant 0 : i32
        %dma_wait3A_523 = arith.constant 0 : i32
        %dma_wait3A_524 = tpu.memref_slice %arg23[%dma_wait3A_522, %dma_wait3A_523] : memref<10000x128xf32, #tpu.memory_space<vmem_shared>> -> memref<10000x128xf32, #tpu.memory_space<vmem_shared>>
        tpu.wait_indirect_dma semaphore(%arg31 : memref<!tpu.dma_semaphore, #tpu.memory_space<semaphore_mem>>) src(%arg19 : memref<50x128xf32, #tpu.memory_space<vmem>>) dst(%dma_wait3A_524 : memref<10000x128xf32, #tpu.memory_space<vmem_shared>>)
        %eq3A_525 = arith.constant 0 : i32
        %eq3A_526 = arith.cmpi eq, %arg0, %eq3A_525 : i32
        %convert_element_type3A_527 = arith.extui %eq3A_526 : i1 to i32
        %cond3A_528 = arith.constant 0 : i32
        %cond3A_529 = arith.cmpi ne, %convert_element_type3A_527, %cond3A_528 : i32
        scf.if %cond3A_529 {
          %dma_wait3A_632 = arith.constant 0 : i32
          %dma_wait3A_633 = tpu.memref_slice %arg24[%dma_wait3A_632] : memref<10000xf32, #tpu.memory_space<vmem_shared>> -> memref<10000xf32, #tpu.memory_space<vmem_shared>>
          tpu.wait_indirect_dma semaphore(%arg34 : memref<!tpu.dma_semaphore, #tpu.memory_space<semaphore_mem>>) src(%arg22 : memref<50xf32, #tpu.memory_space<vmem>>) dst(%dma_wait3A_633 : memref<10000xf32, #tpu.memory_space<vmem_shared>>)
        } else {
        }
        %dma_wait3A_530 = arith.constant 0 : i32
        %dma_wait3A_531 = arith.constant 0 : i32
        %dma_wait3A_532 = arith.constant 0 : i32
        %dma_wait3A_533 = tpu.memref_slice %arg4[%dma_wait3A_530, %dma_wait3A_531, %dma_wait3A_532] : memref<3200x1x50xi32, #tpu.memory_space<hbm>> -> memref<1x1x50xi32, #tpu.memory_space<hbm>>
        %dma_wait3A_534 = tpu.memref_squeeze %dma_wait3A_533 : memref<1x1x50xi32, #tpu.memory_space<hbm>> -> memref<1x50xi32, #tpu.memory_space<hbm>>
        %dma_wait3A_535 = arith.constant 0 : i32
        %dma_wait3A_536 = arith.constant 0 : i32
        %dma_wait3A_537 = tpu.memref_slice %arg4[%dma_wait3A_530, %dma_wait3A_535, %dma_wait3A_536] : memref<3200x1x50xi32, #tpu.memory_space<hbm>> -> memref<1x1x50xi32, #tpu.memory_space<hbm>>
        %dma_wait3A_538 = tpu.memref_squeeze %dma_wait3A_537 : memref<1x1x50xi32, #tpu.memory_space<hbm>> -> memref<1x50xi32, #tpu.memory_space<hbm>>
        tpu.wait_dma2 semaphore(%arg25 : memref<!tpu.dma_semaphore, #tpu.memory_space<semaphore_mem>>) src(%dma_wait3A_538 : memref<1x50xi32, #tpu.memory_space<hbm>>) dst(%arg10 : memref<1x50xi32, #tpu.memory_space<vmem>>)
        %get3A_539 = arith.constant 0 : i32
        %get3A_540 = arith.index_cast %get3A_539 : i32 to index
        %get3A_541 = arith.constant 0 : index
        %get3A_542 = tpu.vector_load %arg10[%get3A_540, %get3A_541] {strides = array<i32>} : memref<1x50xi32, #tpu.memory_space<vmem>>, vector<1x16xi32>,
        %get3A_543 = vector.shape_cast %get3A_542 : vector<1x16xi32> to vector<16xi32>
        %and3A_544 = arith.constant 65535 : i32
        %and3A_545 = vector.broadcast %and3A_544 : i32 to vector<16xi32>
        %and3A_546 = arith.andi %get3A_543, %and3A_545 : vector<16xi32>
        %swap3A_547 = arith.constant 0 : index
        %swap3A_548 = tpu.vector_load %arg13[%swap3A_547] {strides = array<i32>} : memref<50xi32, #tpu.memory_space<vmem>>, vector<16xi32>,
        %swap3A_549 = vector.shape_cast %swap3A_548 : vector<16xi32> to vector<16xi32>
        %swap3A_550 = vector.shape_cast %and3A_546 : vector<16xi32> to vector<16xi32>
        tpu.vector_store %arg13[%swap3A_547], %swap3A_550 {strides = array<i32>} : memref<50xi32, #tpu.memory_space<vmem>>, vector<16xi32>,
        %shift_right_logical3A_551 = arith.constant 16 : i32
        %shift_right_logical3A_552 = vector.broadcast %shift_right_logical3A_551 : i32 to vector<16xi32>
        %shift_right_logical3A_553 = arith.shrui %get3A_543, %shift_right_logical3A_552 : vector<16xi32>
        %swap3A_554 = arith.constant 0 : index
        %swap3A_555 = tpu.vector_load %arg16[%swap3A_554] {strides = array<i32>} : memref<50xi32, #tpu.memory_space<vmem>>, vector<16xi32>,
        %swap3A_556 = vector.shape_cast %swap3A_555 : vector<16xi32> to vector<16xi32>
        %swap3A_557 = vector.shape_cast %shift_right_logical3A_553 : vector<16xi32> to vector<16xi32>
        tpu.vector_store %arg16[%swap3A_554], %swap3A_557 {strides = array<i32>} : memref<50xi32, #tpu.memory_space<vmem>>, vector<16xi32>,
        %get3A_558 = arith.constant 0 : i32
        %get3A_559 = arith.index_cast %get3A_558 : i32 to index
        %get3A_560 = arith.constant 16 : index
        %get3A_561 = tpu.vector_load %arg10[%get3A_559, %get3A_560] {strides = array<i32>} : memref<1x50xi32, #tpu.memory_space<vmem>>, vector<1x16xi32>,
        %get3A_562 = vector.shape_cast %get3A_561 : vector<1x16xi32> to vector<16xi32>
        %and3A_563 = arith.constant 65535 : i32
        %and3A_564 = vector.broadcast %and3A_563 : i32 to vector<16xi32>
        %and3A_565 = arith.andi %get3A_562, %and3A_564 : vector<16xi32>
        %swap3A_566 = arith.constant 16 : index
        %swap3A_567 = tpu.vector_load %arg13[%swap3A_566] {strides = array<i32>} : memref<50xi32, #tpu.memory_space<vmem>>, vector<16xi32>,
        %swap3A_568 = vector.shape_cast %swap3A_567 : vector<16xi32> to vector<16xi32>
        %swap3A_569 = vector.shape_cast %and3A_565 : vector<16xi32> to vector<16xi32>
        tpu.vector_store %arg13[%swap3A_566], %swap3A_569 {strides = array<i32>} : memref<50xi32, #tpu.memory_space<vmem>>, vector<16xi32>,
        %shift_right_logical3A_570 = arith.constant 16 : i32
        %shift_right_logical3A_571 = vector.broadcast %shift_right_logical3A_570 : i32 to vector<16xi32>
        %shift_right_logical3A_572 = arith.shrui %get3A_562, %shift_right_logical3A_571 : vector<16xi32>
        %swap3A_573 = arith.constant 16 : index
        %swap3A_574 = tpu.vector_load %arg16[%swap3A_573] {strides = array<i32>} : memref<50xi32, #tpu.memory_space<vmem>>, vector<16xi32>,
        %swap3A_575 = vector.shape_cast %swap3A_574 : vector<16xi32> to vector<16xi32>
        %swap3A_576 = vector.shape_cast %shift_right_logical3A_572 : vector<16xi32> to vector<16xi32>
        tpu.vector_store %arg16[%swap3A_573], %swap3A_576 {strides = array<i32>} : memref<50xi32, #tpu.memory_space<vmem>>, vector<16xi32>,
        %get3A_577 = arith.constant 0 : i32
        %get3A_578 = arith.index_cast %get3A_577 : i32 to index
        %get3A_579 = arith.constant 32 : index
        %get3A_580 = tpu.vector_load %arg10[%get3A_578, %get3A_579] {strides = array<i32>} : memref<1x50xi32, #tpu.memory_space<vmem>>, vector<1x16xi32>,
        %get3A_581 = vector.shape_cast %get3A_580 : vector<1x16xi32> to vector<16xi32>
        %and3A_582 = arith.constant 65535 : i32
        %and3A_583 = vector.broadcast %and3A_582 : i32 to vector<16xi32>
        %and3A_584 = arith.andi %get3A_581, %and3A_583 : vector<16xi32>
        %swap3A_585 = arith.constant 32 : index
        %swap3A_586 = tpu.vector_load %arg13[%swap3A_585] {strides = array<i32>} : memref<50xi32, #tpu.memory_space<vmem>>, vector<16xi32>,
        %swap3A_587 = vector.shape_cast %swap3A_586 : vector<16xi32> to vector<16xi32>
        %swap3A_588 = vector.shape_cast %and3A_584 : vector<16xi32> to vector<16xi32>
        tpu.vector_store %arg13[%swap3A_585], %swap3A_588 {strides = array<i32>} : memref<50xi32, #tpu.memory_space<vmem>>, vector<16xi32>,
        %shift_right_logical3A_589 = arith.constant 16 : i32
        %shift_right_logical3A_590 = vector.broadcast %shift_right_logical3A_589 : i32 to vector<16xi32>
        %shift_right_logical3A_591 = arith.shrui %get3A_581, %shift_right_logical3A_590 : vector<16xi32>
        %swap3A_592 = arith.constant 32 : index
        %swap3A_593 = tpu.vector_load %arg16[%swap3A_592] {strides = array<i32>} : memref<50xi32, #tpu.memory_space<vmem>>, vector<16xi32>,
        %swap3A_594 = vector.shape_cast %swap3A_593 : vector<16xi32> to vector<16xi32>
        %swap3A_595 = vector.shape_cast %shift_right_logical3A_591 : vector<16xi32> to vector<16xi32>
        tpu.vector_store %arg16[%swap3A_592], %swap3A_595 {strides = array<i32>} : memref<50xi32, #tpu.memory_space<vmem>>, vector<16xi32>,
        %get3A_596 = arith.constant 0 : i32
        %get3A_597 = arith.index_cast %get3A_596 : i32 to index
        %get3A_598 = arith.constant 34 : index
        %get3A_599 = tpu.vector_load %arg10[%get3A_597, %get3A_598] {strides = array<i32>} : memref<1x50xi32, #tpu.memory_space<vmem>>, vector<1x16xi32>,
        %get3A_600 = vector.shape_cast %get3A_599 : vector<1x16xi32> to vector<16xi32>
        %and3A_601 = arith.constant 65535 : i32
        %and3A_602 = vector.broadcast %and3A_601 : i32 to vector<16xi32>
        %and3A_603 = arith.andi %get3A_600, %and3A_602 : vector<16xi32>
        %swap3A_604 = arith.constant 34 : index
        %swap3A_605 = tpu.vector_load %arg13[%swap3A_604] {strides = array<i32>} : memref<50xi32, #tpu.memory_space<vmem>>, vector<16xi32>,
        %swap3A_606 = vector.shape_cast %swap3A_605 : vector<16xi32> to vector<16xi32>
        %swap3A_607 = vector.shape_cast %and3A_603 : vector<16xi32> to vector<16xi32>
        tpu.vector_store %arg13[%swap3A_604], %swap3A_607 {strides = array<i32>} : memref<50xi32, #tpu.memory_space<vmem>>, vector<16xi32>,
        %shift_right_logical3A_608 = arith.constant 16 : i32
        %shift_right_logical3A_609 = vector.broadcast %shift_right_logical3A_608 : i32 to vector<16xi32>
        %shift_right_logical3A_610 = arith.shrui %get3A_600, %shift_right_logical3A_609 : vector<16xi32>
        %swap3A_611 = arith.constant 34 : index
        %swap3A_612 = tpu.vector_load %arg16[%swap3A_611] {strides = array<i32>} : memref<50xi32, #tpu.memory_space<vmem>>, vector<16xi32>,
        %swap3A_613 = vector.shape_cast %swap3A_612 : vector<16xi32> to vector<16xi32>
        %swap3A_614 = vector.shape_cast %shift_right_logical3A_610 : vector<16xi32> to vector<16xi32>
        tpu.vector_store %arg16[%swap3A_611], %swap3A_614 {strides = array<i32>} : memref<50xi32, #tpu.memory_space<vmem>>, vector<16xi32>,
        %add3A_615 = arith.constant 3 : i32
        %add3A_616 = arith.addi %add3A_498, %add3A_615 : i32
        %lt3A_617 = arith.constant 200 : i32
        %lt3A_618 = arith.cmpi slt, %add3A_616, %lt3A_617 : i32
        %convert_element_type3A_619 = arith.extui %lt3A_618 : i1 to i32
        %cond3A_620 = arith.constant 0 : i32
        %cond3A_621 = arith.cmpi ne, %convert_element_type3A_619, %cond3A_620 : i32
        scf.if %cond3A_621 {
          %add3A_632 = arith.constant 3 : i32
          %add3A_633 = arith.addi %add3A_498, %add3A_632 : i32
          %mul3A_634 = arith.constant 200 : i32
          %mul3A_635 = arith.muli %arg1, %mul3A_634 : i32
          %add3A_636 = arith.addi %mul3A_635, %add3A_633 : i32
          %dma_start3A_637 = arith.constant 0 : i32
          %dma_start3A_638 = arith.constant 0 : i32
          %dma_start3A_639 = tpu.memref_slice %arg4[%add3A_636, %dma_start3A_637, %dma_start3A_638] : memref<3200x1x50xi32, #tpu.memory_space<hbm>> -> memref<1x1x50xi32, #tpu.memory_space<hbm>>
          %dma_start3A_640 = tpu.memref_squeeze %dma_start3A_639 : memref<1x1x50xi32, #tpu.memory_space<hbm>> -> memref<1x50xi32, #tpu.memory_space<hbm>>
          %dma_start3A_641 = arith.constant 0 : i32
          %dma_start3A_642 = arith.constant 0 : i32
          %dma_start3A_643 = tpu.memref_slice %arg4[%add3A_636, %dma_start3A_641, %dma_start3A_642] : memref<3200x1x50xi32, #tpu.memory_space<hbm>> -> memref<1x1x50xi32, #tpu.memory_space<hbm>>
          %dma_start3A_644 = tpu.memref_squeeze %dma_start3A_643 : memref<1x1x50xi32, #tpu.memory_space<hbm>> -> memref<1x50xi32, #tpu.memory_space<hbm>>
          tpu.enqueue_dma source(%dma_start3A_644 : memref<1x50xi32, #tpu.memory_space<hbm>>) target(%arg10 : memref<1x50xi32, #tpu.memory_space<vmem>>) target_semaphore(%arg25 : memref<!tpu.dma_semaphore, #tpu.memory_space<semaphore_mem>>)
        } else {
        }
        %eq3A_622 = arith.constant 0 : i32
        %eq3A_623 = arith.cmpi eq, %arg0, %eq3A_622 : i32
        %convert_element_type3A_624 = arith.extui %eq3A_623 : i1 to i32
        %cond3A_625 = arith.constant 0 : i32
        %cond3A_626 = arith.cmpi ne, %convert_element_type3A_624, %cond3A_625 : i32
        scf.if %cond3A_626 {
          %dma_start3A_632 = arith.constant 0 : i32
          %dma_start3A_633 = arith.constant 0 : i32
          %dma_start3A_634 = tpu.memref_slice %arg2[%dma_start3A_632, %dma_start3A_633] : memref<10000x128xf32, #tpu.memory_space<hbm>> -> memref<10000x128xf32, #tpu.memory_space<hbm>>
          tpu.enqueue_indirect_dma source(%dma_start3A_634 : memref<10000x128xf32, #tpu.memory_space<hbm>>) target(%arg19 : memref<50x128xf32, #tpu.memory_space<vmem>>) offsets(%arg13 : memref<50xi32, #tpu.memory_space<vmem>>) semaphore(%arg28 : memref<!tpu.dma_semaphore, #tpu.memory_space<semaphore_mem>>)
        } else {
        }
        %eq3A_627 = arith.constant 1 : i32
        %eq3A_628 = arith.cmpi eq, %arg0, %eq3A_627 : i32
        %convert_element_type3A_629 = arith.extui %eq3A_628 : i1 to i32
        %cond3A_630 = arith.constant 0 : i32
        %cond3A_631 = arith.cmpi ne, %convert_element_type3A_629, %cond3A_630 : i32
        scf.if %cond3A_631 {
          %dma_start3A_632 = arith.constant 0 : i32
          %dma_start3A_633 = arith.constant 0 : i32
          %dma_start3A_634 = tpu.memref_slice %arg3[%dma_start3A_632, %dma_start3A_633] : memref<10000x128xf32, #tpu.memory_space<hbm>> -> memref<10000x128xf32, #tpu.memory_space<hbm>>
          tpu.enqueue_indirect_dma source(%dma_start3A_634 : memref<10000x128xf32, #tpu.memory_space<hbm>>) target(%arg19 : memref<50x128xf32, #tpu.memory_space<vmem>>) offsets(%arg13 : memref<50xi32, #tpu.memory_space<vmem>>) semaphore(%arg28 : memref<!tpu.dma_semaphore, #tpu.memory_space<semaphore_mem>>)
        } else {
        }
      } else {
      }
      %add3A_504 = arith.constant 3 : i32
      %add3A_505 = arith.addi %mul3A_461, %add3A_504 : i32
      %add3A_506 = arith.constant 1 : i32
      %add3A_507 = arith.addi %add3A_505, %add3A_506 : i32
      %lt3A_508 = arith.constant 200 : i32
      %lt3A_509 = arith.cmpi slt, %add3A_507, %lt3A_508 : i32
      %convert_element_type3A_510 = arith.extui %lt3A_509 : i1 to i32
      %cond3A_511 = arith.constant 0 : i32
      %cond3A_512 = arith.cmpi ne, %convert_element_type3A_510, %cond3A_511 : i32
      scf.if %cond3A_512 {
        %dma_wait3A_522 = arith.constant 0 : i32
        %dma_wait3A_523 = arith.constant 0 : i32
        %dma_wait3A_524 = tpu.memref_slice %arg23[%dma_wait3A_522, %dma_wait3A_523] : memref<10000x128xf32, #tpu.memory_space<vmem_shared>> -> memref<10000x128xf32, #tpu.memory_space<vmem_shared>>
        tpu.wait_indirect_dma semaphore(%arg32 : memref<!tpu.dma_semaphore, #tpu.memory_space<semaphore_mem>>) src(%arg20 : memref<50x128xf32, #tpu.memory_space<vmem>>) dst(%dma_wait3A_524 : memref<10000x128xf32, #tpu.memory_space<vmem_shared>>)
        %eq3A_525 = arith.constant 0 : i32
        %eq3A_526 = arith.cmpi eq, %arg0, %eq3A_525 : i32
        %convert_element_type3A_527 = arith.extui %eq3A_526 : i1 to i32
        %cond3A_528 = arith.constant 0 : i32
        %cond3A_529 = arith.cmpi ne, %convert_element_type3A_527, %cond3A_528 : i32
        scf.if %cond3A_529 {
          %dma_wait3A_632 = arith.constant 0 : i32
          %dma_wait3A_633 = tpu.memref_slice %arg24[%dma_wait3A_632] : memref<10000xf32, #tpu.memory_space<vmem_shared>> -> memref<10000xf32, #tpu.memory_space<vmem_shared>>
          tpu.wait_indirect_dma semaphore(%arg35 : memref<!tpu.dma_semaphore, #tpu.memory_space<semaphore_mem>>) src(%arg22 : memref<50xf32, #tpu.memory_space<vmem>>) dst(%dma_wait3A_633 : memref<10000xf32, #tpu.memory_space<vmem_shared>>)
        } else {
        }
        %dma_wait3A_530 = arith.constant 0 : i32
        %dma_wait3A_531 = arith.constant 0 : i32
        %dma_wait3A_532 = arith.constant 0 : i32
        %dma_wait3A_533 = tpu.memref_slice %arg4[%dma_wait3A_530, %dma_wait3A_531, %dma_wait3A_532] : memref<3200x1x50xi32, #tpu.memory_space<hbm>> -> memref<1x1x50xi32, #tpu.memory_space<hbm>>
        %dma_wait3A_534 = tpu.memref_squeeze %dma_wait3A_533 : memref<1x1x50xi32, #tpu.memory_space<hbm>> -> memref<1x50xi32, #tpu.memory_space<hbm>>
        %dma_wait3A_535 = arith.constant 0 : i32
        %dma_wait3A_536 = arith.constant 0 : i32
        %dma_wait3A_537 = tpu.memref_slice %arg4[%dma_wait3A_530, %dma_wait3A_535, %dma_wait3A_536] : memref<3200x1x50xi32, #tpu.memory_space<hbm>> -> memref<1x1x50xi32, #tpu.memory_space<hbm>>
        %dma_wait3A_538 = tpu.memref_squeeze %dma_wait3A_537 : memref<1x1x50xi32, #tpu.memory_space<hbm>> -> memref<1x50xi32, #tpu.memory_space<hbm>>
        tpu.wait_dma2 semaphore(%arg26 : memref<!tpu.dma_semaphore, #tpu.memory_space<semaphore_mem>>) src(%dma_wait3A_538 : memref<1x50xi32, #tpu.memory_space<hbm>>) dst(%arg11 : memref<1x50xi32, #tpu.memory_space<vmem>>)
        %get3A_539 = arith.constant 0 : i32
        %get3A_540 = arith.index_cast %get3A_539 : i32 to index
        %get3A_541 = arith.constant 0 : index
        %get3A_542 = tpu.vector_load %arg11[%get3A_540, %get3A_541] {strides = array<i32>} : memref<1x50xi32, #tpu.memory_space<vmem>>, vector<1x16xi32>,
        %get3A_543 = vector.shape_cast %get3A_542 : vector<1x16xi32> to vector<16xi32>
        %and3A_544 = arith.constant 65535 : i32
        %and3A_545 = vector.broadcast %and3A_544 : i32 to vector<16xi32>
        %and3A_546 = arith.andi %get3A_543, %and3A_545 : vector<16xi32>
        %swap3A_547 = arith.constant 0 : index
        %swap3A_548 = tpu.vector_load %arg14[%swap3A_547] {strides = array<i32>} : memref<50xi32, #tpu.memory_space<vmem>>, vector<16xi32>,
        %swap3A_549 = vector.shape_cast %swap3A_548 : vector<16xi32> to vector<16xi32>
        %swap3A_550 = vector.shape_cast %and3A_546 : vector<16xi32> to vector<16xi32>
        tpu.vector_store %arg14[%swap3A_547], %swap3A_550 {strides = array<i32>} : memref<50xi32, #tpu.memory_space<vmem>>, vector<16xi32>,
        %shift_right_logical3A_551 = arith.constant 16 : i32
        %shift_right_logical3A_552 = vector.broadcast %shift_right_logical3A_551 : i32 to vector<16xi32>
        %shift_right_logical3A_553 = arith.shrui %get3A_543, %shift_right_logical3A_552 : vector<16xi32>
        %swap3A_554 = arith.constant 0 : index
        %swap3A_555 = tpu.vector_load %arg17[%swap3A_554] {strides = array<i32>} : memref<50xi32, #tpu.memory_space<vmem>>, vector<16xi32>,
        %swap3A_556 = vector.shape_cast %swap3A_555 : vector<16xi32> to vector<16xi32>
        %swap3A_557 = vector.shape_cast %shift_right_logical3A_553 : vector<16xi32> to vector<16xi32>
        tpu.vector_store %arg17[%swap3A_554], %swap3A_557 {strides = array<i32>} : memref<50xi32, #tpu.memory_space<vmem>>, vector<16xi32>,
        %get3A_558 = arith.constant 0 : i32
        %get3A_559 = arith.index_cast %get3A_558 : i32 to index
        %get3A_560 = arith.constant 16 : index
        %get3A_561 = tpu.vector_load %arg11[%get3A_559, %get3A_560] {strides = array<i32>} : memref<1x50xi32, #tpu.memory_space<vmem>>, vector<1x16xi32>,
        %get3A_562 = vector.shape_cast %get3A_561 : vector<1x16xi32> to vector<16xi32>
        %and3A_563 = arith.constant 65535 : i32
        %and3A_564 = vector.broadcast %and3A_563 : i32 to vector<16xi32>
        %and3A_565 = arith.andi %get3A_562, %and3A_564 : vector<16xi32>
        %swap3A_566 = arith.constant 16 : index
        %swap3A_567 = tpu.vector_load %arg14[%swap3A_566] {strides = array<i32>} : memref<50xi32, #tpu.memory_space<vmem>>, vector<16xi32>,
        %swap3A_568 = vector.shape_cast %swap3A_567 : vector<16xi32> to vector<16xi32>
        %swap3A_569 = vector.shape_cast %and3A_565 : vector<16xi32> to vector<16xi32>
        tpu.vector_store %arg14[%swap3A_566], %swap3A_569 {strides = array<i32>} : memref<50xi32, #tpu.memory_space<vmem>>, vector<16xi32>,
        %shift_right_logical3A_570 = arith.constant 16 : i32
        %shift_right_logical3A_571 = vector.broadcast %shift_right_logical3A_570 : i32 to vector<16xi32>
        %shift_right_logical3A_572 = arith.shrui %get3A_562, %shift_right_logical3A_571 : vector<16xi32>
        %swap3A_573 = arith.constant 16 : index
        %swap3A_574 = tpu.vector_load %arg17[%swap3A_573] {strides = array<i32>} : memref<50xi32, #tpu.memory_space<vmem>>, vector<16xi32>,
        %swap3A_575 = vector.shape_cast %swap3A_574 : vector<16xi32> to vector<16xi32>
        %swap3A_576 = vector.shape_cast %shift_right_logical3A_572 : vector<16xi32> to vector<16xi32>
        tpu.vector_store %arg17[%swap3A_573], %swap3A_576 {strides = array<i32>} : memref<50xi32, #tpu.memory_space<vmem>>, vector<16xi32>,
        %get3A_577 = arith.constant 0 : i32
        %get3A_578 = arith.index_cast %get3A_577 : i32 to index
        %get3A_579 = arith.constant 32 : index
        %get3A_580 = tpu.vector_load %arg11[%get3A_578, %get3A_579] {strides = array<i32>} : memref<1x50xi32, #tpu.memory_space<vmem>>, vector<1x16xi32>,
        %get3A_581 = vector.shape_cast %get3A_580 : vector<1x16xi32> to vector<16xi32>
        %and3A_582 = arith.constant 65535 : i32
        %and3A_583 = vector.broadcast %and3A_582 : i32 to vector<16xi32>
        %and3A_584 = arith.andi %get3A_581, %and3A_583 : vector<16xi32>
        %swap3A_585 = arith.constant 32 : index
        %swap3A_586 = tpu.vector_load %arg14[%swap3A_585] {strides = array<i32>} : memref<50xi32, #tpu.memory_space<vmem>>, vector<16xi32>,
        %swap3A_587 = vector.shape_cast %swap3A_586 : vector<16xi32> to vector<16xi32>
        %swap3A_588 = vector.shape_cast %and3A_584 : vector<16xi32> to vector<16xi32>
        tpu.vector_store %arg14[%swap3A_585], %swap3A_588 {strides = array<i32>} : memref<50xi32, #tpu.memory_space<vmem>>, vector<16xi32>,
        %shift_right_logical3A_589 = arith.constant 16 : i32
        %shift_right_logical3A_590 = vector.broadcast %shift_right_logical3A_589 : i32 to vector<16xi32>
        %shift_right_logical3A_591 = arith.shrui %get3A_581, %shift_right_logical3A_590 : vector<16xi32>
        %swap3A_592 = arith.constant 32 : index
        %swap3A_593 = tpu.vector_load %arg17[%swap3A_592] {strides = array<i32>} : memref<50xi32, #tpu.memory_space<vmem>>, vector<16xi32>,
        %swap3A_594 = vector.shape_cast %swap3A_593 : vector<16xi32> to vector<16xi32>
        %swap3A_595 = vector.shape_cast %shift_right_logical3A_591 : vector<16xi32> to vector<16xi32>
        tpu.vector_store %arg17[%swap3A_592], %swap3A_595 {strides = array<i32>} : memref<50xi32, #tpu.memory_space<vmem>>, vector<16xi32>,
        %get3A_596 = arith.constant 0 : i32
        %get3A_597 = arith.index_cast %get3A_596 : i32 to index
        %get3A_598 = arith.constant 34 : index
        %get3A_599 = tpu.vector_load %arg11[%get3A_597, %get3A_598] {strides = array<i32>} : memref<1x50xi32, #tpu.memory_space<vmem>>, vector<1x16xi32>,
        %get3A_600 = vector.shape_cast %get3A_599 : vector<1x16xi32> to vector<16xi32>
        %and3A_601 = arith.constant 65535 : i32
        %and3A_602 = vector.broadcast %and3A_601 : i32 to vector<16xi32>
        %and3A_603 = arith.andi %get3A_600, %and3A_602 : vector<16xi32>
        %swap3A_604 = arith.constant 34 : index
        %swap3A_605 = tpu.vector_load %arg14[%swap3A_604] {strides = array<i32>} : memref<50xi32, #tpu.memory_space<vmem>>, vector<16xi32>,
        %swap3A_606 = vector.shape_cast %swap3A_605 : vector<16xi32> to vector<16xi32>
        %swap3A_607 = vector.shape_cast %and3A_603 : vector<16xi32> to vector<16xi32>
        tpu.vector_store %arg14[%swap3A_604], %swap3A_607 {strides = array<i32>} : memref<50xi32, #tpu.memory_space<vmem>>, vector<16xi32>,
        %shift_right_logical3A_608 = arith.constant 16 : i32
        %shift_right_logical3A_609 = vector.broadcast %shift_right_logical3A_608 : i32 to vector<16xi32>
        %shift_right_logical3A_610 = arith.shrui %get3A_600, %shift_right_logical3A_609 : vector<16xi32>
        %swap3A_611 = arith.constant 34 : index
        %swap3A_612 = tpu.vector_load %arg17[%swap3A_611] {strides = array<i32>} : memref<50xi32, #tpu.memory_space<vmem>>, vector<16xi32>,
        %swap3A_613 = vector.shape_cast %swap3A_612 : vector<16xi32> to vector<16xi32>
        %swap3A_614 = vector.shape_cast %shift_right_logical3A_610 : vector<16xi32> to vector<16xi32>
        tpu.vector_store %arg17[%swap3A_611], %swap3A_614 {strides = array<i32>} : memref<50xi32, #tpu.memory_space<vmem>>, vector<16xi32>,
        %add3A_615 = arith.constant 3 : i32
        %add3A_616 = arith.addi %add3A_507, %add3A_615 : i32
        %lt3A_617 = arith.constant 200 : i32
        %lt3A_618 = arith.cmpi slt, %add3A_616, %lt3A_617 : i32
        %convert_element_type3A_619 = arith.extui %lt3A_618 : i1 to i32
        %cond3A_620 = arith.constant 0 : i32
        %cond3A_621 = arith.cmpi ne, %convert_element_type3A_619, %cond3A_620 : i32
        scf.if %cond3A_621 {
          %add3A_632 = arith.constant 3 : i32
          %add3A_633 = arith.addi %add3A_507, %add3A_632 : i32
          %mul3A_634 = arith.constant 200 : i32
          %mul3A_635 = arith.muli %arg1, %mul3A_634 : i32
          %add3A_636 = arith.addi %mul3A_635, %add3A_633 : i32
          %dma_start3A_637 = arith.constant 0 : i32
          %dma_start3A_638 = arith.constant 0 : i32
          %dma_start3A_639 = tpu.memref_slice %arg4[%add3A_636, %dma_start3A_637, %dma_start3A_638] : memref<3200x1x50xi32, #tpu.memory_space<hbm>> -> memref<1x1x50xi32, #tpu.memory_space<hbm>>
          %dma_start3A_640 = tpu.memref_squeeze %dma_start3A_639 : memref<1x1x50xi32, #tpu.memory_space<hbm>> -> memref<1x50xi32, #tpu.memory_space<hbm>>
          %dma_start3A_641 = arith.constant 0 : i32
          %dma_start3A_642 = arith.constant 0 : i32
          %dma_start3A_643 = tpu.memref_slice %arg4[%add3A_636, %dma_start3A_641, %dma_start3A_642] : memref<3200x1x50xi32, #tpu.memory_space<hbm>> -> memref<1x1x50xi32, #tpu.memory_space<hbm>>
          %dma_start3A_644 = tpu.memref_squeeze %dma_start3A_643 : memref<1x1x50xi32, #tpu.memory_space<hbm>> -> memref<1x50xi32, #tpu.memory_space<hbm>>
          tpu.enqueue_dma source(%dma_start3A_644 : memref<1x50xi32, #tpu.memory_space<hbm>>) target(%arg11 : memref<1x50xi32, #tpu.memory_space<vmem>>) target_semaphore(%arg26 : memref<!tpu.dma_semaphore, #tpu.memory_space<semaphore_mem>>)
        } else {
        }
        %eq3A_622 = arith.constant 0 : i32
        %eq3A_623 = arith.cmpi eq, %arg0, %eq3A_622 : i32
        %convert_element_type3A_624 = arith.extui %eq3A_623 : i1 to i32
        %cond3A_625 = arith.constant 0 : i32
        %cond3A_626 = arith.cmpi ne, %convert_element_type3A_624, %cond3A_625 : i32
        scf.if %cond3A_626 {
          %dma_start3A_632 = arith.constant 0 : i32
          %dma_start3A_633 = arith.constant 0 : i32
          %dma_start3A_634 = tpu.memref_slice %arg2[%dma_start3A_632, %dma_start3A_633] : memref<10000x128xf32, #tpu.memory_space<hbm>> -> memref<10000x128xf32, #tpu.memory_space<hbm>>
          tpu.enqueue_indirect_dma source(%dma_start3A_634 : memref<10000x128xf32, #tpu.memory_space<hbm>>) target(%arg20 : memref<50x128xf32, #tpu.memory_space<vmem>>) offsets(%arg14 : memref<50xi32, #tpu.memory_space<vmem>>) semaphore(%arg29 : memref<!tpu.dma_semaphore, #tpu.memory_space<semaphore_mem>>)
        } else {
        }
        %eq3A_627 = arith.constant 1 : i32
        %eq3A_628 = arith.cmpi eq, %arg0, %eq3A_627 : i32
        %convert_element_type3A_629 = arith.extui %eq3A_628 : i1 to i32
        %cond3A_630 = arith.constant 0 : i32
        %cond3A_631 = arith.cmpi ne, %convert_element_type3A_629, %cond3A_630 : i32
        scf.if %cond3A_631 {
          %dma_start3A_632 = arith.constant 0 : i32
          %dma_start3A_633 = arith.constant 0 : i32
          %dma_start3A_634 = tpu.memref_slice %arg3[%dma_start3A_632, %dma_start3A_633] : memref<10000x128xf32, #tpu.memory_space<hbm>> -> memref<10000x128xf32, #tpu.memory_space<hbm>>
          tpu.enqueue_indirect_dma source(%dma_start3A_634 : memref<10000x128xf32, #tpu.memory_space<hbm>>) target(%arg20 : memref<50x128xf32, #tpu.memory_space<vmem>>) offsets(%arg14 : memref<50xi32, #tpu.memory_space<vmem>>) semaphore(%arg29 : memref<!tpu.dma_semaphore, #tpu.memory_space<semaphore_mem>>)
        } else {
        }
      } else {
      }
      %add3A_513 = arith.constant 3 : i32
      %add3A_514 = arith.addi %mul3A_461, %add3A_513 : i32
      %add3A_515 = arith.constant 2 : i32
      %add3A_516 = arith.addi %add3A_514, %add3A_515 : i32
      %lt3A_517 = arith.constant 200 : i32
      %lt3A_518 = arith.cmpi slt, %add3A_516, %lt3A_517 : i32
      %convert_element_type3A_519 = arith.extui %lt3A_518 : i1 to i32
      %cond3A_520 = arith.constant 0 : i32
      %cond3A_521 = arith.cmpi ne, %convert_element_type3A_519, %cond3A_520 : i32
      scf.if %cond3A_521 {
        %dma_wait3A_522 = arith.constant 0 : i32
        %dma_wait3A_523 = arith.constant 0 : i32
        %dma_wait3A_524 = tpu.memref_slice %arg23[%dma_wait3A_522, %dma_wait3A_523] : memref<10000x128xf32, #tpu.memory_space<vmem_shared>> -> memref<10000x128xf32, #tpu.memory_space<vmem_shared>>
        tpu.wait_indirect_dma semaphore(%arg33 : memref<!tpu.dma_semaphore, #tpu.memory_space<semaphore_mem>>) src(%arg21 : memref<50x128xf32, #tpu.memory_space<vmem>>) dst(%dma_wait3A_524 : memref<10000x128xf32, #tpu.memory_space<vmem_shared>>)
        %eq3A_525 = arith.constant 0 : i32
        %eq3A_526 = arith.cmpi eq, %arg0, %eq3A_525 : i32
        %convert_element_type3A_527 = arith.extui %eq3A_526 : i1 to i32
        %cond3A_528 = arith.constant 0 : i32
        %cond3A_529 = arith.cmpi ne, %convert_element_type3A_527, %cond3A_528 : i32
        scf.if %cond3A_529 {
          %dma_wait3A_632 = arith.constant 0 : i32
          %dma_wait3A_633 = tpu.memref_slice %arg24[%dma_wait3A_632] : memref<10000xf32, #tpu.memory_space<vmem_shared>> -> memref<10000xf32, #tpu.memory_space<vmem_shared>>
          tpu.wait_indirect_dma semaphore(%arg36 : memref<!tpu.dma_semaphore, #tpu.memory_space<semaphore_mem>>) src(%arg22 : memref<50xf32, #tpu.memory_space<vmem>>) dst(%dma_wait3A_633 : memref<10000xf32, #tpu.memory_space<vmem_shared>>)
        } else {
        }
        %dma_wait3A_530 = arith.constant 0 : i32
        %dma_wait3A_531 = arith.constant 0 : i32
        %dma_wait3A_532 = arith.constant 0 : i32
        %dma_wait3A_533 = tpu.memref_slice %arg4[%dma_wait3A_530, %dma_wait3A_531, %dma_wait3A_532] : memref<3200x1x50xi32, #tpu.memory_space<hbm>> -> memref<1x1x50xi32, #tpu.memory_space<hbm>>
        %dma_wait3A_534 = tpu.memref_squeeze %dma_wait3A_533 : memref<1x1x50xi32, #tpu.memory_space<hbm>> -> memref<1x50xi32, #tpu.memory_space<hbm>>
        %dma_wait3A_535 = arith.constant 0 : i32
        %dma_wait3A_536 = arith.constant 0 : i32
        %dma_wait3A_537 = tpu.memref_slice %arg4[%dma_wait3A_530, %dma_wait3A_535, %dma_wait3A_536] : memref<3200x1x50xi32, #tpu.memory_space<hbm>> -> memref<1x1x50xi32, #tpu.memory_space<hbm>>
        %dma_wait3A_538 = tpu.memref_squeeze %dma_wait3A_537 : memref<1x1x50xi32, #tpu.memory_space<hbm>> -> memref<1x50xi32, #tpu.memory_space<hbm>>
        tpu.wait_dma2 semaphore(%arg27 : memref<!tpu.dma_semaphore, #tpu.memory_space<semaphore_mem>>) src(%dma_wait3A_538 : memref<1x50xi32, #tpu.memory_space<hbm>>) dst(%arg12 : memref<1x50xi32, #tpu.memory_space<vmem>>)
        %get3A_539 = arith.constant 0 : i32
        %get3A_540 = arith.index_cast %get3A_539 : i32 to index
        %get3A_541 = arith.constant 0 : index
        %get3A_542 = tpu.vector_load %arg12[%get3A_540, %get3A_541] {strides = array<i32>} : memref<1x50xi32, #tpu.memory_space<vmem>>, vector<1x16xi32>,
        %get3A_543 = vector.shape_cast %get3A_542 : vector<1x16xi32> to vector<16xi32>
        %and3A_544 = arith.constant 65535 : i32
        %and3A_545 = vector.broadcast %and3A_544 : i32 to vector<16xi32>
        %and3A_546 = arith.andi %get3A_543, %and3A_545 : vector<16xi32>
        %swap3A_547 = arith.constant 0 : index
        %swap3A_548 = tpu.vector_load %arg15[%swap3A_547] {strides = array<i32>} : memref<50xi32, #tpu.memory_space<vmem>>, vector<16xi32>,
        %swap3A_549 = vector.shape_cast %swap3A_548 : vector<16xi32> to vector<16xi32>
        %swap3A_550 = vector.shape_cast %and3A_546 : vector<16xi32> to vector<16xi32>
        tpu.vector_store %arg15[%swap3A_547], %swap3A_550 {strides = array<i32>} : memref<50xi32, #tpu.memory_space<vmem>>, vector<16xi32>,
        %shift_right_logical3A_551 = arith.constant 16 : i32
        %shift_right_logical3A_552 = vector.broadcast %shift_right_logical3A_551 : i32 to vector<16xi32>
        %shift_right_logical3A_553 = arith.shrui %get3A_543, %shift_right_logical3A_552 : vector<16xi32>
        %swap3A_554 = arith.constant 0 : index
        %swap3A_555 = tpu.vector_load %arg18[%swap3A_554] {strides = array<i32>} : memref<50xi32, #tpu.memory_space<vmem>>, vector<16xi32>,
        %swap3A_556 = vector.shape_cast %swap3A_555 : vector<16xi32> to vector<16xi32>
        %swap3A_557 = vector.shape_cast %shift_right_logical3A_553 : vector<16xi32> to vector<16xi32>
        tpu.vector_store %arg18[%swap3A_554], %swap3A_557 {strides = array<i32>} : memref<50xi32, #tpu.memory_space<vmem>>, vector<16xi32>,
        %get3A_558 = arith.constant 0 : i32
        %get3A_559 = arith.index_cast %get3A_558 : i32 to index
        %get3A_560 = arith.constant 16 : index
        %get3A_561 = tpu.vector_load %arg12[%get3A_559, %get3A_560] {strides = array<i32>} : memref<1x50xi32, #tpu.memory_space<vmem>>, vector<1x16xi32>,
        %get3A_562 = vector.shape_cast %get3A_561 : vector<1x16xi32> to vector<16xi32>
        %and3A_563 = arith.constant 65535 : i32
        %and3A_564 = vector.broadcast %and3A_563 : i32 to vector<16xi32>
        %and3A_565 = arith.andi %get3A_562, %and3A_564 : vector<16xi32>
        %swap3A_566 = arith.constant 16 : index
        %swap3A_567 = tpu.vector_load %arg15[%swap3A_566] {strides = array<i32>} : memref<50xi32, #tpu.memory_space<vmem>>, vector<16xi32>,
        %swap3A_568 = vector.shape_cast %swap3A_567 : vector<16xi32> to vector<16xi32>
        %swap3A_569 = vector.shape_cast %and3A_565 : vector<16xi32> to vector<16xi32>
        tpu.vector_store %arg15[%swap3A_566], %swap3A_569 {strides = array<i32>} : memref<50xi32, #tpu.memory_space<vmem>>, vector<16xi32>,
        %shift_right_logical3A_570 = arith.constant 16 : i32
        %shift_right_logical3A_571 = vector.broadcast %shift_right_logical3A_570 : i32 to vector<16xi32>
        %shift_right_logical3A_572 = arith.shrui %get3A_562, %shift_right_logical3A_571 : vector<16xi32>
        %swap3A_573 = arith.constant 16 : index
        %swap3A_574 = tpu.vector_load %arg18[%swap3A_573] {strides = array<i32>} : memref<50xi32, #tpu.memory_space<vmem>>, vector<16xi32>,
        %swap3A_575 = vector.shape_cast %swap3A_574 : vector<16xi32> to vector<16xi32>
        %swap3A_576 = vector.shape_cast %shift_right_logical3A_572 : vector<16xi32> to vector<16xi32>
        tpu.vector_store %arg18[%swap3A_573], %swap3A_576 {strides = array<i32>} : memref<50xi32, #tpu.memory_space<vmem>>, vector<16xi32>,
        %get3A_577 = arith.constant 0 : i32
        %get3A_578 = arith.index_cast %get3A_577 : i32 to index
        %get3A_579 = arith.constant 32 : index
        %get3A_580 = tpu.vector_load %arg12[%get3A_578, %get3A_579] {strides = array<i32>} : memref<1x50xi32, #tpu.memory_space<vmem>>, vector<1x16xi32>,
        %get3A_581 = vector.shape_cast %get3A_580 : vector<1x16xi32> to vector<16xi32>
        %and3A_582 = arith.constant 65535 : i32
        %and3A_583 = vector.broadcast %and3A_582 : i32 to vector<16xi32>
        %and3A_584 = arith.andi %get3A_581, %and3A_583 : vector<16xi32>
        %swap3A_585 = arith.constant 32 : index
        %swap3A_586 = tpu.vector_load %arg15[%swap3A_585] {strides = array<i32>} : memref<50xi32, #tpu.memory_space<vmem>>, vector<16xi32>,
        %swap3A_587 = vector.shape_cast %swap3A_586 : vector<16xi32> to vector<16xi32>
        %swap3A_588 = vector.shape_cast %and3A_584 : vector<16xi32> to vector<16xi32>
        tpu.vector_store %arg15[%swap3A_585], %swap3A_588 {strides = array<i32>} : memref<50xi32, #tpu.memory_space<vmem>>, vector<16xi32>,
        %shift_right_logical3A_589 = arith.constant 16 : i32
        %shift_right_logical3A_590 = vector.broadcast %shift_right_logical3A_589 : i32 to vector<16xi32>
        %shift_right_logical3A_591 = arith.shrui %get3A_581, %shift_right_logical3A_590 : vector<16xi32>
        %swap3A_592 = arith.constant 32 : index
        %swap3A_593 = tpu.vector_load %arg18[%swap3A_592] {strides = array<i32>} : memref<50xi32, #tpu.memory_space<vmem>>, vector<16xi32>,
        %swap3A_594 = vector.shape_cast %swap3A_593 : vector<16xi32> to vector<16xi32>
        %swap3A_595 = vector.shape_cast %shift_right_logical3A_591 : vector<16xi32> to vector<16xi32>
        tpu.vector_store %arg18[%swap3A_592], %swap3A_595 {strides = array<i32>} : memref<50xi32, #tpu.memory_space<vmem>>, vector<16xi32>,
        %get3A_596 = arith.constant 0 : i32
        %get3A_597 = arith.index_cast %get3A_596 : i32 to index
        %get3A_598 = arith.constant 34 : index
        %get3A_599 = tpu.vector_load %arg12[%get3A_597, %get3A_598] {strides = array<i32>} : memref<1x50xi32, #tpu.memory_space<vmem>>, vector<1x16xi32>,
        %get3A_600 = vector.shape_cast %get3A_599 : vector<1x16xi32> to vector<16xi32>
        %and3A_601 = arith.constant 65535 : i32
        %and3A_602 = vector.broadcast %and3A_601 : i32 to vector<16xi32>
        %and3A_603 = arith.andi %get3A_600, %and3A_602 : vector<16xi32>
        %swap3A_604 = arith.constant 34 : index
        %swap3A_605 = tpu.vector_load %arg15[%swap3A_604] {strides = array<i32>} : memref<50xi32, #tpu.memory_space<vmem>>, vector<16xi32>,
        %swap3A_606 = vector.shape_cast %swap3A_605 : vector<16xi32> to vector<16xi32>
        %swap3A_607 = vector.shape_cast %and3A_603 : vector<16xi32> to vector<16xi32>
        tpu.vector_store %arg15[%swap3A_604], %swap3A_607 {strides = array<i32>} : memref<50xi32, #tpu.memory_space<vmem>>, vector<16xi32>,
        %shift_right_logical3A_608 = arith.constant 16 : i32
        %shift_right_logical3A_609 = vector.broadcast %shift_right_logical3A_608 : i32 to vector<16xi32>
        %shift_right_logical3A_610 = arith.shrui %get3A_600, %shift_right_logical3A_609 : vector<16xi32>
        %swap3A_611 = arith.constant 34 : index
        %swap3A_612 = tpu.vector_load %arg18[%swap3A_611] {strides = array<i32>} : memref<50xi32, #tpu.memory_space<vmem>>, vector<16xi32>,
        %swap3A_613 = vector.shape_cast %swap3A_612 : vector<16xi32> to vector<16xi32>
        %swap3A_614 = vector.shape_cast %shift_right_logical3A_610 : vector<16xi32> to vector<16xi32>
        tpu.vector_store %arg18[%swap3A_611], %swap3A_614 {strides = array<i32>} : memref<50xi32, #tpu.memory_space<vmem>>, vector<16xi32>,
        %add3A_615 = arith.constant 3 : i32
        %add3A_616 = arith.addi %add3A_516, %add3A_615 : i32
        %lt3A_617 = arith.constant 200 : i32
        %lt3A_618 = arith.cmpi slt, %add3A_616, %lt3A_617 : i32
        %convert_element_type3A_619 = arith.extui %lt3A_618 : i1 to i32
        %cond3A_620 = arith.constant 0 : i32
        %cond3A_621 = arith.cmpi ne, %convert_element_type3A_619, %cond3A_620 : i32
        scf.if %cond3A_621 {
          %add3A_632 = arith.constant 3 : i32
          %add3A_633 = arith.addi %add3A_516, %add3A_632 : i32
          %mul3A_634 = arith.constant 200 : i32
          %mul3A_635 = arith.muli %arg1, %mul3A_634 : i32
          %add3A_636 = arith.addi %mul3A_635, %add3A_633 : i32
          %dma_start3A_637 = arith.constant 0 : i32
          %dma_start3A_638 = arith.constant 0 : i32
          %dma_start3A_639 = tpu.memref_slice %arg4[%add3A_636, %dma_start3A_637, %dma_start3A_638] : memref<3200x1x50xi32, #tpu.memory_space<hbm>> -> memref<1x1x50xi32, #tpu.memory_space<hbm>>
          %dma_start3A_640 = tpu.memref_squeeze %dma_start3A_639 : memref<1x1x50xi32, #tpu.memory_space<hbm>> -> memref<1x50xi32, #tpu.memory_space<hbm>>
          %dma_start3A_641 = arith.constant 0 : i32
          %dma_start3A_642 = arith.constant 0 : i32
          %dma_start3A_643 = tpu.memref_slice %arg4[%add3A_636, %dma_start3A_641, %dma_start3A_642] : memref<3200x1x50xi32, #tpu.memory_space<hbm>> -> memref<1x1x50xi32, #tpu.memory_space<hbm>>
          %dma_start3A_644 = tpu.memref_squeeze %dma_start3A_643 : memref<1x1x50xi32, #tpu.memory_space<hbm>> -> memref<1x50xi32, #tpu.memory_space<hbm>>
          tpu.enqueue_dma source(%dma_start3A_644 : memref<1x50xi32, #tpu.memory_space<hbm>>) target(%arg12 : memref<1x50xi32, #tpu.memory_space<vmem>>) target_semaphore(%arg27 : memref<!tpu.dma_semaphore, #tpu.memory_space<semaphore_mem>>)
        } else {
        }
        %eq3A_622 = arith.constant 0 : i32
        %eq3A_623 = arith.cmpi eq, %arg0, %eq3A_622 : i32
        %convert_element_type3A_624 = arith.extui %eq3A_623 : i1 to i32
        %cond3A_625 = arith.constant 0 : i32
        %cond3A_626 = arith.cmpi ne, %convert_element_type3A_624, %cond3A_625 : i32
        scf.if %cond3A_626 {
          %dma_start3A_632 = arith.constant 0 : i32
          %dma_start3A_633 = arith.constant 0 : i32
          %dma_start3A_634 = tpu.memref_slice %arg2[%dma_start3A_632, %dma_start3A_633] : memref<10000x128xf32, #tpu.memory_space<hbm>> -> memref<10000x128xf32, #tpu.memory_space<hbm>>
          tpu.enqueue_indirect_dma source(%dma_start3A_634 : memref<10000x128xf32, #tpu.memory_space<hbm>>) target(%arg21 : memref<50x128xf32, #tpu.memory_space<vmem>>) offsets(%arg15 : memref<50xi32, #tpu.memory_space<vmem>>) semaphore(%arg30 : memref<!tpu.dma_semaphore, #tpu.memory_space<semaphore_mem>>)
        } else {
        }
        %eq3A_627 = arith.constant 1 : i32
        %eq3A_628 = arith.cmpi eq, %arg0, %eq3A_627 : i32
        %convert_element_type3A_629 = arith.extui %eq3A_628 : i1 to i32
        %cond3A_630 = arith.constant 0 : i32
        %cond3A_631 = arith.cmpi ne, %convert_element_type3A_629, %cond3A_630 : i32
        scf.if %cond3A_631 {
          %dma_start3A_632 = arith.constant 0 : i32
          %dma_start3A_633 = arith.constant 0 : i32
          %dma_start3A_634 = tpu.memref_slice %arg3[%dma_start3A_632, %dma_start3A_633] : memref<10000x128xf32, #tpu.memory_space<hbm>> -> memref<10000x128xf32, #tpu.memory_space<hbm>>
          tpu.enqueue_indirect_dma source(%dma_start3A_634 : memref<10000x128xf32, #tpu.memory_space<hbm>>) target(%arg21 : memref<50x128xf32, #tpu.memory_space<vmem>>) offsets(%arg15 : memref<50xi32, #tpu.memory_space<vmem>>) semaphore(%arg30 : memref<!tpu.dma_semaphore, #tpu.memory_space<semaphore_mem>>)
        } else {
        }
      } else {
      }
    }
    %scan3A_398 = arith.constant 66 : i32
    %dma_wait3A_399 = arith.constant 0 : i32
    %dma_wait3A_400 = arith.constant 0 : i32
    %dma_wait3A_401 = tpu.memref_slice %arg2[%dma_wait3A_399, %dma_wait3A_400] : memref<10000x128xf32, #tpu.memory_space<hbm>> -> memref<10000x128xf32, #tpu.memory_space<hbm>>
    tpu.wait_indirect_dma semaphore(%arg28 : memref<!tpu.dma_semaphore, #tpu.memory_space<semaphore_mem>>) src(%dma_wait3A_401 : memref<10000x128xf32, #tpu.memory_space<hbm>>) dst(%arg19 : memref<50x128xf32, #tpu.memory_space<vmem>>)
    %dma_start3A_402 = arith.constant 0 : i32
    %dma_start3A_403 = arith.constant 0 : i32
    %dma_start3A_404 = tpu.memref_slice %arg23[%dma_start3A_402, %dma_start3A_403] : memref<10000x128xf32, #tpu.memory_space<vmem_shared>> -> memref<10000x128xf32, #tpu.memory_space<vmem_shared>>
    tpu.enqueue_indirect_dma source(%arg19 : memref<50x128xf32, #tpu.memory_space<vmem>>) target(%dma_start3A_404 : memref<10000x128xf32, #tpu.memory_space<vmem_shared>>) offsets(%arg16 : memref<50xi32, #tpu.memory_space<vmem>>) semaphore(%arg31 : memref<!tpu.dma_semaphore, #tpu.memory_space<semaphore_mem>>) {add = true}
    %eq3A_405 = arith.constant 0 : i32
    %eq3A_406 = arith.cmpi eq, %arg0, %eq3A_405 : i32
    %convert_element_type3A_407 = arith.extui %eq3A_406 : i1 to i32
    %cond3A_408 = arith.constant 0 : i32
    %cond3A_409 = arith.cmpi ne, %convert_element_type3A_407, %cond3A_408 : i32
    scf.if %cond3A_409 {
      %dma_start3A_459 = arith.constant 0 : i32
      %dma_start3A_460 = tpu.memref_slice %arg24[%dma_start3A_459] : memref<10000xf32, #tpu.memory_space<vmem_shared>> -> memref<10000xf32, #tpu.memory_space<vmem_shared>>
      tpu.enqueue_indirect_dma source(%arg22 : memref<50xf32, #tpu.memory_space<vmem>>) target(%dma_start3A_460 : memref<10000xf32, #tpu.memory_space<vmem_shared>>) offsets(%arg16 : memref<50xi32, #tpu.memory_space<vmem>>) semaphore(%arg34 : memref<!tpu.dma_semaphore, #tpu.memory_space<semaphore_mem>>) {add = true}
    } else {
    }
    %dma_wait3A_410 = arith.constant 0 : i32
    %dma_wait3A_411 = arith.constant 0 : i32
    %dma_wait3A_412 = tpu.memref_slice %arg2[%dma_wait3A_410, %dma_wait3A_411] : memref<10000x128xf32, #tpu.memory_space<hbm>> -> memref<10000x128xf32, #tpu.memory_space<hbm>>
    tpu.wait_indirect_dma semaphore(%arg29 : memref<!tpu.dma_semaphore, #tpu.memory_space<semaphore_mem>>) src(%dma_wait3A_412 : memref<10000x128xf32, #tpu.memory_space<hbm>>) dst(%arg20 : memref<50x128xf32, #tpu.memory_space<vmem>>)
    %dma_start3A_413 = arith.constant 0 : i32
    %dma_start3A_414 = arith.constant 0 : i32
    %dma_start3A_415 = tpu.memref_slice %arg23[%dma_start3A_413, %dma_start3A_414] : memref<10000x128xf32, #tpu.memory_space<vmem_shared>> -> memref<10000x128xf32, #tpu.memory_space<vmem_shared>>
    tpu.enqueue_indirect_dma source(%arg20 : memref<50x128xf32, #tpu.memory_space<vmem>>) target(%dma_start3A_415 : memref<10000x128xf32, #tpu.memory_space<vmem_shared>>) offsets(%arg17 : memref<50xi32, #tpu.memory_space<vmem>>) semaphore(%arg32 : memref<!tpu.dma_semaphore, #tpu.memory_space<semaphore_mem>>) {add = true}
    %eq3A_416 = arith.constant 0 : i32
    %eq3A_417 = arith.cmpi eq, %arg0, %eq3A_416 : i32
    %convert_element_type3A_418 = arith.extui %eq3A_417 : i1 to i32
    %cond3A_419 = arith.constant 0 : i32
    %cond3A_420 = arith.cmpi ne, %convert_element_type3A_418, %cond3A_419 : i32
    scf.if %cond3A_420 {
      %dma_start3A_459 = arith.constant 0 : i32
      %dma_start3A_460 = tpu.memref_slice %arg24[%dma_start3A_459] : memref<10000xf32, #tpu.memory_space<vmem_shared>> -> memref<10000xf32, #tpu.memory_space<vmem_shared>>
      tpu.enqueue_indirect_dma source(%arg22 : memref<50xf32, #tpu.memory_space<vmem>>) target(%dma_start3A_460 : memref<10000xf32, #tpu.memory_space<vmem_shared>>) offsets(%arg17 : memref<50xi32, #tpu.memory_space<vmem>>) semaphore(%arg35 : memref<!tpu.dma_semaphore, #tpu.memory_space<semaphore_mem>>) {add = true}
    } else {
    }
    %dma_wait3A_421 = arith.constant 0 : i32
    %dma_wait3A_422 = arith.constant 0 : i32
    %dma_wait3A_423 = tpu.memref_slice %arg23[%dma_wait3A_421, %dma_wait3A_422] : memref<10000x128xf32, #tpu.memory_space<vmem_shared>> -> memref<10000x128xf32, #tpu.memory_space<vmem_shared>>
    tpu.wait_indirect_dma semaphore(%arg33 : memref<!tpu.dma_semaphore, #tpu.memory_space<semaphore_mem>>) src(%arg21 : memref<50x128xf32, #tpu.memory_space<vmem>>) dst(%dma_wait3A_423 : memref<10000x128xf32, #tpu.memory_space<vmem_shared>>)
    %eq3A_424 = arith.constant 0 : i32
    %eq3A_425 = arith.cmpi eq, %arg0, %eq3A_424 : i32
    %convert_element_type3A_426 = arith.extui %eq3A_425 : i1 to i32
    %cond3A_427 = arith.constant 0 : i32
    %cond3A_428 = arith.cmpi ne, %convert_element_type3A_426, %cond3A_427 : i32
    scf.if %cond3A_428 {
      %dma_wait3A_459 = arith.constant 0 : i32
      %dma_wait3A_460 = tpu.memref_slice %arg24[%dma_wait3A_459] : memref<10000xf32, #tpu.memory_space<vmem_shared>> -> memref<10000xf32, #tpu.memory_space<vmem_shared>>
      tpu.wait_indirect_dma semaphore(%arg36 : memref<!tpu.dma_semaphore, #tpu.memory_space<semaphore_mem>>) src(%arg22 : memref<50xf32, #tpu.memory_space<vmem>>) dst(%dma_wait3A_460 : memref<10000xf32, #tpu.memory_space<vmem_shared>>)
    } else {
    }
    %dma_wait3A_429 = arith.constant 0 : i32
    %dma_wait3A_430 = arith.constant 0 : i32
    %dma_wait3A_431 = tpu.memref_slice %arg23[%dma_wait3A_429, %dma_wait3A_430] : memref<10000x128xf32, #tpu.memory_space<vmem_shared>> -> memref<10000x128xf32, #tpu.memory_space<vmem_shared>>
    tpu.wait_indirect_dma semaphore(%arg31 : memref<!tpu.dma_semaphore, #tpu.memory_space<semaphore_mem>>) src(%arg19 : memref<50x128xf32, #tpu.memory_space<vmem>>) dst(%dma_wait3A_431 : memref<10000x128xf32, #tpu.memory_space<vmem_shared>>)
    %eq3A_432 = arith.constant 0 : i32
    %eq3A_433 = arith.cmpi eq, %arg0, %eq3A_432 : i32
    %convert_element_type3A_434 = arith.extui %eq3A_433 : i1 to i32
    %cond3A_435 = arith.constant 0 : i32
    %cond3A_436 = arith.cmpi ne, %convert_element_type3A_434, %cond3A_435 : i32
    scf.if %cond3A_436 {
      %dma_wait3A_459 = arith.constant 0 : i32
      %dma_wait3A_460 = tpu.memref_slice %arg24[%dma_wait3A_459] : memref<10000xf32, #tpu.memory_space<vmem_shared>> -> memref<10000xf32, #tpu.memory_space<vmem_shared>>
      tpu.wait_indirect_dma semaphore(%arg34 : memref<!tpu.dma_semaphore, #tpu.memory_space<semaphore_mem>>) src(%arg22 : memref<50xf32, #tpu.memory_space<vmem>>) dst(%dma_wait3A_460 : memref<10000xf32, #tpu.memory_space<vmem_shared>>)
    } else {
    }
    %dma_wait3A_437 = arith.constant 0 : i32
    %dma_wait3A_438 = arith.constant 0 : i32
    %dma_wait3A_439 = tpu.memref_slice %arg23[%dma_wait3A_437, %dma_wait3A_438] : memref<10000x128xf32, #tpu.memory_space<vmem_shared>> -> memref<10000x128xf32, #tpu.memory_space<vmem_shared>>
    tpu.wait_indirect_dma semaphore(%arg32 : memref<!tpu.dma_semaphore, #tpu.memory_space<semaphore_mem>>) src(%arg20 : memref<50x128xf32, #tpu.memory_space<vmem>>) dst(%dma_wait3A_439 : memref<10000x128xf32, #tpu.memory_space<vmem_shared>>)
    %eq3A_440 = arith.constant 0 : i32
    %eq3A_441 = arith.cmpi eq, %arg0, %eq3A_440 : i32
    %convert_element_type3A_442 = arith.extui %eq3A_441 : i1 to i32
    %cond3A_443 = arith.constant 0 : i32
    %cond3A_444 = arith.cmpi ne, %convert_element_type3A_442, %cond3A_443 : i32
    scf.if %cond3A_444 {
      %dma_wait3A_459 = arith.constant 0 : i32
      %dma_wait3A_460 = tpu.memref_slice %arg24[%dma_wait3A_459] : memref<10000xf32, #tpu.memory_space<vmem_shared>> -> memref<10000xf32, #tpu.memory_space<vmem_shared>>
      tpu.wait_indirect_dma semaphore(%arg35 : memref<!tpu.dma_semaphore, #tpu.memory_space<semaphore_mem>>) src(%arg22 : memref<50xf32, #tpu.memory_space<vmem>>) dst(%dma_wait3A_460 : memref<10000xf32, #tpu.memory_space<vmem_shared>>)
    } else {
    }
    %barrier3A_445 = arith.constant 0 : index
    tpu.barrier barrier_id(%barrier3A_445)
    %lt3A_446 = arith.constant 10 : i32
    %lt3A_447 = arith.cmpi slt, %arg1, %lt3A_446 : i32
    %convert_element_type3A_448 = arith.extui %lt3A_447 : i1 to i32
    %cond3A_449 = arith.constant 0 : i32
    %cond3A_450 = arith.cmpi ne, %convert_element_type3A_448, %cond3A_449 : i32
    scf.if %cond3A_450 {
      %mul3A_459 = arith.constant 1000 : i32
      %mul3A_460 = arith.muli %arg1, %mul3A_459 : i32
      %eq3A_461 = arith.constant 0 : i32
      %eq3A_462 = arith.cmpi eq, %arg0, %eq3A_461 : i32
      %convert_element_type3A_463 = arith.extui %eq3A_462 : i1 to i32
      %cond3A_464 = arith.constant 0 : i32
      %cond3A_465 = arith.cmpi ne, %convert_element_type3A_463, %cond3A_464 : i32
      scf.if %cond3A_465 {
        "tpu.region"() ({
          %run_scoped3A = tpu.sem_alloc : memref<!tpu.dma_semaphore, #tpu.memory_space<semaphore_mem>>
          %dma_start3A_471 = arith.constant 0 : i32
          %dma_start3A_472 = tpu.memref_slice %arg7[%mul3A_460, %dma_start3A_471] : memref<10000x128xf32, #tpu.memory_space<hbm>> -> memref<1000x128xf32, #tpu.memory_space<hbm>>
          %dma_start3A_473 = arith.constant 0 : i32
          %dma_start3A_474 = tpu.memref_slice %arg23[%mul3A_460, %dma_start3A_473] : memref<10000x128xf32, #tpu.memory_space<vmem_shared>> -> memref<1000x128xf32, #tpu.memory_space<vmem_shared>>
          tpu.enqueue_dma source(%dma_start3A_474 : memref<1000x128xf32, #tpu.memory_space<vmem_shared>>) target(%dma_start3A_472 : memref<1000x128xf32, #tpu.memory_space<hbm>>) target_semaphore(%run_scoped3A : memref<!tpu.dma_semaphore, #tpu.memory_space<semaphore_mem>>)
          %dma_wait3A_475 = arith.constant 0 : i32
          %dma_wait3A_476 = tpu.memref_slice %arg7[%mul3A_460, %dma_wait3A_475] : memref<10000x128xf32, #tpu.memory_space<hbm>> -> memref<1000x128xf32, #tpu.memory_space<hbm>>
          %dma_wait3A_477 = arith.constant 0 : i32
          %dma_wait3A_478 = tpu.memref_slice %arg23[%mul3A_460, %dma_wait3A_477] : memref<10000x128xf32, #tpu.memory_space<vmem_shared>> -> memref<1000x128xf32, #tpu.memory_space<vmem_shared>>
          tpu.wait_dma2 semaphore(%run_scoped3A : memref<!tpu.dma_semaphore, #tpu.memory_space<semaphore_mem>>) src(%dma_wait3A_478 : memref<1000x128xf32, #tpu.memory_space<vmem_shared>>) dst(%dma_wait3A_476 : memref<1000x128xf32, #tpu.memory_space<hbm>>)
          tpu.yield
        }) : () -> ()
      } else {
      }
      %eq3A_466 = arith.constant 1 : i32
      %eq3A_467 = arith.cmpi eq, %arg0, %eq3A_466 : i32
      %convert_element_type3A_468 = arith.extui %eq3A_467 : i1 to i32
      %cond3A_469 = arith.constant 0 : i32
      %cond3A_470 = arith.cmpi ne, %convert_element_type3A_468, %cond3A_469 : i32
      scf.if %cond3A_470 {
        "tpu.region"() ({
          %run_scoped3A = tpu.sem_alloc : memref<!tpu.dma_semaphore, #tpu.memory_space<semaphore_mem>>
          %dma_start3A_471 = arith.constant 0 : i32
          %dma_start3A_472 = tpu.memref_slice %arg8[%mul3A_460, %dma_start3A_471] : memref<10000x128xf32, #tpu.memory_space<hbm>> -> memref<1000x128xf32, #tpu.memory_space<hbm>>
          %dma_start3A_473 = arith.constant 0 : i32
          %dma_start3A_474 = tpu.memref_slice %arg23[%mul3A_460, %dma_start3A_473] : memref<10000x128xf32, #tpu.memory_space<vmem_shared>> -> memref<1000x128xf32, #tpu.memory_space<vmem_shared>>
          tpu.enqueue_dma source(%dma_start3A_474 : memref<1000x128xf32, #tpu.memory_space<vmem_shared>>) target(%dma_start3A_472 : memref<1000x128xf32, #tpu.memory_space<hbm>>) target_semaphore(%run_scoped3A : memref<!tpu.dma_semaphore, #tpu.memory_space<semaphore_mem>>)
          %dma_wait3A_475 = arith.constant 0 : i32
          %dma_wait3A_476 = tpu.memref_slice %arg8[%mul3A_460, %dma_wait3A_475] : memref<10000x128xf32, #tpu.memory_space<hbm>> -> memref<1000x128xf32, #tpu.memory_space<hbm>>
          %dma_wait3A_477 = arith.constant 0 : i32
          %dma_wait3A_478 = tpu.memref_slice %arg23[%mul3A_460, %dma_wait3A_477] : memref<10000x128xf32, #tpu.memory_space<vmem_shared>> -> memref<1000x128xf32, #tpu.memory_space<vmem_shared>>
          tpu.wait_dma2 semaphore(%run_scoped3A : memref<!tpu.dma_semaphore, #tpu.memory_space<semaphore_mem>>) src(%dma_wait3A_478 : memref<1000x128xf32, #tpu.memory_space<vmem_shared>>) dst(%dma_wait3A_476 : memref<1000x128xf32, #tpu.memory_space<hbm>>)
          tpu.yield
        }) : () -> ()
      } else {
      }
    } else {
    }
    %eq3A_451 = arith.constant 0 : i32
    %eq3A_452 = arith.cmpi eq, %arg0, %eq3A_451 : i32
    %eq3A_453 = arith.constant 0 : i32
    %eq3A_454 = arith.cmpi eq, %arg1, %eq3A_453 : i32
    %and3A_455 = arith.andi %eq3A_452, %eq3A_454 : i1
    %convert_element_type3A_456 = arith.extui %and3A_455 : i1 to i32
    %cond3A_457 = arith.constant 0 : i32
    %cond3A_458 = arith.cmpi ne, %convert_element_type3A_456, %cond3A_457 : i32
    scf.if %cond3A_458 {
      "tpu.region"() ({
        %run_scoped3A = tpu.sem_alloc : memref<!tpu.dma_semaphore, #tpu.memory_space<semaphore_mem>>
        tpu.enqueue_dma source(%arg24 : memref<10000xf32, #tpu.memory_space<vmem_shared>>) target(%arg9 : memref<10000xf32, #tpu.memory_space<hbm>>) target_semaphore(%run_scoped3A : memref<!tpu.dma_semaphore, #tpu.memory_space<semaphore_mem>>)
        tpu.wait_dma2 semaphore(%run_scoped3A : memref<!tpu.dma_semaphore, #tpu.memory_space<semaphore_mem>>) src(%arg24 : memref<10000xf32, #tpu.memory_space<vmem_shared>>) dst(%arg9 : memref<10000xf32, #tpu.memory_space<hbm>>)
        tpu.yield
      }) : () -> ()
    } else {
    }
    return
  }
}

#map = affine_map<(d0, d1) -> (0, 0)>
#map1 = affine_map<(d0, d1) -> (0, 0, 0)>
module attributes {stable_mosaic.version = 14 : i64} {
  func.func @body(%arg0: i32, %arg1: i32, %arg2: memref<10000x128xf32, #tpu.memory_space<hbm>>, %arg3: memref<10000x128xf32, #tpu.memory_space<hbm>>, %arg4: memref<3200x1x50xi32, #tpu.memory_space<hbm>>, %arg5: memref<1000x128xf32, #tpu.memory_space<hbm>>, %arg6: memref<10000x128xf32, #tpu.memory_space<hbm>>, %arg7: memref<10000x128xf32, #tpu.memory_space<hbm>>, %arg8: memref<1x50xi32, #tpu.memory_space<vmem>>, %arg9: memref<1x50xi32, #tpu.memory_space<vmem>>, %arg10: memref<1x50xi32, #tpu.memory_space<vmem>>, %arg11: memref<50xi32, #tpu.memory_space<vmem>>, %arg12: memref<50xi32, #tpu.memory_space<vmem>>, %arg13: memref<50xi32, #tpu.memory_space<vmem>>, %arg14: memref<50xi32, #tpu.memory_space<vmem>>, %arg15: memref<50xi32, #tpu.memory_space<vmem>>, %arg16: memref<50xi32, #tpu.memory_space<vmem>>, %arg17: memref<50x128xf32, #tpu.memory_space<vmem>>, %arg18: memref<50x128xf32, #tpu.memory_space<vmem>>, %arg19: memref<50x128xf32, #tpu.memory_space<vmem>>, %arg20: memref<10000x128xf32, #tpu.memory_space<vmem_shared>>, %arg21: memref<!tpu.dma_semaphore, #tpu.memory_space<semaphore_mem>>, %arg22: memref<!tpu.dma_semaphore, #tpu.memory_space<semaphore_mem>>, %arg23: memref<!tpu.dma_semaphore, #tpu.memory_space<semaphore_mem>>, %arg24: memref<!tpu.dma_semaphore, #tpu.memory_space<semaphore_mem>>, %arg25: memref<!tpu.dma_semaphore, #tpu.memory_space<semaphore_mem>>, %arg26: memref<!tpu.dma_semaphore, #tpu.memory_space<semaphore_mem>>, %arg27: memref<!tpu.dma_semaphore, #tpu.memory_space<semaphore_mem>>, %arg28: memref<!tpu.dma_semaphore, #tpu.memory_space<semaphore_mem>>, %arg29: memref<!tpu.dma_semaphore, #tpu.memory_space<semaphore_mem>>, %arg30: memref<!tpu.dma_semaphore, #tpu.memory_space<semaphore_mem>>) attributes {dimension_semantics = [#tpu.dimension_semantics<core_parallel>, #tpu.dimension_semantics<subcore_parallel>], iteration_bounds = array<i64: 2, 16>, scalar_prefetch = 0 : i64, scratch_operands = 23 : i64, tpu.core_type = #tpu.core_type<sc_vector_subcore>, window_params = [{transform_indices = #map}, {transform_indices = #map}, {transform_indices = #map1}, {transform_indices = #map}, {transform_indices = #map}, {transform_indices = #map}]} {
    %lt3A = arith.constant 10 : i32
    %lt3A_0 = arith.cmpi slt, %arg1, %lt3A : i32
    %convert_element_type3A = arith.extui %lt3A_0 : i1 to i32
    %cond3A = arith.constant 0 : i32
    %cond3A_1 = arith.cmpi ne, %convert_element_type3A, %cond3A : i32
    scf.if %cond3A_1 {
      %mul3A_387 = arith.constant 1000 : i32
      %mul3A_388 = arith.muli %arg1, %mul3A_387 : i32
      %dma_start3A_389 = arith.constant 0 : i32
      %dma_start3A_390 = tpu.memref_slice %arg20[%mul3A_388, %dma_start3A_389] : memref<10000x128xf32, #tpu.memory_space<vmem_shared>> -> memref<1000x128xf32, #tpu.memory_space<vmem_shared>>
      tpu.enqueue_dma source(%arg5 : memref<1000x128xf32, #tpu.memory_space<hbm>>) target(%dma_start3A_390 : memref<1000x128xf32, #tpu.memory_space<vmem_shared>>) target_semaphore(%arg30 : memref<!tpu.dma_semaphore, #tpu.memory_space<semaphore_mem>>)
    } else {
    }
    %mul3A = arith.constant 200 : i32
    %mul3A_2 = arith.muli %arg1, %mul3A : i32
    %add3A = arith.constant 0 : i32
    %add3A_3 = arith.addi %mul3A_2, %add3A : i32
    %dma_start3A = arith.constant 0 : i32
    %dma_start3A_4 = arith.constant 0 : i32
    %dma_start3A_5 = tpu.memref_slice %arg4[%add3A_3, %dma_start3A, %dma_start3A_4] : memref<3200x1x50xi32, #tpu.memory_space<hbm>> -> memref<1x1x50xi32, #tpu.memory_space<hbm>>
    %dma_start3A_6 = tpu.memref_squeeze %dma_start3A_5 : memref<1x1x50xi32, #tpu.memory_space<hbm>> -> memref<1x50xi32, #tpu.memory_space<hbm>>
    %dma_start3A_7 = arith.constant 0 : i32
    %dma_start3A_8 = arith.constant 0 : i32
    %dma_start3A_9 = tpu.memref_slice %arg4[%add3A_3, %dma_start3A_7, %dma_start3A_8] : memref<3200x1x50xi32, #tpu.memory_space<hbm>> -> memref<1x1x50xi32, #tpu.memory_space<hbm>>
    %dma_start3A_10 = tpu.memref_squeeze %dma_start3A_9 : memref<1x1x50xi32, #tpu.memory_space<hbm>> -> memref<1x50xi32, #tpu.memory_space<hbm>>
    tpu.enqueue_dma source(%dma_start3A_10 : memref<1x50xi32, #tpu.memory_space<hbm>>) target(%arg8 : memref<1x50xi32, #tpu.memory_space<vmem>>) target_semaphore(%arg21 : memref<!tpu.dma_semaphore, #tpu.memory_space<semaphore_mem>>)
    %mul3A_11 = arith.constant 200 : i32
    %mul3A_12 = arith.muli %arg1, %mul3A_11 : i32
    %add3A_13 = arith.constant 1 : i32
    %add3A_14 = arith.addi %mul3A_12, %add3A_13 : i32
    %dma_start3A_15 = arith.constant 0 : i32
    %dma_start3A_16 = arith.constant 0 : i32
    %dma_start3A_17 = tpu.memref_slice %arg4[%add3A_14, %dma_start3A_15, %dma_start3A_16] : memref<3200x1x50xi32, #tpu.memory_space<hbm>> -> memref<1x1x50xi32, #tpu.memory_space<hbm>>
    %dma_start3A_18 = tpu.memref_squeeze %dma_start3A_17 : memref<1x1x50xi32, #tpu.memory_space<hbm>> -> memref<1x50xi32, #tpu.memory_space<hbm>>
    %dma_start3A_19 = arith.constant 0 : i32
    %dma_start3A_20 = arith.constant 0 : i32
    %dma_start3A_21 = tpu.memref_slice %arg4[%add3A_14, %dma_start3A_19, %dma_start3A_20] : memref<3200x1x50xi32, #tpu.memory_space<hbm>> -> memref<1x1x50xi32, #tpu.memory_space<hbm>>
    %dma_start3A_22 = tpu.memref_squeeze %dma_start3A_21 : memref<1x1x50xi32, #tpu.memory_space<hbm>> -> memref<1x50xi32, #tpu.memory_space<hbm>>
    tpu.enqueue_dma source(%dma_start3A_22 : memref<1x50xi32, #tpu.memory_space<hbm>>) target(%arg9 : memref<1x50xi32, #tpu.memory_space<vmem>>) target_semaphore(%arg22 : memref<!tpu.dma_semaphore, #tpu.memory_space<semaphore_mem>>)
    %mul3A_23 = arith.constant 200 : i32
    %mul3A_24 = arith.muli %arg1, %mul3A_23 : i32
    %add3A_25 = arith.constant 2 : i32
    %add3A_26 = arith.addi %mul3A_24, %add3A_25 : i32
    %dma_start3A_27 = arith.constant 0 : i32
    %dma_start3A_28 = arith.constant 0 : i32
    %dma_start3A_29 = tpu.memref_slice %arg4[%add3A_26, %dma_start3A_27, %dma_start3A_28] : memref<3200x1x50xi32, #tpu.memory_space<hbm>> -> memref<1x1x50xi32, #tpu.memory_space<hbm>>
    %dma_start3A_30 = tpu.memref_squeeze %dma_start3A_29 : memref<1x1x50xi32, #tpu.memory_space<hbm>> -> memref<1x50xi32, #tpu.memory_space<hbm>>
    %dma_start3A_31 = arith.constant 0 : i32
    %dma_start3A_32 = arith.constant 0 : i32
    %dma_start3A_33 = tpu.memref_slice %arg4[%add3A_26, %dma_start3A_31, %dma_start3A_32] : memref<3200x1x50xi32, #tpu.memory_space<hbm>> -> memref<1x1x50xi32, #tpu.memory_space<hbm>>
    %dma_start3A_34 = tpu.memref_squeeze %dma_start3A_33 : memref<1x1x50xi32, #tpu.memory_space<hbm>> -> memref<1x50xi32, #tpu.memory_space<hbm>>
    tpu.enqueue_dma source(%dma_start3A_34 : memref<1x50xi32, #tpu.memory_space<hbm>>) target(%arg10 : memref<1x50xi32, #tpu.memory_space<vmem>>) target_semaphore(%arg23 : memref<!tpu.dma_semaphore, #tpu.memory_space<semaphore_mem>>)
    %dma_wait3A = arith.constant 0 : i32
    %dma_wait3A_35 = arith.constant 0 : i32
    %dma_wait3A_36 = arith.constant 0 : i32
    %dma_wait3A_37 = tpu.memref_slice %arg4[%dma_wait3A, %dma_wait3A_35, %dma_wait3A_36] : memref<3200x1x50xi32, #tpu.memory_space<hbm>> -> memref<1x1x50xi32, #tpu.memory_space<hbm>>
    %dma_wait3A_38 = tpu.memref_squeeze %dma_wait3A_37 : memref<1x1x50xi32, #tpu.memory_space<hbm>> -> memref<1x50xi32, #tpu.memory_space<hbm>>
    %dma_wait3A_39 = arith.constant 0 : i32
    %dma_wait3A_40 = arith.constant 0 : i32
    %dma_wait3A_41 = tpu.memref_slice %arg4[%dma_wait3A, %dma_wait3A_39, %dma_wait3A_40] : memref<3200x1x50xi32, #tpu.memory_space<hbm>> -> memref<1x1x50xi32, #tpu.memory_space<hbm>>
    %dma_wait3A_42 = tpu.memref_squeeze %dma_wait3A_41 : memref<1x1x50xi32, #tpu.memory_space<hbm>> -> memref<1x50xi32, #tpu.memory_space<hbm>>
    tpu.wait_dma2 semaphore(%arg21 : memref<!tpu.dma_semaphore, #tpu.memory_space<semaphore_mem>>) src(%dma_wait3A_42 : memref<1x50xi32, #tpu.memory_space<hbm>>) dst(%arg8 : memref<1x50xi32, #tpu.memory_space<vmem>>)
    %get3A = arith.constant 0 : i32
    %get3A_43 = arith.index_cast %get3A : i32 to index
    %get3A_44 = arith.constant 0 : index
    %get3A_45 = tpu.vector_load %arg8[%get3A_43, %get3A_44] {strides = array<i32>} : memref<1x50xi32, #tpu.memory_space<vmem>>, vector<1x16xi32>,
    %get3A_46 = vector.shape_cast %get3A_45 : vector<1x16xi32> to vector<16xi32>
    %and3A = arith.constant 65535 : i32
    %and3A_47 = vector.broadcast %and3A : i32 to vector<16xi32>
    %and3A_48 = arith.andi %get3A_46, %and3A_47 : vector<16xi32>
    %swap3A = arith.constant 0 : index
    %swap3A_49 = tpu.vector_load %arg11[%swap3A] {strides = array<i32>} : memref<50xi32, #tpu.memory_space<vmem>>, vector<16xi32>,
    %swap3A_50 = vector.shape_cast %swap3A_49 : vector<16xi32> to vector<16xi32>
    %swap3A_51 = vector.shape_cast %and3A_48 : vector<16xi32> to vector<16xi32>
    tpu.vector_store %arg11[%swap3A], %swap3A_51 {strides = array<i32>} : memref<50xi32, #tpu.memory_space<vmem>>, vector<16xi32>,
    %shift_right_logical3A = arith.constant 16 : i32
    %shift_right_logical3A_52 = vector.broadcast %shift_right_logical3A : i32 to vector<16xi32>
    %shift_right_logical3A_53 = arith.shrui %get3A_46, %shift_right_logical3A_52 : vector<16xi32>
    %swap3A_54 = arith.constant 0 : index
    %swap3A_55 = tpu.vector_load %arg14[%swap3A_54] {strides = array<i32>} : memref<50xi32, #tpu.memory_space<vmem>>, vector<16xi32>,
    %swap3A_56 = vector.shape_cast %swap3A_55 : vector<16xi32> to vector<16xi32>
    %swap3A_57 = vector.shape_cast %shift_right_logical3A_53 : vector<16xi32> to vector<16xi32>
    tpu.vector_store %arg14[%swap3A_54], %swap3A_57 {strides = array<i32>} : memref<50xi32, #tpu.memory_space<vmem>>, vector<16xi32>,
    %get3A_58 = arith.constant 0 : i32
    %get3A_59 = arith.index_cast %get3A_58 : i32 to index
    %get3A_60 = arith.constant 16 : index
    %get3A_61 = tpu.vector_load %arg8[%get3A_59, %get3A_60] {strides = array<i32>} : memref<1x50xi32, #tpu.memory_space<vmem>>, vector<1x16xi32>,
    %get3A_62 = vector.shape_cast %get3A_61 : vector<1x16xi32> to vector<16xi32>
    %and3A_63 = arith.constant 65535 : i32
    %and3A_64 = vector.broadcast %and3A_63 : i32 to vector<16xi32>
    %and3A_65 = arith.andi %get3A_62, %and3A_64 : vector<16xi32>
    %swap3A_66 = arith.constant 16 : index
    %swap3A_67 = tpu.vector_load %arg11[%swap3A_66] {strides = array<i32>} : memref<50xi32, #tpu.memory_space<vmem>>, vector<16xi32>,
    %swap3A_68 = vector.shape_cast %swap3A_67 : vector<16xi32> to vector<16xi32>
    %swap3A_69 = vector.shape_cast %and3A_65 : vector<16xi32> to vector<16xi32>
    tpu.vector_store %arg11[%swap3A_66], %swap3A_69 {strides = array<i32>} : memref<50xi32, #tpu.memory_space<vmem>>, vector<16xi32>,
    %shift_right_logical3A_70 = arith.constant 16 : i32
    %shift_right_logical3A_71 = vector.broadcast %shift_right_logical3A_70 : i32 to vector<16xi32>
    %shift_right_logical3A_72 = arith.shrui %get3A_62, %shift_right_logical3A_71 : vector<16xi32>
    %swap3A_73 = arith.constant 16 : index
    %swap3A_74 = tpu.vector_load %arg14[%swap3A_73] {strides = array<i32>} : memref<50xi32, #tpu.memory_space<vmem>>, vector<16xi32>,
    %swap3A_75 = vector.shape_cast %swap3A_74 : vector<16xi32> to vector<16xi32>
    %swap3A_76 = vector.shape_cast %shift_right_logical3A_72 : vector<16xi32> to vector<16xi32>
    tpu.vector_store %arg14[%swap3A_73], %swap3A_76 {strides = array<i32>} : memref<50xi32, #tpu.memory_space<vmem>>, vector<16xi32>,
    %get3A_77 = arith.constant 0 : i32
    %get3A_78 = arith.index_cast %get3A_77 : i32 to index
    %get3A_79 = arith.constant 32 : index
    %get3A_80 = tpu.vector_load %arg8[%get3A_78, %get3A_79] {strides = array<i32>} : memref<1x50xi32, #tpu.memory_space<vmem>>, vector<1x16xi32>,
    %get3A_81 = vector.shape_cast %get3A_80 : vector<1x16xi32> to vector<16xi32>
    %and3A_82 = arith.constant 65535 : i32
    %and3A_83 = vector.broadcast %and3A_82 : i32 to vector<16xi32>
    %and3A_84 = arith.andi %get3A_81, %and3A_83 : vector<16xi32>
    %swap3A_85 = arith.constant 32 : index
    %swap3A_86 = tpu.vector_load %arg11[%swap3A_85] {strides = array<i32>} : memref<50xi32, #tpu.memory_space<vmem>>, vector<16xi32>,
    %swap3A_87 = vector.shape_cast %swap3A_86 : vector<16xi32> to vector<16xi32>
    %swap3A_88 = vector.shape_cast %and3A_84 : vector<16xi32> to vector<16xi32>
    tpu.vector_store %arg11[%swap3A_85], %swap3A_88 {strides = array<i32>} : memref<50xi32, #tpu.memory_space<vmem>>, vector<16xi32>,
    %shift_right_logical3A_89 = arith.constant 16 : i32
    %shift_right_logical3A_90 = vector.broadcast %shift_right_logical3A_89 : i32 to vector<16xi32>
    %shift_right_logical3A_91 = arith.shrui %get3A_81, %shift_right_logical3A_90 : vector<16xi32>
    %swap3A_92 = arith.constant 32 : index
    %swap3A_93 = tpu.vector_load %arg14[%swap3A_92] {strides = array<i32>} : memref<50xi32, #tpu.memory_space<vmem>>, vector<16xi32>,
    %swap3A_94 = vector.shape_cast %swap3A_93 : vector<16xi32> to vector<16xi32>
    %swap3A_95 = vector.shape_cast %shift_right_logical3A_91 : vector<16xi32> to vector<16xi32>
    tpu.vector_store %arg14[%swap3A_92], %swap3A_95 {strides = array<i32>} : memref<50xi32, #tpu.memory_space<vmem>>, vector<16xi32>,
    %get3A_96 = arith.constant 0 : i32
    %get3A_97 = arith.index_cast %get3A_96 : i32 to index
    %get3A_98 = arith.constant 34 : index
    %get3A_99 = tpu.vector_load %arg8[%get3A_97, %get3A_98] {strides = array<i32>} : memref<1x50xi32, #tpu.memory_space<vmem>>, vector<1x16xi32>,
    %get3A_100 = vector.shape_cast %get3A_99 : vector<1x16xi32> to vector<16xi32>
    %and3A_101 = arith.constant 65535 : i32
    %and3A_102 = vector.broadcast %and3A_101 : i32 to vector<16xi32>
    %and3A_103 = arith.andi %get3A_100, %and3A_102 : vector<16xi32>
    %swap3A_104 = arith.constant 34 : index
    %swap3A_105 = tpu.vector_load %arg11[%swap3A_104] {strides = array<i32>} : memref<50xi32, #tpu.memory_space<vmem>>, vector<16xi32>,
    %swap3A_106 = vector.shape_cast %swap3A_105 : vector<16xi32> to vector<16xi32>
    %swap3A_107 = vector.shape_cast %and3A_103 : vector<16xi32> to vector<16xi32>
    tpu.vector_store %arg11[%swap3A_104], %swap3A_107 {strides = array<i32>} : memref<50xi32, #tpu.memory_space<vmem>>, vector<16xi32>,
    %shift_right_logical3A_108 = arith.constant 16 : i32
    %shift_right_logical3A_109 = vector.broadcast %shift_right_logical3A_108 : i32 to vector<16xi32>
    %shift_right_logical3A_110 = arith.shrui %get3A_100, %shift_right_logical3A_109 : vector<16xi32>
    %swap3A_111 = arith.constant 34 : index
    %swap3A_112 = tpu.vector_load %arg14[%swap3A_111] {strides = array<i32>} : memref<50xi32, #tpu.memory_space<vmem>>, vector<16xi32>,
    %swap3A_113 = vector.shape_cast %swap3A_112 : vector<16xi32> to vector<16xi32>
    %swap3A_114 = vector.shape_cast %shift_right_logical3A_110 : vector<16xi32> to vector<16xi32>
    tpu.vector_store %arg14[%swap3A_111], %swap3A_114 {strides = array<i32>} : memref<50xi32, #tpu.memory_space<vmem>>, vector<16xi32>,
    %mul3A_115 = arith.constant 200 : i32
    %mul3A_116 = arith.muli %arg1, %mul3A_115 : i32
    %add3A_117 = arith.constant 3 : i32
    %add3A_118 = arith.addi %mul3A_116, %add3A_117 : i32
    %dma_start3A_119 = arith.constant 0 : i32
    %dma_start3A_120 = arith.constant 0 : i32
    %dma_start3A_121 = tpu.memref_slice %arg4[%add3A_118, %dma_start3A_119, %dma_start3A_120] : memref<3200x1x50xi32, #tpu.memory_space<hbm>> -> memref<1x1x50xi32, #tpu.memory_space<hbm>>
    %dma_start3A_122 = tpu.memref_squeeze %dma_start3A_121 : memref<1x1x50xi32, #tpu.memory_space<hbm>> -> memref<1x50xi32, #tpu.memory_space<hbm>>
    %dma_start3A_123 = arith.constant 0 : i32
    %dma_start3A_124 = arith.constant 0 : i32
    %dma_start3A_125 = tpu.memref_slice %arg4[%add3A_118, %dma_start3A_123, %dma_start3A_124] : memref<3200x1x50xi32, #tpu.memory_space<hbm>> -> memref<1x1x50xi32, #tpu.memory_space<hbm>>
    %dma_start3A_126 = tpu.memref_squeeze %dma_start3A_125 : memref<1x1x50xi32, #tpu.memory_space<hbm>> -> memref<1x50xi32, #tpu.memory_space<hbm>>
    tpu.enqueue_dma source(%dma_start3A_126 : memref<1x50xi32, #tpu.memory_space<hbm>>) target(%arg8 : memref<1x50xi32, #tpu.memory_space<vmem>>) target_semaphore(%arg21 : memref<!tpu.dma_semaphore, #tpu.memory_space<semaphore_mem>>)
    %eq3A = arith.constant 0 : i32
    %eq3A_127 = arith.cmpi eq, %arg0, %eq3A : i32
    %convert_element_type3A_128 = arith.extui %eq3A_127 : i1 to i32
    %cond3A_129 = arith.constant 0 : i32
    %cond3A_130 = arith.cmpi ne, %convert_element_type3A_128, %cond3A_129 : i32
    scf.if %cond3A_130 {
      %dma_start3A_387 = arith.constant 0 : i32
      %dma_start3A_388 = arith.constant 0 : i32
      %dma_start3A_389 = tpu.memref_slice %arg2[%dma_start3A_387, %dma_start3A_388] : memref<10000x128xf32, #tpu.memory_space<hbm>> -> memref<10000x128xf32, #tpu.memory_space<hbm>>
      tpu.enqueue_indirect_dma source(%dma_start3A_389 : memref<10000x128xf32, #tpu.memory_space<hbm>>) target(%arg17 : memref<50x128xf32, #tpu.memory_space<vmem>>) offsets(%arg11 : memref<50xi32, #tpu.memory_space<vmem>>) semaphore(%arg24 : memref<!tpu.dma_semaphore, #tpu.memory_space<semaphore_mem>>)
    } else {
    }
    %eq3A_131 = arith.constant 1 : i32
    %eq3A_132 = arith.cmpi eq, %arg0, %eq3A_131 : i32
    %convert_element_type3A_133 = arith.extui %eq3A_132 : i1 to i32
    %cond3A_134 = arith.constant 0 : i32
    %cond3A_135 = arith.cmpi ne, %convert_element_type3A_133, %cond3A_134 : i32
    scf.if %cond3A_135 {
      %dma_start3A_387 = arith.constant 0 : i32
      %dma_start3A_388 = arith.constant 0 : i32
      %dma_start3A_389 = tpu.memref_slice %arg3[%dma_start3A_387, %dma_start3A_388] : memref<10000x128xf32, #tpu.memory_space<hbm>> -> memref<10000x128xf32, #tpu.memory_space<hbm>>
      tpu.enqueue_indirect_dma source(%dma_start3A_389 : memref<10000x128xf32, #tpu.memory_space<hbm>>) target(%arg17 : memref<50x128xf32, #tpu.memory_space<vmem>>) offsets(%arg11 : memref<50xi32, #tpu.memory_space<vmem>>) semaphore(%arg24 : memref<!tpu.dma_semaphore, #tpu.memory_space<semaphore_mem>>)
    } else {
    }
    %dma_wait3A_136 = arith.constant 0 : i32
    %dma_wait3A_137 = arith.constant 0 : i32
    %dma_wait3A_138 = arith.constant 0 : i32
    %dma_wait3A_139 = tpu.memref_slice %arg4[%dma_wait3A_136, %dma_wait3A_137, %dma_wait3A_138] : memref<3200x1x50xi32, #tpu.memory_space<hbm>> -> memref<1x1x50xi32, #tpu.memory_space<hbm>>
    %dma_wait3A_140 = tpu.memref_squeeze %dma_wait3A_139 : memref<1x1x50xi32, #tpu.memory_space<hbm>> -> memref<1x50xi32, #tpu.memory_space<hbm>>
    %dma_wait3A_141 = arith.constant 0 : i32
    %dma_wait3A_142 = arith.constant 0 : i32
    %dma_wait3A_143 = tpu.memref_slice %arg4[%dma_wait3A_136, %dma_wait3A_141, %dma_wait3A_142] : memref<3200x1x50xi32, #tpu.memory_space<hbm>> -> memref<1x1x50xi32, #tpu.memory_space<hbm>>
    %dma_wait3A_144 = tpu.memref_squeeze %dma_wait3A_143 : memref<1x1x50xi32, #tpu.memory_space<hbm>> -> memref<1x50xi32, #tpu.memory_space<hbm>>
    tpu.wait_dma2 semaphore(%arg22 : memref<!tpu.dma_semaphore, #tpu.memory_space<semaphore_mem>>) src(%dma_wait3A_144 : memref<1x50xi32, #tpu.memory_space<hbm>>) dst(%arg9 : memref<1x50xi32, #tpu.memory_space<vmem>>)
    %get3A_145 = arith.constant 0 : i32
    %get3A_146 = arith.index_cast %get3A_145 : i32 to index
    %get3A_147 = arith.constant 0 : index
    %get3A_148 = tpu.vector_load %arg9[%get3A_146, %get3A_147] {strides = array<i32>} : memref<1x50xi32, #tpu.memory_space<vmem>>, vector<1x16xi32>,
    %get3A_149 = vector.shape_cast %get3A_148 : vector<1x16xi32> to vector<16xi32>
    %and3A_150 = arith.constant 65535 : i32
    %and3A_151 = vector.broadcast %and3A_150 : i32 to vector<16xi32>
    %and3A_152 = arith.andi %get3A_149, %and3A_151 : vector<16xi32>
    %swap3A_153 = arith.constant 0 : index
    %swap3A_154 = tpu.vector_load %arg12[%swap3A_153] {strides = array<i32>} : memref<50xi32, #tpu.memory_space<vmem>>, vector<16xi32>,
    %swap3A_155 = vector.shape_cast %swap3A_154 : vector<16xi32> to vector<16xi32>
    %swap3A_156 = vector.shape_cast %and3A_152 : vector<16xi32> to vector<16xi32>
    tpu.vector_store %arg12[%swap3A_153], %swap3A_156 {strides = array<i32>} : memref<50xi32, #tpu.memory_space<vmem>>, vector<16xi32>,
    %shift_right_logical3A_157 = arith.constant 16 : i32
    %shift_right_logical3A_158 = vector.broadcast %shift_right_logical3A_157 : i32 to vector<16xi32>
    %shift_right_logical3A_159 = arith.shrui %get3A_149, %shift_right_logical3A_158 : vector<16xi32>
    %swap3A_160 = arith.constant 0 : index
    %swap3A_161 = tpu.vector_load %arg15[%swap3A_160] {strides = array<i32>} : memref<50xi32, #tpu.memory_space<vmem>>, vector<16xi32>,
    %swap3A_162 = vector.shape_cast %swap3A_161 : vector<16xi32> to vector<16xi32>
    %swap3A_163 = vector.shape_cast %shift_right_logical3A_159 : vector<16xi32> to vector<16xi32>
    tpu.vector_store %arg15[%swap3A_160], %swap3A_163 {strides = array<i32>} : memref<50xi32, #tpu.memory_space<vmem>>, vector<16xi32>,
    %get3A_164 = arith.constant 0 : i32
    %get3A_165 = arith.index_cast %get3A_164 : i32 to index
    %get3A_166 = arith.constant 16 : index
    %get3A_167 = tpu.vector_load %arg9[%get3A_165, %get3A_166] {strides = array<i32>} : memref<1x50xi32, #tpu.memory_space<vmem>>, vector<1x16xi32>,
    %get3A_168 = vector.shape_cast %get3A_167 : vector<1x16xi32> to vector<16xi32>
    %and3A_169 = arith.constant 65535 : i32
    %and3A_170 = vector.broadcast %and3A_169 : i32 to vector<16xi32>
    %and3A_171 = arith.andi %get3A_168, %and3A_170 : vector<16xi32>
    %swap3A_172 = arith.constant 16 : index
    %swap3A_173 = tpu.vector_load %arg12[%swap3A_172] {strides = array<i32>} : memref<50xi32, #tpu.memory_space<vmem>>, vector<16xi32>,
    %swap3A_174 = vector.shape_cast %swap3A_173 : vector<16xi32> to vector<16xi32>
    %swap3A_175 = vector.shape_cast %and3A_171 : vector<16xi32> to vector<16xi32>
    tpu.vector_store %arg12[%swap3A_172], %swap3A_175 {strides = array<i32>} : memref<50xi32, #tpu.memory_space<vmem>>, vector<16xi32>,
    %shift_right_logical3A_176 = arith.constant 16 : i32
    %shift_right_logical3A_177 = vector.broadcast %shift_right_logical3A_176 : i32 to vector<16xi32>
    %shift_right_logical3A_178 = arith.shrui %get3A_168, %shift_right_logical3A_177 : vector<16xi32>
    %swap3A_179 = arith.constant 16 : index
    %swap3A_180 = tpu.vector_load %arg15[%swap3A_179] {strides = array<i32>} : memref<50xi32, #tpu.memory_space<vmem>>, vector<16xi32>,
    %swap3A_181 = vector.shape_cast %swap3A_180 : vector<16xi32> to vector<16xi32>
    %swap3A_182 = vector.shape_cast %shift_right_logical3A_178 : vector<16xi32> to vector<16xi32>
    tpu.vector_store %arg15[%swap3A_179], %swap3A_182 {strides = array<i32>} : memref<50xi32, #tpu.memory_space<vmem>>, vector<16xi32>,
    %get3A_183 = arith.constant 0 : i32
    %get3A_184 = arith.index_cast %get3A_183 : i32 to index
    %get3A_185 = arith.constant 32 : index
    %get3A_186 = tpu.vector_load %arg9[%get3A_184, %get3A_185] {strides = array<i32>} : memref<1x50xi32, #tpu.memory_space<vmem>>, vector<1x16xi32>,
    %get3A_187 = vector.shape_cast %get3A_186 : vector<1x16xi32> to vector<16xi32>
    %and3A_188 = arith.constant 65535 : i32
    %and3A_189 = vector.broadcast %and3A_188 : i32 to vector<16xi32>
    %and3A_190 = arith.andi %get3A_187, %and3A_189 : vector<16xi32>
    %swap3A_191 = arith.constant 32 : index
    %swap3A_192 = tpu.vector_load %arg12[%swap3A_191] {strides = array<i32>} : memref<50xi32, #tpu.memory_space<vmem>>, vector<16xi32>,
    %swap3A_193 = vector.shape_cast %swap3A_192 : vector<16xi32> to vector<16xi32>
    %swap3A_194 = vector.shape_cast %and3A_190 : vector<16xi32> to vector<16xi32>
    tpu.vector_store %arg12[%swap3A_191], %swap3A_194 {strides = array<i32>} : memref<50xi32, #tpu.memory_space<vmem>>, vector<16xi32>,
    %shift_right_logical3A_195 = arith.constant 16 : i32
    %shift_right_logical3A_196 = vector.broadcast %shift_right_logical3A_195 : i32 to vector<16xi32>
    %shift_right_logical3A_197 = arith.shrui %get3A_187, %shift_right_logical3A_196 : vector<16xi32>
    %swap3A_198 = arith.constant 32 : index
    %swap3A_199 = tpu.vector_load %arg15[%swap3A_198] {strides = array<i32>} : memref<50xi32, #tpu.memory_space<vmem>>, vector<16xi32>,
    %swap3A_200 = vector.shape_cast %swap3A_199 : vector<16xi32> to vector<16xi32>
    %swap3A_201 = vector.shape_cast %shift_right_logical3A_197 : vector<16xi32> to vector<16xi32>
    tpu.vector_store %arg15[%swap3A_198], %swap3A_201 {strides = array<i32>} : memref<50xi32, #tpu.memory_space<vmem>>, vector<16xi32>,
    %get3A_202 = arith.constant 0 : i32
    %get3A_203 = arith.index_cast %get3A_202 : i32 to index
    %get3A_204 = arith.constant 34 : index
    %get3A_205 = tpu.vector_load %arg9[%get3A_203, %get3A_204] {strides = array<i32>} : memref<1x50xi32, #tpu.memory_space<vmem>>, vector<1x16xi32>,
    %get3A_206 = vector.shape_cast %get3A_205 : vector<1x16xi32> to vector<16xi32>
    %and3A_207 = arith.constant 65535 : i32
    %and3A_208 = vector.broadcast %and3A_207 : i32 to vector<16xi32>
    %and3A_209 = arith.andi %get3A_206, %and3A_208 : vector<16xi32>
    %swap3A_210 = arith.constant 34 : index
    %swap3A_211 = tpu.vector_load %arg12[%swap3A_210] {strides = array<i32>} : memref<50xi32, #tpu.memory_space<vmem>>, vector<16xi32>,
    %swap3A_212 = vector.shape_cast %swap3A_211 : vector<16xi32> to vector<16xi32>
    %swap3A_213 = vector.shape_cast %and3A_209 : vector<16xi32> to vector<16xi32>
    tpu.vector_store %arg12[%swap3A_210], %swap3A_213 {strides = array<i32>} : memref<50xi32, #tpu.memory_space<vmem>>, vector<16xi32>,
    %shift_right_logical3A_214 = arith.constant 16 : i32
    %shift_right_logical3A_215 = vector.broadcast %shift_right_logical3A_214 : i32 to vector<16xi32>
    %shift_right_logical3A_216 = arith.shrui %get3A_206, %shift_right_logical3A_215 : vector<16xi32>
    %swap3A_217 = arith.constant 34 : index
    %swap3A_218 = tpu.vector_load %arg15[%swap3A_217] {strides = array<i32>} : memref<50xi32, #tpu.memory_space<vmem>>, vector<16xi32>,
    %swap3A_219 = vector.shape_cast %swap3A_218 : vector<16xi32> to vector<16xi32>
    %swap3A_220 = vector.shape_cast %shift_right_logical3A_216 : vector<16xi32> to vector<16xi32>
    tpu.vector_store %arg15[%swap3A_217], %swap3A_220 {strides = array<i32>} : memref<50xi32, #tpu.memory_space<vmem>>, vector<16xi32>,
    %mul3A_221 = arith.constant 200 : i32
    %mul3A_222 = arith.muli %arg1, %mul3A_221 : i32
    %add3A_223 = arith.constant 4 : i32
    %add3A_224 = arith.addi %mul3A_222, %add3A_223 : i32
    %dma_start3A_225 = arith.constant 0 : i32
    %dma_start3A_226 = arith.constant 0 : i32
    %dma_start3A_227 = tpu.memref_slice %arg4[%add3A_224, %dma_start3A_225, %dma_start3A_226] : memref<3200x1x50xi32, #tpu.memory_space<hbm>> -> memref<1x1x50xi32, #tpu.memory_space<hbm>>
    %dma_start3A_228 = tpu.memref_squeeze %dma_start3A_227 : memref<1x1x50xi32, #tpu.memory_space<hbm>> -> memref<1x50xi32, #tpu.memory_space<hbm>>
    %dma_start3A_229 = arith.constant 0 : i32
    %dma_start3A_230 = arith.constant 0 : i32
    %dma_start3A_231 = tpu.memref_slice %arg4[%add3A_224, %dma_start3A_229, %dma_start3A_230] : memref<3200x1x50xi32, #tpu.memory_space<hbm>> -> memref<1x1x50xi32, #tpu.memory_space<hbm>>
    %dma_start3A_232 = tpu.memref_squeeze %dma_start3A_231 : memref<1x1x50xi32, #tpu.memory_space<hbm>> -> memref<1x50xi32, #tpu.memory_space<hbm>>
    tpu.enqueue_dma source(%dma_start3A_232 : memref<1x50xi32, #tpu.memory_space<hbm>>) target(%arg9 : memref<1x50xi32, #tpu.memory_space<vmem>>) target_semaphore(%arg22 : memref<!tpu.dma_semaphore, #tpu.memory_space<semaphore_mem>>)
    %eq3A_233 = arith.constant 0 : i32
    %eq3A_234 = arith.cmpi eq, %arg0, %eq3A_233 : i32
    %convert_element_type3A_235 = arith.extui %eq3A_234 : i1 to i32
    %cond3A_236 = arith.constant 0 : i32
    %cond3A_237 = arith.cmpi ne, %convert_element_type3A_235, %cond3A_236 : i32
    scf.if %cond3A_237 {
      %dma_start3A_387 = arith.constant 0 : i32
      %dma_start3A_388 = arith.constant 0 : i32
      %dma_start3A_389 = tpu.memref_slice %arg2[%dma_start3A_387, %dma_start3A_388] : memref<10000x128xf32, #tpu.memory_space<hbm>> -> memref<10000x128xf32, #tpu.memory_space<hbm>>
      tpu.enqueue_indirect_dma source(%dma_start3A_389 : memref<10000x128xf32, #tpu.memory_space<hbm>>) target(%arg18 : memref<50x128xf32, #tpu.memory_space<vmem>>) offsets(%arg12 : memref<50xi32, #tpu.memory_space<vmem>>) semaphore(%arg25 : memref<!tpu.dma_semaphore, #tpu.memory_space<semaphore_mem>>)
    } else {
    }
    %eq3A_238 = arith.constant 1 : i32
    %eq3A_239 = arith.cmpi eq, %arg0, %eq3A_238 : i32
    %convert_element_type3A_240 = arith.extui %eq3A_239 : i1 to i32
    %cond3A_241 = arith.constant 0 : i32
    %cond3A_242 = arith.cmpi ne, %convert_element_type3A_240, %cond3A_241 : i32
    scf.if %cond3A_242 {
      %dma_start3A_387 = arith.constant 0 : i32
      %dma_start3A_388 = arith.constant 0 : i32
      %dma_start3A_389 = tpu.memref_slice %arg3[%dma_start3A_387, %dma_start3A_388] : memref<10000x128xf32, #tpu.memory_space<hbm>> -> memref<10000x128xf32, #tpu.memory_space<hbm>>
      tpu.enqueue_indirect_dma source(%dma_start3A_389 : memref<10000x128xf32, #tpu.memory_space<hbm>>) target(%arg18 : memref<50x128xf32, #tpu.memory_space<vmem>>) offsets(%arg12 : memref<50xi32, #tpu.memory_space<vmem>>) semaphore(%arg25 : memref<!tpu.dma_semaphore, #tpu.memory_space<semaphore_mem>>)
    } else {
    }
    %dma_wait3A_243 = arith.constant 0 : i32
    %dma_wait3A_244 = arith.constant 0 : i32
    %dma_wait3A_245 = arith.constant 0 : i32
    %dma_wait3A_246 = tpu.memref_slice %arg4[%dma_wait3A_243, %dma_wait3A_244, %dma_wait3A_245] : memref<3200x1x50xi32, #tpu.memory_space<hbm>> -> memref<1x1x50xi32, #tpu.memory_space<hbm>>
    %dma_wait3A_247 = tpu.memref_squeeze %dma_wait3A_246 : memref<1x1x50xi32, #tpu.memory_space<hbm>> -> memref<1x50xi32, #tpu.memory_space<hbm>>
    %dma_wait3A_248 = arith.constant 0 : i32
    %dma_wait3A_249 = arith.constant 0 : i32
    %dma_wait3A_250 = tpu.memref_slice %arg4[%dma_wait3A_243, %dma_wait3A_248, %dma_wait3A_249] : memref<3200x1x50xi32, #tpu.memory_space<hbm>> -> memref<1x1x50xi32, #tpu.memory_space<hbm>>
    %dma_wait3A_251 = tpu.memref_squeeze %dma_wait3A_250 : memref<1x1x50xi32, #tpu.memory_space<hbm>> -> memref<1x50xi32, #tpu.memory_space<hbm>>
    tpu.wait_dma2 semaphore(%arg23 : memref<!tpu.dma_semaphore, #tpu.memory_space<semaphore_mem>>) src(%dma_wait3A_251 : memref<1x50xi32, #tpu.memory_space<hbm>>) dst(%arg10 : memref<1x50xi32, #tpu.memory_space<vmem>>)
    %get3A_252 = arith.constant 0 : i32
    %get3A_253 = arith.index_cast %get3A_252 : i32 to index
    %get3A_254 = arith.constant 0 : index
    %get3A_255 = tpu.vector_load %arg10[%get3A_253, %get3A_254] {strides = array<i32>} : memref<1x50xi32, #tpu.memory_space<vmem>>, vector<1x16xi32>,
    %get3A_256 = vector.shape_cast %get3A_255 : vector<1x16xi32> to vector<16xi32>
    %and3A_257 = arith.constant 65535 : i32
    %and3A_258 = vector.broadcast %and3A_257 : i32 to vector<16xi32>
    %and3A_259 = arith.andi %get3A_256, %and3A_258 : vector<16xi32>
    %swap3A_260 = arith.constant 0 : index
    %swap3A_261 = tpu.vector_load %arg13[%swap3A_260] {strides = array<i32>} : memref<50xi32, #tpu.memory_space<vmem>>, vector<16xi32>,
    %swap3A_262 = vector.shape_cast %swap3A_261 : vector<16xi32> to vector<16xi32>
    %swap3A_263 = vector.shape_cast %and3A_259 : vector<16xi32> to vector<16xi32>
    tpu.vector_store %arg13[%swap3A_260], %swap3A_263 {strides = array<i32>} : memref<50xi32, #tpu.memory_space<vmem>>, vector<16xi32>,
    %shift_right_logical3A_264 = arith.constant 16 : i32
    %shift_right_logical3A_265 = vector.broadcast %shift_right_logical3A_264 : i32 to vector<16xi32>
    %shift_right_logical3A_266 = arith.shrui %get3A_256, %shift_right_logical3A_265 : vector<16xi32>
    %swap3A_267 = arith.constant 0 : index
    %swap3A_268 = tpu.vector_load %arg16[%swap3A_267] {strides = array<i32>} : memref<50xi32, #tpu.memory_space<vmem>>, vector<16xi32>,
    %swap3A_269 = vector.shape_cast %swap3A_268 : vector<16xi32> to vector<16xi32>
    %swap3A_270 = vector.shape_cast %shift_right_logical3A_266 : vector<16xi32> to vector<16xi32>
    tpu.vector_store %arg16[%swap3A_267], %swap3A_270 {strides = array<i32>} : memref<50xi32, #tpu.memory_space<vmem>>, vector<16xi32>,
    %get3A_271 = arith.constant 0 : i32
    %get3A_272 = arith.index_cast %get3A_271 : i32 to index
    %get3A_273 = arith.constant 16 : index
    %get3A_274 = tpu.vector_load %arg10[%get3A_272, %get3A_273] {strides = array<i32>} : memref<1x50xi32, #tpu.memory_space<vmem>>, vector<1x16xi32>,
    %get3A_275 = vector.shape_cast %get3A_274 : vector<1x16xi32> to vector<16xi32>
    %and3A_276 = arith.constant 65535 : i32
    %and3A_277 = vector.broadcast %and3A_276 : i32 to vector<16xi32>
    %and3A_278 = arith.andi %get3A_275, %and3A_277 : vector<16xi32>
    %swap3A_279 = arith.constant 16 : index
    %swap3A_280 = tpu.vector_load %arg13[%swap3A_279] {strides = array<i32>} : memref<50xi32, #tpu.memory_space<vmem>>, vector<16xi32>,
    %swap3A_281 = vector.shape_cast %swap3A_280 : vector<16xi32> to vector<16xi32>
    %swap3A_282 = vector.shape_cast %and3A_278 : vector<16xi32> to vector<16xi32>
    tpu.vector_store %arg13[%swap3A_279], %swap3A_282 {strides = array<i32>} : memref<50xi32, #tpu.memory_space<vmem>>, vector<16xi32>,
    %shift_right_logical3A_283 = arith.constant 16 : i32
    %shift_right_logical3A_284 = vector.broadcast %shift_right_logical3A_283 : i32 to vector<16xi32>
    %shift_right_logical3A_285 = arith.shrui %get3A_275, %shift_right_logical3A_284 : vector<16xi32>
    %swap3A_286 = arith.constant 16 : index
    %swap3A_287 = tpu.vector_load %arg16[%swap3A_286] {strides = array<i32>} : memref<50xi32, #tpu.memory_space<vmem>>, vector<16xi32>,
    %swap3A_288 = vector.shape_cast %swap3A_287 : vector<16xi32> to vector<16xi32>
    %swap3A_289 = vector.shape_cast %shift_right_logical3A_285 : vector<16xi32> to vector<16xi32>
    tpu.vector_store %arg16[%swap3A_286], %swap3A_289 {strides = array<i32>} : memref<50xi32, #tpu.memory_space<vmem>>, vector<16xi32>,
    %get3A_290 = arith.constant 0 : i32
    %get3A_291 = arith.index_cast %get3A_290 : i32 to index
    %get3A_292 = arith.constant 32 : index
    %get3A_293 = tpu.vector_load %arg10[%get3A_291, %get3A_292] {strides = array<i32>} : memref<1x50xi32, #tpu.memory_space<vmem>>, vector<1x16xi32>,
    %get3A_294 = vector.shape_cast %get3A_293 : vector<1x16xi32> to vector<16xi32>
    %and3A_295 = arith.constant 65535 : i32
    %and3A_296 = vector.broadcast %and3A_295 : i32 to vector<16xi32>
    %and3A_297 = arith.andi %get3A_294, %and3A_296 : vector<16xi32>
    %swap3A_298 = arith.constant 32 : index
    %swap3A_299 = tpu.vector_load %arg13[%swap3A_298] {strides = array<i32>} : memref<50xi32, #tpu.memory_space<vmem>>, vector<16xi32>,
    %swap3A_300 = vector.shape_cast %swap3A_299 : vector<16xi32> to vector<16xi32>
    %swap3A_301 = vector.shape_cast %and3A_297 : vector<16xi32> to vector<16xi32>
    tpu.vector_store %arg13[%swap3A_298], %swap3A_301 {strides = array<i32>} : memref<50xi32, #tpu.memory_space<vmem>>, vector<16xi32>,
    %shift_right_logical3A_302 = arith.constant 16 : i32
    %shift_right_logical3A_303 = vector.broadcast %shift_right_logical3A_302 : i32 to vector<16xi32>
    %shift_right_logical3A_304 = arith.shrui %get3A_294, %shift_right_logical3A_303 : vector<16xi32>
    %swap3A_305 = arith.constant 32 : index
    %swap3A_306 = tpu.vector_load %arg16[%swap3A_305] {strides = array<i32>} : memref<50xi32, #tpu.memory_space<vmem>>, vector<16xi32>,
    %swap3A_307 = vector.shape_cast %swap3A_306 : vector<16xi32> to vector<16xi32>
    %swap3A_308 = vector.shape_cast %shift_right_logical3A_304 : vector<16xi32> to vector<16xi32>
    tpu.vector_store %arg16[%swap3A_305], %swap3A_308 {strides = array<i32>} : memref<50xi32, #tpu.memory_space<vmem>>, vector<16xi32>,
    %get3A_309 = arith.constant 0 : i32
    %get3A_310 = arith.index_cast %get3A_309 : i32 to index
    %get3A_311 = arith.constant 34 : index
    %get3A_312 = tpu.vector_load %arg10[%get3A_310, %get3A_311] {strides = array<i32>} : memref<1x50xi32, #tpu.memory_space<vmem>>, vector<1x16xi32>,
    %get3A_313 = vector.shape_cast %get3A_312 : vector<1x16xi32> to vector<16xi32>
    %and3A_314 = arith.constant 65535 : i32
    %and3A_315 = vector.broadcast %and3A_314 : i32 to vector<16xi32>
    %and3A_316 = arith.andi %get3A_313, %and3A_315 : vector<16xi32>
    %swap3A_317 = arith.constant 34 : index
    %swap3A_318 = tpu.vector_load %arg13[%swap3A_317] {strides = array<i32>} : memref<50xi32, #tpu.memory_space<vmem>>, vector<16xi32>,
    %swap3A_319 = vector.shape_cast %swap3A_318 : vector<16xi32> to vector<16xi32>
    %swap3A_320 = vector.shape_cast %and3A_316 : vector<16xi32> to vector<16xi32>
    tpu.vector_store %arg13[%swap3A_317], %swap3A_320 {strides = array<i32>} : memref<50xi32, #tpu.memory_space<vmem>>, vector<16xi32>,
    %shift_right_logical3A_321 = arith.constant 16 : i32
    %shift_right_logical3A_322 = vector.broadcast %shift_right_logical3A_321 : i32 to vector<16xi32>
    %shift_right_logical3A_323 = arith.shrui %get3A_313, %shift_right_logical3A_322 : vector<16xi32>
    %swap3A_324 = arith.constant 34 : index
    %swap3A_325 = tpu.vector_load %arg16[%swap3A_324] {strides = array<i32>} : memref<50xi32, #tpu.memory_space<vmem>>, vector<16xi32>,
    %swap3A_326 = vector.shape_cast %swap3A_325 : vector<16xi32> to vector<16xi32>
    %swap3A_327 = vector.shape_cast %shift_right_logical3A_323 : vector<16xi32> to vector<16xi32>
    tpu.vector_store %arg16[%swap3A_324], %swap3A_327 {strides = array<i32>} : memref<50xi32, #tpu.memory_space<vmem>>, vector<16xi32>,
    %mul3A_328 = arith.constant 200 : i32
    %mul3A_329 = arith.muli %arg1, %mul3A_328 : i32
    %add3A_330 = arith.constant 5 : i32
    %add3A_331 = arith.addi %mul3A_329, %add3A_330 : i32
    %dma_start3A_332 = arith.constant 0 : i32
    %dma_start3A_333 = arith.constant 0 : i32
    %dma_start3A_334 = tpu.memref_slice %arg4[%add3A_331, %dma_start3A_332, %dma_start3A_333] : memref<3200x1x50xi32, #tpu.memory_space<hbm>> -> memref<1x1x50xi32, #tpu.memory_space<hbm>>
    %dma_start3A_335 = tpu.memref_squeeze %dma_start3A_334 : memref<1x1x50xi32, #tpu.memory_space<hbm>> -> memref<1x50xi32, #tpu.memory_space<hbm>>
    %dma_start3A_336 = arith.constant 0 : i32
    %dma_start3A_337 = arith.constant 0 : i32
    %dma_start3A_338 = tpu.memref_slice %arg4[%add3A_331, %dma_start3A_336, %dma_start3A_337] : memref<3200x1x50xi32, #tpu.memory_space<hbm>> -> memref<1x1x50xi32, #tpu.memory_space<hbm>>
    %dma_start3A_339 = tpu.memref_squeeze %dma_start3A_338 : memref<1x1x50xi32, #tpu.memory_space<hbm>> -> memref<1x50xi32, #tpu.memory_space<hbm>>
    tpu.enqueue_dma source(%dma_start3A_339 : memref<1x50xi32, #tpu.memory_space<hbm>>) target(%arg10 : memref<1x50xi32, #tpu.memory_space<vmem>>) target_semaphore(%arg23 : memref<!tpu.dma_semaphore, #tpu.memory_space<semaphore_mem>>)
    %eq3A_340 = arith.constant 0 : i32
    %eq3A_341 = arith.cmpi eq, %arg0, %eq3A_340 : i32
    %convert_element_type3A_342 = arith.extui %eq3A_341 : i1 to i32
    %cond3A_343 = arith.constant 0 : i32
    %cond3A_344 = arith.cmpi ne, %convert_element_type3A_342, %cond3A_343 : i32
    scf.if %cond3A_344 {
      %dma_start3A_387 = arith.constant 0 : i32
      %dma_start3A_388 = arith.constant 0 : i32
      %dma_start3A_389 = tpu.memref_slice %arg2[%dma_start3A_387, %dma_start3A_388] : memref<10000x128xf32, #tpu.memory_space<hbm>> -> memref<10000x128xf32, #tpu.memory_space<hbm>>
      tpu.enqueue_indirect_dma source(%dma_start3A_389 : memref<10000x128xf32, #tpu.memory_space<hbm>>) target(%arg19 : memref<50x128xf32, #tpu.memory_space<vmem>>) offsets(%arg13 : memref<50xi32, #tpu.memory_space<vmem>>) semaphore(%arg26 : memref<!tpu.dma_semaphore, #tpu.memory_space<semaphore_mem>>)
    } else {
    }
    %eq3A_345 = arith.constant 1 : i32
    %eq3A_346 = arith.cmpi eq, %arg0, %eq3A_345 : i32
    %convert_element_type3A_347 = arith.extui %eq3A_346 : i1 to i32
    %cond3A_348 = arith.constant 0 : i32
    %cond3A_349 = arith.cmpi ne, %convert_element_type3A_347, %cond3A_348 : i32
    scf.if %cond3A_349 {
      %dma_start3A_387 = arith.constant 0 : i32
      %dma_start3A_388 = arith.constant 0 : i32
      %dma_start3A_389 = tpu.memref_slice %arg3[%dma_start3A_387, %dma_start3A_388] : memref<10000x128xf32, #tpu.memory_space<hbm>> -> memref<10000x128xf32, #tpu.memory_space<hbm>>
      tpu.enqueue_indirect_dma source(%dma_start3A_389 : memref<10000x128xf32, #tpu.memory_space<hbm>>) target(%arg19 : memref<50x128xf32, #tpu.memory_space<vmem>>) offsets(%arg13 : memref<50xi32, #tpu.memory_space<vmem>>) semaphore(%arg26 : memref<!tpu.dma_semaphore, #tpu.memory_space<semaphore_mem>>)
    } else {
    }
    %lt3A_350 = arith.constant 10 : i32
    %lt3A_351 = arith.cmpi slt, %arg1, %lt3A_350 : i32
    %convert_element_type3A_352 = arith.extui %lt3A_351 : i1 to i32
    %cond3A_353 = arith.constant 0 : i32
    %cond3A_354 = arith.cmpi ne, %convert_element_type3A_352, %cond3A_353 : i32
    scf.if %cond3A_354 {
      %dma_wait3A_387 = arith.constant 0 : i32
      %dma_wait3A_388 = arith.constant 0 : i32
      %dma_wait3A_389 = tpu.memref_slice %arg20[%dma_wait3A_387, %dma_wait3A_388] : memref<10000x128xf32, #tpu.memory_space<vmem_shared>> -> memref<1000x128xf32, #tpu.memory_space<vmem_shared>>
      tpu.wait_dma2 semaphore(%arg30 : memref<!tpu.dma_semaphore, #tpu.memory_space<semaphore_mem>>) src(%arg5 : memref<1000x128xf32, #tpu.memory_space<hbm>>) dst(%dma_wait3A_389 : memref<1000x128xf32, #tpu.memory_space<vmem_shared>>)
    } else {
    }
    %barrier3A = arith.constant 0 : index
    tpu.barrier barrier_id(%barrier3A)
    %scan3A = arith.constant 0 : i32
    %scan3A_355 = arith.constant 0 : i32
    %scan3A_356 = arith.constant 66 : i32
    %scan3A_357 = arith.addi %scan3A_355, %scan3A_356 : i32
    %scan3A_358 = arith.constant 1 : i32
    scf.for %scan3A_387 = %scan3A_355 to %scan3A_357 step %scan3A_358  : i32 {
      %mul3A_388 = arith.constant 3 : i32
      %mul3A_389 = arith.muli %scan3A_387, %mul3A_388 : i32
      %dma_wait3A_390 = arith.constant 0 : i32
      %dma_wait3A_391 = arith.constant 0 : i32
      %dma_wait3A_392 = tpu.memref_slice %arg2[%dma_wait3A_390, %dma_wait3A_391] : memref<10000x128xf32, #tpu.memory_space<hbm>> -> memref<10000x128xf32, #tpu.memory_space<hbm>>
      tpu.wait_indirect_dma semaphore(%arg24 : memref<!tpu.dma_semaphore, #tpu.memory_space<semaphore_mem>>) src(%dma_wait3A_392 : memref<10000x128xf32, #tpu.memory_space<hbm>>) dst(%arg17 : memref<50x128xf32, #tpu.memory_space<vmem>>)
      %dma_start3A_393 = arith.constant 0 : i32
      %dma_start3A_394 = arith.constant 0 : i32
      %dma_start3A_395 = tpu.memref_slice %arg20[%dma_start3A_393, %dma_start3A_394] : memref<10000x128xf32, #tpu.memory_space<vmem_shared>> -> memref<10000x128xf32, #tpu.memory_space<vmem_shared>>
      tpu.enqueue_indirect_dma source(%arg17 : memref<50x128xf32, #tpu.memory_space<vmem>>) target(%dma_start3A_395 : memref<10000x128xf32, #tpu.memory_space<vmem_shared>>) offsets(%arg14 : memref<50xi32, #tpu.memory_space<vmem>>) semaphore(%arg27 : memref<!tpu.dma_semaphore, #tpu.memory_space<semaphore_mem>>) {add = true}
      %dma_wait3A_396 = arith.constant 0 : i32
      %dma_wait3A_397 = arith.constant 0 : i32
      %dma_wait3A_398 = tpu.memref_slice %arg2[%dma_wait3A_396, %dma_wait3A_397] : memref<10000x128xf32, #tpu.memory_space<hbm>> -> memref<10000x128xf32, #tpu.memory_space<hbm>>
      tpu.wait_indirect_dma semaphore(%arg25 : memref<!tpu.dma_semaphore, #tpu.memory_space<semaphore_mem>>) src(%dma_wait3A_398 : memref<10000x128xf32, #tpu.memory_space<hbm>>) dst(%arg18 : memref<50x128xf32, #tpu.memory_space<vmem>>)
      %dma_start3A_399 = arith.constant 0 : i32
      %dma_start3A_400 = arith.constant 0 : i32
      %dma_start3A_401 = tpu.memref_slice %arg20[%dma_start3A_399, %dma_start3A_400] : memref<10000x128xf32, #tpu.memory_space<vmem_shared>> -> memref<10000x128xf32, #tpu.memory_space<vmem_shared>>
      tpu.enqueue_indirect_dma source(%arg18 : memref<50x128xf32, #tpu.memory_space<vmem>>) target(%dma_start3A_401 : memref<10000x128xf32, #tpu.memory_space<vmem_shared>>) offsets(%arg15 : memref<50xi32, #tpu.memory_space<vmem>>) semaphore(%arg28 : memref<!tpu.dma_semaphore, #tpu.memory_space<semaphore_mem>>) {add = true}
      %dma_wait3A_402 = arith.constant 0 : i32
      %dma_wait3A_403 = arith.constant 0 : i32
      %dma_wait3A_404 = tpu.memref_slice %arg2[%dma_wait3A_402, %dma_wait3A_403] : memref<10000x128xf32, #tpu.memory_space<hbm>> -> memref<10000x128xf32, #tpu.memory_space<hbm>>
      tpu.wait_indirect_dma semaphore(%arg26 : memref<!tpu.dma_semaphore, #tpu.memory_space<semaphore_mem>>) src(%dma_wait3A_404 : memref<10000x128xf32, #tpu.memory_space<hbm>>) dst(%arg19 : memref<50x128xf32, #tpu.memory_space<vmem>>)
      %dma_start3A_405 = arith.constant 0 : i32
      %dma_start3A_406 = arith.constant 0 : i32
      %dma_start3A_407 = tpu.memref_slice %arg20[%dma_start3A_405, %dma_start3A_406] : memref<10000x128xf32, #tpu.memory_space<vmem_shared>> -> memref<10000x128xf32, #tpu.memory_space<vmem_shared>>
      tpu.enqueue_indirect_dma source(%arg19 : memref<50x128xf32, #tpu.memory_space<vmem>>) target(%dma_start3A_407 : memref<10000x128xf32, #tpu.memory_space<vmem_shared>>) offsets(%arg16 : memref<50xi32, #tpu.memory_space<vmem>>) semaphore(%arg29 : memref<!tpu.dma_semaphore, #tpu.memory_space<semaphore_mem>>) {add = true}
      %add3A_408 = arith.constant 3 : i32
      %add3A_409 = arith.addi %mul3A_389, %add3A_408 : i32
      %add3A_410 = arith.constant 0 : i32
      %add3A_411 = arith.addi %add3A_409, %add3A_410 : i32
      %lt3A_412 = arith.constant 200 : i32
      %lt3A_413 = arith.cmpi slt, %add3A_411, %lt3A_412 : i32
      %convert_element_type3A_414 = arith.extui %lt3A_413 : i1 to i32
      %cond3A_415 = arith.constant 0 : i32
      %cond3A_416 = arith.cmpi ne, %convert_element_type3A_414, %cond3A_415 : i32
      scf.if %cond3A_416 {
        %dma_wait3A_435 = arith.constant 0 : i32
        %dma_wait3A_436 = arith.constant 0 : i32
        %dma_wait3A_437 = tpu.memref_slice %arg20[%dma_wait3A_435, %dma_wait3A_436] : memref<10000x128xf32, #tpu.memory_space<vmem_shared>> -> memref<10000x128xf32, #tpu.memory_space<vmem_shared>>
        tpu.wait_indirect_dma semaphore(%arg27 : memref<!tpu.dma_semaphore, #tpu.memory_space<semaphore_mem>>) src(%arg17 : memref<50x128xf32, #tpu.memory_space<vmem>>) dst(%dma_wait3A_437 : memref<10000x128xf32, #tpu.memory_space<vmem_shared>>)
        %dma_wait3A_438 = arith.constant 0 : i32
        %dma_wait3A_439 = arith.constant 0 : i32
        %dma_wait3A_440 = arith.constant 0 : i32
        %dma_wait3A_441 = tpu.memref_slice %arg4[%dma_wait3A_438, %dma_wait3A_439, %dma_wait3A_440] : memref<3200x1x50xi32, #tpu.memory_space<hbm>> -> memref<1x1x50xi32, #tpu.memory_space<hbm>>
        %dma_wait3A_442 = tpu.memref_squeeze %dma_wait3A_441 : memref<1x1x50xi32, #tpu.memory_space<hbm>> -> memref<1x50xi32, #tpu.memory_space<hbm>>
        %dma_wait3A_443 = arith.constant 0 : i32
        %dma_wait3A_444 = arith.constant 0 : i32
        %dma_wait3A_445 = tpu.memref_slice %arg4[%dma_wait3A_438, %dma_wait3A_443, %dma_wait3A_444] : memref<3200x1x50xi32, #tpu.memory_space<hbm>> -> memref<1x1x50xi32, #tpu.memory_space<hbm>>
        %dma_wait3A_446 = tpu.memref_squeeze %dma_wait3A_445 : memref<1x1x50xi32, #tpu.memory_space<hbm>> -> memref<1x50xi32, #tpu.memory_space<hbm>>
        tpu.wait_dma2 semaphore(%arg21 : memref<!tpu.dma_semaphore, #tpu.memory_space<semaphore_mem>>) src(%dma_wait3A_446 : memref<1x50xi32, #tpu.memory_space<hbm>>) dst(%arg8 : memref<1x50xi32, #tpu.memory_space<vmem>>)
        %get3A_447 = arith.constant 0 : i32
        %get3A_448 = arith.index_cast %get3A_447 : i32 to index
        %get3A_449 = arith.constant 0 : index
        %get3A_450 = tpu.vector_load %arg8[%get3A_448, %get3A_449] {strides = array<i32>} : memref<1x50xi32, #tpu.memory_space<vmem>>, vector<1x16xi32>,
        %get3A_451 = vector.shape_cast %get3A_450 : vector<1x16xi32> to vector<16xi32>
        %and3A_452 = arith.constant 65535 : i32
        %and3A_453 = vector.broadcast %and3A_452 : i32 to vector<16xi32>
        %and3A_454 = arith.andi %get3A_451, %and3A_453 : vector<16xi32>
        %swap3A_455 = arith.constant 0 : index
        %swap3A_456 = tpu.vector_load %arg11[%swap3A_455] {strides = array<i32>} : memref<50xi32, #tpu.memory_space<vmem>>, vector<16xi32>,
        %swap3A_457 = vector.shape_cast %swap3A_456 : vector<16xi32> to vector<16xi32>
        %swap3A_458 = vector.shape_cast %and3A_454 : vector<16xi32> to vector<16xi32>
        tpu.vector_store %arg11[%swap3A_455], %swap3A_458 {strides = array<i32>} : memref<50xi32, #tpu.memory_space<vmem>>, vector<16xi32>,
        %shift_right_logical3A_459 = arith.constant 16 : i32
        %shift_right_logical3A_460 = vector.broadcast %shift_right_logical3A_459 : i32 to vector<16xi32>
        %shift_right_logical3A_461 = arith.shrui %get3A_451, %shift_right_logical3A_460 : vector<16xi32>
        %swap3A_462 = arith.constant 0 : index
        %swap3A_463 = tpu.vector_load %arg14[%swap3A_462] {strides = array<i32>} : memref<50xi32, #tpu.memory_space<vmem>>, vector<16xi32>,
        %swap3A_464 = vector.shape_cast %swap3A_463 : vector<16xi32> to vector<16xi32>
        %swap3A_465 = vector.shape_cast %shift_right_logical3A_461 : vector<16xi32> to vector<16xi32>
        tpu.vector_store %arg14[%swap3A_462], %swap3A_465 {strides = array<i32>} : memref<50xi32, #tpu.memory_space<vmem>>, vector<16xi32>,
        %get3A_466 = arith.constant 0 : i32
        %get3A_467 = arith.index_cast %get3A_466 : i32 to index
        %get3A_468 = arith.constant 16 : index
        %get3A_469 = tpu.vector_load %arg8[%get3A_467, %get3A_468] {strides = array<i32>} : memref<1x50xi32, #tpu.memory_space<vmem>>, vector<1x16xi32>,
        %get3A_470 = vector.shape_cast %get3A_469 : vector<1x16xi32> to vector<16xi32>
        %and3A_471 = arith.constant 65535 : i32
        %and3A_472 = vector.broadcast %and3A_471 : i32 to vector<16xi32>
        %and3A_473 = arith.andi %get3A_470, %and3A_472 : vector<16xi32>
        %swap3A_474 = arith.constant 16 : index
        %swap3A_475 = tpu.vector_load %arg11[%swap3A_474] {strides = array<i32>} : memref<50xi32, #tpu.memory_space<vmem>>, vector<16xi32>,
        %swap3A_476 = vector.shape_cast %swap3A_475 : vector<16xi32> to vector<16xi32>
        %swap3A_477 = vector.shape_cast %and3A_473 : vector<16xi32> to vector<16xi32>
        tpu.vector_store %arg11[%swap3A_474], %swap3A_477 {strides = array<i32>} : memref<50xi32, #tpu.memory_space<vmem>>, vector<16xi32>,
        %shift_right_logical3A_478 = arith.constant 16 : i32
        %shift_right_logical3A_479 = vector.broadcast %shift_right_logical3A_478 : i32 to vector<16xi32>
        %shift_right_logical3A_480 = arith.shrui %get3A_470, %shift_right_logical3A_479 : vector<16xi32>
        %swap3A_481 = arith.constant 16 : index
        %swap3A_482 = tpu.vector_load %arg14[%swap3A_481] {strides = array<i32>} : memref<50xi32, #tpu.memory_space<vmem>>, vector<16xi32>,
        %swap3A_483 = vector.shape_cast %swap3A_482 : vector<16xi32> to vector<16xi32>
        %swap3A_484 = vector.shape_cast %shift_right_logical3A_480 : vector<16xi32> to vector<16xi32>
        tpu.vector_store %arg14[%swap3A_481], %swap3A_484 {strides = array<i32>} : memref<50xi32, #tpu.memory_space<vmem>>, vector<16xi32>,
        %get3A_485 = arith.constant 0 : i32
        %get3A_486 = arith.index_cast %get3A_485 : i32 to index
        %get3A_487 = arith.constant 32 : index
        %get3A_488 = tpu.vector_load %arg8[%get3A_486, %get3A_487] {strides = array<i32>} : memref<1x50xi32, #tpu.memory_space<vmem>>, vector<1x16xi32>,
        %get3A_489 = vector.shape_cast %get3A_488 : vector<1x16xi32> to vector<16xi32>
        %and3A_490 = arith.constant 65535 : i32
        %and3A_491 = vector.broadcast %and3A_490 : i32 to vector<16xi32>
        %and3A_492 = arith.andi %get3A_489, %and3A_491 : vector<16xi32>
        %swap3A_493 = arith.constant 32 : index
        %swap3A_494 = tpu.vector_load %arg11[%swap3A_493] {strides = array<i32>} : memref<50xi32, #tpu.memory_space<vmem>>, vector<16xi32>,
        %swap3A_495 = vector.shape_cast %swap3A_494 : vector<16xi32> to vector<16xi32>
        %swap3A_496 = vector.shape_cast %and3A_492 : vector<16xi32> to vector<16xi32>
        tpu.vector_store %arg11[%swap3A_493], %swap3A_496 {strides = array<i32>} : memref<50xi32, #tpu.memory_space<vmem>>, vector<16xi32>,
        %shift_right_logical3A_497 = arith.constant 16 : i32
        %shift_right_logical3A_498 = vector.broadcast %shift_right_logical3A_497 : i32 to vector<16xi32>
        %shift_right_logical3A_499 = arith.shrui %get3A_489, %shift_right_logical3A_498 : vector<16xi32>
        %swap3A_500 = arith.constant 32 : index
        %swap3A_501 = tpu.vector_load %arg14[%swap3A_500] {strides = array<i32>} : memref<50xi32, #tpu.memory_space<vmem>>, vector<16xi32>,
        %swap3A_502 = vector.shape_cast %swap3A_501 : vector<16xi32> to vector<16xi32>
        %swap3A_503 = vector.shape_cast %shift_right_logical3A_499 : vector<16xi32> to vector<16xi32>
        tpu.vector_store %arg14[%swap3A_500], %swap3A_503 {strides = array<i32>} : memref<50xi32, #tpu.memory_space<vmem>>, vector<16xi32>,
        %get3A_504 = arith.constant 0 : i32
        %get3A_505 = arith.index_cast %get3A_504 : i32 to index
        %get3A_506 = arith.constant 34 : index
        %get3A_507 = tpu.vector_load %arg8[%get3A_505, %get3A_506] {strides = array<i32>} : memref<1x50xi32, #tpu.memory_space<vmem>>, vector<1x16xi32>,
        %get3A_508 = vector.shape_cast %get3A_507 : vector<1x16xi32> to vector<16xi32>
        %and3A_509 = arith.constant 65535 : i32
        %and3A_510 = vector.broadcast %and3A_509 : i32 to vector<16xi32>
        %and3A_511 = arith.andi %get3A_508, %and3A_510 : vector<16xi32>
        %swap3A_512 = arith.constant 34 : index
        %swap3A_513 = tpu.vector_load %arg11[%swap3A_512] {strides = array<i32>} : memref<50xi32, #tpu.memory_space<vmem>>, vector<16xi32>,
        %swap3A_514 = vector.shape_cast %swap3A_513 : vector<16xi32> to vector<16xi32>
        %swap3A_515 = vector.shape_cast %and3A_511 : vector<16xi32> to vector<16xi32>
        tpu.vector_store %arg11[%swap3A_512], %swap3A_515 {strides = array<i32>} : memref<50xi32, #tpu.memory_space<vmem>>, vector<16xi32>,
        %shift_right_logical3A_516 = arith.constant 16 : i32
        %shift_right_logical3A_517 = vector.broadcast %shift_right_logical3A_516 : i32 to vector<16xi32>
        %shift_right_logical3A_518 = arith.shrui %get3A_508, %shift_right_logical3A_517 : vector<16xi32>
        %swap3A_519 = arith.constant 34 : index
        %swap3A_520 = tpu.vector_load %arg14[%swap3A_519] {strides = array<i32>} : memref<50xi32, #tpu.memory_space<vmem>>, vector<16xi32>,
        %swap3A_521 = vector.shape_cast %swap3A_520 : vector<16xi32> to vector<16xi32>
        %swap3A_522 = vector.shape_cast %shift_right_logical3A_518 : vector<16xi32> to vector<16xi32>
        tpu.vector_store %arg14[%swap3A_519], %swap3A_522 {strides = array<i32>} : memref<50xi32, #tpu.memory_space<vmem>>, vector<16xi32>,
        %add3A_523 = arith.constant 3 : i32
        %add3A_524 = arith.addi %add3A_411, %add3A_523 : i32
        %lt3A_525 = arith.constant 200 : i32
        %lt3A_526 = arith.cmpi slt, %add3A_524, %lt3A_525 : i32
        %convert_element_type3A_527 = arith.extui %lt3A_526 : i1 to i32
        %cond3A_528 = arith.constant 0 : i32
        %cond3A_529 = arith.cmpi ne, %convert_element_type3A_527, %cond3A_528 : i32
        scf.if %cond3A_529 {
          %add3A_540 = arith.constant 3 : i32
          %add3A_541 = arith.addi %add3A_411, %add3A_540 : i32
          %mul3A_542 = arith.constant 200 : i32
          %mul3A_543 = arith.muli %arg1, %mul3A_542 : i32
          %add3A_544 = arith.addi %mul3A_543, %add3A_541 : i32
          %dma_start3A_545 = arith.constant 0 : i32
          %dma_start3A_546 = arith.constant 0 : i32
          %dma_start3A_547 = tpu.memref_slice %arg4[%add3A_544, %dma_start3A_545, %dma_start3A_546] : memref<3200x1x50xi32, #tpu.memory_space<hbm>> -> memref<1x1x50xi32, #tpu.memory_space<hbm>>
          %dma_start3A_548 = tpu.memref_squeeze %dma_start3A_547 : memref<1x1x50xi32, #tpu.memory_space<hbm>> -> memref<1x50xi32, #tpu.memory_space<hbm>>
          %dma_start3A_549 = arith.constant 0 : i32
          %dma_start3A_550 = arith.constant 0 : i32
          %dma_start3A_551 = tpu.memref_slice %arg4[%add3A_544, %dma_start3A_549, %dma_start3A_550] : memref<3200x1x50xi32, #tpu.memory_space<hbm>> -> memref<1x1x50xi32, #tpu.memory_space<hbm>>
          %dma_start3A_552 = tpu.memref_squeeze %dma_start3A_551 : memref<1x1x50xi32, #tpu.memory_space<hbm>> -> memref<1x50xi32, #tpu.memory_space<hbm>>
          tpu.enqueue_dma source(%dma_start3A_552 : memref<1x50xi32, #tpu.memory_space<hbm>>) target(%arg8 : memref<1x50xi32, #tpu.memory_space<vmem>>) target_semaphore(%arg21 : memref<!tpu.dma_semaphore, #tpu.memory_space<semaphore_mem>>)
        } else {
        }
        %eq3A_530 = arith.constant 0 : i32
        %eq3A_531 = arith.cmpi eq, %arg0, %eq3A_530 : i32
        %convert_element_type3A_532 = arith.extui %eq3A_531 : i1 to i32
        %cond3A_533 = arith.constant 0 : i32
        %cond3A_534 = arith.cmpi ne, %convert_element_type3A_532, %cond3A_533 : i32
        scf.if %cond3A_534 {
          %dma_start3A_540 = arith.constant 0 : i32
          %dma_start3A_541 = arith.constant 0 : i32
          %dma_start3A_542 = tpu.memref_slice %arg2[%dma_start3A_540, %dma_start3A_541] : memref<10000x128xf32, #tpu.memory_space<hbm>> -> memref<10000x128xf32, #tpu.memory_space<hbm>>
          tpu.enqueue_indirect_dma source(%dma_start3A_542 : memref<10000x128xf32, #tpu.memory_space<hbm>>) target(%arg17 : memref<50x128xf32, #tpu.memory_space<vmem>>) offsets(%arg11 : memref<50xi32, #tpu.memory_space<vmem>>) semaphore(%arg24 : memref<!tpu.dma_semaphore, #tpu.memory_space<semaphore_mem>>)
        } else {
        }
        %eq3A_535 = arith.constant 1 : i32
        %eq3A_536 = arith.cmpi eq, %arg0, %eq3A_535 : i32
        %convert_element_type3A_537 = arith.extui %eq3A_536 : i1 to i32
        %cond3A_538 = arith.constant 0 : i32
        %cond3A_539 = arith.cmpi ne, %convert_element_type3A_537, %cond3A_538 : i32
        scf.if %cond3A_539 {
          %dma_start3A_540 = arith.constant 0 : i32
          %dma_start3A_541 = arith.constant 0 : i32
          %dma_start3A_542 = tpu.memref_slice %arg3[%dma_start3A_540, %dma_start3A_541] : memref<10000x128xf32, #tpu.memory_space<hbm>> -> memref<10000x128xf32, #tpu.memory_space<hbm>>
          tpu.enqueue_indirect_dma source(%dma_start3A_542 : memref<10000x128xf32, #tpu.memory_space<hbm>>) target(%arg17 : memref<50x128xf32, #tpu.memory_space<vmem>>) offsets(%arg11 : memref<50xi32, #tpu.memory_space<vmem>>) semaphore(%arg24 : memref<!tpu.dma_semaphore, #tpu.memory_space<semaphore_mem>>)
        } else {
        }
      } else {
      }
      %add3A_417 = arith.constant 3 : i32
      %add3A_418 = arith.addi %mul3A_389, %add3A_417 : i32
      %add3A_419 = arith.constant 1 : i32
      %add3A_420 = arith.addi %add3A_418, %add3A_419 : i32
      %lt3A_421 = arith.constant 200 : i32
      %lt3A_422 = arith.cmpi slt, %add3A_420, %lt3A_421 : i32
      %convert_element_type3A_423 = arith.extui %lt3A_422 : i1 to i32
      %cond3A_424 = arith.constant 0 : i32
      %cond3A_425 = arith.cmpi ne, %convert_element_type3A_423, %cond3A_424 : i32
      scf.if %cond3A_425 {
        %dma_wait3A_435 = arith.constant 0 : i32
        %dma_wait3A_436 = arith.constant 0 : i32
        %dma_wait3A_437 = tpu.memref_slice %arg20[%dma_wait3A_435, %dma_wait3A_436] : memref<10000x128xf32, #tpu.memory_space<vmem_shared>> -> memref<10000x128xf32, #tpu.memory_space<vmem_shared>>
        tpu.wait_indirect_dma semaphore(%arg28 : memref<!tpu.dma_semaphore, #tpu.memory_space<semaphore_mem>>) src(%arg18 : memref<50x128xf32, #tpu.memory_space<vmem>>) dst(%dma_wait3A_437 : memref<10000x128xf32, #tpu.memory_space<vmem_shared>>)
        %dma_wait3A_438 = arith.constant 0 : i32
        %dma_wait3A_439 = arith.constant 0 : i32
        %dma_wait3A_440 = arith.constant 0 : i32
        %dma_wait3A_441 = tpu.memref_slice %arg4[%dma_wait3A_438, %dma_wait3A_439, %dma_wait3A_440] : memref<3200x1x50xi32, #tpu.memory_space<hbm>> -> memref<1x1x50xi32, #tpu.memory_space<hbm>>
        %dma_wait3A_442 = tpu.memref_squeeze %dma_wait3A_441 : memref<1x1x50xi32, #tpu.memory_space<hbm>> -> memref<1x50xi32, #tpu.memory_space<hbm>>
        %dma_wait3A_443 = arith.constant 0 : i32
        %dma_wait3A_444 = arith.constant 0 : i32
        %dma_wait3A_445 = tpu.memref_slice %arg4[%dma_wait3A_438, %dma_wait3A_443, %dma_wait3A_444] : memref<3200x1x50xi32, #tpu.memory_space<hbm>> -> memref<1x1x50xi32, #tpu.memory_space<hbm>>
        %dma_wait3A_446 = tpu.memref_squeeze %dma_wait3A_445 : memref<1x1x50xi32, #tpu.memory_space<hbm>> -> memref<1x50xi32, #tpu.memory_space<hbm>>
        tpu.wait_dma2 semaphore(%arg22 : memref<!tpu.dma_semaphore, #tpu.memory_space<semaphore_mem>>) src(%dma_wait3A_446 : memref<1x50xi32, #tpu.memory_space<hbm>>) dst(%arg9 : memref<1x50xi32, #tpu.memory_space<vmem>>)
        %get3A_447 = arith.constant 0 : i32
        %get3A_448 = arith.index_cast %get3A_447 : i32 to index
        %get3A_449 = arith.constant 0 : index
        %get3A_450 = tpu.vector_load %arg9[%get3A_448, %get3A_449] {strides = array<i32>} : memref<1x50xi32, #tpu.memory_space<vmem>>, vector<1x16xi32>,
        %get3A_451 = vector.shape_cast %get3A_450 : vector<1x16xi32> to vector<16xi32>
        %and3A_452 = arith.constant 65535 : i32
        %and3A_453 = vector.broadcast %and3A_452 : i32 to vector<16xi32>
        %and3A_454 = arith.andi %get3A_451, %and3A_453 : vector<16xi32>
        %swap3A_455 = arith.constant 0 : index
        %swap3A_456 = tpu.vector_load %arg12[%swap3A_455] {strides = array<i32>} : memref<50xi32, #tpu.memory_space<vmem>>, vector<16xi32>,
        %swap3A_457 = vector.shape_cast %swap3A_456 : vector<16xi32> to vector<16xi32>
        %swap3A_458 = vector.shape_cast %and3A_454 : vector<16xi32> to vector<16xi32>
        tpu.vector_store %arg12[%swap3A_455], %swap3A_458 {strides = array<i32>} : memref<50xi32, #tpu.memory_space<vmem>>, vector<16xi32>,
        %shift_right_logical3A_459 = arith.constant 16 : i32
        %shift_right_logical3A_460 = vector.broadcast %shift_right_logical3A_459 : i32 to vector<16xi32>
        %shift_right_logical3A_461 = arith.shrui %get3A_451, %shift_right_logical3A_460 : vector<16xi32>
        %swap3A_462 = arith.constant 0 : index
        %swap3A_463 = tpu.vector_load %arg15[%swap3A_462] {strides = array<i32>} : memref<50xi32, #tpu.memory_space<vmem>>, vector<16xi32>,
        %swap3A_464 = vector.shape_cast %swap3A_463 : vector<16xi32> to vector<16xi32>
        %swap3A_465 = vector.shape_cast %shift_right_logical3A_461 : vector<16xi32> to vector<16xi32>
        tpu.vector_store %arg15[%swap3A_462], %swap3A_465 {strides = array<i32>} : memref<50xi32, #tpu.memory_space<vmem>>, vector<16xi32>,
        %get3A_466 = arith.constant 0 : i32
        %get3A_467 = arith.index_cast %get3A_466 : i32 to index
        %get3A_468 = arith.constant 16 : index
        %get3A_469 = tpu.vector_load %arg9[%get3A_467, %get3A_468] {strides = array<i32>} : memref<1x50xi32, #tpu.memory_space<vmem>>, vector<1x16xi32>,
        %get3A_470 = vector.shape_cast %get3A_469 : vector<1x16xi32> to vector<16xi32>
        %and3A_471 = arith.constant 65535 : i32
        %and3A_472 = vector.broadcast %and3A_471 : i32 to vector<16xi32>
        %and3A_473 = arith.andi %get3A_470, %and3A_472 : vector<16xi32>
        %swap3A_474 = arith.constant 16 : index
        %swap3A_475 = tpu.vector_load %arg12[%swap3A_474] {strides = array<i32>} : memref<50xi32, #tpu.memory_space<vmem>>, vector<16xi32>,
        %swap3A_476 = vector.shape_cast %swap3A_475 : vector<16xi32> to vector<16xi32>
        %swap3A_477 = vector.shape_cast %and3A_473 : vector<16xi32> to vector<16xi32>
        tpu.vector_store %arg12[%swap3A_474], %swap3A_477 {strides = array<i32>} : memref<50xi32, #tpu.memory_space<vmem>>, vector<16xi32>,
        %shift_right_logical3A_478 = arith.constant 16 : i32
        %shift_right_logical3A_479 = vector.broadcast %shift_right_logical3A_478 : i32 to vector<16xi32>
        %shift_right_logical3A_480 = arith.shrui %get3A_470, %shift_right_logical3A_479 : vector<16xi32>
        %swap3A_481 = arith.constant 16 : index
        %swap3A_482 = tpu.vector_load %arg15[%swap3A_481] {strides = array<i32>} : memref<50xi32, #tpu.memory_space<vmem>>, vector<16xi32>,
        %swap3A_483 = vector.shape_cast %swap3A_482 : vector<16xi32> to vector<16xi32>
        %swap3A_484 = vector.shape_cast %shift_right_logical3A_480 : vector<16xi32> to vector<16xi32>
        tpu.vector_store %arg15[%swap3A_481], %swap3A_484 {strides = array<i32>} : memref<50xi32, #tpu.memory_space<vmem>>, vector<16xi32>,
        %get3A_485 = arith.constant 0 : i32
        %get3A_486 = arith.index_cast %get3A_485 : i32 to index
        %get3A_487 = arith.constant 32 : index
        %get3A_488 = tpu.vector_load %arg9[%get3A_486, %get3A_487] {strides = array<i32>} : memref<1x50xi32, #tpu.memory_space<vmem>>, vector<1x16xi32>,
        %get3A_489 = vector.shape_cast %get3A_488 : vector<1x16xi32> to vector<16xi32>
        %and3A_490 = arith.constant 65535 : i32
        %and3A_491 = vector.broadcast %and3A_490 : i32 to vector<16xi32>
        %and3A_492 = arith.andi %get3A_489, %and3A_491 : vector<16xi32>
        %swap3A_493 = arith.constant 32 : index
        %swap3A_494 = tpu.vector_load %arg12[%swap3A_493] {strides = array<i32>} : memref<50xi32, #tpu.memory_space<vmem>>, vector<16xi32>,
        %swap3A_495 = vector.shape_cast %swap3A_494 : vector<16xi32> to vector<16xi32>
        %swap3A_496 = vector.shape_cast %and3A_492 : vector<16xi32> to vector<16xi32>
        tpu.vector_store %arg12[%swap3A_493], %swap3A_496 {strides = array<i32>} : memref<50xi32, #tpu.memory_space<vmem>>, vector<16xi32>,
        %shift_right_logical3A_497 = arith.constant 16 : i32
        %shift_right_logical3A_498 = vector.broadcast %shift_right_logical3A_497 : i32 to vector<16xi32>
        %shift_right_logical3A_499 = arith.shrui %get3A_489, %shift_right_logical3A_498 : vector<16xi32>
        %swap3A_500 = arith.constant 32 : index
        %swap3A_501 = tpu.vector_load %arg15[%swap3A_500] {strides = array<i32>} : memref<50xi32, #tpu.memory_space<vmem>>, vector<16xi32>,
        %swap3A_502 = vector.shape_cast %swap3A_501 : vector<16xi32> to vector<16xi32>
        %swap3A_503 = vector.shape_cast %shift_right_logical3A_499 : vector<16xi32> to vector<16xi32>
        tpu.vector_store %arg15[%swap3A_500], %swap3A_503 {strides = array<i32>} : memref<50xi32, #tpu.memory_space<vmem>>, vector<16xi32>,
        %get3A_504 = arith.constant 0 : i32
        %get3A_505 = arith.index_cast %get3A_504 : i32 to index
        %get3A_506 = arith.constant 34 : index
        %get3A_507 = tpu.vector_load %arg9[%get3A_505, %get3A_506] {strides = array<i32>} : memref<1x50xi32, #tpu.memory_space<vmem>>, vector<1x16xi32>,
        %get3A_508 = vector.shape_cast %get3A_507 : vector<1x16xi32> to vector<16xi32>
        %and3A_509 = arith.constant 65535 : i32
        %and3A_510 = vector.broadcast %and3A_509 : i32 to vector<16xi32>
        %and3A_511 = arith.andi %get3A_508, %and3A_510 : vector<16xi32>
        %swap3A_512 = arith.constant 34 : index
        %swap3A_513 = tpu.vector_load %arg12[%swap3A_512] {strides = array<i32>} : memref<50xi32, #tpu.memory_space<vmem>>, vector<16xi32>,
        %swap3A_514 = vector.shape_cast %swap3A_513 : vector<16xi32> to vector<16xi32>
        %swap3A_515 = vector.shape_cast %and3A_511 : vector<16xi32> to vector<16xi32>
        tpu.vector_store %arg12[%swap3A_512], %swap3A_515 {strides = array<i32>} : memref<50xi32, #tpu.memory_space<vmem>>, vector<16xi32>,
        %shift_right_logical3A_516 = arith.constant 16 : i32
        %shift_right_logical3A_517 = vector.broadcast %shift_right_logical3A_516 : i32 to vector<16xi32>
        %shift_right_logical3A_518 = arith.shrui %get3A_508, %shift_right_logical3A_517 : vector<16xi32>
        %swap3A_519 = arith.constant 34 : index
        %swap3A_520 = tpu.vector_load %arg15[%swap3A_519] {strides = array<i32>} : memref<50xi32, #tpu.memory_space<vmem>>, vector<16xi32>,
        %swap3A_521 = vector.shape_cast %swap3A_520 : vector<16xi32> to vector<16xi32>
        %swap3A_522 = vector.shape_cast %shift_right_logical3A_518 : vector<16xi32> to vector<16xi32>
        tpu.vector_store %arg15[%swap3A_519], %swap3A_522 {strides = array<i32>} : memref<50xi32, #tpu.memory_space<vmem>>, vector<16xi32>,
        %add3A_523 = arith.constant 3 : i32
        %add3A_524 = arith.addi %add3A_420, %add3A_523 : i32
        %lt3A_525 = arith.constant 200 : i32
        %lt3A_526 = arith.cmpi slt, %add3A_524, %lt3A_525 : i32
        %convert_element_type3A_527 = arith.extui %lt3A_526 : i1 to i32
        %cond3A_528 = arith.constant 0 : i32
        %cond3A_529 = arith.cmpi ne, %convert_element_type3A_527, %cond3A_528 : i32
        scf.if %cond3A_529 {
          %add3A_540 = arith.constant 3 : i32
          %add3A_541 = arith.addi %add3A_420, %add3A_540 : i32
          %mul3A_542 = arith.constant 200 : i32
          %mul3A_543 = arith.muli %arg1, %mul3A_542 : i32
          %add3A_544 = arith.addi %mul3A_543, %add3A_541 : i32
          %dma_start3A_545 = arith.constant 0 : i32
          %dma_start3A_546 = arith.constant 0 : i32
          %dma_start3A_547 = tpu.memref_slice %arg4[%add3A_544, %dma_start3A_545, %dma_start3A_546] : memref<3200x1x50xi32, #tpu.memory_space<hbm>> -> memref<1x1x50xi32, #tpu.memory_space<hbm>>
          %dma_start3A_548 = tpu.memref_squeeze %dma_start3A_547 : memref<1x1x50xi32, #tpu.memory_space<hbm>> -> memref<1x50xi32, #tpu.memory_space<hbm>>
          %dma_start3A_549 = arith.constant 0 : i32
          %dma_start3A_550 = arith.constant 0 : i32
          %dma_start3A_551 = tpu.memref_slice %arg4[%add3A_544, %dma_start3A_549, %dma_start3A_550] : memref<3200x1x50xi32, #tpu.memory_space<hbm>> -> memref<1x1x50xi32, #tpu.memory_space<hbm>>
          %dma_start3A_552 = tpu.memref_squeeze %dma_start3A_551 : memref<1x1x50xi32, #tpu.memory_space<hbm>> -> memref<1x50xi32, #tpu.memory_space<hbm>>
          tpu.enqueue_dma source(%dma_start3A_552 : memref<1x50xi32, #tpu.memory_space<hbm>>) target(%arg9 : memref<1x50xi32, #tpu.memory_space<vmem>>) target_semaphore(%arg22 : memref<!tpu.dma_semaphore, #tpu.memory_space<semaphore_mem>>)
        } else {
        }
        %eq3A_530 = arith.constant 0 : i32
        %eq3A_531 = arith.cmpi eq, %arg0, %eq3A_530 : i32
        %convert_element_type3A_532 = arith.extui %eq3A_531 : i1 to i32
        %cond3A_533 = arith.constant 0 : i32
        %cond3A_534 = arith.cmpi ne, %convert_element_type3A_532, %cond3A_533 : i32
        scf.if %cond3A_534 {
          %dma_start3A_540 = arith.constant 0 : i32
          %dma_start3A_541 = arith.constant 0 : i32
          %dma_start3A_542 = tpu.memref_slice %arg2[%dma_start3A_540, %dma_start3A_541] : memref<10000x128xf32, #tpu.memory_space<hbm>> -> memref<10000x128xf32, #tpu.memory_space<hbm>>
          tpu.enqueue_indirect_dma source(%dma_start3A_542 : memref<10000x128xf32, #tpu.memory_space<hbm>>) target(%arg18 : memref<50x128xf32, #tpu.memory_space<vmem>>) offsets(%arg12 : memref<50xi32, #tpu.memory_space<vmem>>) semaphore(%arg25 : memref<!tpu.dma_semaphore, #tpu.memory_space<semaphore_mem>>)
        } else {
        }
        %eq3A_535 = arith.constant 1 : i32
        %eq3A_536 = arith.cmpi eq, %arg0, %eq3A_535 : i32
        %convert_element_type3A_537 = arith.extui %eq3A_536 : i1 to i32
        %cond3A_538 = arith.constant 0 : i32
        %cond3A_539 = arith.cmpi ne, %convert_element_type3A_537, %cond3A_538 : i32
        scf.if %cond3A_539 {
          %dma_start3A_540 = arith.constant 0 : i32
          %dma_start3A_541 = arith.constant 0 : i32
          %dma_start3A_542 = tpu.memref_slice %arg3[%dma_start3A_540, %dma_start3A_541] : memref<10000x128xf32, #tpu.memory_space<hbm>> -> memref<10000x128xf32, #tpu.memory_space<hbm>>
          tpu.enqueue_indirect_dma source(%dma_start3A_542 : memref<10000x128xf32, #tpu.memory_space<hbm>>) target(%arg18 : memref<50x128xf32, #tpu.memory_space<vmem>>) offsets(%arg12 : memref<50xi32, #tpu.memory_space<vmem>>) semaphore(%arg25 : memref<!tpu.dma_semaphore, #tpu.memory_space<semaphore_mem>>)
        } else {
        }
      } else {
      }
      %add3A_426 = arith.constant 3 : i32
      %add3A_427 = arith.addi %mul3A_389, %add3A_426 : i32
      %add3A_428 = arith.constant 2 : i32
      %add3A_429 = arith.addi %add3A_427, %add3A_428 : i32
      %lt3A_430 = arith.constant 200 : i32
      %lt3A_431 = arith.cmpi slt, %add3A_429, %lt3A_430 : i32
      %convert_element_type3A_432 = arith.extui %lt3A_431 : i1 to i32
      %cond3A_433 = arith.constant 0 : i32
      %cond3A_434 = arith.cmpi ne, %convert_element_type3A_432, %cond3A_433 : i32
      scf.if %cond3A_434 {
        %dma_wait3A_435 = arith.constant 0 : i32
        %dma_wait3A_436 = arith.constant 0 : i32
        %dma_wait3A_437 = tpu.memref_slice %arg20[%dma_wait3A_435, %dma_wait3A_436] : memref<10000x128xf32, #tpu.memory_space<vmem_shared>> -> memref<10000x128xf32, #tpu.memory_space<vmem_shared>>
        tpu.wait_indirect_dma semaphore(%arg29 : memref<!tpu.dma_semaphore, #tpu.memory_space<semaphore_mem>>) src(%arg19 : memref<50x128xf32, #tpu.memory_space<vmem>>) dst(%dma_wait3A_437 : memref<10000x128xf32, #tpu.memory_space<vmem_shared>>)
        %dma_wait3A_438 = arith.constant 0 : i32
        %dma_wait3A_439 = arith.constant 0 : i32
        %dma_wait3A_440 = arith.constant 0 : i32
        %dma_wait3A_441 = tpu.memref_slice %arg4[%dma_wait3A_438, %dma_wait3A_439, %dma_wait3A_440] : memref<3200x1x50xi32, #tpu.memory_space<hbm>> -> memref<1x1x50xi32, #tpu.memory_space<hbm>>
        %dma_wait3A_442 = tpu.memref_squeeze %dma_wait3A_441 : memref<1x1x50xi32, #tpu.memory_space<hbm>> -> memref<1x50xi32, #tpu.memory_space<hbm>>
        %dma_wait3A_443 = arith.constant 0 : i32
        %dma_wait3A_444 = arith.constant 0 : i32
        %dma_wait3A_445 = tpu.memref_slice %arg4[%dma_wait3A_438, %dma_wait3A_443, %dma_wait3A_444] : memref<3200x1x50xi32, #tpu.memory_space<hbm>> -> memref<1x1x50xi32, #tpu.memory_space<hbm>>
        %dma_wait3A_446 = tpu.memref_squeeze %dma_wait3A_445 : memref<1x1x50xi32, #tpu.memory_space<hbm>> -> memref<1x50xi32, #tpu.memory_space<hbm>>
        tpu.wait_dma2 semaphore(%arg23 : memref<!tpu.dma_semaphore, #tpu.memory_space<semaphore_mem>>) src(%dma_wait3A_446 : memref<1x50xi32, #tpu.memory_space<hbm>>) dst(%arg10 : memref<1x50xi32, #tpu.memory_space<vmem>>)
        %get3A_447 = arith.constant 0 : i32
        %get3A_448 = arith.index_cast %get3A_447 : i32 to index
        %get3A_449 = arith.constant 0 : index
        %get3A_450 = tpu.vector_load %arg10[%get3A_448, %get3A_449] {strides = array<i32>} : memref<1x50xi32, #tpu.memory_space<vmem>>, vector<1x16xi32>,
        %get3A_451 = vector.shape_cast %get3A_450 : vector<1x16xi32> to vector<16xi32>
        %and3A_452 = arith.constant 65535 : i32
        %and3A_453 = vector.broadcast %and3A_452 : i32 to vector<16xi32>
        %and3A_454 = arith.andi %get3A_451, %and3A_453 : vector<16xi32>
        %swap3A_455 = arith.constant 0 : index
        %swap3A_456 = tpu.vector_load %arg13[%swap3A_455] {strides = array<i32>} : memref<50xi32, #tpu.memory_space<vmem>>, vector<16xi32>,
        %swap3A_457 = vector.shape_cast %swap3A_456 : vector<16xi32> to vector<16xi32>
        %swap3A_458 = vector.shape_cast %and3A_454 : vector<16xi32> to vector<16xi32>
        tpu.vector_store %arg13[%swap3A_455], %swap3A_458 {strides = array<i32>} : memref<50xi32, #tpu.memory_space<vmem>>, vector<16xi32>,
        %shift_right_logical3A_459 = arith.constant 16 : i32
        %shift_right_logical3A_460 = vector.broadcast %shift_right_logical3A_459 : i32 to vector<16xi32>
        %shift_right_logical3A_461 = arith.shrui %get3A_451, %shift_right_logical3A_460 : vector<16xi32>
        %swap3A_462 = arith.constant 0 : index
        %swap3A_463 = tpu.vector_load %arg16[%swap3A_462] {strides = array<i32>} : memref<50xi32, #tpu.memory_space<vmem>>, vector<16xi32>,
        %swap3A_464 = vector.shape_cast %swap3A_463 : vector<16xi32> to vector<16xi32>
        %swap3A_465 = vector.shape_cast %shift_right_logical3A_461 : vector<16xi32> to vector<16xi32>
        tpu.vector_store %arg16[%swap3A_462], %swap3A_465 {strides = array<i32>} : memref<50xi32, #tpu.memory_space<vmem>>, vector<16xi32>,
        %get3A_466 = arith.constant 0 : i32
        %get3A_467 = arith.index_cast %get3A_466 : i32 to index
        %get3A_468 = arith.constant 16 : index
        %get3A_469 = tpu.vector_load %arg10[%get3A_467, %get3A_468] {strides = array<i32>} : memref<1x50xi32, #tpu.memory_space<vmem>>, vector<1x16xi32>,
        %get3A_470 = vector.shape_cast %get3A_469 : vector<1x16xi32> to vector<16xi32>
        %and3A_471 = arith.constant 65535 : i32
        %and3A_472 = vector.broadcast %and3A_471 : i32 to vector<16xi32>
        %and3A_473 = arith.andi %get3A_470, %and3A_472 : vector<16xi32>
        %swap3A_474 = arith.constant 16 : index
        %swap3A_475 = tpu.vector_load %arg13[%swap3A_474] {strides = array<i32>} : memref<50xi32, #tpu.memory_space<vmem>>, vector<16xi32>,
        %swap3A_476 = vector.shape_cast %swap3A_475 : vector<16xi32> to vector<16xi32>
        %swap3A_477 = vector.shape_cast %and3A_473 : vector<16xi32> to vector<16xi32>
        tpu.vector_store %arg13[%swap3A_474], %swap3A_477 {strides = array<i32>} : memref<50xi32, #tpu.memory_space<vmem>>, vector<16xi32>,
        %shift_right_logical3A_478 = arith.constant 16 : i32
        %shift_right_logical3A_479 = vector.broadcast %shift_right_logical3A_478 : i32 to vector<16xi32>
        %shift_right_logical3A_480 = arith.shrui %get3A_470, %shift_right_logical3A_479 : vector<16xi32>
        %swap3A_481 = arith.constant 16 : index
        %swap3A_482 = tpu.vector_load %arg16[%swap3A_481] {strides = array<i32>} : memref<50xi32, #tpu.memory_space<vmem>>, vector<16xi32>,
        %swap3A_483 = vector.shape_cast %swap3A_482 : vector<16xi32> to vector<16xi32>
        %swap3A_484 = vector.shape_cast %shift_right_logical3A_480 : vector<16xi32> to vector<16xi32>
        tpu.vector_store %arg16[%swap3A_481], %swap3A_484 {strides = array<i32>} : memref<50xi32, #tpu.memory_space<vmem>>, vector<16xi32>,
        %get3A_485 = arith.constant 0 : i32
        %get3A_486 = arith.index_cast %get3A_485 : i32 to index
        %get3A_487 = arith.constant 32 : index
        %get3A_488 = tpu.vector_load %arg10[%get3A_486, %get3A_487] {strides = array<i32>} : memref<1x50xi32, #tpu.memory_space<vmem>>, vector<1x16xi32>,
        %get3A_489 = vector.shape_cast %get3A_488 : vector<1x16xi32> to vector<16xi32>
        %and3A_490 = arith.constant 65535 : i32
        %and3A_491 = vector.broadcast %and3A_490 : i32 to vector<16xi32>
        %and3A_492 = arith.andi %get3A_489, %and3A_491 : vector<16xi32>
        %swap3A_493 = arith.constant 32 : index
        %swap3A_494 = tpu.vector_load %arg13[%swap3A_493] {strides = array<i32>} : memref<50xi32, #tpu.memory_space<vmem>>, vector<16xi32>,
        %swap3A_495 = vector.shape_cast %swap3A_494 : vector<16xi32> to vector<16xi32>
        %swap3A_496 = vector.shape_cast %and3A_492 : vector<16xi32> to vector<16xi32>
        tpu.vector_store %arg13[%swap3A_493], %swap3A_496 {strides = array<i32>} : memref<50xi32, #tpu.memory_space<vmem>>, vector<16xi32>,
        %shift_right_logical3A_497 = arith.constant 16 : i32
        %shift_right_logical3A_498 = vector.broadcast %shift_right_logical3A_497 : i32 to vector<16xi32>
        %shift_right_logical3A_499 = arith.shrui %get3A_489, %shift_right_logical3A_498 : vector<16xi32>
        %swap3A_500 = arith.constant 32 : index
        %swap3A_501 = tpu.vector_load %arg16[%swap3A_500] {strides = array<i32>} : memref<50xi32, #tpu.memory_space<vmem>>, vector<16xi32>,
        %swap3A_502 = vector.shape_cast %swap3A_501 : vector<16xi32> to vector<16xi32>
        %swap3A_503 = vector.shape_cast %shift_right_logical3A_499 : vector<16xi32> to vector<16xi32>
        tpu.vector_store %arg16[%swap3A_500], %swap3A_503 {strides = array<i32>} : memref<50xi32, #tpu.memory_space<vmem>>, vector<16xi32>,
        %get3A_504 = arith.constant 0 : i32
        %get3A_505 = arith.index_cast %get3A_504 : i32 to index
        %get3A_506 = arith.constant 34 : index
        %get3A_507 = tpu.vector_load %arg10[%get3A_505, %get3A_506] {strides = array<i32>} : memref<1x50xi32, #tpu.memory_space<vmem>>, vector<1x16xi32>,
        %get3A_508 = vector.shape_cast %get3A_507 : vector<1x16xi32> to vector<16xi32>
        %and3A_509 = arith.constant 65535 : i32
        %and3A_510 = vector.broadcast %and3A_509 : i32 to vector<16xi32>
        %and3A_511 = arith.andi %get3A_508, %and3A_510 : vector<16xi32>
        %swap3A_512 = arith.constant 34 : index
        %swap3A_513 = tpu.vector_load %arg13[%swap3A_512] {strides = array<i32>} : memref<50xi32, #tpu.memory_space<vmem>>, vector<16xi32>,
        %swap3A_514 = vector.shape_cast %swap3A_513 : vector<16xi32> to vector<16xi32>
        %swap3A_515 = vector.shape_cast %and3A_511 : vector<16xi32> to vector<16xi32>
        tpu.vector_store %arg13[%swap3A_512], %swap3A_515 {strides = array<i32>} : memref<50xi32, #tpu.memory_space<vmem>>, vector<16xi32>,
        %shift_right_logical3A_516 = arith.constant 16 : i32
        %shift_right_logical3A_517 = vector.broadcast %shift_right_logical3A_516 : i32 to vector<16xi32>
        %shift_right_logical3A_518 = arith.shrui %get3A_508, %shift_right_logical3A_517 : vector<16xi32>
        %swap3A_519 = arith.constant 34 : index
        %swap3A_520 = tpu.vector_load %arg16[%swap3A_519] {strides = array<i32>} : memref<50xi32, #tpu.memory_space<vmem>>, vector<16xi32>,
        %swap3A_521 = vector.shape_cast %swap3A_520 : vector<16xi32> to vector<16xi32>
        %swap3A_522 = vector.shape_cast %shift_right_logical3A_518 : vector<16xi32> to vector<16xi32>
        tpu.vector_store %arg16[%swap3A_519], %swap3A_522 {strides = array<i32>} : memref<50xi32, #tpu.memory_space<vmem>>, vector<16xi32>,
        %add3A_523 = arith.constant 3 : i32
        %add3A_524 = arith.addi %add3A_429, %add3A_523 : i32
        %lt3A_525 = arith.constant 200 : i32
        %lt3A_526 = arith.cmpi slt, %add3A_524, %lt3A_525 : i32
        %convert_element_type3A_527 = arith.extui %lt3A_526 : i1 to i32
        %cond3A_528 = arith.constant 0 : i32
        %cond3A_529 = arith.cmpi ne, %convert_element_type3A_527, %cond3A_528 : i32
        scf.if %cond3A_529 {
          %add3A_540 = arith.constant 3 : i32
          %add3A_541 = arith.addi %add3A_429, %add3A_540 : i32
          %mul3A_542 = arith.constant 200 : i32
          %mul3A_543 = arith.muli %arg1, %mul3A_542 : i32
          %add3A_544 = arith.addi %mul3A_543, %add3A_541 : i32
          %dma_start3A_545 = arith.constant 0 : i32
          %dma_start3A_546 = arith.constant 0 : i32
          %dma_start3A_547 = tpu.memref_slice %arg4[%add3A_544, %dma_start3A_545, %dma_start3A_546] : memref<3200x1x50xi32, #tpu.memory_space<hbm>> -> memref<1x1x50xi32, #tpu.memory_space<hbm>>
          %dma_start3A_548 = tpu.memref_squeeze %dma_start3A_547 : memref<1x1x50xi32, #tpu.memory_space<hbm>> -> memref<1x50xi32, #tpu.memory_space<hbm>>
          %dma_start3A_549 = arith.constant 0 : i32
          %dma_start3A_550 = arith.constant 0 : i32
          %dma_start3A_551 = tpu.memref_slice %arg4[%add3A_544, %dma_start3A_549, %dma_start3A_550] : memref<3200x1x50xi32, #tpu.memory_space<hbm>> -> memref<1x1x50xi32, #tpu.memory_space<hbm>>
          %dma_start3A_552 = tpu.memref_squeeze %dma_start3A_551 : memref<1x1x50xi32, #tpu.memory_space<hbm>> -> memref<1x50xi32, #tpu.memory_space<hbm>>
          tpu.enqueue_dma source(%dma_start3A_552 : memref<1x50xi32, #tpu.memory_space<hbm>>) target(%arg10 : memref<1x50xi32, #tpu.memory_space<vmem>>) target_semaphore(%arg23 : memref<!tpu.dma_semaphore, #tpu.memory_space<semaphore_mem>>)
        } else {
        }
        %eq3A_530 = arith.constant 0 : i32
        %eq3A_531 = arith.cmpi eq, %arg0, %eq3A_530 : i32
        %convert_element_type3A_532 = arith.extui %eq3A_531 : i1 to i32
        %cond3A_533 = arith.constant 0 : i32
        %cond3A_534 = arith.cmpi ne, %convert_element_type3A_532, %cond3A_533 : i32
        scf.if %cond3A_534 {
          %dma_start3A_540 = arith.constant 0 : i32
          %dma_start3A_541 = arith.constant 0 : i32
          %dma_start3A_542 = tpu.memref_slice %arg2[%dma_start3A_540, %dma_start3A_541] : memref<10000x128xf32, #tpu.memory_space<hbm>> -> memref<10000x128xf32, #tpu.memory_space<hbm>>
          tpu.enqueue_indirect_dma source(%dma_start3A_542 : memref<10000x128xf32, #tpu.memory_space<hbm>>) target(%arg19 : memref<50x128xf32, #tpu.memory_space<vmem>>) offsets(%arg13 : memref<50xi32, #tpu.memory_space<vmem>>) semaphore(%arg26 : memref<!tpu.dma_semaphore, #tpu.memory_space<semaphore_mem>>)
        } else {
        }
        %eq3A_535 = arith.constant 1 : i32
        %eq3A_536 = arith.cmpi eq, %arg0, %eq3A_535 : i32
        %convert_element_type3A_537 = arith.extui %eq3A_536 : i1 to i32
        %cond3A_538 = arith.constant 0 : i32
        %cond3A_539 = arith.cmpi ne, %convert_element_type3A_537, %cond3A_538 : i32
        scf.if %cond3A_539 {
          %dma_start3A_540 = arith.constant 0 : i32
          %dma_start3A_541 = arith.constant 0 : i32
          %dma_start3A_542 = tpu.memref_slice %arg3[%dma_start3A_540, %dma_start3A_541] : memref<10000x128xf32, #tpu.memory_space<hbm>> -> memref<10000x128xf32, #tpu.memory_space<hbm>>
          tpu.enqueue_indirect_dma source(%dma_start3A_542 : memref<10000x128xf32, #tpu.memory_space<hbm>>) target(%arg19 : memref<50x128xf32, #tpu.memory_space<vmem>>) offsets(%arg13 : memref<50xi32, #tpu.memory_space<vmem>>) semaphore(%arg26 : memref<!tpu.dma_semaphore, #tpu.memory_space<semaphore_mem>>)
        } else {
        }
      } else {
      }
    }
    %scan3A_359 = arith.constant 66 : i32
    %dma_wait3A_360 = arith.constant 0 : i32
    %dma_wait3A_361 = arith.constant 0 : i32
    %dma_wait3A_362 = tpu.memref_slice %arg2[%dma_wait3A_360, %dma_wait3A_361] : memref<10000x128xf32, #tpu.memory_space<hbm>> -> memref<10000x128xf32, #tpu.memory_space<hbm>>
    tpu.wait_indirect_dma semaphore(%arg24 : memref<!tpu.dma_semaphore, #tpu.memory_space<semaphore_mem>>) src(%dma_wait3A_362 : memref<10000x128xf32, #tpu.memory_space<hbm>>) dst(%arg17 : memref<50x128xf32, #tpu.memory_space<vmem>>)
    %dma_start3A_363 = arith.constant 0 : i32
    %dma_start3A_364 = arith.constant 0 : i32
    %dma_start3A_365 = tpu.memref_slice %arg20[%dma_start3A_363, %dma_start3A_364] : memref<10000x128xf32, #tpu.memory_space<vmem_shared>> -> memref<10000x128xf32, #tpu.memory_space<vmem_shared>>
    tpu.enqueue_indirect_dma source(%arg17 : memref<50x128xf32, #tpu.memory_space<vmem>>) target(%dma_start3A_365 : memref<10000x128xf32, #tpu.memory_space<vmem_shared>>) offsets(%arg14 : memref<50xi32, #tpu.memory_space<vmem>>) semaphore(%arg27 : memref<!tpu.dma_semaphore, #tpu.memory_space<semaphore_mem>>) {add = true}
    %dma_wait3A_366 = arith.constant 0 : i32
    %dma_wait3A_367 = arith.constant 0 : i32
    %dma_wait3A_368 = tpu.memref_slice %arg2[%dma_wait3A_366, %dma_wait3A_367] : memref<10000x128xf32, #tpu.memory_space<hbm>> -> memref<10000x128xf32, #tpu.memory_space<hbm>>
    tpu.wait_indirect_dma semaphore(%arg25 : memref<!tpu.dma_semaphore, #tpu.memory_space<semaphore_mem>>) src(%dma_wait3A_368 : memref<10000x128xf32, #tpu.memory_space<hbm>>) dst(%arg18 : memref<50x128xf32, #tpu.memory_space<vmem>>)
    %dma_start3A_369 = arith.constant 0 : i32
    %dma_start3A_370 = arith.constant 0 : i32
    %dma_start3A_371 = tpu.memref_slice %arg20[%dma_start3A_369, %dma_start3A_370] : memref<10000x128xf32, #tpu.memory_space<vmem_shared>> -> memref<10000x128xf32, #tpu.memory_space<vmem_shared>>
    tpu.enqueue_indirect_dma source(%arg18 : memref<50x128xf32, #tpu.memory_space<vmem>>) target(%dma_start3A_371 : memref<10000x128xf32, #tpu.memory_space<vmem_shared>>) offsets(%arg15 : memref<50xi32, #tpu.memory_space<vmem>>) semaphore(%arg28 : memref<!tpu.dma_semaphore, #tpu.memory_space<semaphore_mem>>) {add = true}
    %dma_wait3A_372 = arith.constant 0 : i32
    %dma_wait3A_373 = arith.constant 0 : i32
    %dma_wait3A_374 = tpu.memref_slice %arg20[%dma_wait3A_372, %dma_wait3A_373] : memref<10000x128xf32, #tpu.memory_space<vmem_shared>> -> memref<10000x128xf32, #tpu.memory_space<vmem_shared>>
    tpu.wait_indirect_dma semaphore(%arg29 : memref<!tpu.dma_semaphore, #tpu.memory_space<semaphore_mem>>) src(%arg19 : memref<50x128xf32, #tpu.memory_space<vmem>>) dst(%dma_wait3A_374 : memref<10000x128xf32, #tpu.memory_space<vmem_shared>>)
    %dma_wait3A_375 = arith.constant 0 : i32
    %dma_wait3A_376 = arith.constant 0 : i32
    %dma_wait3A_377 = tpu.memref_slice %arg20[%dma_wait3A_375, %dma_wait3A_376] : memref<10000x128xf32, #tpu.memory_space<vmem_shared>> -> memref<10000x128xf32, #tpu.memory_space<vmem_shared>>
    tpu.wait_indirect_dma semaphore(%arg27 : memref<!tpu.dma_semaphore, #tpu.memory_space<semaphore_mem>>) src(%arg17 : memref<50x128xf32, #tpu.memory_space<vmem>>) dst(%dma_wait3A_377 : memref<10000x128xf32, #tpu.memory_space<vmem_shared>>)
    %dma_wait3A_378 = arith.constant 0 : i32
    %dma_wait3A_379 = arith.constant 0 : i32
    %dma_wait3A_380 = tpu.memref_slice %arg20[%dma_wait3A_378, %dma_wait3A_379] : memref<10000x128xf32, #tpu.memory_space<vmem_shared>> -> memref<10000x128xf32, #tpu.memory_space<vmem_shared>>
    tpu.wait_indirect_dma semaphore(%arg28 : memref<!tpu.dma_semaphore, #tpu.memory_space<semaphore_mem>>) src(%arg18 : memref<50x128xf32, #tpu.memory_space<vmem>>) dst(%dma_wait3A_380 : memref<10000x128xf32, #tpu.memory_space<vmem_shared>>)
    %barrier3A_381 = arith.constant 0 : index
    tpu.barrier barrier_id(%barrier3A_381)
    %lt3A_382 = arith.constant 10 : i32
    %lt3A_383 = arith.cmpi slt, %arg1, %lt3A_382 : i32
    %convert_element_type3A_384 = arith.extui %lt3A_383 : i1 to i32
    %cond3A_385 = arith.constant 0 : i32
    %cond3A_386 = arith.cmpi ne, %convert_element_type3A_384, %cond3A_385 : i32
    scf.if %cond3A_386 {
      %mul3A_387 = arith.constant 1000 : i32
      %mul3A_388 = arith.muli %arg1, %mul3A_387 : i32
      %eq3A_389 = arith.constant 0 : i32
      %eq3A_390 = arith.cmpi eq, %arg0, %eq3A_389 : i32
      %convert_element_type3A_391 = arith.extui %eq3A_390 : i1 to i32
      %cond3A_392 = arith.constant 0 : i32
      %cond3A_393 = arith.cmpi ne, %convert_element_type3A_391, %cond3A_392 : i32
      scf.if %cond3A_393 {
        "tpu.region"() ({
          %run_scoped3A = tpu.sem_alloc : memref<!tpu.dma_semaphore, #tpu.memory_space<semaphore_mem>>
          %dma_start3A_399 = arith.constant 0 : i32
          %dma_start3A_400 = tpu.memref_slice %arg6[%mul3A_388, %dma_start3A_399] : memref<10000x128xf32, #tpu.memory_space<hbm>> -> memref<1000x128xf32, #tpu.memory_space<hbm>>
          %dma_start3A_401 = arith.constant 0 : i32
          %dma_start3A_402 = tpu.memref_slice %arg20[%mul3A_388, %dma_start3A_401] : memref<10000x128xf32, #tpu.memory_space<vmem_shared>> -> memref<1000x128xf32, #tpu.memory_space<vmem_shared>>
          tpu.enqueue_dma source(%dma_start3A_402 : memref<1000x128xf32, #tpu.memory_space<vmem_shared>>) target(%dma_start3A_400 : memref<1000x128xf32, #tpu.memory_space<hbm>>) target_semaphore(%run_scoped3A : memref<!tpu.dma_semaphore, #tpu.memory_space<semaphore_mem>>)
          %dma_wait3A_403 = arith.constant 0 : i32
          %dma_wait3A_404 = tpu.memref_slice %arg6[%mul3A_388, %dma_wait3A_403] : memref<10000x128xf32, #tpu.memory_space<hbm>> -> memref<1000x128xf32, #tpu.memory_space<hbm>>
          %dma_wait3A_405 = arith.constant 0 : i32
          %dma_wait3A_406 = tpu.memref_slice %arg20[%mul3A_388, %dma_wait3A_405] : memref<10000x128xf32, #tpu.memory_space<vmem_shared>> -> memref<1000x128xf32, #tpu.memory_space<vmem_shared>>
          tpu.wait_dma2 semaphore(%run_scoped3A : memref<!tpu.dma_semaphore, #tpu.memory_space<semaphore_mem>>) src(%dma_wait3A_406 : memref<1000x128xf32, #tpu.memory_space<vmem_shared>>) dst(%dma_wait3A_404 : memref<1000x128xf32, #tpu.memory_space<hbm>>)
          tpu.yield
        }) : () -> ()
      } else {
      }
      %eq3A_394 = arith.constant 1 : i32
      %eq3A_395 = arith.cmpi eq, %arg0, %eq3A_394 : i32
      %convert_element_type3A_396 = arith.extui %eq3A_395 : i1 to i32
      %cond3A_397 = arith.constant 0 : i32
      %cond3A_398 = arith.cmpi ne, %convert_element_type3A_396, %cond3A_397 : i32
      scf.if %cond3A_398 {
        "tpu.region"() ({
          %run_scoped3A = tpu.sem_alloc : memref<!tpu.dma_semaphore, #tpu.memory_space<semaphore_mem>>
          %dma_start3A_399 = arith.constant 0 : i32
          %dma_start3A_400 = tpu.memref_slice %arg7[%mul3A_388, %dma_start3A_399] : memref<10000x128xf32, #tpu.memory_space<hbm>> -> memref<1000x128xf32, #tpu.memory_space<hbm>>
          %dma_start3A_401 = arith.constant 0 : i32
          %dma_start3A_402 = tpu.memref_slice %arg20[%mul3A_388, %dma_start3A_401] : memref<10000x128xf32, #tpu.memory_space<vmem_shared>> -> memref<1000x128xf32, #tpu.memory_space<vmem_shared>>
          tpu.enqueue_dma source(%dma_start3A_402 : memref<1000x128xf32, #tpu.memory_space<vmem_shared>>) target(%dma_start3A_400 : memref<1000x128xf32, #tpu.memory_space<hbm>>) target_semaphore(%run_scoped3A : memref<!tpu.dma_semaphore, #tpu.memory_space<semaphore_mem>>)
          %dma_wait3A_403 = arith.constant 0 : i32
          %dma_wait3A_404 = tpu.memref_slice %arg7[%mul3A_388, %dma_wait3A_403] : memref<10000x128xf32, #tpu.memory_space<hbm>> -> memref<1000x128xf32, #tpu.memory_space<hbm>>
          %dma_wait3A_405 = arith.constant 0 : i32
          %dma_wait3A_406 = tpu.memref_slice %arg20[%mul3A_388, %dma_wait3A_405] : memref<10000x128xf32, #tpu.memory_space<vmem_shared>> -> memref<1000x128xf32, #tpu.memory_space<vmem_shared>>
          tpu.wait_dma2 semaphore(%run_scoped3A : memref<!tpu.dma_semaphore, #tpu.memory_space<semaphore_mem>>) src(%dma_wait3A_406 : memref<1000x128xf32, #tpu.memory_space<vmem_shared>>) dst(%dma_wait3A_404 : memref<1000x128xf32, #tpu.memory_space<hbm>>)
          tpu.yield
        }) : () -> ()
      } else {
      }
    } else {
    }
    return
  }
}

#map = affine_map<(d0, d1) -> (0, 0)>
#map1 = affine_map<(d0, d1) -> (0, 0, 0)>
module attributes {stable_mosaic.version = 14 : i64} {
  func.func @body(%arg0: i32, %arg1: i32, %arg2: memref<10000x128xf32, #tpu.memory_space<hbm>>, %arg3: memref<10000x128xf32, #tpu.memory_space<hbm>>, %arg4: memref<3200x1x50xi32, #tpu.memory_space<hbm>>, %arg5: memref<1000x128xf32, #tpu.memory_space<hbm>>, %arg6: memref<10000x128xf32, #tpu.memory_space<hbm>>, %arg7: memref<10000x128xf32, #tpu.memory_space<hbm>>, %arg8: memref<1x50xi32, #tpu.memory_space<vmem>>, %arg9: memref<1x50xi32, #tpu.memory_space<vmem>>, %arg10: memref<1x50xi32, #tpu.memory_space<vmem>>, %arg11: memref<50xi32, #tpu.memory_space<vmem>>, %arg12: memref<50xi32, #tpu.memory_space<vmem>>, %arg13: memref<50xi32, #tpu.memory_space<vmem>>, %arg14: memref<50xi32, #tpu.memory_space<vmem>>, %arg15: memref<50xi32, #tpu.memory_space<vmem>>, %arg16: memref<50xi32, #tpu.memory_space<vmem>>, %arg17: memref<50x128xf32, #tpu.memory_space<vmem>>, %arg18: memref<50x128xf32, #tpu.memory_space<vmem>>, %arg19: memref<50x128xf32, #tpu.memory_space<vmem>>, %arg20: memref<10000x128xf32, #tpu.memory_space<vmem_shared>>, %arg21: memref<!tpu.dma_semaphore, #tpu.memory_space<semaphore_mem>>, %arg22: memref<!tpu.dma_semaphore, #tpu.memory_space<semaphore_mem>>, %arg23: memref<!tpu.dma_semaphore, #tpu.memory_space<semaphore_mem>>, %arg24: memref<!tpu.dma_semaphore, #tpu.memory_space<semaphore_mem>>, %arg25: memref<!tpu.dma_semaphore, #tpu.memory_space<semaphore_mem>>, %arg26: memref<!tpu.dma_semaphore, #tpu.memory_space<semaphore_mem>>, %arg27: memref<!tpu.dma_semaphore, #tpu.memory_space<semaphore_mem>>, %arg28: memref<!tpu.dma_semaphore, #tpu.memory_space<semaphore_mem>>, %arg29: memref<!tpu.dma_semaphore, #tpu.memory_space<semaphore_mem>>, %arg30: memref<!tpu.dma_semaphore, #tpu.memory_space<semaphore_mem>>) attributes {dimension_semantics = [#tpu.dimension_semantics<core_parallel>, #tpu.dimension_semantics<subcore_parallel>], iteration_bounds = array<i64: 2, 16>, scalar_prefetch = 0 : i64, scratch_operands = 23 : i64, tpu.core_type = #tpu.core_type<sc_vector_subcore>, window_params = [{transform_indices = #map}, {transform_indices = #map}, {transform_indices = #map1}, {transform_indices = #map}, {transform_indices = #map}, {transform_indices = #map}]} {
    %lt3A = arith.constant 10 : i32
    %lt3A_0 = arith.cmpi slt, %arg1, %lt3A : i32
    %convert_element_type3A = arith.extui %lt3A_0 : i1 to i32
    %cond3A = arith.constant 0 : i32
    %cond3A_1 = arith.cmpi ne, %convert_element_type3A, %cond3A : i32
    scf.if %cond3A_1 {
      %mul3A_387 = arith.constant 1000 : i32
      %mul3A_388 = arith.muli %arg1, %mul3A_387 : i32
      %dma_start3A_389 = arith.constant 0 : i32
      %dma_start3A_390 = tpu.memref_slice %arg20[%mul3A_388, %dma_start3A_389] : memref<10000x128xf32, #tpu.memory_space<vmem_shared>> -> memref<1000x128xf32, #tpu.memory_space<vmem_shared>>
      tpu.enqueue_dma source(%arg5 : memref<1000x128xf32, #tpu.memory_space<hbm>>) target(%dma_start3A_390 : memref<1000x128xf32, #tpu.memory_space<vmem_shared>>) target_semaphore(%arg30 : memref<!tpu.dma_semaphore, #tpu.memory_space<semaphore_mem>>)
    } else {
    }
    %mul3A = arith.constant 200 : i32
    %mul3A_2 = arith.muli %arg1, %mul3A : i32
    %add3A = arith.constant 0 : i32
    %add3A_3 = arith.addi %mul3A_2, %add3A : i32
    %dma_start3A = arith.constant 0 : i32
    %dma_start3A_4 = arith.constant 0 : i32
    %dma_start3A_5 = tpu.memref_slice %arg4[%add3A_3, %dma_start3A, %dma_start3A_4] : memref<3200x1x50xi32, #tpu.memory_space<hbm>> -> memref<1x1x50xi32, #tpu.memory_space<hbm>>
    %dma_start3A_6 = tpu.memref_squeeze %dma_start3A_5 : memref<1x1x50xi32, #tpu.memory_space<hbm>> -> memref<1x50xi32, #tpu.memory_space<hbm>>
    %dma_start3A_7 = arith.constant 0 : i32
    %dma_start3A_8 = arith.constant 0 : i32
    %dma_start3A_9 = tpu.memref_slice %arg4[%add3A_3, %dma_start3A_7, %dma_start3A_8] : memref<3200x1x50xi32, #tpu.memory_space<hbm>> -> memref<1x1x50xi32, #tpu.memory_space<hbm>>
    %dma_start3A_10 = tpu.memref_squeeze %dma_start3A_9 : memref<1x1x50xi32, #tpu.memory_space<hbm>> -> memref<1x50xi32, #tpu.memory_space<hbm>>
    tpu.enqueue_dma source(%dma_start3A_10 : memref<1x50xi32, #tpu.memory_space<hbm>>) target(%arg8 : memref<1x50xi32, #tpu.memory_space<vmem>>) target_semaphore(%arg21 : memref<!tpu.dma_semaphore, #tpu.memory_space<semaphore_mem>>)
    %mul3A_11 = arith.constant 200 : i32
    %mul3A_12 = arith.muli %arg1, %mul3A_11 : i32
    %add3A_13 = arith.constant 1 : i32
    %add3A_14 = arith.addi %mul3A_12, %add3A_13 : i32
    %dma_start3A_15 = arith.constant 0 : i32
    %dma_start3A_16 = arith.constant 0 : i32
    %dma_start3A_17 = tpu.memref_slice %arg4[%add3A_14, %dma_start3A_15, %dma_start3A_16] : memref<3200x1x50xi32, #tpu.memory_space<hbm>> -> memref<1x1x50xi32, #tpu.memory_space<hbm>>
    %dma_start3A_18 = tpu.memref_squeeze %dma_start3A_17 : memref<1x1x50xi32, #tpu.memory_space<hbm>> -> memref<1x50xi32, #tpu.memory_space<hbm>>
    %dma_start3A_19 = arith.constant 0 : i32
    %dma_start3A_20 = arith.constant 0 : i32
    %dma_start3A_21 = tpu.memref_slice %arg4[%add3A_14, %dma_start3A_19, %dma_start3A_20] : memref<3200x1x50xi32, #tpu.memory_space<hbm>> -> memref<1x1x50xi32, #tpu.memory_space<hbm>>
    %dma_start3A_22 = tpu.memref_squeeze %dma_start3A_21 : memref<1x1x50xi32, #tpu.memory_space<hbm>> -> memref<1x50xi32, #tpu.memory_space<hbm>>
    tpu.enqueue_dma source(%dma_start3A_22 : memref<1x50xi32, #tpu.memory_space<hbm>>) target(%arg9 : memref<1x50xi32, #tpu.memory_space<vmem>>) target_semaphore(%arg22 : memref<!tpu.dma_semaphore, #tpu.memory_space<semaphore_mem>>)
    %mul3A_23 = arith.constant 200 : i32
    %mul3A_24 = arith.muli %arg1, %mul3A_23 : i32
    %add3A_25 = arith.constant 2 : i32
    %add3A_26 = arith.addi %mul3A_24, %add3A_25 : i32
    %dma_start3A_27 = arith.constant 0 : i32
    %dma_start3A_28 = arith.constant 0 : i32
    %dma_start3A_29 = tpu.memref_slice %arg4[%add3A_26, %dma_start3A_27, %dma_start3A_28] : memref<3200x1x50xi32, #tpu.memory_space<hbm>> -> memref<1x1x50xi32, #tpu.memory_space<hbm>>
    %dma_start3A_30 = tpu.memref_squeeze %dma_start3A_29 : memref<1x1x50xi32, #tpu.memory_space<hbm>> -> memref<1x50xi32, #tpu.memory_space<hbm>>
    %dma_start3A_31 = arith.constant 0 : i32
    %dma_start3A_32 = arith.constant 0 : i32
    %dma_start3A_33 = tpu.memref_slice %arg4[%add3A_26, %dma_start3A_31, %dma_start3A_32] : memref<3200x1x50xi32, #tpu.memory_space<hbm>> -> memref<1x1x50xi32, #tpu.memory_space<hbm>>
    %dma_start3A_34 = tpu.memref_squeeze %dma_start3A_33 : memref<1x1x50xi32, #tpu.memory_space<hbm>> -> memref<1x50xi32, #tpu.memory_space<hbm>>
    tpu.enqueue_dma source(%dma_start3A_34 : memref<1x50xi32, #tpu.memory_space<hbm>>) target(%arg10 : memref<1x50xi32, #tpu.memory_space<vmem>>) target_semaphore(%arg23 : memref<!tpu.dma_semaphore, #tpu.memory_space<semaphore_mem>>)
    %dma_wait3A = arith.constant 0 : i32
    %dma_wait3A_35 = arith.constant 0 : i32
    %dma_wait3A_36 = arith.constant 0 : i32
    %dma_wait3A_37 = tpu.memref_slice %arg4[%dma_wait3A, %dma_wait3A_35, %dma_wait3A_36] : memref<3200x1x50xi32, #tpu.memory_space<hbm>> -> memref<1x1x50xi32, #tpu.memory_space<hbm>>
    %dma_wait3A_38 = tpu.memref_squeeze %dma_wait3A_37 : memref<1x1x50xi32, #tpu.memory_space<hbm>> -> memref<1x50xi32, #tpu.memory_space<hbm>>
    %dma_wait3A_39 = arith.constant 0 : i32
    %dma_wait3A_40 = arith.constant 0 : i32
    %dma_wait3A_41 = tpu.memref_slice %arg4[%dma_wait3A, %dma_wait3A_39, %dma_wait3A_40] : memref<3200x1x50xi32, #tpu.memory_space<hbm>> -> memref<1x1x50xi32, #tpu.memory_space<hbm>>
    %dma_wait3A_42 = tpu.memref_squeeze %dma_wait3A_41 : memref<1x1x50xi32, #tpu.memory_space<hbm>> -> memref<1x50xi32, #tpu.memory_space<hbm>>
    tpu.wait_dma2 semaphore(%arg21 : memref<!tpu.dma_semaphore, #tpu.memory_space<semaphore_mem>>) src(%dma_wait3A_42 : memref<1x50xi32, #tpu.memory_space<hbm>>) dst(%arg8 : memref<1x50xi32, #tpu.memory_space<vmem>>)
    %get3A = arith.constant 0 : i32
    %get3A_43 = arith.index_cast %get3A : i32 to index
    %get3A_44 = arith.constant 0 : index
    %get3A_45 = tpu.vector_load %arg8[%get3A_43, %get3A_44] {strides = array<i32>} : memref<1x50xi32, #tpu.memory_space<vmem>>, vector<1x16xi32>,
    %get3A_46 = vector.shape_cast %get3A_45 : vector<1x16xi32> to vector<16xi32>
    %and3A = arith.constant 65535 : i32
    %and3A_47 = vector.broadcast %and3A : i32 to vector<16xi32>
    %and3A_48 = arith.andi %get3A_46, %and3A_47 : vector<16xi32>
    %swap3A = arith.constant 0 : index
    %swap3A_49 = tpu.vector_load %arg11[%swap3A] {strides = array<i32>} : memref<50xi32, #tpu.memory_space<vmem>>, vector<16xi32>,
    %swap3A_50 = vector.shape_cast %swap3A_49 : vector<16xi32> to vector<16xi32>
    %swap3A_51 = vector.shape_cast %and3A_48 : vector<16xi32> to vector<16xi32>
    tpu.vector_store %arg11[%swap3A], %swap3A_51 {strides = array<i32>} : memref<50xi32, #tpu.memory_space<vmem>>, vector<16xi32>,
    %shift_right_logical3A = arith.constant 16 : i32
    %shift_right_logical3A_52 = vector.broadcast %shift_right_logical3A : i32 to vector<16xi32>
    %shift_right_logical3A_53 = arith.shrui %get3A_46, %shift_right_logical3A_52 : vector<16xi32>
    %swap3A_54 = arith.constant 0 : index
    %swap3A_55 = tpu.vector_load %arg14[%swap3A_54] {strides = array<i32>} : memref<50xi32, #tpu.memory_space<vmem>>, vector<16xi32>,
    %swap3A_56 = vector.shape_cast %swap3A_55 : vector<16xi32> to vector<16xi32>
    %swap3A_57 = vector.shape_cast %shift_right_logical3A_53 : vector<16xi32> to vector<16xi32>
    tpu.vector_store %arg14[%swap3A_54], %swap3A_57 {strides = array<i32>} : memref<50xi32, #tpu.memory_space<vmem>>, vector<16xi32>,
    %get3A_58 = arith.constant 0 : i32
    %get3A_59 = arith.index_cast %get3A_58 : i32 to index
    %get3A_60 = arith.constant 16 : index
    %get3A_61 = tpu.vector_load %arg8[%get3A_59, %get3A_60] {strides = array<i32>} : memref<1x50xi32, #tpu.memory_space<vmem>>, vector<1x16xi32>,
    %get3A_62 = vector.shape_cast %get3A_61 : vector<1x16xi32> to vector<16xi32>
    %and3A_63 = arith.constant 65535 : i32
    %and3A_64 = vector.broadcast %and3A_63 : i32 to vector<16xi32>
    %and3A_65 = arith.andi %get3A_62, %and3A_64 : vector<16xi32>
    %swap3A_66 = arith.constant 16 : index
    %swap3A_67 = tpu.vector_load %arg11[%swap3A_66] {strides = array<i32>} : memref<50xi32, #tpu.memory_space<vmem>>, vector<16xi32>,
    %swap3A_68 = vector.shape_cast %swap3A_67 : vector<16xi32> to vector<16xi32>
    %swap3A_69 = vector.shape_cast %and3A_65 : vector<16xi32> to vector<16xi32>
    tpu.vector_store %arg11[%swap3A_66], %swap3A_69 {strides = array<i32>} : memref<50xi32, #tpu.memory_space<vmem>>, vector<16xi32>,
    %shift_right_logical3A_70 = arith.constant 16 : i32
    %shift_right_logical3A_71 = vector.broadcast %shift_right_logical3A_70 : i32 to vector<16xi32>
    %shift_right_logical3A_72 = arith.shrui %get3A_62, %shift_right_logical3A_71 : vector<16xi32>
    %swap3A_73 = arith.constant 16 : index
    %swap3A_74 = tpu.vector_load %arg14[%swap3A_73] {strides = array<i32>} : memref<50xi32, #tpu.memory_space<vmem>>, vector<16xi32>,
    %swap3A_75 = vector.shape_cast %swap3A_74 : vector<16xi32> to vector<16xi32>
    %swap3A_76 = vector.shape_cast %shift_right_logical3A_72 : vector<16xi32> to vector<16xi32>
    tpu.vector_store %arg14[%swap3A_73], %swap3A_76 {strides = array<i32>} : memref<50xi32, #tpu.memory_space<vmem>>, vector<16xi32>,
    %get3A_77 = arith.constant 0 : i32
    %get3A_78 = arith.index_cast %get3A_77 : i32 to index
    %get3A_79 = arith.constant 32 : index
    %get3A_80 = tpu.vector_load %arg8[%get3A_78, %get3A_79] {strides = array<i32>} : memref<1x50xi32, #tpu.memory_space<vmem>>, vector<1x16xi32>,
    %get3A_81 = vector.shape_cast %get3A_80 : vector<1x16xi32> to vector<16xi32>
    %and3A_82 = arith.constant 65535 : i32
    %and3A_83 = vector.broadcast %and3A_82 : i32 to vector<16xi32>
    %and3A_84 = arith.andi %get3A_81, %and3A_83 : vector<16xi32>
    %swap3A_85 = arith.constant 32 : index
    %swap3A_86 = tpu.vector_load %arg11[%swap3A_85] {strides = array<i32>} : memref<50xi32, #tpu.memory_space<vmem>>, vector<16xi32>,
    %swap3A_87 = vector.shape_cast %swap3A_86 : vector<16xi32> to vector<16xi32>
    %swap3A_88 = vector.shape_cast %and3A_84 : vector<16xi32> to vector<16xi32>
    tpu.vector_store %arg11[%swap3A_85], %swap3A_88 {strides = array<i32>} : memref<50xi32, #tpu.memory_space<vmem>>, vector<16xi32>,
    %shift_right_logical3A_89 = arith.constant 16 : i32
    %shift_right_logical3A_90 = vector.broadcast %shift_right_logical3A_89 : i32 to vector<16xi32>
    %shift_right_logical3A_91 = arith.shrui %get3A_81, %shift_right_logical3A_90 : vector<16xi32>
    %swap3A_92 = arith.constant 32 : index
    %swap3A_93 = tpu.vector_load %arg14[%swap3A_92] {strides = array<i32>} : memref<50xi32, #tpu.memory_space<vmem>>, vector<16xi32>,
    %swap3A_94 = vector.shape_cast %swap3A_93 : vector<16xi32> to vector<16xi32>
    %swap3A_95 = vector.shape_cast %shift_right_logical3A_91 : vector<16xi32> to vector<16xi32>
    tpu.vector_store %arg14[%swap3A_92], %swap3A_95 {strides = array<i32>} : memref<50xi32, #tpu.memory_space<vmem>>, vector<16xi32>,
    %get3A_96 = arith.constant 0 : i32
    %get3A_97 = arith.index_cast %get3A_96 : i32 to index
    %get3A_98 = arith.constant 34 : index
    %get3A_99 = tpu.vector_load %arg8[%get3A_97, %get3A_98] {strides = array<i32>} : memref<1x50xi32, #tpu.memory_space<vmem>>, vector<1x16xi32>,
    %get3A_100 = vector.shape_cast %get3A_99 : vector<1x16xi32> to vector<16xi32>
    %and3A_101 = arith.constant 65535 : i32
    %and3A_102 = vector.broadcast %and3A_101 : i32 to vector<16xi32>
    %and3A_103 = arith.andi %get3A_100, %and3A_102 : vector<16xi32>
    %swap3A_104 = arith.constant 34 : index
    %swap3A_105 = tpu.vector_load %arg11[%swap3A_104] {strides = array<i32>} : memref<50xi32, #tpu.memory_space<vmem>>, vector<16xi32>,
    %swap3A_106 = vector.shape_cast %swap3A_105 : vector<16xi32> to vector<16xi32>
    %swap3A_107 = vector.shape_cast %and3A_103 : vector<16xi32> to vector<16xi32>
    tpu.vector_store %arg11[%swap3A_104], %swap3A_107 {strides = array<i32>} : memref<50xi32, #tpu.memory_space<vmem>>, vector<16xi32>,
    %shift_right_logical3A_108 = arith.constant 16 : i32
    %shift_right_logical3A_109 = vector.broadcast %shift_right_logical3A_108 : i32 to vector<16xi32>
    %shift_right_logical3A_110 = arith.shrui %get3A_100, %shift_right_logical3A_109 : vector<16xi32>
    %swap3A_111 = arith.constant 34 : index
    %swap3A_112 = tpu.vector_load %arg14[%swap3A_111] {strides = array<i32>} : memref<50xi32, #tpu.memory_space<vmem>>, vector<16xi32>,
    %swap3A_113 = vector.shape_cast %swap3A_112 : vector<16xi32> to vector<16xi32>
    %swap3A_114 = vector.shape_cast %shift_right_logical3A_110 : vector<16xi32> to vector<16xi32>
    tpu.vector_store %arg14[%swap3A_111], %swap3A_114 {strides = array<i32>} : memref<50xi32, #tpu.memory_space<vmem>>, vector<16xi32>,
    %mul3A_115 = arith.constant 200 : i32
    %mul3A_116 = arith.muli %arg1, %mul3A_115 : i32
    %add3A_117 = arith.constant 3 : i32
    %add3A_118 = arith.addi %mul3A_116, %add3A_117 : i32
    %dma_start3A_119 = arith.constant 0 : i32
    %dma_start3A_120 = arith.constant 0 : i32
    %dma_start3A_121 = tpu.memref_slice %arg4[%add3A_118, %dma_start3A_119, %dma_start3A_120] : memref<3200x1x50xi32, #tpu.memory_space<hbm>> -> memref<1x1x50xi32, #tpu.memory_space<hbm>>
    %dma_start3A_122 = tpu.memref_squeeze %dma_start3A_121 : memref<1x1x50xi32, #tpu.memory_space<hbm>> -> memref<1x50xi32, #tpu.memory_space<hbm>>
    %dma_start3A_123 = arith.constant 0 : i32
    %dma_start3A_124 = arith.constant 0 : i32
    %dma_start3A_125 = tpu.memref_slice %arg4[%add3A_118, %dma_start3A_123, %dma_start3A_124] : memref<3200x1x50xi32, #tpu.memory_space<hbm>> -> memref<1x1x50xi32, #tpu.memory_space<hbm>>
    %dma_start3A_126 = tpu.memref_squeeze %dma_start3A_125 : memref<1x1x50xi32, #tpu.memory_space<hbm>> -> memref<1x50xi32, #tpu.memory_space<hbm>>
    tpu.enqueue_dma source(%dma_start3A_126 : memref<1x50xi32, #tpu.memory_space<hbm>>) target(%arg8 : memref<1x50xi32, #tpu.memory_space<vmem>>) target_semaphore(%arg21 : memref<!tpu.dma_semaphore, #tpu.memory_space<semaphore_mem>>)
    %eq3A = arith.constant 0 : i32
    %eq3A_127 = arith.cmpi eq, %arg0, %eq3A : i32
    %convert_element_type3A_128 = arith.extui %eq3A_127 : i1 to i32
    %cond3A_129 = arith.constant 0 : i32
    %cond3A_130 = arith.cmpi ne, %convert_element_type3A_128, %cond3A_129 : i32
    scf.if %cond3A_130 {
      %dma_start3A_387 = arith.constant 0 : i32
      %dma_start3A_388 = arith.constant 0 : i32
      %dma_start3A_389 = tpu.memref_slice %arg2[%dma_start3A_387, %dma_start3A_388] : memref<10000x128xf32, #tpu.memory_space<hbm>> -> memref<10000x128xf32, #tpu.memory_space<hbm>>
      tpu.enqueue_indirect_dma source(%dma_start3A_389 : memref<10000x128xf32, #tpu.memory_space<hbm>>) target(%arg17 : memref<50x128xf32, #tpu.memory_space<vmem>>) offsets(%arg11 : memref<50xi32, #tpu.memory_space<vmem>>) semaphore(%arg24 : memref<!tpu.dma_semaphore, #tpu.memory_space<semaphore_mem>>)
    } else {
    }
    %eq3A_131 = arith.constant 1 : i32
    %eq3A_132 = arith.cmpi eq, %arg0, %eq3A_131 : i32
    %convert_element_type3A_133 = arith.extui %eq3A_132 : i1 to i32
    %cond3A_134 = arith.constant 0 : i32
    %cond3A_135 = arith.cmpi ne, %convert_element_type3A_133, %cond3A_134 : i32
    scf.if %cond3A_135 {
      %dma_start3A_387 = arith.constant 0 : i32
      %dma_start3A_388 = arith.constant 0 : i32
      %dma_start3A_389 = tpu.memref_slice %arg3[%dma_start3A_387, %dma_start3A_388] : memref<10000x128xf32, #tpu.memory_space<hbm>> -> memref<10000x128xf32, #tpu.memory_space<hbm>>
      tpu.enqueue_indirect_dma source(%dma_start3A_389 : memref<10000x128xf32, #tpu.memory_space<hbm>>) target(%arg17 : memref<50x128xf32, #tpu.memory_space<vmem>>) offsets(%arg11 : memref<50xi32, #tpu.memory_space<vmem>>) semaphore(%arg24 : memref<!tpu.dma_semaphore, #tpu.memory_space<semaphore_mem>>)
    } else {
    }
    %dma_wait3A_136 = arith.constant 0 : i32
    %dma_wait3A_137 = arith.constant 0 : i32
    %dma_wait3A_138 = arith.constant 0 : i32
    %dma_wait3A_139 = tpu.memref_slice %arg4[%dma_wait3A_136, %dma_wait3A_137, %dma_wait3A_138] : memref<3200x1x50xi32, #tpu.memory_space<hbm>> -> memref<1x1x50xi32, #tpu.memory_space<hbm>>
    %dma_wait3A_140 = tpu.memref_squeeze %dma_wait3A_139 : memref<1x1x50xi32, #tpu.memory_space<hbm>> -> memref<1x50xi32, #tpu.memory_space<hbm>>
    %dma_wait3A_141 = arith.constant 0 : i32
    %dma_wait3A_142 = arith.constant 0 : i32
    %dma_wait3A_143 = tpu.memref_slice %arg4[%dma_wait3A_136, %dma_wait3A_141, %dma_wait3A_142] : memref<3200x1x50xi32, #tpu.memory_space<hbm>> -> memref<1x1x50xi32, #tpu.memory_space<hbm>>
    %dma_wait3A_144 = tpu.memref_squeeze %dma_wait3A_143 : memref<1x1x50xi32, #tpu.memory_space<hbm>> -> memref<1x50xi32, #tpu.memory_space<hbm>>
    tpu.wait_dma2 semaphore(%arg22 : memref<!tpu.dma_semaphore, #tpu.memory_space<semaphore_mem>>) src(%dma_wait3A_144 : memref<1x50xi32, #tpu.memory_space<hbm>>) dst(%arg9 : memref<1x50xi32, #tpu.memory_space<vmem>>)
    %get3A_145 = arith.constant 0 : i32
    %get3A_146 = arith.index_cast %get3A_145 : i32 to index
    %get3A_147 = arith.constant 0 : index
    %get3A_148 = tpu.vector_load %arg9[%get3A_146, %get3A_147] {strides = array<i32>} : memref<1x50xi32, #tpu.memory_space<vmem>>, vector<1x16xi32>,
    %get3A_149 = vector.shape_cast %get3A_148 : vector<1x16xi32> to vector<16xi32>
    %and3A_150 = arith.constant 65535 : i32
    %and3A_151 = vector.broadcast %and3A_150 : i32 to vector<16xi32>
    %and3A_152 = arith.andi %get3A_149, %and3A_151 : vector<16xi32>
    %swap3A_153 = arith.constant 0 : index
    %swap3A_154 = tpu.vector_load %arg12[%swap3A_153] {strides = array<i32>} : memref<50xi32, #tpu.memory_space<vmem>>, vector<16xi32>,
    %swap3A_155 = vector.shape_cast %swap3A_154 : vector<16xi32> to vector<16xi32>
    %swap3A_156 = vector.shape_cast %and3A_152 : vector<16xi32> to vector<16xi32>
    tpu.vector_store %arg12[%swap3A_153], %swap3A_156 {strides = array<i32>} : memref<50xi32, #tpu.memory_space<vmem>>, vector<16xi32>,
    %shift_right_logical3A_157 = arith.constant 16 : i32
    %shift_right_logical3A_158 = vector.broadcast %shift_right_logical3A_157 : i32 to vector<16xi32>
    %shift_right_logical3A_159 = arith.shrui %get3A_149, %shift_right_logical3A_158 : vector<16xi32>
    %swap3A_160 = arith.constant 0 : index
    %swap3A_161 = tpu.vector_load %arg15[%swap3A_160] {strides = array<i32>} : memref<50xi32, #tpu.memory_space<vmem>>, vector<16xi32>,
    %swap3A_162 = vector.shape_cast %swap3A_161 : vector<16xi32> to vector<16xi32>
    %swap3A_163 = vector.shape_cast %shift_right_logical3A_159 : vector<16xi32> to vector<16xi32>
    tpu.vector_store %arg15[%swap3A_160], %swap3A_163 {strides = array<i32>} : memref<50xi32, #tpu.memory_space<vmem>>, vector<16xi32>,
    %get3A_164 = arith.constant 0 : i32
    %get3A_165 = arith.index_cast %get3A_164 : i32 to index
    %get3A_166 = arith.constant 16 : index
    %get3A_167 = tpu.vector_load %arg9[%get3A_165, %get3A_166] {strides = array<i32>} : memref<1x50xi32, #tpu.memory_space<vmem>>, vector<1x16xi32>,
    %get3A_168 = vector.shape_cast %get3A_167 : vector<1x16xi32> to vector<16xi32>
    %and3A_169 = arith.constant 65535 : i32
    %and3A_170 = vector.broadcast %and3A_169 : i32 to vector<16xi32>
    %and3A_171 = arith.andi %get3A_168, %and3A_170 : vector<16xi32>
    %swap3A_172 = arith.constant 16 : index
    %swap3A_173 = tpu.vector_load %arg12[%swap3A_172] {strides = array<i32>} : memref<50xi32, #tpu.memory_space<vmem>>, vector<16xi32>,
    %swap3A_174 = vector.shape_cast %swap3A_173 : vector<16xi32> to vector<16xi32>
    %swap3A_175 = vector.shape_cast %and3A_171 : vector<16xi32> to vector<16xi32>
    tpu.vector_store %arg12[%swap3A_172], %swap3A_175 {strides = array<i32>} : memref<50xi32, #tpu.memory_space<vmem>>, vector<16xi32>,
    %shift_right_logical3A_176 = arith.constant 16 : i32
    %shift_right_logical3A_177 = vector.broadcast %shift_right_logical3A_176 : i32 to vector<16xi32>
    %shift_right_logical3A_178 = arith.shrui %get3A_168, %shift_right_logical3A_177 : vector<16xi32>
    %swap3A_179 = arith.constant 16 : index
    %swap3A_180 = tpu.vector_load %arg15[%swap3A_179] {strides = array<i32>} : memref<50xi32, #tpu.memory_space<vmem>>, vector<16xi32>,
    %swap3A_181 = vector.shape_cast %swap3A_180 : vector<16xi32> to vector<16xi32>
    %swap3A_182 = vector.shape_cast %shift_right_logical3A_178 : vector<16xi32> to vector<16xi32>
    tpu.vector_store %arg15[%swap3A_179], %swap3A_182 {strides = array<i32>} : memref<50xi32, #tpu.memory_space<vmem>>, vector<16xi32>,
    %get3A_183 = arith.constant 0 : i32
    %get3A_184 = arith.index_cast %get3A_183 : i32 to index
    %get3A_185 = arith.constant 32 : index
    %get3A_186 = tpu.vector_load %arg9[%get3A_184, %get3A_185] {strides = array<i32>} : memref<1x50xi32, #tpu.memory_space<vmem>>, vector<1x16xi32>,
    %get3A_187 = vector.shape_cast %get3A_186 : vector<1x16xi32> to vector<16xi32>
    %and3A_188 = arith.constant 65535 : i32
    %and3A_189 = vector.broadcast %and3A_188 : i32 to vector<16xi32>
    %and3A_190 = arith.andi %get3A_187, %and3A_189 : vector<16xi32>
    %swap3A_191 = arith.constant 32 : index
    %swap3A_192 = tpu.vector_load %arg12[%swap3A_191] {strides = array<i32>} : memref<50xi32, #tpu.memory_space<vmem>>, vector<16xi32>,
    %swap3A_193 = vector.shape_cast %swap3A_192 : vector<16xi32> to vector<16xi32>
    %swap3A_194 = vector.shape_cast %and3A_190 : vector<16xi32> to vector<16xi32>
    tpu.vector_store %arg12[%swap3A_191], %swap3A_194 {strides = array<i32>} : memref<50xi32, #tpu.memory_space<vmem>>, vector<16xi32>,
    %shift_right_logical3A_195 = arith.constant 16 : i32
    %shift_right_logical3A_196 = vector.broadcast %shift_right_logical3A_195 : i32 to vector<16xi32>
    %shift_right_logical3A_197 = arith.shrui %get3A_187, %shift_right_logical3A_196 : vector<16xi32>
    %swap3A_198 = arith.constant 32 : index
    %swap3A_199 = tpu.vector_load %arg15[%swap3A_198] {strides = array<i32>} : memref<50xi32, #tpu.memory_space<vmem>>, vector<16xi32>,
    %swap3A_200 = vector.shape_cast %swap3A_199 : vector<16xi32> to vector<16xi32>
    %swap3A_201 = vector.shape_cast %shift_right_logical3A_197 : vector<16xi32> to vector<16xi32>
    tpu.vector_store %arg15[%swap3A_198], %swap3A_201 {strides = array<i32>} : memref<50xi32, #tpu.memory_space<vmem>>, vector<16xi32>,
    %get3A_202 = arith.constant 0 : i32
    %get3A_203 = arith.index_cast %get3A_202 : i32 to index
    %get3A_204 = arith.constant 34 : index
    %get3A_205 = tpu.vector_load %arg9[%get3A_203, %get3A_204] {strides = array<i32>} : memref<1x50xi32, #tpu.memory_space<vmem>>, vector<1x16xi32>,
    %get3A_206 = vector.shape_cast %get3A_205 : vector<1x16xi32> to vector<16xi32>
    %and3A_207 = arith.constant 65535 : i32
    %and3A_208 = vector.broadcast %and3A_207 : i32 to vector<16xi32>
    %and3A_209 = arith.andi %get3A_206, %and3A_208 : vector<16xi32>
    %swap3A_210 = arith.constant 34 : index
    %swap3A_211 = tpu.vector_load %arg12[%swap3A_210] {strides = array<i32>} : memref<50xi32, #tpu.memory_space<vmem>>, vector<16xi32>,
    %swap3A_212 = vector.shape_cast %swap3A_211 : vector<16xi32> to vector<16xi32>
    %swap3A_213 = vector.shape_cast %and3A_209 : vector<16xi32> to vector<16xi32>
    tpu.vector_store %arg12[%swap3A_210], %swap3A_213 {strides = array<i32>} : memref<50xi32, #tpu.memory_space<vmem>>, vector<16xi32>,
    %shift_right_logical3A_214 = arith.constant 16 : i32
    %shift_right_logical3A_215 = vector.broadcast %shift_right_logical3A_214 : i32 to vector<16xi32>
    %shift_right_logical3A_216 = arith.shrui %get3A_206, %shift_right_logical3A_215 : vector<16xi32>
    %swap3A_217 = arith.constant 34 : index
    %swap3A_218 = tpu.vector_load %arg15[%swap3A_217] {strides = array<i32>} : memref<50xi32, #tpu.memory_space<vmem>>, vector<16xi32>,
    %swap3A_219 = vector.shape_cast %swap3A_218 : vector<16xi32> to vector<16xi32>
    %swap3A_220 = vector.shape_cast %shift_right_logical3A_216 : vector<16xi32> to vector<16xi32>
    tpu.vector_store %arg15[%swap3A_217], %swap3A_220 {strides = array<i32>} : memref<50xi32, #tpu.memory_space<vmem>>, vector<16xi32>,
    %mul3A_221 = arith.constant 200 : i32
    %mul3A_222 = arith.muli %arg1, %mul3A_221 : i32
    %add3A_223 = arith.constant 4 : i32
    %add3A_224 = arith.addi %mul3A_222, %add3A_223 : i32
    %dma_start3A_225 = arith.constant 0 : i32
    %dma_start3A_226 = arith.constant 0 : i32
    %dma_start3A_227 = tpu.memref_slice %arg4[%add3A_224, %dma_start3A_225, %dma_start3A_226] : memref<3200x1x50xi32, #tpu.memory_space<hbm>> -> memref<1x1x50xi32, #tpu.memory_space<hbm>>
    %dma_start3A_228 = tpu.memref_squeeze %dma_start3A_227 : memref<1x1x50xi32, #tpu.memory_space<hbm>> -> memref<1x50xi32, #tpu.memory_space<hbm>>
    %dma_start3A_229 = arith.constant 0 : i32
    %dma_start3A_230 = arith.constant 0 : i32
    %dma_start3A_231 = tpu.memref_slice %arg4[%add3A_224, %dma_start3A_229, %dma_start3A_230] : memref<3200x1x50xi32, #tpu.memory_space<hbm>> -> memref<1x1x50xi32, #tpu.memory_space<hbm>>
    %dma_start3A_232 = tpu.memref_squeeze %dma_start3A_231 : memref<1x1x50xi32, #tpu.memory_space<hbm>> -> memref<1x50xi32, #tpu.memory_space<hbm>>
    tpu.enqueue_dma source(%dma_start3A_232 : memref<1x50xi32, #tpu.memory_space<hbm>>) target(%arg9 : memref<1x50xi32, #tpu.memory_space<vmem>>) target_semaphore(%arg22 : memref<!tpu.dma_semaphore, #tpu.memory_space<semaphore_mem>>)
    %eq3A_233 = arith.constant 0 : i32
    %eq3A_234 = arith.cmpi eq, %arg0, %eq3A_233 : i32
    %convert_element_type3A_235 = arith.extui %eq3A_234 : i1 to i32
    %cond3A_236 = arith.constant 0 : i32
    %cond3A_237 = arith.cmpi ne, %convert_element_type3A_235, %cond3A_236 : i32
    scf.if %cond3A_237 {
      %dma_start3A_387 = arith.constant 0 : i32
      %dma_start3A_388 = arith.constant 0 : i32
      %dma_start3A_389 = tpu.memref_slice %arg2[%dma_start3A_387, %dma_start3A_388] : memref<10000x128xf32, #tpu.memory_space<hbm>> -> memref<10000x128xf32, #tpu.memory_space<hbm>>
      tpu.enqueue_indirect_dma source(%dma_start3A_389 : memref<10000x128xf32, #tpu.memory_space<hbm>>) target(%arg18 : memref<50x128xf32, #tpu.memory_space<vmem>>) offsets(%arg12 : memref<50xi32, #tpu.memory_space<vmem>>) semaphore(%arg25 : memref<!tpu.dma_semaphore, #tpu.memory_space<semaphore_mem>>)
    } else {
    }
    %eq3A_238 = arith.constant 1 : i32
    %eq3A_239 = arith.cmpi eq, %arg0, %eq3A_238 : i32
    %convert_element_type3A_240 = arith.extui %eq3A_239 : i1 to i32
    %cond3A_241 = arith.constant 0 : i32
    %cond3A_242 = arith.cmpi ne, %convert_element_type3A_240, %cond3A_241 : i32
    scf.if %cond3A_242 {
      %dma_start3A_387 = arith.constant 0 : i32
      %dma_start3A_388 = arith.constant 0 : i32
      %dma_start3A_389 = tpu.memref_slice %arg3[%dma_start3A_387, %dma_start3A_388] : memref<10000x128xf32, #tpu.memory_space<hbm>> -> memref<10000x128xf32, #tpu.memory_space<hbm>>
      tpu.enqueue_indirect_dma source(%dma_start3A_389 : memref<10000x128xf32, #tpu.memory_space<hbm>>) target(%arg18 : memref<50x128xf32, #tpu.memory_space<vmem>>) offsets(%arg12 : memref<50xi32, #tpu.memory_space<vmem>>) semaphore(%arg25 : memref<!tpu.dma_semaphore, #tpu.memory_space<semaphore_mem>>)
    } else {
    }
    %dma_wait3A_243 = arith.constant 0 : i32
    %dma_wait3A_244 = arith.constant 0 : i32
    %dma_wait3A_245 = arith.constant 0 : i32
    %dma_wait3A_246 = tpu.memref_slice %arg4[%dma_wait3A_243, %dma_wait3A_244, %dma_wait3A_245] : memref<3200x1x50xi32, #tpu.memory_space<hbm>> -> memref<1x1x50xi32, #tpu.memory_space<hbm>>
    %dma_wait3A_247 = tpu.memref_squeeze %dma_wait3A_246 : memref<1x1x50xi32, #tpu.memory_space<hbm>> -> memref<1x50xi32, #tpu.memory_space<hbm>>
    %dma_wait3A_248 = arith.constant 0 : i32
    %dma_wait3A_249 = arith.constant 0 : i32
    %dma_wait3A_250 = tpu.memref_slice %arg4[%dma_wait3A_243, %dma_wait3A_248, %dma_wait3A_249] : memref<3200x1x50xi32, #tpu.memory_space<hbm>> -> memref<1x1x50xi32, #tpu.memory_space<hbm>>
    %dma_wait3A_251 = tpu.memref_squeeze %dma_wait3A_250 : memref<1x1x50xi32, #tpu.memory_space<hbm>> -> memref<1x50xi32, #tpu.memory_space<hbm>>
    tpu.wait_dma2 semaphore(%arg23 : memref<!tpu.dma_semaphore, #tpu.memory_space<semaphore_mem>>) src(%dma_wait3A_251 : memref<1x50xi32, #tpu.memory_space<hbm>>) dst(%arg10 : memref<1x50xi32, #tpu.memory_space<vmem>>)
    %get3A_252 = arith.constant 0 : i32
    %get3A_253 = arith.index_cast %get3A_252 : i32 to index
    %get3A_254 = arith.constant 0 : index
    %get3A_255 = tpu.vector_load %arg10[%get3A_253, %get3A_254] {strides = array<i32>} : memref<1x50xi32, #tpu.memory_space<vmem>>, vector<1x16xi32>,
    %get3A_256 = vector.shape_cast %get3A_255 : vector<1x16xi32> to vector<16xi32>
    %and3A_257 = arith.constant 65535 : i32
    %and3A_258 = vector.broadcast %and3A_257 : i32 to vector<16xi32>
    %and3A_259 = arith.andi %get3A_256, %and3A_258 : vector<16xi32>
    %swap3A_260 = arith.constant 0 : index
    %swap3A_261 = tpu.vector_load %arg13[%swap3A_260] {strides = array<i32>} : memref<50xi32, #tpu.memory_space<vmem>>, vector<16xi32>,
    %swap3A_262 = vector.shape_cast %swap3A_261 : vector<16xi32> to vector<16xi32>
    %swap3A_263 = vector.shape_cast %and3A_259 : vector<16xi32> to vector<16xi32>
    tpu.vector_store %arg13[%swap3A_260], %swap3A_263 {strides = array<i32>} : memref<50xi32, #tpu.memory_space<vmem>>, vector<16xi32>,
    %shift_right_logical3A_264 = arith.constant 16 : i32
    %shift_right_logical3A_265 = vector.broadcast %shift_right_logical3A_264 : i32 to vector<16xi32>
    %shift_right_logical3A_266 = arith.shrui %get3A_256, %shift_right_logical3A_265 : vector<16xi32>
    %swap3A_267 = arith.constant 0 : index
    %swap3A_268 = tpu.vector_load %arg16[%swap3A_267] {strides = array<i32>} : memref<50xi32, #tpu.memory_space<vmem>>, vector<16xi32>,
    %swap3A_269 = vector.shape_cast %swap3A_268 : vector<16xi32> to vector<16xi32>
    %swap3A_270 = vector.shape_cast %shift_right_logical3A_266 : vector<16xi32> to vector<16xi32>
    tpu.vector_store %arg16[%swap3A_267], %swap3A_270 {strides = array<i32>} : memref<50xi32, #tpu.memory_space<vmem>>, vector<16xi32>,
    %get3A_271 = arith.constant 0 : i32
    %get3A_272 = arith.index_cast %get3A_271 : i32 to index
    %get3A_273 = arith.constant 16 : index
    %get3A_274 = tpu.vector_load %arg10[%get3A_272, %get3A_273] {strides = array<i32>} : memref<1x50xi32, #tpu.memory_space<vmem>>, vector<1x16xi32>,
    %get3A_275 = vector.shape_cast %get3A_274 : vector<1x16xi32> to vector<16xi32>
    %and3A_276 = arith.constant 65535 : i32
    %and3A_277 = vector.broadcast %and3A_276 : i32 to vector<16xi32>
    %and3A_278 = arith.andi %get3A_275, %and3A_277 : vector<16xi32>
    %swap3A_279 = arith.constant 16 : index
    %swap3A_280 = tpu.vector_load %arg13[%swap3A_279] {strides = array<i32>} : memref<50xi32, #tpu.memory_space<vmem>>, vector<16xi32>,
    %swap3A_281 = vector.shape_cast %swap3A_280 : vector<16xi32> to vector<16xi32>
    %swap3A_282 = vector.shape_cast %and3A_278 : vector<16xi32> to vector<16xi32>
    tpu.vector_store %arg13[%swap3A_279], %swap3A_282 {strides = array<i32>} : memref<50xi32, #tpu.memory_space<vmem>>, vector<16xi32>,
    %shift_right_logical3A_283 = arith.constant 16 : i32
    %shift_right_logical3A_284 = vector.broadcast %shift_right_logical3A_283 : i32 to vector<16xi32>
    %shift_right_logical3A_285 = arith.shrui %get3A_275, %shift_right_logical3A_284 : vector<16xi32>
    %swap3A_286 = arith.constant 16 : index
    %swap3A_287 = tpu.vector_load %arg16[%swap3A_286] {strides = array<i32>} : memref<50xi32, #tpu.memory_space<vmem>>, vector<16xi32>,
    %swap3A_288 = vector.shape_cast %swap3A_287 : vector<16xi32> to vector<16xi32>
    %swap3A_289 = vector.shape_cast %shift_right_logical3A_285 : vector<16xi32> to vector<16xi32>
    tpu.vector_store %arg16[%swap3A_286], %swap3A_289 {strides = array<i32>} : memref<50xi32, #tpu.memory_space<vmem>>, vector<16xi32>,
    %get3A_290 = arith.constant 0 : i32
    %get3A_291 = arith.index_cast %get3A_290 : i32 to index
    %get3A_292 = arith.constant 32 : index
    %get3A_293 = tpu.vector_load %arg10[%get3A_291, %get3A_292] {strides = array<i32>} : memref<1x50xi32, #tpu.memory_space<vmem>>, vector<1x16xi32>,
    %get3A_294 = vector.shape_cast %get3A_293 : vector<1x16xi32> to vector<16xi32>
    %and3A_295 = arith.constant 65535 : i32
    %and3A_296 = vector.broadcast %and3A_295 : i32 to vector<16xi32>
    %and3A_297 = arith.andi %get3A_294, %and3A_296 : vector<16xi32>
    %swap3A_298 = arith.constant 32 : index
    %swap3A_299 = tpu.vector_load %arg13[%swap3A_298] {strides = array<i32>} : memref<50xi32, #tpu.memory_space<vmem>>, vector<16xi32>,
    %swap3A_300 = vector.shape_cast %swap3A_299 : vector<16xi32> to vector<16xi32>
    %swap3A_301 = vector.shape_cast %and3A_297 : vector<16xi32> to vector<16xi32>
    tpu.vector_store %arg13[%swap3A_298], %swap3A_301 {strides = array<i32>} : memref<50xi32, #tpu.memory_space<vmem>>, vector<16xi32>,
    %shift_right_logical3A_302 = arith.constant 16 : i32
    %shift_right_logical3A_303 = vector.broadcast %shift_right_logical3A_302 : i32 to vector<16xi32>
    %shift_right_logical3A_304 = arith.shrui %get3A_294, %shift_right_logical3A_303 : vector<16xi32>
    %swap3A_305 = arith.constant 32 : index
    %swap3A_306 = tpu.vector_load %arg16[%swap3A_305] {strides = array<i32>} : memref<50xi32, #tpu.memory_space<vmem>>, vector<16xi32>,
    %swap3A_307 = vector.shape_cast %swap3A_306 : vector<16xi32> to vector<16xi32>
    %swap3A_308 = vector.shape_cast %shift_right_logical3A_304 : vector<16xi32> to vector<16xi32>
    tpu.vector_store %arg16[%swap3A_305], %swap3A_308 {strides = array<i32>} : memref<50xi32, #tpu.memory_space<vmem>>, vector<16xi32>,
    %get3A_309 = arith.constant 0 : i32
    %get3A_310 = arith.index_cast %get3A_309 : i32 to index
    %get3A_311 = arith.constant 34 : index
    %get3A_312 = tpu.vector_load %arg10[%get3A_310, %get3A_311] {strides = array<i32>} : memref<1x50xi32, #tpu.memory_space<vmem>>, vector<1x16xi32>,
    %get3A_313 = vector.shape_cast %get3A_312 : vector<1x16xi32> to vector<16xi32>
    %and3A_314 = arith.constant 65535 : i32
    %and3A_315 = vector.broadcast %and3A_314 : i32 to vector<16xi32>
    %and3A_316 = arith.andi %get3A_313, %and3A_315 : vector<16xi32>
    %swap3A_317 = arith.constant 34 : index
    %swap3A_318 = tpu.vector_load %arg13[%swap3A_317] {strides = array<i32>} : memref<50xi32, #tpu.memory_space<vmem>>, vector<16xi32>,
    %swap3A_319 = vector.shape_cast %swap3A_318 : vector<16xi32> to vector<16xi32>
    %swap3A_320 = vector.shape_cast %and3A_316 : vector<16xi32> to vector<16xi32>
    tpu.vector_store %arg13[%swap3A_317], %swap3A_320 {strides = array<i32>} : memref<50xi32, #tpu.memory_space<vmem>>, vector<16xi32>,
    %shift_right_logical3A_321 = arith.constant 16 : i32
    %shift_right_logical3A_322 = vector.broadcast %shift_right_logical3A_321 : i32 to vector<16xi32>
    %shift_right_logical3A_323 = arith.shrui %get3A_313, %shift_right_logical3A_322 : vector<16xi32>
    %swap3A_324 = arith.constant 34 : index
    %swap3A_325 = tpu.vector_load %arg16[%swap3A_324] {strides = array<i32>} : memref<50xi32, #tpu.memory_space<vmem>>, vector<16xi32>,
    %swap3A_326 = vector.shape_cast %swap3A_325 : vector<16xi32> to vector<16xi32>
    %swap3A_327 = vector.shape_cast %shift_right_logical3A_323 : vector<16xi32> to vector<16xi32>
    tpu.vector_store %arg16[%swap3A_324], %swap3A_327 {strides = array<i32>} : memref<50xi32, #tpu.memory_space<vmem>>, vector<16xi32>,
    %mul3A_328 = arith.constant 200 : i32
    %mul3A_329 = arith.muli %arg1, %mul3A_328 : i32
    %add3A_330 = arith.constant 5 : i32
    %add3A_331 = arith.addi %mul3A_329, %add3A_330 : i32
    %dma_start3A_332 = arith.constant 0 : i32
    %dma_start3A_333 = arith.constant 0 : i32
    %dma_start3A_334 = tpu.memref_slice %arg4[%add3A_331, %dma_start3A_332, %dma_start3A_333] : memref<3200x1x50xi32, #tpu.memory_space<hbm>> -> memref<1x1x50xi32, #tpu.memory_space<hbm>>
    %dma_start3A_335 = tpu.memref_squeeze %dma_start3A_334 : memref<1x1x50xi32, #tpu.memory_space<hbm>> -> memref<1x50xi32, #tpu.memory_space<hbm>>
    %dma_start3A_336 = arith.constant 0 : i32
    %dma_start3A_337 = arith.constant 0 : i32
    %dma_start3A_338 = tpu.memref_slice %arg4[%add3A_331, %dma_start3A_336, %dma_start3A_337] : memref<3200x1x50xi32, #tpu.memory_space<hbm>> -> memref<1x1x50xi32, #tpu.memory_space<hbm>>
    %dma_start3A_339 = tpu.memref_squeeze %dma_start3A_338 : memref<1x1x50xi32, #tpu.memory_space<hbm>> -> memref<1x50xi32, #tpu.memory_space<hbm>>
    tpu.enqueue_dma source(%dma_start3A_339 : memref<1x50xi32, #tpu.memory_space<hbm>>) target(%arg10 : memref<1x50xi32, #tpu.memory_space<vmem>>) target_semaphore(%arg23 : memref<!tpu.dma_semaphore, #tpu.memory_space<semaphore_mem>>)
    %eq3A_340 = arith.constant 0 : i32
    %eq3A_341 = arith.cmpi eq, %arg0, %eq3A_340 : i32
    %convert_element_type3A_342 = arith.extui %eq3A_341 : i1 to i32
    %cond3A_343 = arith.constant 0 : i32
    %cond3A_344 = arith.cmpi ne, %convert_element_type3A_342, %cond3A_343 : i32
    scf.if %cond3A_344 {
      %dma_start3A_387 = arith.constant 0 : i32
      %dma_start3A_388 = arith.constant 0 : i32
      %dma_start3A_389 = tpu.memref_slice %arg2[%dma_start3A_387, %dma_start3A_388] : memref<10000x128xf32, #tpu.memory_space<hbm>> -> memref<10000x128xf32, #tpu.memory_space<hbm>>
      tpu.enqueue_indirect_dma source(%dma_start3A_389 : memref<10000x128xf32, #tpu.memory_space<hbm>>) target(%arg19 : memref<50x128xf32, #tpu.memory_space<vmem>>) offsets(%arg13 : memref<50xi32, #tpu.memory_space<vmem>>) semaphore(%arg26 : memref<!tpu.dma_semaphore, #tpu.memory_space<semaphore_mem>>)
    } else {
    }
    %eq3A_345 = arith.constant 1 : i32
    %eq3A_346 = arith.cmpi eq, %arg0, %eq3A_345 : i32
    %convert_element_type3A_347 = arith.extui %eq3A_346 : i1 to i32
    %cond3A_348 = arith.constant 0 : i32
    %cond3A_349 = arith.cmpi ne, %convert_element_type3A_347, %cond3A_348 : i32
    scf.if %cond3A_349 {
      %dma_start3A_387 = arith.constant 0 : i32
      %dma_start3A_388 = arith.constant 0 : i32
      %dma_start3A_389 = tpu.memref_slice %arg3[%dma_start3A_387, %dma_start3A_388] : memref<10000x128xf32, #tpu.memory_space<hbm>> -> memref<10000x128xf32, #tpu.memory_space<hbm>>
      tpu.enqueue_indirect_dma source(%dma_start3A_389 : memref<10000x128xf32, #tpu.memory_space<hbm>>) target(%arg19 : memref<50x128xf32, #tpu.memory_space<vmem>>) offsets(%arg13 : memref<50xi32, #tpu.memory_space<vmem>>) semaphore(%arg26 : memref<!tpu.dma_semaphore, #tpu.memory_space<semaphore_mem>>)
    } else {
    }
    %lt3A_350 = arith.constant 10 : i32
    %lt3A_351 = arith.cmpi slt, %arg1, %lt3A_350 : i32
    %convert_element_type3A_352 = arith.extui %lt3A_351 : i1 to i32
    %cond3A_353 = arith.constant 0 : i32
    %cond3A_354 = arith.cmpi ne, %convert_element_type3A_352, %cond3A_353 : i32
    scf.if %cond3A_354 {
      %dma_wait3A_387 = arith.constant 0 : i32
      %dma_wait3A_388 = arith.constant 0 : i32
      %dma_wait3A_389 = tpu.memref_slice %arg20[%dma_wait3A_387, %dma_wait3A_388] : memref<10000x128xf32, #tpu.memory_space<vmem_shared>> -> memref<1000x128xf32, #tpu.memory_space<vmem_shared>>
      tpu.wait_dma2 semaphore(%arg30 : memref<!tpu.dma_semaphore, #tpu.memory_space<semaphore_mem>>) src(%arg5 : memref<1000x128xf32, #tpu.memory_space<hbm>>) dst(%dma_wait3A_389 : memref<1000x128xf32, #tpu.memory_space<vmem_shared>>)
    } else {
    }
    %barrier3A = arith.constant 0 : index
    tpu.barrier barrier_id(%barrier3A)
    %scan3A = arith.constant 0 : i32
    %scan3A_355 = arith.constant 0 : i32
    %scan3A_356 = arith.constant 66 : i32
    %scan3A_357 = arith.addi %scan3A_355, %scan3A_356 : i32
    %scan3A_358 = arith.constant 1 : i32
    scf.for %scan3A_387 = %scan3A_355 to %scan3A_357 step %scan3A_358  : i32 {
      %mul3A_388 = arith.constant 3 : i32
      %mul3A_389 = arith.muli %scan3A_387, %mul3A_388 : i32
      %dma_wait3A_390 = arith.constant 0 : i32
      %dma_wait3A_391 = arith.constant 0 : i32
      %dma_wait3A_392 = tpu.memref_slice %arg2[%dma_wait3A_390, %dma_wait3A_391] : memref<10000x128xf32, #tpu.memory_space<hbm>> -> memref<10000x128xf32, #tpu.memory_space<hbm>>
      tpu.wait_indirect_dma semaphore(%arg24 : memref<!tpu.dma_semaphore, #tpu.memory_space<semaphore_mem>>) src(%dma_wait3A_392 : memref<10000x128xf32, #tpu.memory_space<hbm>>) dst(%arg17 : memref<50x128xf32, #tpu.memory_space<vmem>>)
      %dma_start3A_393 = arith.constant 0 : i32
      %dma_start3A_394 = arith.constant 0 : i32
      %dma_start3A_395 = tpu.memref_slice %arg20[%dma_start3A_393, %dma_start3A_394] : memref<10000x128xf32, #tpu.memory_space<vmem_shared>> -> memref<10000x128xf32, #tpu.memory_space<vmem_shared>>
      tpu.enqueue_indirect_dma source(%arg17 : memref<50x128xf32, #tpu.memory_space<vmem>>) target(%dma_start3A_395 : memref<10000x128xf32, #tpu.memory_space<vmem_shared>>) offsets(%arg14 : memref<50xi32, #tpu.memory_space<vmem>>) semaphore(%arg27 : memref<!tpu.dma_semaphore, #tpu.memory_space<semaphore_mem>>) {add = true}
      %dma_wait3A_396 = arith.constant 0 : i32
      %dma_wait3A_397 = arith.constant 0 : i32
      %dma_wait3A_398 = tpu.memref_slice %arg2[%dma_wait3A_396, %dma_wait3A_397] : memref<10000x128xf32, #tpu.memory_space<hbm>> -> memref<10000x128xf32, #tpu.memory_space<hbm>>
      tpu.wait_indirect_dma semaphore(%arg25 : memref<!tpu.dma_semaphore, #tpu.memory_space<semaphore_mem>>) src(%dma_wait3A_398 : memref<10000x128xf32, #tpu.memory_space<hbm>>) dst(%arg18 : memref<50x128xf32, #tpu.memory_space<vmem>>)
      %dma_start3A_399 = arith.constant 0 : i32
      %dma_start3A_400 = arith.constant 0 : i32
      %dma_start3A_401 = tpu.memref_slice %arg20[%dma_start3A_399, %dma_start3A_400] : memref<10000x128xf32, #tpu.memory_space<vmem_shared>> -> memref<10000x128xf32, #tpu.memory_space<vmem_shared>>
      tpu.enqueue_indirect_dma source(%arg18 : memref<50x128xf32, #tpu.memory_space<vmem>>) target(%dma_start3A_401 : memref<10000x128xf32, #tpu.memory_space<vmem_shared>>) offsets(%arg15 : memref<50xi32, #tpu.memory_space<vmem>>) semaphore(%arg28 : memref<!tpu.dma_semaphore, #tpu.memory_space<semaphore_mem>>) {add = true}
      %dma_wait3A_402 = arith.constant 0 : i32
      %dma_wait3A_403 = arith.constant 0 : i32
      %dma_wait3A_404 = tpu.memref_slice %arg2[%dma_wait3A_402, %dma_wait3A_403] : memref<10000x128xf32, #tpu.memory_space<hbm>> -> memref<10000x128xf32, #tpu.memory_space<hbm>>
      tpu.wait_indirect_dma semaphore(%arg26 : memref<!tpu.dma_semaphore, #tpu.memory_space<semaphore_mem>>) src(%dma_wait3A_404 : memref<10000x128xf32, #tpu.memory_space<hbm>>) dst(%arg19 : memref<50x128xf32, #tpu.memory_space<vmem>>)
      %dma_start3A_405 = arith.constant 0 : i32
      %dma_start3A_406 = arith.constant 0 : i32
      %dma_start3A_407 = tpu.memref_slice %arg20[%dma_start3A_405, %dma_start3A_406] : memref<10000x128xf32, #tpu.memory_space<vmem_shared>> -> memref<10000x128xf32, #tpu.memory_space<vmem_shared>>
      tpu.enqueue_indirect_dma source(%arg19 : memref<50x128xf32, #tpu.memory_space<vmem>>) target(%dma_start3A_407 : memref<10000x128xf32, #tpu.memory_space<vmem_shared>>) offsets(%arg16 : memref<50xi32, #tpu.memory_space<vmem>>) semaphore(%arg29 : memref<!tpu.dma_semaphore, #tpu.memory_space<semaphore_mem>>) {add = true}
      %add3A_408 = arith.constant 3 : i32
      %add3A_409 = arith.addi %mul3A_389, %add3A_408 : i32
      %add3A_410 = arith.constant 0 : i32
      %add3A_411 = arith.addi %add3A_409, %add3A_410 : i32
      %lt3A_412 = arith.constant 200 : i32
      %lt3A_413 = arith.cmpi slt, %add3A_411, %lt3A_412 : i32
      %convert_element_type3A_414 = arith.extui %lt3A_413 : i1 to i32
      %cond3A_415 = arith.constant 0 : i32
      %cond3A_416 = arith.cmpi ne, %convert_element_type3A_414, %cond3A_415 : i32
      scf.if %cond3A_416 {
        %dma_wait3A_435 = arith.constant 0 : i32
        %dma_wait3A_436 = arith.constant 0 : i32
        %dma_wait3A_437 = tpu.memref_slice %arg20[%dma_wait3A_435, %dma_wait3A_436] : memref<10000x128xf32, #tpu.memory_space<vmem_shared>> -> memref<10000x128xf32, #tpu.memory_space<vmem_shared>>
        tpu.wait_indirect_dma semaphore(%arg27 : memref<!tpu.dma_semaphore, #tpu.memory_space<semaphore_mem>>) src(%arg17 : memref<50x128xf32, #tpu.memory_space<vmem>>) dst(%dma_wait3A_437 : memref<10000x128xf32, #tpu.memory_space<vmem_shared>>)
        %dma_wait3A_438 = arith.constant 0 : i32
        %dma_wait3A_439 = arith.constant 0 : i32
        %dma_wait3A_440 = arith.constant 0 : i32
        %dma_wait3A_441 = tpu.memref_slice %arg4[%dma_wait3A_438, %dma_wait3A_439, %dma_wait3A_440] : memref<3200x1x50xi32, #tpu.memory_space<hbm>> -> memref<1x1x50xi32, #tpu.memory_space<hbm>>
        %dma_wait3A_442 = tpu.memref_squeeze %dma_wait3A_441 : memref<1x1x50xi32, #tpu.memory_space<hbm>> -> memref<1x50xi32, #tpu.memory_space<hbm>>
        %dma_wait3A_443 = arith.constant 0 : i32
        %dma_wait3A_444 = arith.constant 0 : i32
        %dma_wait3A_445 = tpu.memref_slice %arg4[%dma_wait3A_438, %dma_wait3A_443, %dma_wait3A_444] : memref<3200x1x50xi32, #tpu.memory_space<hbm>> -> memref<1x1x50xi32, #tpu.memory_space<hbm>>
        %dma_wait3A_446 = tpu.memref_squeeze %dma_wait3A_445 : memref<1x1x50xi32, #tpu.memory_space<hbm>> -> memref<1x50xi32, #tpu.memory_space<hbm>>
        tpu.wait_dma2 semaphore(%arg21 : memref<!tpu.dma_semaphore, #tpu.memory_space<semaphore_mem>>) src(%dma_wait3A_446 : memref<1x50xi32, #tpu.memory_space<hbm>>) dst(%arg8 : memref<1x50xi32, #tpu.memory_space<vmem>>)
        %get3A_447 = arith.constant 0 : i32
        %get3A_448 = arith.index_cast %get3A_447 : i32 to index
        %get3A_449 = arith.constant 0 : index
        %get3A_450 = tpu.vector_load %arg8[%get3A_448, %get3A_449] {strides = array<i32>} : memref<1x50xi32, #tpu.memory_space<vmem>>, vector<1x16xi32>,
        %get3A_451 = vector.shape_cast %get3A_450 : vector<1x16xi32> to vector<16xi32>
        %and3A_452 = arith.constant 65535 : i32
        %and3A_453 = vector.broadcast %and3A_452 : i32 to vector<16xi32>
        %and3A_454 = arith.andi %get3A_451, %and3A_453 : vector<16xi32>
        %swap3A_455 = arith.constant 0 : index
        %swap3A_456 = tpu.vector_load %arg11[%swap3A_455] {strides = array<i32>} : memref<50xi32, #tpu.memory_space<vmem>>, vector<16xi32>,
        %swap3A_457 = vector.shape_cast %swap3A_456 : vector<16xi32> to vector<16xi32>
        %swap3A_458 = vector.shape_cast %and3A_454 : vector<16xi32> to vector<16xi32>
        tpu.vector_store %arg11[%swap3A_455], %swap3A_458 {strides = array<i32>} : memref<50xi32, #tpu.memory_space<vmem>>, vector<16xi32>,
        %shift_right_logical3A_459 = arith.constant 16 : i32
        %shift_right_logical3A_460 = vector.broadcast %shift_right_logical3A_459 : i32 to vector<16xi32>
        %shift_right_logical3A_461 = arith.shrui %get3A_451, %shift_right_logical3A_460 : vector<16xi32>
        %swap3A_462 = arith.constant 0 : index
        %swap3A_463 = tpu.vector_load %arg14[%swap3A_462] {strides = array<i32>} : memref<50xi32, #tpu.memory_space<vmem>>, vector<16xi32>,
        %swap3A_464 = vector.shape_cast %swap3A_463 : vector<16xi32> to vector<16xi32>
        %swap3A_465 = vector.shape_cast %shift_right_logical3A_461 : vector<16xi32> to vector<16xi32>
        tpu.vector_store %arg14[%swap3A_462], %swap3A_465 {strides = array<i32>} : memref<50xi32, #tpu.memory_space<vmem>>, vector<16xi32>,
        %get3A_466 = arith.constant 0 : i32
        %get3A_467 = arith.index_cast %get3A_466 : i32 to index
        %get3A_468 = arith.constant 16 : index
        %get3A_469 = tpu.vector_load %arg8[%get3A_467, %get3A_468] {strides = array<i32>} : memref<1x50xi32, #tpu.memory_space<vmem>>, vector<1x16xi32>,
        %get3A_470 = vector.shape_cast %get3A_469 : vector<1x16xi32> to vector<16xi32>
        %and3A_471 = arith.constant 65535 : i32
        %and3A_472 = vector.broadcast %and3A_471 : i32 to vector<16xi32>
        %and3A_473 = arith.andi %get3A_470, %and3A_472 : vector<16xi32>
        %swap3A_474 = arith.constant 16 : index
        %swap3A_475 = tpu.vector_load %arg11[%swap3A_474] {strides = array<i32>} : memref<50xi32, #tpu.memory_space<vmem>>, vector<16xi32>,
        %swap3A_476 = vector.shape_cast %swap3A_475 : vector<16xi32> to vector<16xi32>
        %swap3A_477 = vector.shape_cast %and3A_473 : vector<16xi32> to vector<16xi32>
        tpu.vector_store %arg11[%swap3A_474], %swap3A_477 {strides = array<i32>} : memref<50xi32, #tpu.memory_space<vmem>>, vector<16xi32>,
        %shift_right_logical3A_478 = arith.constant 16 : i32
        %shift_right_logical3A_479 = vector.broadcast %shift_right_logical3A_478 : i32 to vector<16xi32>
        %shift_right_logical3A_480 = arith.shrui %get3A_470, %shift_right_logical3A_479 : vector<16xi32>
        %swap3A_481 = arith.constant 16 : index
        %swap3A_482 = tpu.vector_load %arg14[%swap3A_481] {strides = array<i32>} : memref<50xi32, #tpu.memory_space<vmem>>, vector<16xi32>,
        %swap3A_483 = vector.shape_cast %swap3A_482 : vector<16xi32> to vector<16xi32>
        %swap3A_484 = vector.shape_cast %shift_right_logical3A_480 : vector<16xi32> to vector<16xi32>
        tpu.vector_store %arg14[%swap3A_481], %swap3A_484 {strides = array<i32>} : memref<50xi32, #tpu.memory_space<vmem>>, vector<16xi32>,
        %get3A_485 = arith.constant 0 : i32
        %get3A_486 = arith.index_cast %get3A_485 : i32 to index
        %get3A_487 = arith.constant 32 : index
        %get3A_488 = tpu.vector_load %arg8[%get3A_486, %get3A_487] {strides = array<i32>} : memref<1x50xi32, #tpu.memory_space<vmem>>, vector<1x16xi32>,
        %get3A_489 = vector.shape_cast %get3A_488 : vector<1x16xi32> to vector<16xi32>
        %and3A_490 = arith.constant 65535 : i32
        %and3A_491 = vector.broadcast %and3A_490 : i32 to vector<16xi32>
        %and3A_492 = arith.andi %get3A_489, %and3A_491 : vector<16xi32>
        %swap3A_493 = arith.constant 32 : index
        %swap3A_494 = tpu.vector_load %arg11[%swap3A_493] {strides = array<i32>} : memref<50xi32, #tpu.memory_space<vmem>>, vector<16xi32>,
        %swap3A_495 = vector.shape_cast %swap3A_494 : vector<16xi32> to vector<16xi32>
        %swap3A_496 = vector.shape_cast %and3A_492 : vector<16xi32> to vector<16xi32>
        tpu.vector_store %arg11[%swap3A_493], %swap3A_496 {strides = array<i32>} : memref<50xi32, #tpu.memory_space<vmem>>, vector<16xi32>,
        %shift_right_logical3A_497 = arith.constant 16 : i32
        %shift_right_logical3A_498 = vector.broadcast %shift_right_logical3A_497 : i32 to vector<16xi32>
        %shift_right_logical3A_499 = arith.shrui %get3A_489, %shift_right_logical3A_498 : vector<16xi32>
        %swap3A_500 = arith.constant 32 : index
        %swap3A_501 = tpu.vector_load %arg14[%swap3A_500] {strides = array<i32>} : memref<50xi32, #tpu.memory_space<vmem>>, vector<16xi32>,
        %swap3A_502 = vector.shape_cast %swap3A_501 : vector<16xi32> to vector<16xi32>
        %swap3A_503 = vector.shape_cast %shift_right_logical3A_499 : vector<16xi32> to vector<16xi32>
        tpu.vector_store %arg14[%swap3A_500], %swap3A_503 {strides = array<i32>} : memref<50xi32, #tpu.memory_space<vmem>>, vector<16xi32>,
        %get3A_504 = arith.constant 0 : i32
        %get3A_505 = arith.index_cast %get3A_504 : i32 to index
        %get3A_506 = arith.constant 34 : index
        %get3A_507 = tpu.vector_load %arg8[%get3A_505, %get3A_506] {strides = array<i32>} : memref<1x50xi32, #tpu.memory_space<vmem>>, vector<1x16xi32>,
        %get3A_508 = vector.shape_cast %get3A_507 : vector<1x16xi32> to vector<16xi32>
        %and3A_509 = arith.constant 65535 : i32
        %and3A_510 = vector.broadcast %and3A_509 : i32 to vector<16xi32>
        %and3A_511 = arith.andi %get3A_508, %and3A_510 : vector<16xi32>
        %swap3A_512 = arith.constant 34 : index
        %swap3A_513 = tpu.vector_load %arg11[%swap3A_512] {strides = array<i32>} : memref<50xi32, #tpu.memory_space<vmem>>, vector<16xi32>,
        %swap3A_514 = vector.shape_cast %swap3A_513 : vector<16xi32> to vector<16xi32>
        %swap3A_515 = vector.shape_cast %and3A_511 : vector<16xi32> to vector<16xi32>
        tpu.vector_store %arg11[%swap3A_512], %swap3A_515 {strides = array<i32>} : memref<50xi32, #tpu.memory_space<vmem>>, vector<16xi32>,
        %shift_right_logical3A_516 = arith.constant 16 : i32
        %shift_right_logical3A_517 = vector.broadcast %shift_right_logical3A_516 : i32 to vector<16xi32>
        %shift_right_logical3A_518 = arith.shrui %get3A_508, %shift_right_logical3A_517 : vector<16xi32>
        %swap3A_519 = arith.constant 34 : index
        %swap3A_520 = tpu.vector_load %arg14[%swap3A_519] {strides = array<i32>} : memref<50xi32, #tpu.memory_space<vmem>>, vector<16xi32>,
        %swap3A_521 = vector.shape_cast %swap3A_520 : vector<16xi32> to vector<16xi32>
        %swap3A_522 = vector.shape_cast %shift_right_logical3A_518 : vector<16xi32> to vector<16xi32>
        tpu.vector_store %arg14[%swap3A_519], %swap3A_522 {strides = array<i32>} : memref<50xi32, #tpu.memory_space<vmem>>, vector<16xi32>,
        %add3A_523 = arith.constant 3 : i32
        %add3A_524 = arith.addi %add3A_411, %add3A_523 : i32
        %lt3A_525 = arith.constant 200 : i32
        %lt3A_526 = arith.cmpi slt, %add3A_524, %lt3A_525 : i32
        %convert_element_type3A_527 = arith.extui %lt3A_526 : i1 to i32
        %cond3A_528 = arith.constant 0 : i32
        %cond3A_529 = arith.cmpi ne, %convert_element_type3A_527, %cond3A_528 : i32
        scf.if %cond3A_529 {
          %add3A_540 = arith.constant 3 : i32
          %add3A_541 = arith.addi %add3A_411, %add3A_540 : i32
          %mul3A_542 = arith.constant 200 : i32
          %mul3A_543 = arith.muli %arg1, %mul3A_542 : i32
          %add3A_544 = arith.addi %mul3A_543, %add3A_541 : i32
          %dma_start3A_545 = arith.constant 0 : i32
          %dma_start3A_546 = arith.constant 0 : i32
          %dma_start3A_547 = tpu.memref_slice %arg4[%add3A_544, %dma_start3A_545, %dma_start3A_546] : memref<3200x1x50xi32, #tpu.memory_space<hbm>> -> memref<1x1x50xi32, #tpu.memory_space<hbm>>
          %dma_start3A_548 = tpu.memref_squeeze %dma_start3A_547 : memref<1x1x50xi32, #tpu.memory_space<hbm>> -> memref<1x50xi32, #tpu.memory_space<hbm>>
          %dma_start3A_549 = arith.constant 0 : i32
          %dma_start3A_550 = arith.constant 0 : i32
          %dma_start3A_551 = tpu.memref_slice %arg4[%add3A_544, %dma_start3A_549, %dma_start3A_550] : memref<3200x1x50xi32, #tpu.memory_space<hbm>> -> memref<1x1x50xi32, #tpu.memory_space<hbm>>
          %dma_start3A_552 = tpu.memref_squeeze %dma_start3A_551 : memref<1x1x50xi32, #tpu.memory_space<hbm>> -> memref<1x50xi32, #tpu.memory_space<hbm>>
          tpu.enqueue_dma source(%dma_start3A_552 : memref<1x50xi32, #tpu.memory_space<hbm>>) target(%arg8 : memref<1x50xi32, #tpu.memory_space<vmem>>) target_semaphore(%arg21 : memref<!tpu.dma_semaphore, #tpu.memory_space<semaphore_mem>>)
        } else {
        }
        %eq3A_530 = arith.constant 0 : i32
        %eq3A_531 = arith.cmpi eq, %arg0, %eq3A_530 : i32
        %convert_element_type3A_532 = arith.extui %eq3A_531 : i1 to i32
        %cond3A_533 = arith.constant 0 : i32
        %cond3A_534 = arith.cmpi ne, %convert_element_type3A_532, %cond3A_533 : i32
        scf.if %cond3A_534 {
          %dma_start3A_540 = arith.constant 0 : i32
          %dma_start3A_541 = arith.constant 0 : i32
          %dma_start3A_542 = tpu.memref_slice %arg2[%dma_start3A_540, %dma_start3A_541] : memref<10000x128xf32, #tpu.memory_space<hbm>> -> memref<10000x128xf32, #tpu.memory_space<hbm>>
          tpu.enqueue_indirect_dma source(%dma_start3A_542 : memref<10000x128xf32, #tpu.memory_space<hbm>>) target(%arg17 : memref<50x128xf32, #tpu.memory_space<vmem>>) offsets(%arg11 : memref<50xi32, #tpu.memory_space<vmem>>) semaphore(%arg24 : memref<!tpu.dma_semaphore, #tpu.memory_space<semaphore_mem>>)
        } else {
        }
        %eq3A_535 = arith.constant 1 : i32
        %eq3A_536 = arith.cmpi eq, %arg0, %eq3A_535 : i32
        %convert_element_type3A_537 = arith.extui %eq3A_536 : i1 to i32
        %cond3A_538 = arith.constant 0 : i32
        %cond3A_539 = arith.cmpi ne, %convert_element_type3A_537, %cond3A_538 : i32
        scf.if %cond3A_539 {
          %dma_start3A_540 = arith.constant 0 : i32
          %dma_start3A_541 = arith.constant 0 : i32
          %dma_start3A_542 = tpu.memref_slice %arg3[%dma_start3A_540, %dma_start3A_541] : memref<10000x128xf32, #tpu.memory_space<hbm>> -> memref<10000x128xf32, #tpu.memory_space<hbm>>
          tpu.enqueue_indirect_dma source(%dma_start3A_542 : memref<10000x128xf32, #tpu.memory_space<hbm>>) target(%arg17 : memref<50x128xf32, #tpu.memory_space<vmem>>) offsets(%arg11 : memref<50xi32, #tpu.memory_space<vmem>>) semaphore(%arg24 : memref<!tpu.dma_semaphore, #tpu.memory_space<semaphore_mem>>)
        } else {
        }
      } else {
      }
      %add3A_417 = arith.constant 3 : i32
      %add3A_418 = arith.addi %mul3A_389, %add3A_417 : i32
      %add3A_419 = arith.constant 1 : i32
      %add3A_420 = arith.addi %add3A_418, %add3A_419 : i32
      %lt3A_421 = arith.constant 200 : i32
      %lt3A_422 = arith.cmpi slt, %add3A_420, %lt3A_421 : i32
      %convert_element_type3A_423 = arith.extui %lt3A_422 : i1 to i32
      %cond3A_424 = arith.constant 0 : i32
      %cond3A_425 = arith.cmpi ne, %convert_element_type3A_423, %cond3A_424 : i32
      scf.if %cond3A_425 {
        %dma_wait3A_435 = arith.constant 0 : i32
        %dma_wait3A_436 = arith.constant 0 : i32
        %dma_wait3A_437 = tpu.memref_slice %arg20[%dma_wait3A_435, %dma_wait3A_436] : memref<10000x128xf32, #tpu.memory_space<vmem_shared>> -> memref<10000x128xf32, #tpu.memory_space<vmem_shared>>
        tpu.wait_indirect_dma semaphore(%arg28 : memref<!tpu.dma_semaphore, #tpu.memory_space<semaphore_mem>>) src(%arg18 : memref<50x128xf32, #tpu.memory_space<vmem>>) dst(%dma_wait3A_437 : memref<10000x128xf32, #tpu.memory_space<vmem_shared>>)
        %dma_wait3A_438 = arith.constant 0 : i32
        %dma_wait3A_439 = arith.constant 0 : i32
        %dma_wait3A_440 = arith.constant 0 : i32
        %dma_wait3A_441 = tpu.memref_slice %arg4[%dma_wait3A_438, %dma_wait3A_439, %dma_wait3A_440] : memref<3200x1x50xi32, #tpu.memory_space<hbm>> -> memref<1x1x50xi32, #tpu.memory_space<hbm>>
        %dma_wait3A_442 = tpu.memref_squeeze %dma_wait3A_441 : memref<1x1x50xi32, #tpu.memory_space<hbm>> -> memref<1x50xi32, #tpu.memory_space<hbm>>
        %dma_wait3A_443 = arith.constant 0 : i32
        %dma_wait3A_444 = arith.constant 0 : i32
        %dma_wait3A_445 = tpu.memref_slice %arg4[%dma_wait3A_438, %dma_wait3A_443, %dma_wait3A_444] : memref<3200x1x50xi32, #tpu.memory_space<hbm>> -> memref<1x1x50xi32, #tpu.memory_space<hbm>>
        %dma_wait3A_446 = tpu.memref_squeeze %dma_wait3A_445 : memref<1x1x50xi32, #tpu.memory_space<hbm>> -> memref<1x50xi32, #tpu.memory_space<hbm>>
        tpu.wait_dma2 semaphore(%arg22 : memref<!tpu.dma_semaphore, #tpu.memory_space<semaphore_mem>>) src(%dma_wait3A_446 : memref<1x50xi32, #tpu.memory_space<hbm>>) dst(%arg9 : memref<1x50xi32, #tpu.memory_space<vmem>>)
        %get3A_447 = arith.constant 0 : i32
        %get3A_448 = arith.index_cast %get3A_447 : i32 to index
        %get3A_449 = arith.constant 0 : index
        %get3A_450 = tpu.vector_load %arg9[%get3A_448, %get3A_449] {strides = array<i32>} : memref<1x50xi32, #tpu.memory_space<vmem>>, vector<1x16xi32>,
        %get3A_451 = vector.shape_cast %get3A_450 : vector<1x16xi32> to vector<16xi32>
        %and3A_452 = arith.constant 65535 : i32
        %and3A_453 = vector.broadcast %and3A_452 : i32 to vector<16xi32>
        %and3A_454 = arith.andi %get3A_451, %and3A_453 : vector<16xi32>
        %swap3A_455 = arith.constant 0 : index
        %swap3A_456 = tpu.vector_load %arg12[%swap3A_455] {strides = array<i32>} : memref<50xi32, #tpu.memory_space<vmem>>, vector<16xi32>,
        %swap3A_457 = vector.shape_cast %swap3A_456 : vector<16xi32> to vector<16xi32>
        %swap3A_458 = vector.shape_cast %and3A_454 : vector<16xi32> to vector<16xi32>
        tpu.vector_store %arg12[%swap3A_455], %swap3A_458 {strides = array<i32>} : memref<50xi32, #tpu.memory_space<vmem>>, vector<16xi32>,
        %shift_right_logical3A_459 = arith.constant 16 : i32
        %shift_right_logical3A_460 = vector.broadcast %shift_right_logical3A_459 : i32 to vector<16xi32>
        %shift_right_logical3A_461 = arith.shrui %get3A_451, %shift_right_logical3A_460 : vector<16xi32>
        %swap3A_462 = arith.constant 0 : index
        %swap3A_463 = tpu.vector_load %arg15[%swap3A_462] {strides = array<i32>} : memref<50xi32, #tpu.memory_space<vmem>>, vector<16xi32>,
        %swap3A_464 = vector.shape_cast %swap3A_463 : vector<16xi32> to vector<16xi32>
        %swap3A_465 = vector.shape_cast %shift_right_logical3A_461 : vector<16xi32> to vector<16xi32>
        tpu.vector_store %arg15[%swap3A_462], %swap3A_465 {strides = array<i32>} : memref<50xi32, #tpu.memory_space<vmem>>, vector<16xi32>,
        %get3A_466 = arith.constant 0 : i32
        %get3A_467 = arith.index_cast %get3A_466 : i32 to index
        %get3A_468 = arith.constant 16 : index
        %get3A_469 = tpu.vector_load %arg9[%get3A_467, %get3A_468] {strides = array<i32>} : memref<1x50xi32, #tpu.memory_space<vmem>>, vector<1x16xi32>,
        %get3A_470 = vector.shape_cast %get3A_469 : vector<1x16xi32> to vector<16xi32>
        %and3A_471 = arith.constant 65535 : i32
        %and3A_472 = vector.broadcast %and3A_471 : i32 to vector<16xi32>
        %and3A_473 = arith.andi %get3A_470, %and3A_472 : vector<16xi32>
        %swap3A_474 = arith.constant 16 : index
        %swap3A_475 = tpu.vector_load %arg12[%swap3A_474] {strides = array<i32>} : memref<50xi32, #tpu.memory_space<vmem>>, vector<16xi32>,
        %swap3A_476 = vector.shape_cast %swap3A_475 : vector<16xi32> to vector<16xi32>
        %swap3A_477 = vector.shape_cast %and3A_473 : vector<16xi32> to vector<16xi32>
        tpu.vector_store %arg12[%swap3A_474], %swap3A_477 {strides = array<i32>} : memref<50xi32, #tpu.memory_space<vmem>>, vector<16xi32>,
        %shift_right_logical3A_478 = arith.constant 16 : i32
        %shift_right_logical3A_479 = vector.broadcast %shift_right_logical3A_478 : i32 to vector<16xi32>
        %shift_right_logical3A_480 = arith.shrui %get3A_470, %shift_right_logical3A_479 : vector<16xi32>
        %swap3A_481 = arith.constant 16 : index
        %swap3A_482 = tpu.vector_load %arg15[%swap3A_481] {strides = array<i32>} : memref<50xi32, #tpu.memory_space<vmem>>, vector<16xi32>,
        %swap3A_483 = vector.shape_cast %swap3A_482 : vector<16xi32> to vector<16xi32>
        %swap3A_484 = vector.shape_cast %shift_right_logical3A_480 : vector<16xi32> to vector<16xi32>
        tpu.vector_store %arg15[%swap3A_481], %swap3A_484 {strides = array<i32>} : memref<50xi32, #tpu.memory_space<vmem>>, vector<16xi32>,
        %get3A_485 = arith.constant 0 : i32
        %get3A_486 = arith.index_cast %get3A_485 : i32 to index
        %get3A_487 = arith.constant 32 : index
        %get3A_488 = tpu.vector_load %arg9[%get3A_486, %get3A_487] {strides = array<i32>} : memref<1x50xi32, #tpu.memory_space<vmem>>, vector<1x16xi32>,
        %get3A_489 = vector.shape_cast %get3A_488 : vector<1x16xi32> to vector<16xi32>
        %and3A_490 = arith.constant 65535 : i32
        %and3A_491 = vector.broadcast %and3A_490 : i32 to vector<16xi32>
        %and3A_492 = arith.andi %get3A_489, %and3A_491 : vector<16xi32>
        %swap3A_493 = arith.constant 32 : index
        %swap3A_494 = tpu.vector_load %arg12[%swap3A_493] {strides = array<i32>} : memref<50xi32, #tpu.memory_space<vmem>>, vector<16xi32>,
        %swap3A_495 = vector.shape_cast %swap3A_494 : vector<16xi32> to vector<16xi32>
        %swap3A_496 = vector.shape_cast %and3A_492 : vector<16xi32> to vector<16xi32>
        tpu.vector_store %arg12[%swap3A_493], %swap3A_496 {strides = array<i32>} : memref<50xi32, #tpu.memory_space<vmem>>, vector<16xi32>,
        %shift_right_logical3A_497 = arith.constant 16 : i32
        %shift_right_logical3A_498 = vector.broadcast %shift_right_logical3A_497 : i32 to vector<16xi32>
        %shift_right_logical3A_499 = arith.shrui %get3A_489, %shift_right_logical3A_498 : vector<16xi32>
        %swap3A_500 = arith.constant 32 : index
        %swap3A_501 = tpu.vector_load %arg15[%swap3A_500] {strides = array<i32>} : memref<50xi32, #tpu.memory_space<vmem>>, vector<16xi32>,
        %swap3A_502 = vector.shape_cast %swap3A_501 : vector<16xi32> to vector<16xi32>
        %swap3A_503 = vector.shape_cast %shift_right_logical3A_499 : vector<16xi32> to vector<16xi32>
        tpu.vector_store %arg15[%swap3A_500], %swap3A_503 {strides = array<i32>} : memref<50xi32, #tpu.memory_space<vmem>>, vector<16xi32>,
        %get3A_504 = arith.constant 0 : i32
        %get3A_505 = arith.index_cast %get3A_504 : i32 to index
        %get3A_506 = arith.constant 34 : index
        %get3A_507 = tpu.vector_load %arg9[%get3A_505, %get3A_506] {strides = array<i32>} : memref<1x50xi32, #tpu.memory_space<vmem>>, vector<1x16xi32>,
        %get3A_508 = vector.shape_cast %get3A_507 : vector<1x16xi32> to vector<16xi32>
        %and3A_509 = arith.constant 65535 : i32
        %and3A_510 = vector.broadcast %and3A_509 : i32 to vector<16xi32>
        %and3A_511 = arith.andi %get3A_508, %and3A_510 : vector<16xi32>
        %swap3A_512 = arith.constant 34 : index
        %swap3A_513 = tpu.vector_load %arg12[%swap3A_512] {strides = array<i32>} : memref<50xi32, #tpu.memory_space<vmem>>, vector<16xi32>,
        %swap3A_514 = vector.shape_cast %swap3A_513 : vector<16xi32> to vector<16xi32>
        %swap3A_515 = vector.shape_cast %and3A_511 : vector<16xi32> to vector<16xi32>
        tpu.vector_store %arg12[%swap3A_512], %swap3A_515 {strides = array<i32>} : memref<50xi32, #tpu.memory_space<vmem>>, vector<16xi32>,
        %shift_right_logical3A_516 = arith.constant 16 : i32
        %shift_right_logical3A_517 = vector.broadcast %shift_right_logical3A_516 : i32 to vector<16xi32>
        %shift_right_logical3A_518 = arith.shrui %get3A_508, %shift_right_logical3A_517 : vector<16xi32>
        %swap3A_519 = arith.constant 34 : index
        %swap3A_520 = tpu.vector_load %arg15[%swap3A_519] {strides = array<i32>} : memref<50xi32, #tpu.memory_space<vmem>>, vector<16xi32>,
        %swap3A_521 = vector.shape_cast %swap3A_520 : vector<16xi32> to vector<16xi32>
        %swap3A_522 = vector.shape_cast %shift_right_logical3A_518 : vector<16xi32> to vector<16xi32>
        tpu.vector_store %arg15[%swap3A_519], %swap3A_522 {strides = array<i32>} : memref<50xi32, #tpu.memory_space<vmem>>, vector<16xi32>,
        %add3A_523 = arith.constant 3 : i32
        %add3A_524 = arith.addi %add3A_420, %add3A_523 : i32
        %lt3A_525 = arith.constant 200 : i32
        %lt3A_526 = arith.cmpi slt, %add3A_524, %lt3A_525 : i32
        %convert_element_type3A_527 = arith.extui %lt3A_526 : i1 to i32
        %cond3A_528 = arith.constant 0 : i32
        %cond3A_529 = arith.cmpi ne, %convert_element_type3A_527, %cond3A_528 : i32
        scf.if %cond3A_529 {
          %add3A_540 = arith.constant 3 : i32
          %add3A_541 = arith.addi %add3A_420, %add3A_540 : i32
          %mul3A_542 = arith.constant 200 : i32
          %mul3A_543 = arith.muli %arg1, %mul3A_542 : i32
          %add3A_544 = arith.addi %mul3A_543, %add3A_541 : i32
          %dma_start3A_545 = arith.constant 0 : i32
          %dma_start3A_546 = arith.constant 0 : i32
          %dma_start3A_547 = tpu.memref_slice %arg4[%add3A_544, %dma_start3A_545, %dma_start3A_546] : memref<3200x1x50xi32, #tpu.memory_space<hbm>> -> memref<1x1x50xi32, #tpu.memory_space<hbm>>
          %dma_start3A_548 = tpu.memref_squeeze %dma_start3A_547 : memref<1x1x50xi32, #tpu.memory_space<hbm>> -> memref<1x50xi32, #tpu.memory_space<hbm>>
          %dma_start3A_549 = arith.constant 0 : i32
          %dma_start3A_550 = arith.constant 0 : i32
          %dma_start3A_551 = tpu.memref_slice %arg4[%add3A_544, %dma_start3A_549, %dma_start3A_550] : memref<3200x1x50xi32, #tpu.memory_space<hbm>> -> memref<1x1x50xi32, #tpu.memory_space<hbm>>
          %dma_start3A_552 = tpu.memref_squeeze %dma_start3A_551 : memref<1x1x50xi32, #tpu.memory_space<hbm>> -> memref<1x50xi32, #tpu.memory_space<hbm>>
          tpu.enqueue_dma source(%dma_start3A_552 : memref<1x50xi32, #tpu.memory_space<hbm>>) target(%arg9 : memref<1x50xi32, #tpu.memory_space<vmem>>) target_semaphore(%arg22 : memref<!tpu.dma_semaphore, #tpu.memory_space<semaphore_mem>>)
        } else {
        }
        %eq3A_530 = arith.constant 0 : i32
        %eq3A_531 = arith.cmpi eq, %arg0, %eq3A_530 : i32
        %convert_element_type3A_532 = arith.extui %eq3A_531 : i1 to i32
        %cond3A_533 = arith.constant 0 : i32
        %cond3A_534 = arith.cmpi ne, %convert_element_type3A_532, %cond3A_533 : i32
        scf.if %cond3A_534 {
          %dma_start3A_540 = arith.constant 0 : i32
          %dma_start3A_541 = arith.constant 0 : i32
          %dma_start3A_542 = tpu.memref_slice %arg2[%dma_start3A_540, %dma_start3A_541] : memref<10000x128xf32, #tpu.memory_space<hbm>> -> memref<10000x128xf32, #tpu.memory_space<hbm>>
          tpu.enqueue_indirect_dma source(%dma_start3A_542 : memref<10000x128xf32, #tpu.memory_space<hbm>>) target(%arg18 : memref<50x128xf32, #tpu.memory_space<vmem>>) offsets(%arg12 : memref<50xi32, #tpu.memory_space<vmem>>) semaphore(%arg25 : memref<!tpu.dma_semaphore, #tpu.memory_space<semaphore_mem>>)
        } else {
        }
        %eq3A_535 = arith.constant 1 : i32
        %eq3A_536 = arith.cmpi eq, %arg0, %eq3A_535 : i32
        %convert_element_type3A_537 = arith.extui %eq3A_536 : i1 to i32
        %cond3A_538 = arith.constant 0 : i32
        %cond3A_539 = arith.cmpi ne, %convert_element_type3A_537, %cond3A_538 : i32
        scf.if %cond3A_539 {
          %dma_start3A_540 = arith.constant 0 : i32
          %dma_start3A_541 = arith.constant 0 : i32
          %dma_start3A_542 = tpu.memref_slice %arg3[%dma_start3A_540, %dma_start3A_541] : memref<10000x128xf32, #tpu.memory_space<hbm>> -> memref<10000x128xf32, #tpu.memory_space<hbm>>
          tpu.enqueue_indirect_dma source(%dma_start3A_542 : memref<10000x128xf32, #tpu.memory_space<hbm>>) target(%arg18 : memref<50x128xf32, #tpu.memory_space<vmem>>) offsets(%arg12 : memref<50xi32, #tpu.memory_space<vmem>>) semaphore(%arg25 : memref<!tpu.dma_semaphore, #tpu.memory_space<semaphore_mem>>)
        } else {
        }
      } else {
      }
      %add3A_426 = arith.constant 3 : i32
      %add3A_427 = arith.addi %mul3A_389, %add3A_426 : i32
      %add3A_428 = arith.constant 2 : i32
      %add3A_429 = arith.addi %add3A_427, %add3A_428 : i32
      %lt3A_430 = arith.constant 200 : i32
      %lt3A_431 = arith.cmpi slt, %add3A_429, %lt3A_430 : i32
      %convert_element_type3A_432 = arith.extui %lt3A_431 : i1 to i32
      %cond3A_433 = arith.constant 0 : i32
      %cond3A_434 = arith.cmpi ne, %convert_element_type3A_432, %cond3A_433 : i32
      scf.if %cond3A_434 {
        %dma_wait3A_435 = arith.constant 0 : i32
        %dma_wait3A_436 = arith.constant 0 : i32
        %dma_wait3A_437 = tpu.memref_slice %arg20[%dma_wait3A_435, %dma_wait3A_436] : memref<10000x128xf32, #tpu.memory_space<vmem_shared>> -> memref<10000x128xf32, #tpu.memory_space<vmem_shared>>
        tpu.wait_indirect_dma semaphore(%arg29 : memref<!tpu.dma_semaphore, #tpu.memory_space<semaphore_mem>>) src(%arg19 : memref<50x128xf32, #tpu.memory_space<vmem>>) dst(%dma_wait3A_437 : memref<10000x128xf32, #tpu.memory_space<vmem_shared>>)
        %dma_wait3A_438 = arith.constant 0 : i32
        %dma_wait3A_439 = arith.constant 0 : i32
        %dma_wait3A_440 = arith.constant 0 : i32
        %dma_wait3A_441 = tpu.memref_slice %arg4[%dma_wait3A_438, %dma_wait3A_439, %dma_wait3A_440] : memref<3200x1x50xi32, #tpu.memory_space<hbm>> -> memref<1x1x50xi32, #tpu.memory_space<hbm>>
        %dma_wait3A_442 = tpu.memref_squeeze %dma_wait3A_441 : memref<1x1x50xi32, #tpu.memory_space<hbm>> -> memref<1x50xi32, #tpu.memory_space<hbm>>
        %dma_wait3A_443 = arith.constant 0 : i32
        %dma_wait3A_444 = arith.constant 0 : i32
        %dma_wait3A_445 = tpu.memref_slice %arg4[%dma_wait3A_438, %dma_wait3A_443, %dma_wait3A_444] : memref<3200x1x50xi32, #tpu.memory_space<hbm>> -> memref<1x1x50xi32, #tpu.memory_space<hbm>>
        %dma_wait3A_446 = tpu.memref_squeeze %dma_wait3A_445 : memref<1x1x50xi32, #tpu.memory_space<hbm>> -> memref<1x50xi32, #tpu.memory_space<hbm>>
        tpu.wait_dma2 semaphore(%arg23 : memref<!tpu.dma_semaphore, #tpu.memory_space<semaphore_mem>>) src(%dma_wait3A_446 : memref<1x50xi32, #tpu.memory_space<hbm>>) dst(%arg10 : memref<1x50xi32, #tpu.memory_space<vmem>>)
        %get3A_447 = arith.constant 0 : i32
        %get3A_448 = arith.index_cast %get3A_447 : i32 to index
        %get3A_449 = arith.constant 0 : index
        %get3A_450 = tpu.vector_load %arg10[%get3A_448, %get3A_449] {strides = array<i32>} : memref<1x50xi32, #tpu.memory_space<vmem>>, vector<1x16xi32>,
        %get3A_451 = vector.shape_cast %get3A_450 : vector<1x16xi32> to vector<16xi32>
        %and3A_452 = arith.constant 65535 : i32
        %and3A_453 = vector.broadcast %and3A_452 : i32 to vector<16xi32>
        %and3A_454 = arith.andi %get3A_451, %and3A_453 : vector<16xi32>
        %swap3A_455 = arith.constant 0 : index
        %swap3A_456 = tpu.vector_load %arg13[%swap3A_455] {strides = array<i32>} : memref<50xi32, #tpu.memory_space<vmem>>, vector<16xi32>,
        %swap3A_457 = vector.shape_cast %swap3A_456 : vector<16xi32> to vector<16xi32>
        %swap3A_458 = vector.shape_cast %and3A_454 : vector<16xi32> to vector<16xi32>
        tpu.vector_store %arg13[%swap3A_455], %swap3A_458 {strides = array<i32>} : memref<50xi32, #tpu.memory_space<vmem>>, vector<16xi32>,
        %shift_right_logical3A_459 = arith.constant 16 : i32
        %shift_right_logical3A_460 = vector.broadcast %shift_right_logical3A_459 : i32 to vector<16xi32>
        %shift_right_logical3A_461 = arith.shrui %get3A_451, %shift_right_logical3A_460 : vector<16xi32>
        %swap3A_462 = arith.constant 0 : index
        %swap3A_463 = tpu.vector_load %arg16[%swap3A_462] {strides = array<i32>} : memref<50xi32, #tpu.memory_space<vmem>>, vector<16xi32>,
        %swap3A_464 = vector.shape_cast %swap3A_463 : vector<16xi32> to vector<16xi32>
        %swap3A_465 = vector.shape_cast %shift_right_logical3A_461 : vector<16xi32> to vector<16xi32>
        tpu.vector_store %arg16[%swap3A_462], %swap3A_465 {strides = array<i32>} : memref<50xi32, #tpu.memory_space<vmem>>, vector<16xi32>,
        %get3A_466 = arith.constant 0 : i32
        %get3A_467 = arith.index_cast %get3A_466 : i32 to index
        %get3A_468 = arith.constant 16 : index
        %get3A_469 = tpu.vector_load %arg10[%get3A_467, %get3A_468] {strides = array<i32>} : memref<1x50xi32, #tpu.memory_space<vmem>>, vector<1x16xi32>,
        %get3A_470 = vector.shape_cast %get3A_469 : vector<1x16xi32> to vector<16xi32>
        %and3A_471 = arith.constant 65535 : i32
        %and3A_472 = vector.broadcast %and3A_471 : i32 to vector<16xi32>
        %and3A_473 = arith.andi %get3A_470, %and3A_472 : vector<16xi32>
        %swap3A_474 = arith.constant 16 : index
        %swap3A_475 = tpu.vector_load %arg13[%swap3A_474] {strides = array<i32>} : memref<50xi32, #tpu.memory_space<vmem>>, vector<16xi32>,
        %swap3A_476 = vector.shape_cast %swap3A_475 : vector<16xi32> to vector<16xi32>
        %swap3A_477 = vector.shape_cast %and3A_473 : vector<16xi32> to vector<16xi32>
        tpu.vector_store %arg13[%swap3A_474], %swap3A_477 {strides = array<i32>} : memref<50xi32, #tpu.memory_space<vmem>>, vector<16xi32>,
        %shift_right_logical3A_478 = arith.constant 16 : i32
        %shift_right_logical3A_479 = vector.broadcast %shift_right_logical3A_478 : i32 to vector<16xi32>
        %shift_right_logical3A_480 = arith.shrui %get3A_470, %shift_right_logical3A_479 : vector<16xi32>
        %swap3A_481 = arith.constant 16 : index
        %swap3A_482 = tpu.vector_load %arg16[%swap3A_481] {strides = array<i32>} : memref<50xi32, #tpu.memory_space<vmem>>, vector<16xi32>,
        %swap3A_483 = vector.shape_cast %swap3A_482 : vector<16xi32> to vector<16xi32>
        %swap3A_484 = vector.shape_cast %shift_right_logical3A_480 : vector<16xi32> to vector<16xi32>
        tpu.vector_store %arg16[%swap3A_481], %swap3A_484 {strides = array<i32>} : memref<50xi32, #tpu.memory_space<vmem>>, vector<16xi32>,
        %get3A_485 = arith.constant 0 : i32
        %get3A_486 = arith.index_cast %get3A_485 : i32 to index
        %get3A_487 = arith.constant 32 : index
        %get3A_488 = tpu.vector_load %arg10[%get3A_486, %get3A_487] {strides = array<i32>} : memref<1x50xi32, #tpu.memory_space<vmem>>, vector<1x16xi32>,
        %get3A_489 = vector.shape_cast %get3A_488 : vector<1x16xi32> to vector<16xi32>
        %and3A_490 = arith.constant 65535 : i32
        %and3A_491 = vector.broadcast %and3A_490 : i32 to vector<16xi32>
        %and3A_492 = arith.andi %get3A_489, %and3A_491 : vector<16xi32>
        %swap3A_493 = arith.constant 32 : index
        %swap3A_494 = tpu.vector_load %arg13[%swap3A_493] {strides = array<i32>} : memref<50xi32, #tpu.memory_space<vmem>>, vector<16xi32>,
        %swap3A_495 = vector.shape_cast %swap3A_494 : vector<16xi32> to vector<16xi32>
        %swap3A_496 = vector.shape_cast %and3A_492 : vector<16xi32> to vector<16xi32>
        tpu.vector_store %arg13[%swap3A_493], %swap3A_496 {strides = array<i32>} : memref<50xi32, #tpu.memory_space<vmem>>, vector<16xi32>,
        %shift_right_logical3A_497 = arith.constant 16 : i32
        %shift_right_logical3A_498 = vector.broadcast %shift_right_logical3A_497 : i32 to vector<16xi32>
        %shift_right_logical3A_499 = arith.shrui %get3A_489, %shift_right_logical3A_498 : vector<16xi32>
        %swap3A_500 = arith.constant 32 : index
        %swap3A_501 = tpu.vector_load %arg16[%swap3A_500] {strides = array<i32>} : memref<50xi32, #tpu.memory_space<vmem>>, vector<16xi32>,
        %swap3A_502 = vector.shape_cast %swap3A_501 : vector<16xi32> to vector<16xi32>
        %swap3A_503 = vector.shape_cast %shift_right_logical3A_499 : vector<16xi32> to vector<16xi32>
        tpu.vector_store %arg16[%swap3A_500], %swap3A_503 {strides = array<i32>} : memref<50xi32, #tpu.memory_space<vmem>>, vector<16xi32>,
        %get3A_504 = arith.constant 0 : i32
        %get3A_505 = arith.index_cast %get3A_504 : i32 to index
        %get3A_506 = arith.constant 34 : index
        %get3A_507 = tpu.vector_load %arg10[%get3A_505, %get3A_506] {strides = array<i32>} : memref<1x50xi32, #tpu.memory_space<vmem>>, vector<1x16xi32>,
        %get3A_508 = vector.shape_cast %get3A_507 : vector<1x16xi32> to vector<16xi32>
        %and3A_509 = arith.constant 65535 : i32
        %and3A_510 = vector.broadcast %and3A_509 : i32 to vector<16xi32>
        %and3A_511 = arith.andi %get3A_508, %and3A_510 : vector<16xi32>
        %swap3A_512 = arith.constant 34 : index
        %swap3A_513 = tpu.vector_load %arg13[%swap3A_512] {strides = array<i32>} : memref<50xi32, #tpu.memory_space<vmem>>, vector<16xi32>,
        %swap3A_514 = vector.shape_cast %swap3A_513 : vector<16xi32> to vector<16xi32>
        %swap3A_515 = vector.shape_cast %and3A_511 : vector<16xi32> to vector<16xi32>
        tpu.vector_store %arg13[%swap3A_512], %swap3A_515 {strides = array<i32>} : memref<50xi32, #tpu.memory_space<vmem>>, vector<16xi32>,
        %shift_right_logical3A_516 = arith.constant 16 : i32
        %shift_right_logical3A_517 = vector.broadcast %shift_right_logical3A_516 : i32 to vector<16xi32>
        %shift_right_logical3A_518 = arith.shrui %get3A_508, %shift_right_logical3A_517 : vector<16xi32>
        %swap3A_519 = arith.constant 34 : index
        %swap3A_520 = tpu.vector_load %arg16[%swap3A_519] {strides = array<i32>} : memref<50xi32, #tpu.memory_space<vmem>>, vector<16xi32>,
        %swap3A_521 = vector.shape_cast %swap3A_520 : vector<16xi32> to vector<16xi32>
        %swap3A_522 = vector.shape_cast %shift_right_logical3A_518 : vector<16xi32> to vector<16xi32>
        tpu.vector_store %arg16[%swap3A_519], %swap3A_522 {strides = array<i32>} : memref<50xi32, #tpu.memory_space<vmem>>, vector<16xi32>,
        %add3A_523 = arith.constant 3 : i32
        %add3A_524 = arith.addi %add3A_429, %add3A_523 : i32
        %lt3A_525 = arith.constant 200 : i32
        %lt3A_526 = arith.cmpi slt, %add3A_524, %lt3A_525 : i32
        %convert_element_type3A_527 = arith.extui %lt3A_526 : i1 to i32
        %cond3A_528 = arith.constant 0 : i32
        %cond3A_529 = arith.cmpi ne, %convert_element_type3A_527, %cond3A_528 : i32
        scf.if %cond3A_529 {
          %add3A_540 = arith.constant 3 : i32
          %add3A_541 = arith.addi %add3A_429, %add3A_540 : i32
          %mul3A_542 = arith.constant 200 : i32
          %mul3A_543 = arith.muli %arg1, %mul3A_542 : i32
          %add3A_544 = arith.addi %mul3A_543, %add3A_541 : i32
          %dma_start3A_545 = arith.constant 0 : i32
          %dma_start3A_546 = arith.constant 0 : i32
          %dma_start3A_547 = tpu.memref_slice %arg4[%add3A_544, %dma_start3A_545, %dma_start3A_546] : memref<3200x1x50xi32, #tpu.memory_space<hbm>> -> memref<1x1x50xi32, #tpu.memory_space<hbm>>
          %dma_start3A_548 = tpu.memref_squeeze %dma_start3A_547 : memref<1x1x50xi32, #tpu.memory_space<hbm>> -> memref<1x50xi32, #tpu.memory_space<hbm>>
          %dma_start3A_549 = arith.constant 0 : i32
          %dma_start3A_550 = arith.constant 0 : i32
          %dma_start3A_551 = tpu.memref_slice %arg4[%add3A_544, %dma_start3A_549, %dma_start3A_550] : memref<3200x1x50xi32, #tpu.memory_space<hbm>> -> memref<1x1x50xi32, #tpu.memory_space<hbm>>
          %dma_start3A_552 = tpu.memref_squeeze %dma_start3A_551 : memref<1x1x50xi32, #tpu.memory_space<hbm>> -> memref<1x50xi32, #tpu.memory_space<hbm>>
          tpu.enqueue_dma source(%dma_start3A_552 : memref<1x50xi32, #tpu.memory_space<hbm>>) target(%arg10 : memref<1x50xi32, #tpu.memory_space<vmem>>) target_semaphore(%arg23 : memref<!tpu.dma_semaphore, #tpu.memory_space<semaphore_mem>>)
        } else {
        }
        %eq3A_530 = arith.constant 0 : i32
        %eq3A_531 = arith.cmpi eq, %arg0, %eq3A_530 : i32
        %convert_element_type3A_532 = arith.extui %eq3A_531 : i1 to i32
        %cond3A_533 = arith.constant 0 : i32
        %cond3A_534 = arith.cmpi ne, %convert_element_type3A_532, %cond3A_533 : i32
        scf.if %cond3A_534 {
          %dma_start3A_540 = arith.constant 0 : i32
          %dma_start3A_541 = arith.constant 0 : i32
          %dma_start3A_542 = tpu.memref_slice %arg2[%dma_start3A_540, %dma_start3A_541] : memref<10000x128xf32, #tpu.memory_space<hbm>> -> memref<10000x128xf32, #tpu.memory_space<hbm>>
          tpu.enqueue_indirect_dma source(%dma_start3A_542 : memref<10000x128xf32, #tpu.memory_space<hbm>>) target(%arg19 : memref<50x128xf32, #tpu.memory_space<vmem>>) offsets(%arg13 : memref<50xi32, #tpu.memory_space<vmem>>) semaphore(%arg26 : memref<!tpu.dma_semaphore, #tpu.memory_space<semaphore_mem>>)
        } else {
        }
        %eq3A_535 = arith.constant 1 : i32
        %eq3A_536 = arith.cmpi eq, %arg0, %eq3A_535 : i32
        %convert_element_type3A_537 = arith.extui %eq3A_536 : i1 to i32
        %cond3A_538 = arith.constant 0 : i32
        %cond3A_539 = arith.cmpi ne, %convert_element_type3A_537, %cond3A_538 : i32
        scf.if %cond3A_539 {
          %dma_start3A_540 = arith.constant 0 : i32
          %dma_start3A_541 = arith.constant 0 : i32
          %dma_start3A_542 = tpu.memref_slice %arg3[%dma_start3A_540, %dma_start3A_541] : memref<10000x128xf32, #tpu.memory_space<hbm>> -> memref<10000x128xf32, #tpu.memory_space<hbm>>
          tpu.enqueue_indirect_dma source(%dma_start3A_542 : memref<10000x128xf32, #tpu.memory_space<hbm>>) target(%arg19 : memref<50x128xf32, #tpu.memory_space<vmem>>) offsets(%arg13 : memref<50xi32, #tpu.memory_space<vmem>>) semaphore(%arg26 : memref<!tpu.dma_semaphore, #tpu.memory_space<semaphore_mem>>)
        } else {
        }
      } else {
      }
    }
    %scan3A_359 = arith.constant 66 : i32
    %dma_wait3A_360 = arith.constant 0 : i32
    %dma_wait3A_361 = arith.constant 0 : i32
    %dma_wait3A_362 = tpu.memref_slice %arg2[%dma_wait3A_360, %dma_wait3A_361] : memref<10000x128xf32, #tpu.memory_space<hbm>> -> memref<10000x128xf32, #tpu.memory_space<hbm>>
    tpu.wait_indirect_dma semaphore(%arg24 : memref<!tpu.dma_semaphore, #tpu.memory_space<semaphore_mem>>) src(%dma_wait3A_362 : memref<10000x128xf32, #tpu.memory_space<hbm>>) dst(%arg17 : memref<50x128xf32, #tpu.memory_space<vmem>>)
    %dma_start3A_363 = arith.constant 0 : i32
    %dma_start3A_364 = arith.constant 0 : i32
    %dma_start3A_365 = tpu.memref_slice %arg20[%dma_start3A_363, %dma_start3A_364] : memref<10000x128xf32, #tpu.memory_space<vmem_shared>> -> memref<10000x128xf32, #tpu.memory_space<vmem_shared>>
    tpu.enqueue_indirect_dma source(%arg17 : memref<50x128xf32, #tpu.memory_space<vmem>>) target(%dma_start3A_365 : memref<10000x128xf32, #tpu.memory_space<vmem_shared>>) offsets(%arg14 : memref<50xi32, #tpu.memory_space<vmem>>) semaphore(%arg27 : memref<!tpu.dma_semaphore, #tpu.memory_space<semaphore_mem>>) {add = true}
    %dma_wait3A_366 = arith.constant 0 : i32
    %dma_wait3A_367 = arith.constant 0 : i32
    %dma_wait3A_368 = tpu.memref_slice %arg2[%dma_wait3A_366, %dma_wait3A_367] : memref<10000x128xf32, #tpu.memory_space<hbm>> -> memref<10000x128xf32, #tpu.memory_space<hbm>>
    tpu.wait_indirect_dma semaphore(%arg25 : memref<!tpu.dma_semaphore, #tpu.memory_space<semaphore_mem>>) src(%dma_wait3A_368 : memref<10000x128xf32, #tpu.memory_space<hbm>>) dst(%arg18 : memref<50x128xf32, #tpu.memory_space<vmem>>)
    %dma_start3A_369 = arith.constant 0 : i32
    %dma_start3A_370 = arith.constant 0 : i32
    %dma_start3A_371 = tpu.memref_slice %arg20[%dma_start3A_369, %dma_start3A_370] : memref<10000x128xf32, #tpu.memory_space<vmem_shared>> -> memref<10000x128xf32, #tpu.memory_space<vmem_shared>>
    tpu.enqueue_indirect_dma source(%arg18 : memref<50x128xf32, #tpu.memory_space<vmem>>) target(%dma_start3A_371 : memref<10000x128xf32, #tpu.memory_space<vmem_shared>>) offsets(%arg15 : memref<50xi32, #tpu.memory_space<vmem>>) semaphore(%arg28 : memref<!tpu.dma_semaphore, #tpu.memory_space<semaphore_mem>>) {add = true}
    %dma_wait3A_372 = arith.constant 0 : i32
    %dma_wait3A_373 = arith.constant 0 : i32
    %dma_wait3A_374 = tpu.memref_slice %arg20[%dma_wait3A_372, %dma_wait3A_373] : memref<10000x128xf32, #tpu.memory_space<vmem_shared>> -> memref<10000x128xf32, #tpu.memory_space<vmem_shared>>
    tpu.wait_indirect_dma semaphore(%arg29 : memref<!tpu.dma_semaphore, #tpu.memory_space<semaphore_mem>>) src(%arg19 : memref<50x128xf32, #tpu.memory_space<vmem>>) dst(%dma_wait3A_374 : memref<10000x128xf32, #tpu.memory_space<vmem_shared>>)
    %dma_wait3A_375 = arith.constant 0 : i32
    %dma_wait3A_376 = arith.constant 0 : i32
    %dma_wait3A_377 = tpu.memref_slice %arg20[%dma_wait3A_375, %dma_wait3A_376] : memref<10000x128xf32, #tpu.memory_space<vmem_shared>> -> memref<10000x128xf32, #tpu.memory_space<vmem_shared>>
    tpu.wait_indirect_dma semaphore(%arg27 : memref<!tpu.dma_semaphore, #tpu.memory_space<semaphore_mem>>) src(%arg17 : memref<50x128xf32, #tpu.memory_space<vmem>>) dst(%dma_wait3A_377 : memref<10000x128xf32, #tpu.memory_space<vmem_shared>>)
    %dma_wait3A_378 = arith.constant 0 : i32
    %dma_wait3A_379 = arith.constant 0 : i32
    %dma_wait3A_380 = tpu.memref_slice %arg20[%dma_wait3A_378, %dma_wait3A_379] : memref<10000x128xf32, #tpu.memory_space<vmem_shared>> -> memref<10000x128xf32, #tpu.memory_space<vmem_shared>>
    tpu.wait_indirect_dma semaphore(%arg28 : memref<!tpu.dma_semaphore, #tpu.memory_space<semaphore_mem>>) src(%arg18 : memref<50x128xf32, #tpu.memory_space<vmem>>) dst(%dma_wait3A_380 : memref<10000x128xf32, #tpu.memory_space<vmem_shared>>)
    %barrier3A_381 = arith.constant 0 : index
    tpu.barrier barrier_id(%barrier3A_381)
    %lt3A_382 = arith.constant 10 : i32
    %lt3A_383 = arith.cmpi slt, %arg1, %lt3A_382 : i32
    %convert_element_type3A_384 = arith.extui %lt3A_383 : i1 to i32
    %cond3A_385 = arith.constant 0 : i32
    %cond3A_386 = arith.cmpi ne, %convert_element_type3A_384, %cond3A_385 : i32
    scf.if %cond3A_386 {
      %mul3A_387 = arith.constant 1000 : i32
      %mul3A_388 = arith.muli %arg1, %mul3A_387 : i32
      %eq3A_389 = arith.constant 0 : i32
      %eq3A_390 = arith.cmpi eq, %arg0, %eq3A_389 : i32
      %convert_element_type3A_391 = arith.extui %eq3A_390 : i1 to i32
      %cond3A_392 = arith.constant 0 : i32
      %cond3A_393 = arith.cmpi ne, %convert_element_type3A_391, %cond3A_392 : i32
      scf.if %cond3A_393 {
        "tpu.region"() ({
          %run_scoped3A = tpu.sem_alloc : memref<!tpu.dma_semaphore, #tpu.memory_space<semaphore_mem>>
          %dma_start3A_399 = arith.constant 0 : i32
          %dma_start3A_400 = tpu.memref_slice %arg6[%mul3A_388, %dma_start3A_399] : memref<10000x128xf32, #tpu.memory_space<hbm>> -> memref<1000x128xf32, #tpu.memory_space<hbm>>
          %dma_start3A_401 = arith.constant 0 : i32
          %dma_start3A_402 = tpu.memref_slice %arg20[%mul3A_388, %dma_start3A_401] : memref<10000x128xf32, #tpu.memory_space<vmem_shared>> -> memref<1000x128xf32, #tpu.memory_space<vmem_shared>>
          tpu.enqueue_dma source(%dma_start3A_402 : memref<1000x128xf32, #tpu.memory_space<vmem_shared>>) target(%dma_start3A_400 : memref<1000x128xf32, #tpu.memory_space<hbm>>) target_semaphore(%run_scoped3A : memref<!tpu.dma_semaphore, #tpu.memory_space<semaphore_mem>>)
          %dma_wait3A_403 = arith.constant 0 : i32
          %dma_wait3A_404 = tpu.memref_slice %arg6[%mul3A_388, %dma_wait3A_403] : memref<10000x128xf32, #tpu.memory_space<hbm>> -> memref<1000x128xf32, #tpu.memory_space<hbm>>
          %dma_wait3A_405 = arith.constant 0 : i32
          %dma_wait3A_406 = tpu.memref_slice %arg20[%mul3A_388, %dma_wait3A_405] : memref<10000x128xf32, #tpu.memory_space<vmem_shared>> -> memref<1000x128xf32, #tpu.memory_space<vmem_shared>>
          tpu.wait_dma2 semaphore(%run_scoped3A : memref<!tpu.dma_semaphore, #tpu.memory_space<semaphore_mem>>) src(%dma_wait3A_406 : memref<1000x128xf32, #tpu.memory_space<vmem_shared>>) dst(%dma_wait3A_404 : memref<1000x128xf32, #tpu.memory_space<hbm>>)
          tpu.yield
        }) : () -> ()
      } else {
      }
      %eq3A_394 = arith.constant 1 : i32
      %eq3A_395 = arith.cmpi eq, %arg0, %eq3A_394 : i32
      %convert_element_type3A_396 = arith.extui %eq3A_395 : i1 to i32
      %cond3A_397 = arith.constant 0 : i32
      %cond3A_398 = arith.cmpi ne, %convert_element_type3A_396, %cond3A_397 : i32
      scf.if %cond3A_398 {
        "tpu.region"() ({
          %run_scoped3A = tpu.sem_alloc : memref<!tpu.dma_semaphore, #tpu.memory_space<semaphore_mem>>
          %dma_start3A_399 = arith.constant 0 : i32
          %dma_start3A_400 = tpu.memref_slice %arg7[%mul3A_388, %dma_start3A_399] : memref<10000x128xf32, #tpu.memory_space<hbm>> -> memref<1000x128xf32, #tpu.memory_space<hbm>>
          %dma_start3A_401 = arith.constant 0 : i32
          %dma_start3A_402 = tpu.memref_slice %arg20[%mul3A_388, %dma_start3A_401] : memref<10000x128xf32, #tpu.memory_space<vmem_shared>> -> memref<1000x128xf32, #tpu.memory_space<vmem_shared>>
          tpu.enqueue_dma source(%dma_start3A_402 : memref<1000x128xf32, #tpu.memory_space<vmem_shared>>) target(%dma_start3A_400 : memref<1000x128xf32, #tpu.memory_space<hbm>>) target_semaphore(%run_scoped3A : memref<!tpu.dma_semaphore, #tpu.memory_space<semaphore_mem>>)
          %dma_wait3A_403 = arith.constant 0 : i32
          %dma_wait3A_404 = tpu.memref_slice %arg7[%mul3A_388, %dma_wait3A_403] : memref<10000x128xf32, #tpu.memory_space<hbm>> -> memref<1000x128xf32, #tpu.memory_space<hbm>>
          %dma_wait3A_405 = arith.constant 0 : i32
          %dma_wait3A_406 = tpu.memref_slice %arg20[%mul3A_388, %dma_wait3A_405] : memref<10000x128xf32, #tpu.memory_space<vmem_shared>> -> memref<1000x128xf32, #tpu.memory_space<vmem_shared>>
          tpu.wait_dma2 semaphore(%run_scoped3A : memref<!tpu.dma_semaphore, #tpu.memory_space<semaphore_mem>>) src(%dma_wait3A_406 : memref<1000x128xf32, #tpu.memory_space<vmem_shared>>) dst(%dma_wait3A_404 : memref<1000x128xf32, #tpu.memory_space<hbm>>)
          tpu.yield
        }) : () -> ()
      } else {
      }
    } else {
    }
    return
  }
}

#map = affine_map<(d0, d1) -> (0, 0)>
#map1 = affine_map<(d0, d1) -> (0, 0, 0)>
module attributes {stable_mosaic.version = 14 : i64} {
  func.func @body(%arg0: i32, %arg1: i32, %arg2: memref<10000x128xf32, #tpu.memory_space<hbm>>, %arg3: memref<10000x128xf32, #tpu.memory_space<hbm>>, %arg4: memref<3200x1x50xi32, #tpu.memory_space<hbm>>, %arg5: memref<1000x128xf32, #tpu.memory_space<hbm>>, %arg6: memref<10000x128xf32, #tpu.memory_space<hbm>>, %arg7: memref<10000x128xf32, #tpu.memory_space<hbm>>, %arg8: memref<1x50xi32, #tpu.memory_space<vmem>>, %arg9: memref<1x50xi32, #tpu.memory_space<vmem>>, %arg10: memref<1x50xi32, #tpu.memory_space<vmem>>, %arg11: memref<50xi32, #tpu.memory_space<vmem>>, %arg12: memref<50xi32, #tpu.memory_space<vmem>>, %arg13: memref<50xi32, #tpu.memory_space<vmem>>, %arg14: memref<50xi32, #tpu.memory_space<vmem>>, %arg15: memref<50xi32, #tpu.memory_space<vmem>>, %arg16: memref<50xi32, #tpu.memory_space<vmem>>, %arg17: memref<50x128xf32, #tpu.memory_space<vmem>>, %arg18: memref<50x128xf32, #tpu.memory_space<vmem>>, %arg19: memref<50x128xf32, #tpu.memory_space<vmem>>, %arg20: memref<10000x128xf32, #tpu.memory_space<vmem_shared>>, %arg21: memref<!tpu.dma_semaphore, #tpu.memory_space<semaphore_mem>>, %arg22: memref<!tpu.dma_semaphore, #tpu.memory_space<semaphore_mem>>, %arg23: memref<!tpu.dma_semaphore, #tpu.memory_space<semaphore_mem>>, %arg24: memref<!tpu.dma_semaphore, #tpu.memory_space<semaphore_mem>>, %arg25: memref<!tpu.dma_semaphore, #tpu.memory_space<semaphore_mem>>, %arg26: memref<!tpu.dma_semaphore, #tpu.memory_space<semaphore_mem>>, %arg27: memref<!tpu.dma_semaphore, #tpu.memory_space<semaphore_mem>>, %arg28: memref<!tpu.dma_semaphore, #tpu.memory_space<semaphore_mem>>, %arg29: memref<!tpu.dma_semaphore, #tpu.memory_space<semaphore_mem>>, %arg30: memref<!tpu.dma_semaphore, #tpu.memory_space<semaphore_mem>>) attributes {dimension_semantics = [#tpu.dimension_semantics<core_parallel>, #tpu.dimension_semantics<subcore_parallel>], iteration_bounds = array<i64: 2, 16>, scalar_prefetch = 0 : i64, scratch_operands = 23 : i64, tpu.core_type = #tpu.core_type<sc_vector_subcore>, window_params = [{transform_indices = #map}, {transform_indices = #map}, {transform_indices = #map1}, {transform_indices = #map}, {transform_indices = #map}, {transform_indices = #map}]} {
    %lt3A = arith.constant 10 : i32
    %lt3A_0 = arith.cmpi slt, %arg1, %lt3A : i32
    %convert_element_type3A = arith.extui %lt3A_0 : i1 to i32
    %cond3A = arith.constant 0 : i32
    %cond3A_1 = arith.cmpi ne, %convert_element_type3A, %cond3A : i32
    scf.if %cond3A_1 {
      %mul3A_387 = arith.constant 1000 : i32
      %mul3A_388 = arith.muli %arg1, %mul3A_387 : i32
      %dma_start3A_389 = arith.constant 0 : i32
      %dma_start3A_390 = tpu.memref_slice %arg20[%mul3A_388, %dma_start3A_389] : memref<10000x128xf32, #tpu.memory_space<vmem_shared>> -> memref<1000x128xf32, #tpu.memory_space<vmem_shared>>
      tpu.enqueue_dma source(%arg5 : memref<1000x128xf32, #tpu.memory_space<hbm>>) target(%dma_start3A_390 : memref<1000x128xf32, #tpu.memory_space<vmem_shared>>) target_semaphore(%arg30 : memref<!tpu.dma_semaphore, #tpu.memory_space<semaphore_mem>>)
    } else {
    }
    %mul3A = arith.constant 200 : i32
    %mul3A_2 = arith.muli %arg1, %mul3A : i32
    %add3A = arith.constant 0 : i32
    %add3A_3 = arith.addi %mul3A_2, %add3A : i32
    %dma_start3A = arith.constant 0 : i32
    %dma_start3A_4 = arith.constant 0 : i32
    %dma_start3A_5 = tpu.memref_slice %arg4[%add3A_3, %dma_start3A, %dma_start3A_4] : memref<3200x1x50xi32, #tpu.memory_space<hbm>> -> memref<1x1x50xi32, #tpu.memory_space<hbm>>
    %dma_start3A_6 = tpu.memref_squeeze %dma_start3A_5 : memref<1x1x50xi32, #tpu.memory_space<hbm>> -> memref<1x50xi32, #tpu.memory_space<hbm>>
    %dma_start3A_7 = arith.constant 0 : i32
    %dma_start3A_8 = arith.constant 0 : i32
    %dma_start3A_9 = tpu.memref_slice %arg4[%add3A_3, %dma_start3A_7, %dma_start3A_8] : memref<3200x1x50xi32, #tpu.memory_space<hbm>> -> memref<1x1x50xi32, #tpu.memory_space<hbm>>
    %dma_start3A_10 = tpu.memref_squeeze %dma_start3A_9 : memref<1x1x50xi32, #tpu.memory_space<hbm>> -> memref<1x50xi32, #tpu.memory_space<hbm>>
    tpu.enqueue_dma source(%dma_start3A_10 : memref<1x50xi32, #tpu.memory_space<hbm>>) target(%arg8 : memref<1x50xi32, #tpu.memory_space<vmem>>) target_semaphore(%arg21 : memref<!tpu.dma_semaphore, #tpu.memory_space<semaphore_mem>>)
    %mul3A_11 = arith.constant 200 : i32
    %mul3A_12 = arith.muli %arg1, %mul3A_11 : i32
    %add3A_13 = arith.constant 1 : i32
    %add3A_14 = arith.addi %mul3A_12, %add3A_13 : i32
    %dma_start3A_15 = arith.constant 0 : i32
    %dma_start3A_16 = arith.constant 0 : i32
    %dma_start3A_17 = tpu.memref_slice %arg4[%add3A_14, %dma_start3A_15, %dma_start3A_16] : memref<3200x1x50xi32, #tpu.memory_space<hbm>> -> memref<1x1x50xi32, #tpu.memory_space<hbm>>
    %dma_start3A_18 = tpu.memref_squeeze %dma_start3A_17 : memref<1x1x50xi32, #tpu.memory_space<hbm>> -> memref<1x50xi32, #tpu.memory_space<hbm>>
    %dma_start3A_19 = arith.constant 0 : i32
    %dma_start3A_20 = arith.constant 0 : i32
    %dma_start3A_21 = tpu.memref_slice %arg4[%add3A_14, %dma_start3A_19, %dma_start3A_20] : memref<3200x1x50xi32, #tpu.memory_space<hbm>> -> memref<1x1x50xi32, #tpu.memory_space<hbm>>
    %dma_start3A_22 = tpu.memref_squeeze %dma_start3A_21 : memref<1x1x50xi32, #tpu.memory_space<hbm>> -> memref<1x50xi32, #tpu.memory_space<hbm>>
    tpu.enqueue_dma source(%dma_start3A_22 : memref<1x50xi32, #tpu.memory_space<hbm>>) target(%arg9 : memref<1x50xi32, #tpu.memory_space<vmem>>) target_semaphore(%arg22 : memref<!tpu.dma_semaphore, #tpu.memory_space<semaphore_mem>>)
    %mul3A_23 = arith.constant 200 : i32
    %mul3A_24 = arith.muli %arg1, %mul3A_23 : i32
    %add3A_25 = arith.constant 2 : i32
    %add3A_26 = arith.addi %mul3A_24, %add3A_25 : i32
    %dma_start3A_27 = arith.constant 0 : i32
    %dma_start3A_28 = arith.constant 0 : i32
    %dma_start3A_29 = tpu.memref_slice %arg4[%add3A_26, %dma_start3A_27, %dma_start3A_28] : memref<3200x1x50xi32, #tpu.memory_space<hbm>> -> memref<1x1x50xi32, #tpu.memory_space<hbm>>
    %dma_start3A_30 = tpu.memref_squeeze %dma_start3A_29 : memref<1x1x50xi32, #tpu.memory_space<hbm>> -> memref<1x50xi32, #tpu.memory_space<hbm>>
    %dma_start3A_31 = arith.constant 0 : i32
    %dma_start3A_32 = arith.constant 0 : i32
    %dma_start3A_33 = tpu.memref_slice %arg4[%add3A_26, %dma_start3A_31, %dma_start3A_32] : memref<3200x1x50xi32, #tpu.memory_space<hbm>> -> memref<1x1x50xi32, #tpu.memory_space<hbm>>
    %dma_start3A_34 = tpu.memref_squeeze %dma_start3A_33 : memref<1x1x50xi32, #tpu.memory_space<hbm>> -> memref<1x50xi32, #tpu.memory_space<hbm>>
    tpu.enqueue_dma source(%dma_start3A_34 : memref<1x50xi32, #tpu.memory_space<hbm>>) target(%arg10 : memref<1x50xi32, #tpu.memory_space<vmem>>) target_semaphore(%arg23 : memref<!tpu.dma_semaphore, #tpu.memory_space<semaphore_mem>>)
    %dma_wait3A = arith.constant 0 : i32
    %dma_wait3A_35 = arith.constant 0 : i32
    %dma_wait3A_36 = arith.constant 0 : i32
    %dma_wait3A_37 = tpu.memref_slice %arg4[%dma_wait3A, %dma_wait3A_35, %dma_wait3A_36] : memref<3200x1x50xi32, #tpu.memory_space<hbm>> -> memref<1x1x50xi32, #tpu.memory_space<hbm>>
    %dma_wait3A_38 = tpu.memref_squeeze %dma_wait3A_37 : memref<1x1x50xi32, #tpu.memory_space<hbm>> -> memref<1x50xi32, #tpu.memory_space<hbm>>
    %dma_wait3A_39 = arith.constant 0 : i32
    %dma_wait3A_40 = arith.constant 0 : i32
    %dma_wait3A_41 = tpu.memref_slice %arg4[%dma_wait3A, %dma_wait3A_39, %dma_wait3A_40] : memref<3200x1x50xi32, #tpu.memory_space<hbm>> -> memref<1x1x50xi32, #tpu.memory_space<hbm>>
    %dma_wait3A_42 = tpu.memref_squeeze %dma_wait3A_41 : memref<1x1x50xi32, #tpu.memory_space<hbm>> -> memref<1x50xi32, #tpu.memory_space<hbm>>
    tpu.wait_dma2 semaphore(%arg21 : memref<!tpu.dma_semaphore, #tpu.memory_space<semaphore_mem>>) src(%dma_wait3A_42 : memref<1x50xi32, #tpu.memory_space<hbm>>) dst(%arg8 : memref<1x50xi32, #tpu.memory_space<vmem>>)
    %get3A = arith.constant 0 : i32
    %get3A_43 = arith.index_cast %get3A : i32 to index
    %get3A_44 = arith.constant 0 : index
    %get3A_45 = tpu.vector_load %arg8[%get3A_43, %get3A_44] {strides = array<i32>} : memref<1x50xi32, #tpu.memory_space<vmem>>, vector<1x16xi32>,
    %get3A_46 = vector.shape_cast %get3A_45 : vector<1x16xi32> to vector<16xi32>
    %and3A = arith.constant 65535 : i32
    %and3A_47 = vector.broadcast %and3A : i32 to vector<16xi32>
    %and3A_48 = arith.andi %get3A_46, %and3A_47 : vector<16xi32>
    %swap3A = arith.constant 0 : index
    %swap3A_49 = tpu.vector_load %arg11[%swap3A] {strides = array<i32>} : memref<50xi32, #tpu.memory_space<vmem>>, vector<16xi32>,
    %swap3A_50 = vector.shape_cast %swap3A_49 : vector<16xi32> to vector<16xi32>
    %swap3A_51 = vector.shape_cast %and3A_48 : vector<16xi32> to vector<16xi32>
    tpu.vector_store %arg11[%swap3A], %swap3A_51 {strides = array<i32>} : memref<50xi32, #tpu.memory_space<vmem>>, vector<16xi32>,
    %shift_right_logical3A = arith.constant 16 : i32
    %shift_right_logical3A_52 = vector.broadcast %shift_right_logical3A : i32 to vector<16xi32>
    %shift_right_logical3A_53 = arith.shrui %get3A_46, %shift_right_logical3A_52 : vector<16xi32>
    %swap3A_54 = arith.constant 0 : index
    %swap3A_55 = tpu.vector_load %arg14[%swap3A_54] {strides = array<i32>} : memref<50xi32, #tpu.memory_space<vmem>>, vector<16xi32>,
    %swap3A_56 = vector.shape_cast %swap3A_55 : vector<16xi32> to vector<16xi32>
    %swap3A_57 = vector.shape_cast %shift_right_logical3A_53 : vector<16xi32> to vector<16xi32>
    tpu.vector_store %arg14[%swap3A_54], %swap3A_57 {strides = array<i32>} : memref<50xi32, #tpu.memory_space<vmem>>, vector<16xi32>,
    %get3A_58 = arith.constant 0 : i32
    %get3A_59 = arith.index_cast %get3A_58 : i32 to index
    %get3A_60 = arith.constant 16 : index
    %get3A_61 = tpu.vector_load %arg8[%get3A_59, %get3A_60] {strides = array<i32>} : memref<1x50xi32, #tpu.memory_space<vmem>>, vector<1x16xi32>,
    %get3A_62 = vector.shape_cast %get3A_61 : vector<1x16xi32> to vector<16xi32>
    %and3A_63 = arith.constant 65535 : i32
    %and3A_64 = vector.broadcast %and3A_63 : i32 to vector<16xi32>
    %and3A_65 = arith.andi %get3A_62, %and3A_64 : vector<16xi32>
    %swap3A_66 = arith.constant 16 : index
    %swap3A_67 = tpu.vector_load %arg11[%swap3A_66] {strides = array<i32>} : memref<50xi32, #tpu.memory_space<vmem>>, vector<16xi32>,
    %swap3A_68 = vector.shape_cast %swap3A_67 : vector<16xi32> to vector<16xi32>
    %swap3A_69 = vector.shape_cast %and3A_65 : vector<16xi32> to vector<16xi32>
    tpu.vector_store %arg11[%swap3A_66], %swap3A_69 {strides = array<i32>} : memref<50xi32, #tpu.memory_space<vmem>>, vector<16xi32>,
    %shift_right_logical3A_70 = arith.constant 16 : i32
    %shift_right_logical3A_71 = vector.broadcast %shift_right_logical3A_70 : i32 to vector<16xi32>
    %shift_right_logical3A_72 = arith.shrui %get3A_62, %shift_right_logical3A_71 : vector<16xi32>
    %swap3A_73 = arith.constant 16 : index
    %swap3A_74 = tpu.vector_load %arg14[%swap3A_73] {strides = array<i32>} : memref<50xi32, #tpu.memory_space<vmem>>, vector<16xi32>,
    %swap3A_75 = vector.shape_cast %swap3A_74 : vector<16xi32> to vector<16xi32>
    %swap3A_76 = vector.shape_cast %shift_right_logical3A_72 : vector<16xi32> to vector<16xi32>
    tpu.vector_store %arg14[%swap3A_73], %swap3A_76 {strides = array<i32>} : memref<50xi32, #tpu.memory_space<vmem>>, vector<16xi32>,
    %get3A_77 = arith.constant 0 : i32
    %get3A_78 = arith.index_cast %get3A_77 : i32 to index
    %get3A_79 = arith.constant 32 : index
    %get3A_80 = tpu.vector_load %arg8[%get3A_78, %get3A_79] {strides = array<i32>} : memref<1x50xi32, #tpu.memory_space<vmem>>, vector<1x16xi32>,
    %get3A_81 = vector.shape_cast %get3A_80 : vector<1x16xi32> to vector<16xi32>
    %and3A_82 = arith.constant 65535 : i32
    %and3A_83 = vector.broadcast %and3A_82 : i32 to vector<16xi32>
    %and3A_84 = arith.andi %get3A_81, %and3A_83 : vector<16xi32>
    %swap3A_85 = arith.constant 32 : index
    %swap3A_86 = tpu.vector_load %arg11[%swap3A_85] {strides = array<i32>} : memref<50xi32, #tpu.memory_space<vmem>>, vector<16xi32>,
    %swap3A_87 = vector.shape_cast %swap3A_86 : vector<16xi32> to vector<16xi32>
    %swap3A_88 = vector.shape_cast %and3A_84 : vector<16xi32> to vector<16xi32>
    tpu.vector_store %arg11[%swap3A_85], %swap3A_88 {strides = array<i32>} : memref<50xi32, #tpu.memory_space<vmem>>, vector<16xi32>,
    %shift_right_logical3A_89 = arith.constant 16 : i32
    %shift_right_logical3A_90 = vector.broadcast %shift_right_logical3A_89 : i32 to vector<16xi32>
    %shift_right_logical3A_91 = arith.shrui %get3A_81, %shift_right_logical3A_90 : vector<16xi32>
    %swap3A_92 = arith.constant 32 : index
    %swap3A_93 = tpu.vector_load %arg14[%swap3A_92] {strides = array<i32>} : memref<50xi32, #tpu.memory_space<vmem>>, vector<16xi32>,
    %swap3A_94 = vector.shape_cast %swap3A_93 : vector<16xi32> to vector<16xi32>
    %swap3A_95 = vector.shape_cast %shift_right_logical3A_91 : vector<16xi32> to vector<16xi32>
    tpu.vector_store %arg14[%swap3A_92], %swap3A_95 {strides = array<i32>} : memref<50xi32, #tpu.memory_space<vmem>>, vector<16xi32>,
    %get3A_96 = arith.constant 0 : i32
    %get3A_97 = arith.index_cast %get3A_96 : i32 to index
    %get3A_98 = arith.constant 34 : index
    %get3A_99 = tpu.vector_load %arg8[%get3A_97, %get3A_98] {strides = array<i32>} : memref<1x50xi32, #tpu.memory_space<vmem>>, vector<1x16xi32>,
    %get3A_100 = vector.shape_cast %get3A_99 : vector<1x16xi32> to vector<16xi32>
    %and3A_101 = arith.constant 65535 : i32
    %and3A_102 = vector.broadcast %and3A_101 : i32 to vector<16xi32>
    %and3A_103 = arith.andi %get3A_100, %and3A_102 : vector<16xi32>
    %swap3A_104 = arith.constant 34 : index
    %swap3A_105 = tpu.vector_load %arg11[%swap3A_104] {strides = array<i32>} : memref<50xi32, #tpu.memory_space<vmem>>, vector<16xi32>,
    %swap3A_106 = vector.shape_cast %swap3A_105 : vector<16xi32> to vector<16xi32>
    %swap3A_107 = vector.shape_cast %and3A_103 : vector<16xi32> to vector<16xi32>
    tpu.vector_store %arg11[%swap3A_104], %swap3A_107 {strides = array<i32>} : memref<50xi32, #tpu.memory_space<vmem>>, vector<16xi32>,
    %shift_right_logical3A_108 = arith.constant 16 : i32
    %shift_right_logical3A_109 = vector.broadcast %shift_right_logical3A_108 : i32 to vector<16xi32>
    %shift_right_logical3A_110 = arith.shrui %get3A_100, %shift_right_logical3A_109 : vector<16xi32>
    %swap3A_111 = arith.constant 34 : index
    %swap3A_112 = tpu.vector_load %arg14[%swap3A_111] {strides = array<i32>} : memref<50xi32, #tpu.memory_space<vmem>>, vector<16xi32>,
    %swap3A_113 = vector.shape_cast %swap3A_112 : vector<16xi32> to vector<16xi32>
    %swap3A_114 = vector.shape_cast %shift_right_logical3A_110 : vector<16xi32> to vector<16xi32>
    tpu.vector_store %arg14[%swap3A_111], %swap3A_114 {strides = array<i32>} : memref<50xi32, #tpu.memory_space<vmem>>, vector<16xi32>,
    %mul3A_115 = arith.constant 200 : i32
    %mul3A_116 = arith.muli %arg1, %mul3A_115 : i32
    %add3A_117 = arith.constant 3 : i32
    %add3A_118 = arith.addi %mul3A_116, %add3A_117 : i32
    %dma_start3A_119 = arith.constant 0 : i32
    %dma_start3A_120 = arith.constant 0 : i32
    %dma_start3A_121 = tpu.memref_slice %arg4[%add3A_118, %dma_start3A_119, %dma_start3A_120] : memref<3200x1x50xi32, #tpu.memory_space<hbm>> -> memref<1x1x50xi32, #tpu.memory_space<hbm>>
    %dma_start3A_122 = tpu.memref_squeeze %dma_start3A_121 : memref<1x1x50xi32, #tpu.memory_space<hbm>> -> memref<1x50xi32, #tpu.memory_space<hbm>>
    %dma_start3A_123 = arith.constant 0 : i32
    %dma_start3A_124 = arith.constant 0 : i32
    %dma_start3A_125 = tpu.memref_slice %arg4[%add3A_118, %dma_start3A_123, %dma_start3A_124] : memref<3200x1x50xi32, #tpu.memory_space<hbm>> -> memref<1x1x50xi32, #tpu.memory_space<hbm>>
    %dma_start3A_126 = tpu.memref_squeeze %dma_start3A_125 : memref<1x1x50xi32, #tpu.memory_space<hbm>> -> memref<1x50xi32, #tpu.memory_space<hbm>>
    tpu.enqueue_dma source(%dma_start3A_126 : memref<1x50xi32, #tpu.memory_space<hbm>>) target(%arg8 : memref<1x50xi32, #tpu.memory_space<vmem>>) target_semaphore(%arg21 : memref<!tpu.dma_semaphore, #tpu.memory_space<semaphore_mem>>)
    %eq3A = arith.constant 0 : i32
    %eq3A_127 = arith.cmpi eq, %arg0, %eq3A : i32
    %convert_element_type3A_128 = arith.extui %eq3A_127 : i1 to i32
    %cond3A_129 = arith.constant 0 : i32
    %cond3A_130 = arith.cmpi ne, %convert_element_type3A_128, %cond3A_129 : i32
    scf.if %cond3A_130 {
      %dma_start3A_387 = arith.constant 0 : i32
      %dma_start3A_388 = arith.constant 0 : i32
      %dma_start3A_389 = tpu.memref_slice %arg2[%dma_start3A_387, %dma_start3A_388] : memref<10000x128xf32, #tpu.memory_space<hbm>> -> memref<10000x128xf32, #tpu.memory_space<hbm>>
      tpu.enqueue_indirect_dma source(%dma_start3A_389 : memref<10000x128xf32, #tpu.memory_space<hbm>>) target(%arg17 : memref<50x128xf32, #tpu.memory_space<vmem>>) offsets(%arg11 : memref<50xi32, #tpu.memory_space<vmem>>) semaphore(%arg24 : memref<!tpu.dma_semaphore, #tpu.memory_space<semaphore_mem>>)
    } else {
    }
    %eq3A_131 = arith.constant 1 : i32
    %eq3A_132 = arith.cmpi eq, %arg0, %eq3A_131 : i32
    %convert_element_type3A_133 = arith.extui %eq3A_132 : i1 to i32
    %cond3A_134 = arith.constant 0 : i32
    %cond3A_135 = arith.cmpi ne, %convert_element_type3A_133, %cond3A_134 : i32
    scf.if %cond3A_135 {
      %dma_start3A_387 = arith.constant 0 : i32
      %dma_start3A_388 = arith.constant 0 : i32
      %dma_start3A_389 = tpu.memref_slice %arg3[%dma_start3A_387, %dma_start3A_388] : memref<10000x128xf32, #tpu.memory_space<hbm>> -> memref<10000x128xf32, #tpu.memory_space<hbm>>
      tpu.enqueue_indirect_dma source(%dma_start3A_389 : memref<10000x128xf32, #tpu.memory_space<hbm>>) target(%arg17 : memref<50x128xf32, #tpu.memory_space<vmem>>) offsets(%arg11 : memref<50xi32, #tpu.memory_space<vmem>>) semaphore(%arg24 : memref<!tpu.dma_semaphore, #tpu.memory_space<semaphore_mem>>)
    } else {
    }
    %dma_wait3A_136 = arith.constant 0 : i32
    %dma_wait3A_137 = arith.constant 0 : i32
    %dma_wait3A_138 = arith.constant 0 : i32
    %dma_wait3A_139 = tpu.memref_slice %arg4[%dma_wait3A_136, %dma_wait3A_137, %dma_wait3A_138] : memref<3200x1x50xi32, #tpu.memory_space<hbm>> -> memref<1x1x50xi32, #tpu.memory_space<hbm>>
    %dma_wait3A_140 = tpu.memref_squeeze %dma_wait3A_139 : memref<1x1x50xi32, #tpu.memory_space<hbm>> -> memref<1x50xi32, #tpu.memory_space<hbm>>
    %dma_wait3A_141 = arith.constant 0 : i32
    %dma_wait3A_142 = arith.constant 0 : i32
    %dma_wait3A_143 = tpu.memref_slice %arg4[%dma_wait3A_136, %dma_wait3A_141, %dma_wait3A_142] : memref<3200x1x50xi32, #tpu.memory_space<hbm>> -> memref<1x1x50xi32, #tpu.memory_space<hbm>>
    %dma_wait3A_144 = tpu.memref_squeeze %dma_wait3A_143 : memref<1x1x50xi32, #tpu.memory_space<hbm>> -> memref<1x50xi32, #tpu.memory_space<hbm>>
    tpu.wait_dma2 semaphore(%arg22 : memref<!tpu.dma_semaphore, #tpu.memory_space<semaphore_mem>>) src(%dma_wait3A_144 : memref<1x50xi32, #tpu.memory_space<hbm>>) dst(%arg9 : memref<1x50xi32, #tpu.memory_space<vmem>>)
    %get3A_145 = arith.constant 0 : i32
    %get3A_146 = arith.index_cast %get3A_145 : i32 to index
    %get3A_147 = arith.constant 0 : index
    %get3A_148 = tpu.vector_load %arg9[%get3A_146, %get3A_147] {strides = array<i32>} : memref<1x50xi32, #tpu.memory_space<vmem>>, vector<1x16xi32>,
    %get3A_149 = vector.shape_cast %get3A_148 : vector<1x16xi32> to vector<16xi32>
    %and3A_150 = arith.constant 65535 : i32
    %and3A_151 = vector.broadcast %and3A_150 : i32 to vector<16xi32>
    %and3A_152 = arith.andi %get3A_149, %and3A_151 : vector<16xi32>
    %swap3A_153 = arith.constant 0 : index
    %swap3A_154 = tpu.vector_load %arg12[%swap3A_153] {strides = array<i32>} : memref<50xi32, #tpu.memory_space<vmem>>, vector<16xi32>,
    %swap3A_155 = vector.shape_cast %swap3A_154 : vector<16xi32> to vector<16xi32>
    %swap3A_156 = vector.shape_cast %and3A_152 : vector<16xi32> to vector<16xi32>
    tpu.vector_store %arg12[%swap3A_153], %swap3A_156 {strides = array<i32>} : memref<50xi32, #tpu.memory_space<vmem>>, vector<16xi32>,
    %shift_right_logical3A_157 = arith.constant 16 : i32
    %shift_right_logical3A_158 = vector.broadcast %shift_right_logical3A_157 : i32 to vector<16xi32>
    %shift_right_logical3A_159 = arith.shrui %get3A_149, %shift_right_logical3A_158 : vector<16xi32>
    %swap3A_160 = arith.constant 0 : index
    %swap3A_161 = tpu.vector_load %arg15[%swap3A_160] {strides = array<i32>} : memref<50xi32, #tpu.memory_space<vmem>>, vector<16xi32>,
    %swap3A_162 = vector.shape_cast %swap3A_161 : vector<16xi32> to vector<16xi32>
    %swap3A_163 = vector.shape_cast %shift_right_logical3A_159 : vector<16xi32> to vector<16xi32>
    tpu.vector_store %arg15[%swap3A_160], %swap3A_163 {strides = array<i32>} : memref<50xi32, #tpu.memory_space<vmem>>, vector<16xi32>,
    %get3A_164 = arith.constant 0 : i32
    %get3A_165 = arith.index_cast %get3A_164 : i32 to index
    %get3A_166 = arith.constant 16 : index
    %get3A_167 = tpu.vector_load %arg9[%get3A_165, %get3A_166] {strides = array<i32>} : memref<1x50xi32, #tpu.memory_space<vmem>>, vector<1x16xi32>,
    %get3A_168 = vector.shape_cast %get3A_167 : vector<1x16xi32> to vector<16xi32>
    %and3A_169 = arith.constant 65535 : i32
    %and3A_170 = vector.broadcast %and3A_169 : i32 to vector<16xi32>
    %and3A_171 = arith.andi %get3A_168, %and3A_170 : vector<16xi32>
    %swap3A_172 = arith.constant 16 : index
    %swap3A_173 = tpu.vector_load %arg12[%swap3A_172] {strides = array<i32>} : memref<50xi32, #tpu.memory_space<vmem>>, vector<16xi32>,
    %swap3A_174 = vector.shape_cast %swap3A_173 : vector<16xi32> to vector<16xi32>
    %swap3A_175 = vector.shape_cast %and3A_171 : vector<16xi32> to vector<16xi32>
    tpu.vector_store %arg12[%swap3A_172], %swap3A_175 {strides = array<i32>} : memref<50xi32, #tpu.memory_space<vmem>>, vector<16xi32>,
    %shift_right_logical3A_176 = arith.constant 16 : i32
    %shift_right_logical3A_177 = vector.broadcast %shift_right_logical3A_176 : i32 to vector<16xi32>
    %shift_right_logical3A_178 = arith.shrui %get3A_168, %shift_right_logical3A_177 : vector<16xi32>
    %swap3A_179 = arith.constant 16 : index
    %swap3A_180 = tpu.vector_load %arg15[%swap3A_179] {strides = array<i32>} : memref<50xi32, #tpu.memory_space<vmem>>, vector<16xi32>,
    %swap3A_181 = vector.shape_cast %swap3A_180 : vector<16xi32> to vector<16xi32>
    %swap3A_182 = vector.shape_cast %shift_right_logical3A_178 : vector<16xi32> to vector<16xi32>
    tpu.vector_store %arg15[%swap3A_179], %swap3A_182 {strides = array<i32>} : memref<50xi32, #tpu.memory_space<vmem>>, vector<16xi32>,
    %get3A_183 = arith.constant 0 : i32
    %get3A_184 = arith.index_cast %get3A_183 : i32 to index
    %get3A_185 = arith.constant 32 : index
    %get3A_186 = tpu.vector_load %arg9[%get3A_184, %get3A_185] {strides = array<i32>} : memref<1x50xi32, #tpu.memory_space<vmem>>, vector<1x16xi32>,
    %get3A_187 = vector.shape_cast %get3A_186 : vector<1x16xi32> to vector<16xi32>
    %and3A_188 = arith.constant 65535 : i32
    %and3A_189 = vector.broadcast %and3A_188 : i32 to vector<16xi32>
    %and3A_190 = arith.andi %get3A_187, %and3A_189 : vector<16xi32>
    %swap3A_191 = arith.constant 32 : index
    %swap3A_192 = tpu.vector_load %arg12[%swap3A_191] {strides = array<i32>} : memref<50xi32, #tpu.memory_space<vmem>>, vector<16xi32>,
    %swap3A_193 = vector.shape_cast %swap3A_192 : vector<16xi32> to vector<16xi32>
    %swap3A_194 = vector.shape_cast %and3A_190 : vector<16xi32> to vector<16xi32>
    tpu.vector_store %arg12[%swap3A_191], %swap3A_194 {strides = array<i32>} : memref<50xi32, #tpu.memory_space<vmem>>, vector<16xi32>,
    %shift_right_logical3A_195 = arith.constant 16 : i32
    %shift_right_logical3A_196 = vector.broadcast %shift_right_logical3A_195 : i32 to vector<16xi32>
    %shift_right_logical3A_197 = arith.shrui %get3A_187, %shift_right_logical3A_196 : vector<16xi32>
    %swap3A_198 = arith.constant 32 : index
    %swap3A_199 = tpu.vector_load %arg15[%swap3A_198] {strides = array<i32>} : memref<50xi32, #tpu.memory_space<vmem>>, vector<16xi32>,
    %swap3A_200 = vector.shape_cast %swap3A_199 : vector<16xi32> to vector<16xi32>
    %swap3A_201 = vector.shape_cast %shift_right_logical3A_197 : vector<16xi32> to vector<16xi32>
    tpu.vector_store %arg15[%swap3A_198], %swap3A_201 {strides = array<i32>} : memref<50xi32, #tpu.memory_space<vmem>>, vector<16xi32>,
    %get3A_202 = arith.constant 0 : i32
    %get3A_203 = arith.index_cast %get3A_202 : i32 to index
    %get3A_204 = arith.constant 34 : index
    %get3A_205 = tpu.vector_load %arg9[%get3A_203, %get3A_204] {strides = array<i32>} : memref<1x50xi32, #tpu.memory_space<vmem>>, vector<1x16xi32>,
    %get3A_206 = vector.shape_cast %get3A_205 : vector<1x16xi32> to vector<16xi32>
    %and3A_207 = arith.constant 65535 : i32
    %and3A_208 = vector.broadcast %and3A_207 : i32 to vector<16xi32>
    %and3A_209 = arith.andi %get3A_206, %and3A_208 : vector<16xi32>
    %swap3A_210 = arith.constant 34 : index
    %swap3A_211 = tpu.vector_load %arg12[%swap3A_210] {strides = array<i32>} : memref<50xi32, #tpu.memory_space<vmem>>, vector<16xi32>,
    %swap3A_212 = vector.shape_cast %swap3A_211 : vector<16xi32> to vector<16xi32>
    %swap3A_213 = vector.shape_cast %and3A_209 : vector<16xi32> to vector<16xi32>
    tpu.vector_store %arg12[%swap3A_210], %swap3A_213 {strides = array<i32>} : memref<50xi32, #tpu.memory_space<vmem>>, vector<16xi32>,
    %shift_right_logical3A_214 = arith.constant 16 : i32
    %shift_right_logical3A_215 = vector.broadcast %shift_right_logical3A_214 : i32 to vector<16xi32>
    %shift_right_logical3A_216 = arith.shrui %get3A_206, %shift_right_logical3A_215 : vector<16xi32>
    %swap3A_217 = arith.constant 34 : index
    %swap3A_218 = tpu.vector_load %arg15[%swap3A_217] {strides = array<i32>} : memref<50xi32, #tpu.memory_space<vmem>>, vector<16xi32>,
    %swap3A_219 = vector.shape_cast %swap3A_218 : vector<16xi32> to vector<16xi32>
    %swap3A_220 = vector.shape_cast %shift_right_logical3A_216 : vector<16xi32> to vector<16xi32>
    tpu.vector_store %arg15[%swap3A_217], %swap3A_220 {strides = array<i32>} : memref<50xi32, #tpu.memory_space<vmem>>, vector<16xi32>,
    %mul3A_221 = arith.constant 200 : i32
    %mul3A_222 = arith.muli %arg1, %mul3A_221 : i32
    %add3A_223 = arith.constant 4 : i32
    %add3A_224 = arith.addi %mul3A_222, %add3A_223 : i32
    %dma_start3A_225 = arith.constant 0 : i32
    %dma_start3A_226 = arith.constant 0 : i32
    %dma_start3A_227 = tpu.memref_slice %arg4[%add3A_224, %dma_start3A_225, %dma_start3A_226] : memref<3200x1x50xi32, #tpu.memory_space<hbm>> -> memref<1x1x50xi32, #tpu.memory_space<hbm>>
    %dma_start3A_228 = tpu.memref_squeeze %dma_start3A_227 : memref<1x1x50xi32, #tpu.memory_space<hbm>> -> memref<1x50xi32, #tpu.memory_space<hbm>>
    %dma_start3A_229 = arith.constant 0 : i32
    %dma_start3A_230 = arith.constant 0 : i32
    %dma_start3A_231 = tpu.memref_slice %arg4[%add3A_224, %dma_start3A_229, %dma_start3A_230] : memref<3200x1x50xi32, #tpu.memory_space<hbm>> -> memref<1x1x50xi32, #tpu.memory_space<hbm>>
    %dma_start3A_232 = tpu.memref_squeeze %dma_start3A_231 : memref<1x1x50xi32, #tpu.memory_space<hbm>> -> memref<1x50xi32, #tpu.memory_space<hbm>>
    tpu.enqueue_dma source(%dma_start3A_232 : memref<1x50xi32, #tpu.memory_space<hbm>>) target(%arg9 : memref<1x50xi32, #tpu.memory_space<vmem>>) target_semaphore(%arg22 : memref<!tpu.dma_semaphore, #tpu.memory_space<semaphore_mem>>)
    %eq3A_233 = arith.constant 0 : i32
    %eq3A_234 = arith.cmpi eq, %arg0, %eq3A_233 : i32
    %convert_element_type3A_235 = arith.extui %eq3A_234 : i1 to i32
    %cond3A_236 = arith.constant 0 : i32
    %cond3A_237 = arith.cmpi ne, %convert_element_type3A_235, %cond3A_236 : i32
    scf.if %cond3A_237 {
      %dma_start3A_387 = arith.constant 0 : i32
      %dma_start3A_388 = arith.constant 0 : i32
      %dma_start3A_389 = tpu.memref_slice %arg2[%dma_start3A_387, %dma_start3A_388] : memref<10000x128xf32, #tpu.memory_space<hbm>> -> memref<10000x128xf32, #tpu.memory_space<hbm>>
      tpu.enqueue_indirect_dma source(%dma_start3A_389 : memref<10000x128xf32, #tpu.memory_space<hbm>>) target(%arg18 : memref<50x128xf32, #tpu.memory_space<vmem>>) offsets(%arg12 : memref<50xi32, #tpu.memory_space<vmem>>) semaphore(%arg25 : memref<!tpu.dma_semaphore, #tpu.memory_space<semaphore_mem>>)
    } else {
    }
    %eq3A_238 = arith.constant 1 : i32
    %eq3A_239 = arith.cmpi eq, %arg0, %eq3A_238 : i32
    %convert_element_type3A_240 = arith.extui %eq3A_239 : i1 to i32
    %cond3A_241 = arith.constant 0 : i32
    %cond3A_242 = arith.cmpi ne, %convert_element_type3A_240, %cond3A_241 : i32
    scf.if %cond3A_242 {
      %dma_start3A_387 = arith.constant 0 : i32
      %dma_start3A_388 = arith.constant 0 : i32
      %dma_start3A_389 = tpu.memref_slice %arg3[%dma_start3A_387, %dma_start3A_388] : memref<10000x128xf32, #tpu.memory_space<hbm>> -> memref<10000x128xf32, #tpu.memory_space<hbm>>
      tpu.enqueue_indirect_dma source(%dma_start3A_389 : memref<10000x128xf32, #tpu.memory_space<hbm>>) target(%arg18 : memref<50x128xf32, #tpu.memory_space<vmem>>) offsets(%arg12 : memref<50xi32, #tpu.memory_space<vmem>>) semaphore(%arg25 : memref<!tpu.dma_semaphore, #tpu.memory_space<semaphore_mem>>)
    } else {
    }
    %dma_wait3A_243 = arith.constant 0 : i32
    %dma_wait3A_244 = arith.constant 0 : i32
    %dma_wait3A_245 = arith.constant 0 : i32
    %dma_wait3A_246 = tpu.memref_slice %arg4[%dma_wait3A_243, %dma_wait3A_244, %dma_wait3A_245] : memref<3200x1x50xi32, #tpu.memory_space<hbm>> -> memref<1x1x50xi32, #tpu.memory_space<hbm>>
    %dma_wait3A_247 = tpu.memref_squeeze %dma_wait3A_246 : memref<1x1x50xi32, #tpu.memory_space<hbm>> -> memref<1x50xi32, #tpu.memory_space<hbm>>
    %dma_wait3A_248 = arith.constant 0 : i32
    %dma_wait3A_249 = arith.constant 0 : i32
    %dma_wait3A_250 = tpu.memref_slice %arg4[%dma_wait3A_243, %dma_wait3A_248, %dma_wait3A_249] : memref<3200x1x50xi32, #tpu.memory_space<hbm>> -> memref<1x1x50xi32, #tpu.memory_space<hbm>>
    %dma_wait3A_251 = tpu.memref_squeeze %dma_wait3A_250 : memref<1x1x50xi32, #tpu.memory_space<hbm>> -> memref<1x50xi32, #tpu.memory_space<hbm>>
    tpu.wait_dma2 semaphore(%arg23 : memref<!tpu.dma_semaphore, #tpu.memory_space<semaphore_mem>>) src(%dma_wait3A_251 : memref<1x50xi32, #tpu.memory_space<hbm>>) dst(%arg10 : memref<1x50xi32, #tpu.memory_space<vmem>>)
    %get3A_252 = arith.constant 0 : i32
    %get3A_253 = arith.index_cast %get3A_252 : i32 to index
    %get3A_254 = arith.constant 0 : index
    %get3A_255 = tpu.vector_load %arg10[%get3A_253, %get3A_254] {strides = array<i32>} : memref<1x50xi32, #tpu.memory_space<vmem>>, vector<1x16xi32>,
    %get3A_256 = vector.shape_cast %get3A_255 : vector<1x16xi32> to vector<16xi32>
    %and3A_257 = arith.constant 65535 : i32
    %and3A_258 = vector.broadcast %and3A_257 : i32 to vector<16xi32>
    %and3A_259 = arith.andi %get3A_256, %and3A_258 : vector<16xi32>
    %swap3A_260 = arith.constant 0 : index
    %swap3A_261 = tpu.vector_load %arg13[%swap3A_260] {strides = array<i32>} : memref<50xi32, #tpu.memory_space<vmem>>, vector<16xi32>,
    %swap3A_262 = vector.shape_cast %swap3A_261 : vector<16xi32> to vector<16xi32>
    %swap3A_263 = vector.shape_cast %and3A_259 : vector<16xi32> to vector<16xi32>
    tpu.vector_store %arg13[%swap3A_260], %swap3A_263 {strides = array<i32>} : memref<50xi32, #tpu.memory_space<vmem>>, vector<16xi32>,
    %shift_right_logical3A_264 = arith.constant 16 : i32
    %shift_right_logical3A_265 = vector.broadcast %shift_right_logical3A_264 : i32 to vector<16xi32>
    %shift_right_logical3A_266 = arith.shrui %get3A_256, %shift_right_logical3A_265 : vector<16xi32>
    %swap3A_267 = arith.constant 0 : index
    %swap3A_268 = tpu.vector_load %arg16[%swap3A_267] {strides = array<i32>} : memref<50xi32, #tpu.memory_space<vmem>>, vector<16xi32>,
    %swap3A_269 = vector.shape_cast %swap3A_268 : vector<16xi32> to vector<16xi32>
    %swap3A_270 = vector.shape_cast %shift_right_logical3A_266 : vector<16xi32> to vector<16xi32>
    tpu.vector_store %arg16[%swap3A_267], %swap3A_270 {strides = array<i32>} : memref<50xi32, #tpu.memory_space<vmem>>, vector<16xi32>,
    %get3A_271 = arith.constant 0 : i32
    %get3A_272 = arith.index_cast %get3A_271 : i32 to index
    %get3A_273 = arith.constant 16 : index
    %get3A_274 = tpu.vector_load %arg10[%get3A_272, %get3A_273] {strides = array<i32>} : memref<1x50xi32, #tpu.memory_space<vmem>>, vector<1x16xi32>,
    %get3A_275 = vector.shape_cast %get3A_274 : vector<1x16xi32> to vector<16xi32>
    %and3A_276 = arith.constant 65535 : i32
    %and3A_277 = vector.broadcast %and3A_276 : i32 to vector<16xi32>
    %and3A_278 = arith.andi %get3A_275, %and3A_277 : vector<16xi32>
    %swap3A_279 = arith.constant 16 : index
    %swap3A_280 = tpu.vector_load %arg13[%swap3A_279] {strides = array<i32>} : memref<50xi32, #tpu.memory_space<vmem>>, vector<16xi32>,
    %swap3A_281 = vector.shape_cast %swap3A_280 : vector<16xi32> to vector<16xi32>
    %swap3A_282 = vector.shape_cast %and3A_278 : vector<16xi32> to vector<16xi32>
    tpu.vector_store %arg13[%swap3A_279], %swap3A_282 {strides = array<i32>} : memref<50xi32, #tpu.memory_space<vmem>>, vector<16xi32>,
    %shift_right_logical3A_283 = arith.constant 16 : i32
    %shift_right_logical3A_284 = vector.broadcast %shift_right_logical3A_283 : i32 to vector<16xi32>
    %shift_right_logical3A_285 = arith.shrui %get3A_275, %shift_right_logical3A_284 : vector<16xi32>
    %swap3A_286 = arith.constant 16 : index
    %swap3A_287 = tpu.vector_load %arg16[%swap3A_286] {strides = array<i32>} : memref<50xi32, #tpu.memory_space<vmem>>, vector<16xi32>,
    %swap3A_288 = vector.shape_cast %swap3A_287 : vector<16xi32> to vector<16xi32>
    %swap3A_289 = vector.shape_cast %shift_right_logical3A_285 : vector<16xi32> to vector<16xi32>
    tpu.vector_store %arg16[%swap3A_286], %swap3A_289 {strides = array<i32>} : memref<50xi32, #tpu.memory_space<vmem>>, vector<16xi32>,
    %get3A_290 = arith.constant 0 : i32
    %get3A_291 = arith.index_cast %get3A_290 : i32 to index
    %get3A_292 = arith.constant 32 : index
    %get3A_293 = tpu.vector_load %arg10[%get3A_291, %get3A_292] {strides = array<i32>} : memref<1x50xi32, #tpu.memory_space<vmem>>, vector<1x16xi32>,
    %get3A_294 = vector.shape_cast %get3A_293 : vector<1x16xi32> to vector<16xi32>
    %and3A_295 = arith.constant 65535 : i32
    %and3A_296 = vector.broadcast %and3A_295 : i32 to vector<16xi32>
    %and3A_297 = arith.andi %get3A_294, %and3A_296 : vector<16xi32>
    %swap3A_298 = arith.constant 32 : index
    %swap3A_299 = tpu.vector_load %arg13[%swap3A_298] {strides = array<i32>} : memref<50xi32, #tpu.memory_space<vmem>>, vector<16xi32>,
    %swap3A_300 = vector.shape_cast %swap3A_299 : vector<16xi32> to vector<16xi32>
    %swap3A_301 = vector.shape_cast %and3A_297 : vector<16xi32> to vector<16xi32>
    tpu.vector_store %arg13[%swap3A_298], %swap3A_301 {strides = array<i32>} : memref<50xi32, #tpu.memory_space<vmem>>, vector<16xi32>,
    %shift_right_logical3A_302 = arith.constant 16 : i32
    %shift_right_logical3A_303 = vector.broadcast %shift_right_logical3A_302 : i32 to vector<16xi32>
    %shift_right_logical3A_304 = arith.shrui %get3A_294, %shift_right_logical3A_303 : vector<16xi32>
    %swap3A_305 = arith.constant 32 : index
    %swap3A_306 = tpu.vector_load %arg16[%swap3A_305] {strides = array<i32>} : memref<50xi32, #tpu.memory_space<vmem>>, vector<16xi32>,
    %swap3A_307 = vector.shape_cast %swap3A_306 : vector<16xi32> to vector<16xi32>
    %swap3A_308 = vector.shape_cast %shift_right_logical3A_304 : vector<16xi32> to vector<16xi32>
    tpu.vector_store %arg16[%swap3A_305], %swap3A_308 {strides = array<i32>} : memref<50xi32, #tpu.memory_space<vmem>>, vector<16xi32>,
    %get3A_309 = arith.constant 0 : i32
    %get3A_310 = arith.index_cast %get3A_309 : i32 to index
    %get3A_311 = arith.constant 34 : index
    %get3A_312 = tpu.vector_load %arg10[%get3A_310, %get3A_311] {strides = array<i32>} : memref<1x50xi32, #tpu.memory_space<vmem>>, vector<1x16xi32>,
    %get3A_313 = vector.shape_cast %get3A_312 : vector<1x16xi32> to vector<16xi32>
    %and3A_314 = arith.constant 65535 : i32
    %and3A_315 = vector.broadcast %and3A_314 : i32 to vector<16xi32>
    %and3A_316 = arith.andi %get3A_313, %and3A_315 : vector<16xi32>
    %swap3A_317 = arith.constant 34 : index
    %swap3A_318 = tpu.vector_load %arg13[%swap3A_317] {strides = array<i32>} : memref<50xi32, #tpu.memory_space<vmem>>, vector<16xi32>,
    %swap3A_319 = vector.shape_cast %swap3A_318 : vector<16xi32> to vector<16xi32>
    %swap3A_320 = vector.shape_cast %and3A_316 : vector<16xi32> to vector<16xi32>
    tpu.vector_store %arg13[%swap3A_317], %swap3A_320 {strides = array<i32>} : memref<50xi32, #tpu.memory_space<vmem>>, vector<16xi32>,
    %shift_right_logical3A_321 = arith.constant 16 : i32
    %shift_right_logical3A_322 = vector.broadcast %shift_right_logical3A_321 : i32 to vector<16xi32>
    %shift_right_logical3A_323 = arith.shrui %get3A_313, %shift_right_logical3A_322 : vector<16xi32>
    %swap3A_324 = arith.constant 34 : index
    %swap3A_325 = tpu.vector_load %arg16[%swap3A_324] {strides = array<i32>} : memref<50xi32, #tpu.memory_space<vmem>>, vector<16xi32>,
    %swap3A_326 = vector.shape_cast %swap3A_325 : vector<16xi32> to vector<16xi32>
    %swap3A_327 = vector.shape_cast %shift_right_logical3A_323 : vector<16xi32> to vector<16xi32>
    tpu.vector_store %arg16[%swap3A_324], %swap3A_327 {strides = array<i32>} : memref<50xi32, #tpu.memory_space<vmem>>, vector<16xi32>,
    %mul3A_328 = arith.constant 200 : i32
    %mul3A_329 = arith.muli %arg1, %mul3A_328 : i32
    %add3A_330 = arith.constant 5 : i32
    %add3A_331 = arith.addi %mul3A_329, %add3A_330 : i32
    %dma_start3A_332 = arith.constant 0 : i32
    %dma_start3A_333 = arith.constant 0 : i32
    %dma_start3A_334 = tpu.memref_slice %arg4[%add3A_331, %dma_start3A_332, %dma_start3A_333] : memref<3200x1x50xi32, #tpu.memory_space<hbm>> -> memref<1x1x50xi32, #tpu.memory_space<hbm>>
    %dma_start3A_335 = tpu.memref_squeeze %dma_start3A_334 : memref<1x1x50xi32, #tpu.memory_space<hbm>> -> memref<1x50xi32, #tpu.memory_space<hbm>>
    %dma_start3A_336 = arith.constant 0 : i32
    %dma_start3A_337 = arith.constant 0 : i32
    %dma_start3A_338 = tpu.memref_slice %arg4[%add3A_331, %dma_start3A_336, %dma_start3A_337] : memref<3200x1x50xi32, #tpu.memory_space<hbm>> -> memref<1x1x50xi32, #tpu.memory_space<hbm>>
    %dma_start3A_339 = tpu.memref_squeeze %dma_start3A_338 : memref<1x1x50xi32, #tpu.memory_space<hbm>> -> memref<1x50xi32, #tpu.memory_space<hbm>>
    tpu.enqueue_dma source(%dma_start3A_339 : memref<1x50xi32, #tpu.memory_space<hbm>>) target(%arg10 : memref<1x50xi32, #tpu.memory_space<vmem>>) target_semaphore(%arg23 : memref<!tpu.dma_semaphore, #tpu.memory_space<semaphore_mem>>)
    %eq3A_340 = arith.constant 0 : i32
    %eq3A_341 = arith.cmpi eq, %arg0, %eq3A_340 : i32
    %convert_element_type3A_342 = arith.extui %eq3A_341 : i1 to i32
    %cond3A_343 = arith.constant 0 : i32
    %cond3A_344 = arith.cmpi ne, %convert_element_type3A_342, %cond3A_343 : i32
    scf.if %cond3A_344 {
      %dma_start3A_387 = arith.constant 0 : i32
      %dma_start3A_388 = arith.constant 0 : i32
      %dma_start3A_389 = tpu.memref_slice %arg2[%dma_start3A_387, %dma_start3A_388] : memref<10000x128xf32, #tpu.memory_space<hbm>> -> memref<10000x128xf32, #tpu.memory_space<hbm>>
      tpu.enqueue_indirect_dma source(%dma_start3A_389 : memref<10000x128xf32, #tpu.memory_space<hbm>>) target(%arg19 : memref<50x128xf32, #tpu.memory_space<vmem>>) offsets(%arg13 : memref<50xi32, #tpu.memory_space<vmem>>) semaphore(%arg26 : memref<!tpu.dma_semaphore, #tpu.memory_space<semaphore_mem>>)
    } else {
    }
    %eq3A_345 = arith.constant 1 : i32
    %eq3A_346 = arith.cmpi eq, %arg0, %eq3A_345 : i32
    %convert_element_type3A_347 = arith.extui %eq3A_346 : i1 to i32
    %cond3A_348 = arith.constant 0 : i32
    %cond3A_349 = arith.cmpi ne, %convert_element_type3A_347, %cond3A_348 : i32
    scf.if %cond3A_349 {
      %dma_start3A_387 = arith.constant 0 : i32
      %dma_start3A_388 = arith.constant 0 : i32
      %dma_start3A_389 = tpu.memref_slice %arg3[%dma_start3A_387, %dma_start3A_388] : memref<10000x128xf32, #tpu.memory_space<hbm>> -> memref<10000x128xf32, #tpu.memory_space<hbm>>
      tpu.enqueue_indirect_dma source(%dma_start3A_389 : memref<10000x128xf32, #tpu.memory_space<hbm>>) target(%arg19 : memref<50x128xf32, #tpu.memory_space<vmem>>) offsets(%arg13 : memref<50xi32, #tpu.memory_space<vmem>>) semaphore(%arg26 : memref<!tpu.dma_semaphore, #tpu.memory_space<semaphore_mem>>)
    } else {
    }
    %lt3A_350 = arith.constant 10 : i32
    %lt3A_351 = arith.cmpi slt, %arg1, %lt3A_350 : i32
    %convert_element_type3A_352 = arith.extui %lt3A_351 : i1 to i32
    %cond3A_353 = arith.constant 0 : i32
    %cond3A_354 = arith.cmpi ne, %convert_element_type3A_352, %cond3A_353 : i32
    scf.if %cond3A_354 {
      %dma_wait3A_387 = arith.constant 0 : i32
      %dma_wait3A_388 = arith.constant 0 : i32
      %dma_wait3A_389 = tpu.memref_slice %arg20[%dma_wait3A_387, %dma_wait3A_388] : memref<10000x128xf32, #tpu.memory_space<vmem_shared>> -> memref<1000x128xf32, #tpu.memory_space<vmem_shared>>
      tpu.wait_dma2 semaphore(%arg30 : memref<!tpu.dma_semaphore, #tpu.memory_space<semaphore_mem>>) src(%arg5 : memref<1000x128xf32, #tpu.memory_space<hbm>>) dst(%dma_wait3A_389 : memref<1000x128xf32, #tpu.memory_space<vmem_shared>>)
    } else {
    }
    %barrier3A = arith.constant 0 : index
    tpu.barrier barrier_id(%barrier3A)
    %scan3A = arith.constant 0 : i32
    %scan3A_355 = arith.constant 0 : i32
    %scan3A_356 = arith.constant 66 : i32
    %scan3A_357 = arith.addi %scan3A_355, %scan3A_356 : i32
    %scan3A_358 = arith.constant 1 : i32
    scf.for %scan3A_387 = %scan3A_355 to %scan3A_357 step %scan3A_358  : i32 {
      %mul3A_388 = arith.constant 3 : i32
      %mul3A_389 = arith.muli %scan3A_387, %mul3A_388 : i32
      %dma_wait3A_390 = arith.constant 0 : i32
      %dma_wait3A_391 = arith.constant 0 : i32
      %dma_wait3A_392 = tpu.memref_slice %arg2[%dma_wait3A_390, %dma_wait3A_391] : memref<10000x128xf32, #tpu.memory_space<hbm>> -> memref<10000x128xf32, #tpu.memory_space<hbm>>
      tpu.wait_indirect_dma semaphore(%arg24 : memref<!tpu.dma_semaphore, #tpu.memory_space<semaphore_mem>>) src(%dma_wait3A_392 : memref<10000x128xf32, #tpu.memory_space<hbm>>) dst(%arg17 : memref<50x128xf32, #tpu.memory_space<vmem>>)
      %dma_start3A_393 = arith.constant 0 : i32
      %dma_start3A_394 = arith.constant 0 : i32
      %dma_start3A_395 = tpu.memref_slice %arg20[%dma_start3A_393, %dma_start3A_394] : memref<10000x128xf32, #tpu.memory_space<vmem_shared>> -> memref<10000x128xf32, #tpu.memory_space<vmem_shared>>
      tpu.enqueue_indirect_dma source(%arg17 : memref<50x128xf32, #tpu.memory_space<vmem>>) target(%dma_start3A_395 : memref<10000x128xf32, #tpu.memory_space<vmem_shared>>) offsets(%arg14 : memref<50xi32, #tpu.memory_space<vmem>>) semaphore(%arg27 : memref<!tpu.dma_semaphore, #tpu.memory_space<semaphore_mem>>) {add = true}
      %dma_wait3A_396 = arith.constant 0 : i32
      %dma_wait3A_397 = arith.constant 0 : i32
      %dma_wait3A_398 = tpu.memref_slice %arg2[%dma_wait3A_396, %dma_wait3A_397] : memref<10000x128xf32, #tpu.memory_space<hbm>> -> memref<10000x128xf32, #tpu.memory_space<hbm>>
      tpu.wait_indirect_dma semaphore(%arg25 : memref<!tpu.dma_semaphore, #tpu.memory_space<semaphore_mem>>) src(%dma_wait3A_398 : memref<10000x128xf32, #tpu.memory_space<hbm>>) dst(%arg18 : memref<50x128xf32, #tpu.memory_space<vmem>>)
      %dma_start3A_399 = arith.constant 0 : i32
      %dma_start3A_400 = arith.constant 0 : i32
      %dma_start3A_401 = tpu.memref_slice %arg20[%dma_start3A_399, %dma_start3A_400] : memref<10000x128xf32, #tpu.memory_space<vmem_shared>> -> memref<10000x128xf32, #tpu.memory_space<vmem_shared>>
      tpu.enqueue_indirect_dma source(%arg18 : memref<50x128xf32, #tpu.memory_space<vmem>>) target(%dma_start3A_401 : memref<10000x128xf32, #tpu.memory_space<vmem_shared>>) offsets(%arg15 : memref<50xi32, #tpu.memory_space<vmem>>) semaphore(%arg28 : memref<!tpu.dma_semaphore, #tpu.memory_space<semaphore_mem>>) {add = true}
      %dma_wait3A_402 = arith.constant 0 : i32
      %dma_wait3A_403 = arith.constant 0 : i32
      %dma_wait3A_404 = tpu.memref_slice %arg2[%dma_wait3A_402, %dma_wait3A_403] : memref<10000x128xf32, #tpu.memory_space<hbm>> -> memref<10000x128xf32, #tpu.memory_space<hbm>>
      tpu.wait_indirect_dma semaphore(%arg26 : memref<!tpu.dma_semaphore, #tpu.memory_space<semaphore_mem>>) src(%dma_wait3A_404 : memref<10000x128xf32, #tpu.memory_space<hbm>>) dst(%arg19 : memref<50x128xf32, #tpu.memory_space<vmem>>)
      %dma_start3A_405 = arith.constant 0 : i32
      %dma_start3A_406 = arith.constant 0 : i32
      %dma_start3A_407 = tpu.memref_slice %arg20[%dma_start3A_405, %dma_start3A_406] : memref<10000x128xf32, #tpu.memory_space<vmem_shared>> -> memref<10000x128xf32, #tpu.memory_space<vmem_shared>>
      tpu.enqueue_indirect_dma source(%arg19 : memref<50x128xf32, #tpu.memory_space<vmem>>) target(%dma_start3A_407 : memref<10000x128xf32, #tpu.memory_space<vmem_shared>>) offsets(%arg16 : memref<50xi32, #tpu.memory_space<vmem>>) semaphore(%arg29 : memref<!tpu.dma_semaphore, #tpu.memory_space<semaphore_mem>>) {add = true}
      %add3A_408 = arith.constant 3 : i32
      %add3A_409 = arith.addi %mul3A_389, %add3A_408 : i32
      %add3A_410 = arith.constant 0 : i32
      %add3A_411 = arith.addi %add3A_409, %add3A_410 : i32
      %lt3A_412 = arith.constant 200 : i32
      %lt3A_413 = arith.cmpi slt, %add3A_411, %lt3A_412 : i32
      %convert_element_type3A_414 = arith.extui %lt3A_413 : i1 to i32
      %cond3A_415 = arith.constant 0 : i32
      %cond3A_416 = arith.cmpi ne, %convert_element_type3A_414, %cond3A_415 : i32
      scf.if %cond3A_416 {
        %dma_wait3A_435 = arith.constant 0 : i32
        %dma_wait3A_436 = arith.constant 0 : i32
        %dma_wait3A_437 = tpu.memref_slice %arg20[%dma_wait3A_435, %dma_wait3A_436] : memref<10000x128xf32, #tpu.memory_space<vmem_shared>> -> memref<10000x128xf32, #tpu.memory_space<vmem_shared>>
        tpu.wait_indirect_dma semaphore(%arg27 : memref<!tpu.dma_semaphore, #tpu.memory_space<semaphore_mem>>) src(%arg17 : memref<50x128xf32, #tpu.memory_space<vmem>>) dst(%dma_wait3A_437 : memref<10000x128xf32, #tpu.memory_space<vmem_shared>>)
        %dma_wait3A_438 = arith.constant 0 : i32
        %dma_wait3A_439 = arith.constant 0 : i32
        %dma_wait3A_440 = arith.constant 0 : i32
        %dma_wait3A_441 = tpu.memref_slice %arg4[%dma_wait3A_438, %dma_wait3A_439, %dma_wait3A_440] : memref<3200x1x50xi32, #tpu.memory_space<hbm>> -> memref<1x1x50xi32, #tpu.memory_space<hbm>>
        %dma_wait3A_442 = tpu.memref_squeeze %dma_wait3A_441 : memref<1x1x50xi32, #tpu.memory_space<hbm>> -> memref<1x50xi32, #tpu.memory_space<hbm>>
        %dma_wait3A_443 = arith.constant 0 : i32
        %dma_wait3A_444 = arith.constant 0 : i32
        %dma_wait3A_445 = tpu.memref_slice %arg4[%dma_wait3A_438, %dma_wait3A_443, %dma_wait3A_444] : memref<3200x1x50xi32, #tpu.memory_space<hbm>> -> memref<1x1x50xi32, #tpu.memory_space<hbm>>
        %dma_wait3A_446 = tpu.memref_squeeze %dma_wait3A_445 : memref<1x1x50xi32, #tpu.memory_space<hbm>> -> memref<1x50xi32, #tpu.memory_space<hbm>>
        tpu.wait_dma2 semaphore(%arg21 : memref<!tpu.dma_semaphore, #tpu.memory_space<semaphore_mem>>) src(%dma_wait3A_446 : memref<1x50xi32, #tpu.memory_space<hbm>>) dst(%arg8 : memref<1x50xi32, #tpu.memory_space<vmem>>)
        %get3A_447 = arith.constant 0 : i32
        %get3A_448 = arith.index_cast %get3A_447 : i32 to index
        %get3A_449 = arith.constant 0 : index
        %get3A_450 = tpu.vector_load %arg8[%get3A_448, %get3A_449] {strides = array<i32>} : memref<1x50xi32, #tpu.memory_space<vmem>>, vector<1x16xi32>,
        %get3A_451 = vector.shape_cast %get3A_450 : vector<1x16xi32> to vector<16xi32>
        %and3A_452 = arith.constant 65535 : i32
        %and3A_453 = vector.broadcast %and3A_452 : i32 to vector<16xi32>
        %and3A_454 = arith.andi %get3A_451, %and3A_453 : vector<16xi32>
        %swap3A_455 = arith.constant 0 : index
        %swap3A_456 = tpu.vector_load %arg11[%swap3A_455] {strides = array<i32>} : memref<50xi32, #tpu.memory_space<vmem>>, vector<16xi32>,
        %swap3A_457 = vector.shape_cast %swap3A_456 : vector<16xi32> to vector<16xi32>
        %swap3A_458 = vector.shape_cast %and3A_454 : vector<16xi32> to vector<16xi32>
        tpu.vector_store %arg11[%swap3A_455], %swap3A_458 {strides = array<i32>} : memref<50xi32, #tpu.memory_space<vmem>>, vector<16xi32>,
        %shift_right_logical3A_459 = arith.constant 16 : i32
        %shift_right_logical3A_460 = vector.broadcast %shift_right_logical3A_459 : i32 to vector<16xi32>
        %shift_right_logical3A_461 = arith.shrui %get3A_451, %shift_right_logical3A_460 : vector<16xi32>
        %swap3A_462 = arith.constant 0 : index
        %swap3A_463 = tpu.vector_load %arg14[%swap3A_462] {strides = array<i32>} : memref<50xi32, #tpu.memory_space<vmem>>, vector<16xi32>,
        %swap3A_464 = vector.shape_cast %swap3A_463 : vector<16xi32> to vector<16xi32>
        %swap3A_465 = vector.shape_cast %shift_right_logical3A_461 : vector<16xi32> to vector<16xi32>
        tpu.vector_store %arg14[%swap3A_462], %swap3A_465 {strides = array<i32>} : memref<50xi32, #tpu.memory_space<vmem>>, vector<16xi32>,
        %get3A_466 = arith.constant 0 : i32
        %get3A_467 = arith.index_cast %get3A_466 : i32 to index
        %get3A_468 = arith.constant 16 : index
        %get3A_469 = tpu.vector_load %arg8[%get3A_467, %get3A_468] {strides = array<i32>} : memref<1x50xi32, #tpu.memory_space<vmem>>, vector<1x16xi32>,
        %get3A_470 = vector.shape_cast %get3A_469 : vector<1x16xi32> to vector<16xi32>
        %and3A_471 = arith.constant 65535 : i32
        %and3A_472 = vector.broadcast %and3A_471 : i32 to vector<16xi32>
        %and3A_473 = arith.andi %get3A_470, %and3A_472 : vector<16xi32>
        %swap3A_474 = arith.constant 16 : index
        %swap3A_475 = tpu.vector_load %arg11[%swap3A_474] {strides = array<i32>} : memref<50xi32, #tpu.memory_space<vmem>>, vector<16xi32>,
        %swap3A_476 = vector.shape_cast %swap3A_475 : vector<16xi32> to vector<16xi32>
        %swap3A_477 = vector.shape_cast %and3A_473 : vector<16xi32> to vector<16xi32>
        tpu.vector_store %arg11[%swap3A_474], %swap3A_477 {strides = array<i32>} : memref<50xi32, #tpu.memory_space<vmem>>, vector<16xi32>,
        %shift_right_logical3A_478 = arith.constant 16 : i32
        %shift_right_logical3A_479 = vector.broadcast %shift_right_logical3A_478 : i32 to vector<16xi32>
        %shift_right_logical3A_480 = arith.shrui %get3A_470, %shift_right_logical3A_479 : vector<16xi32>
        %swap3A_481 = arith.constant 16 : index
        %swap3A_482 = tpu.vector_load %arg14[%swap3A_481] {strides = array<i32>} : memref<50xi32, #tpu.memory_space<vmem>>, vector<16xi32>,
        %swap3A_483 = vector.shape_cast %swap3A_482 : vector<16xi32> to vector<16xi32>
        %swap3A_484 = vector.shape_cast %shift_right_logical3A_480 : vector<16xi32> to vector<16xi32>
        tpu.vector_store %arg14[%swap3A_481], %swap3A_484 {strides = array<i32>} : memref<50xi32, #tpu.memory_space<vmem>>, vector<16xi32>,
        %get3A_485 = arith.constant 0 : i32
        %get3A_486 = arith.index_cast %get3A_485 : i32 to index
        %get3A_487 = arith.constant 32 : index
        %get3A_488 = tpu.vector_load %arg8[%get3A_486, %get3A_487] {strides = array<i32>} : memref<1x50xi32, #tpu.memory_space<vmem>>, vector<1x16xi32>,
        %get3A_489 = vector.shape_cast %get3A_488 : vector<1x16xi32> to vector<16xi32>
        %and3A_490 = arith.constant 65535 : i32
        %and3A_491 = vector.broadcast %and3A_490 : i32 to vector<16xi32>
        %and3A_492 = arith.andi %get3A_489, %and3A_491 : vector<16xi32>
        %swap3A_493 = arith.constant 32 : index
        %swap3A_494 = tpu.vector_load %arg11[%swap3A_493] {strides = array<i32>} : memref<50xi32, #tpu.memory_space<vmem>>, vector<16xi32>,
        %swap3A_495 = vector.shape_cast %swap3A_494 : vector<16xi32> to vector<16xi32>
        %swap3A_496 = vector.shape_cast %and3A_492 : vector<16xi32> to vector<16xi32>
        tpu.vector_store %arg11[%swap3A_493], %swap3A_496 {strides = array<i32>} : memref<50xi32, #tpu.memory_space<vmem>>, vector<16xi32>,
        %shift_right_logical3A_497 = arith.constant 16 : i32
        %shift_right_logical3A_498 = vector.broadcast %shift_right_logical3A_497 : i32 to vector<16xi32>
        %shift_right_logical3A_499 = arith.shrui %get3A_489, %shift_right_logical3A_498 : vector<16xi32>
        %swap3A_500 = arith.constant 32 : index
        %swap3A_501 = tpu.vector_load %arg14[%swap3A_500] {strides = array<i32>} : memref<50xi32, #tpu.memory_space<vmem>>, vector<16xi32>,
        %swap3A_502 = vector.shape_cast %swap3A_501 : vector<16xi32> to vector<16xi32>
        %swap3A_503 = vector.shape_cast %shift_right_logical3A_499 : vector<16xi32> to vector<16xi32>
        tpu.vector_store %arg14[%swap3A_500], %swap3A_503 {strides = array<i32>} : memref<50xi32, #tpu.memory_space<vmem>>, vector<16xi32>,
        %get3A_504 = arith.constant 0 : i32
        %get3A_505 = arith.index_cast %get3A_504 : i32 to index
        %get3A_506 = arith.constant 34 : index
        %get3A_507 = tpu.vector_load %arg8[%get3A_505, %get3A_506] {strides = array<i32>} : memref<1x50xi32, #tpu.memory_space<vmem>>, vector<1x16xi32>,
        %get3A_508 = vector.shape_cast %get3A_507 : vector<1x16xi32> to vector<16xi32>
        %and3A_509 = arith.constant 65535 : i32
        %and3A_510 = vector.broadcast %and3A_509 : i32 to vector<16xi32>
        %and3A_511 = arith.andi %get3A_508, %and3A_510 : vector<16xi32>
        %swap3A_512 = arith.constant 34 : index
        %swap3A_513 = tpu.vector_load %arg11[%swap3A_512] {strides = array<i32>} : memref<50xi32, #tpu.memory_space<vmem>>, vector<16xi32>,
        %swap3A_514 = vector.shape_cast %swap3A_513 : vector<16xi32> to vector<16xi32>
        %swap3A_515 = vector.shape_cast %and3A_511 : vector<16xi32> to vector<16xi32>
        tpu.vector_store %arg11[%swap3A_512], %swap3A_515 {strides = array<i32>} : memref<50xi32, #tpu.memory_space<vmem>>, vector<16xi32>,
        %shift_right_logical3A_516 = arith.constant 16 : i32
        %shift_right_logical3A_517 = vector.broadcast %shift_right_logical3A_516 : i32 to vector<16xi32>
        %shift_right_logical3A_518 = arith.shrui %get3A_508, %shift_right_logical3A_517 : vector<16xi32>
        %swap3A_519 = arith.constant 34 : index
        %swap3A_520 = tpu.vector_load %arg14[%swap3A_519] {strides = array<i32>} : memref<50xi32, #tpu.memory_space<vmem>>, vector<16xi32>,
        %swap3A_521 = vector.shape_cast %swap3A_520 : vector<16xi32> to vector<16xi32>
        %swap3A_522 = vector.shape_cast %shift_right_logical3A_518 : vector<16xi32> to vector<16xi32>
        tpu.vector_store %arg14[%swap3A_519], %swap3A_522 {strides = array<i32>} : memref<50xi32, #tpu.memory_space<vmem>>, vector<16xi32>,
        %add3A_523 = arith.constant 3 : i32
        %add3A_524 = arith.addi %add3A_411, %add3A_523 : i32
        %lt3A_525 = arith.constant 200 : i32
        %lt3A_526 = arith.cmpi slt, %add3A_524, %lt3A_525 : i32
        %convert_element_type3A_527 = arith.extui %lt3A_526 : i1 to i32
        %cond3A_528 = arith.constant 0 : i32
        %cond3A_529 = arith.cmpi ne, %convert_element_type3A_527, %cond3A_528 : i32
        scf.if %cond3A_529 {
          %add3A_540 = arith.constant 3 : i32
          %add3A_541 = arith.addi %add3A_411, %add3A_540 : i32
          %mul3A_542 = arith.constant 200 : i32
          %mul3A_543 = arith.muli %arg1, %mul3A_542 : i32
          %add3A_544 = arith.addi %mul3A_543, %add3A_541 : i32
          %dma_start3A_545 = arith.constant 0 : i32
          %dma_start3A_546 = arith.constant 0 : i32
          %dma_start3A_547 = tpu.memref_slice %arg4[%add3A_544, %dma_start3A_545, %dma_start3A_546] : memref<3200x1x50xi32, #tpu.memory_space<hbm>> -> memref<1x1x50xi32, #tpu.memory_space<hbm>>
          %dma_start3A_548 = tpu.memref_squeeze %dma_start3A_547 : memref<1x1x50xi32, #tpu.memory_space<hbm>> -> memref<1x50xi32, #tpu.memory_space<hbm>>
          %dma_start3A_549 = arith.constant 0 : i32
          %dma_start3A_550 = arith.constant 0 : i32
          %dma_start3A_551 = tpu.memref_slice %arg4[%add3A_544, %dma_start3A_549, %dma_start3A_550] : memref<3200x1x50xi32, #tpu.memory_space<hbm>> -> memref<1x1x50xi32, #tpu.memory_space<hbm>>
          %dma_start3A_552 = tpu.memref_squeeze %dma_start3A_551 : memref<1x1x50xi32, #tpu.memory_space<hbm>> -> memref<1x50xi32, #tpu.memory_space<hbm>>
          tpu.enqueue_dma source(%dma_start3A_552 : memref<1x50xi32, #tpu.memory_space<hbm>>) target(%arg8 : memref<1x50xi32, #tpu.memory_space<vmem>>) target_semaphore(%arg21 : memref<!tpu.dma_semaphore, #tpu.memory_space<semaphore_mem>>)
        } else {
        }
        %eq3A_530 = arith.constant 0 : i32
        %eq3A_531 = arith.cmpi eq, %arg0, %eq3A_530 : i32
        %convert_element_type3A_532 = arith.extui %eq3A_531 : i1 to i32
        %cond3A_533 = arith.constant 0 : i32
        %cond3A_534 = arith.cmpi ne, %convert_element_type3A_532, %cond3A_533 : i32
        scf.if %cond3A_534 {
          %dma_start3A_540 = arith.constant 0 : i32
          %dma_start3A_541 = arith.constant 0 : i32
          %dma_start3A_542 = tpu.memref_slice %arg2[%dma_start3A_540, %dma_start3A_541] : memref<10000x128xf32, #tpu.memory_space<hbm>> -> memref<10000x128xf32, #tpu.memory_space<hbm>>
          tpu.enqueue_indirect_dma source(%dma_start3A_542 : memref<10000x128xf32, #tpu.memory_space<hbm>>) target(%arg17 : memref<50x128xf32, #tpu.memory_space<vmem>>) offsets(%arg11 : memref<50xi32, #tpu.memory_space<vmem>>) semaphore(%arg24 : memref<!tpu.dma_semaphore, #tpu.memory_space<semaphore_mem>>)
        } else {
        }
        %eq3A_535 = arith.constant 1 : i32
        %eq3A_536 = arith.cmpi eq, %arg0, %eq3A_535 : i32
        %convert_element_type3A_537 = arith.extui %eq3A_536 : i1 to i32
        %cond3A_538 = arith.constant 0 : i32
        %cond3A_539 = arith.cmpi ne, %convert_element_type3A_537, %cond3A_538 : i32
        scf.if %cond3A_539 {
          %dma_start3A_540 = arith.constant 0 : i32
          %dma_start3A_541 = arith.constant 0 : i32
          %dma_start3A_542 = tpu.memref_slice %arg3[%dma_start3A_540, %dma_start3A_541] : memref<10000x128xf32, #tpu.memory_space<hbm>> -> memref<10000x128xf32, #tpu.memory_space<hbm>>
          tpu.enqueue_indirect_dma source(%dma_start3A_542 : memref<10000x128xf32, #tpu.memory_space<hbm>>) target(%arg17 : memref<50x128xf32, #tpu.memory_space<vmem>>) offsets(%arg11 : memref<50xi32, #tpu.memory_space<vmem>>) semaphore(%arg24 : memref<!tpu.dma_semaphore, #tpu.memory_space<semaphore_mem>>)
        } else {
        }
      } else {
      }
      %add3A_417 = arith.constant 3 : i32
      %add3A_418 = arith.addi %mul3A_389, %add3A_417 : i32
      %add3A_419 = arith.constant 1 : i32
      %add3A_420 = arith.addi %add3A_418, %add3A_419 : i32
      %lt3A_421 = arith.constant 200 : i32
      %lt3A_422 = arith.cmpi slt, %add3A_420, %lt3A_421 : i32
      %convert_element_type3A_423 = arith.extui %lt3A_422 : i1 to i32
      %cond3A_424 = arith.constant 0 : i32
      %cond3A_425 = arith.cmpi ne, %convert_element_type3A_423, %cond3A_424 : i32
      scf.if %cond3A_425 {
        %dma_wait3A_435 = arith.constant 0 : i32
        %dma_wait3A_436 = arith.constant 0 : i32
        %dma_wait3A_437 = tpu.memref_slice %arg20[%dma_wait3A_435, %dma_wait3A_436] : memref<10000x128xf32, #tpu.memory_space<vmem_shared>> -> memref<10000x128xf32, #tpu.memory_space<vmem_shared>>
        tpu.wait_indirect_dma semaphore(%arg28 : memref<!tpu.dma_semaphore, #tpu.memory_space<semaphore_mem>>) src(%arg18 : memref<50x128xf32, #tpu.memory_space<vmem>>) dst(%dma_wait3A_437 : memref<10000x128xf32, #tpu.memory_space<vmem_shared>>)
        %dma_wait3A_438 = arith.constant 0 : i32
        %dma_wait3A_439 = arith.constant 0 : i32
        %dma_wait3A_440 = arith.constant 0 : i32
        %dma_wait3A_441 = tpu.memref_slice %arg4[%dma_wait3A_438, %dma_wait3A_439, %dma_wait3A_440] : memref<3200x1x50xi32, #tpu.memory_space<hbm>> -> memref<1x1x50xi32, #tpu.memory_space<hbm>>
        %dma_wait3A_442 = tpu.memref_squeeze %dma_wait3A_441 : memref<1x1x50xi32, #tpu.memory_space<hbm>> -> memref<1x50xi32, #tpu.memory_space<hbm>>
        %dma_wait3A_443 = arith.constant 0 : i32
        %dma_wait3A_444 = arith.constant 0 : i32
        %dma_wait3A_445 = tpu.memref_slice %arg4[%dma_wait3A_438, %dma_wait3A_443, %dma_wait3A_444] : memref<3200x1x50xi32, #tpu.memory_space<hbm>> -> memref<1x1x50xi32, #tpu.memory_space<hbm>>
        %dma_wait3A_446 = tpu.memref_squeeze %dma_wait3A_445 : memref<1x1x50xi32, #tpu.memory_space<hbm>> -> memref<1x50xi32, #tpu.memory_space<hbm>>
        tpu.wait_dma2 semaphore(%arg22 : memref<!tpu.dma_semaphore, #tpu.memory_space<semaphore_mem>>) src(%dma_wait3A_446 : memref<1x50xi32, #tpu.memory_space<hbm>>) dst(%arg9 : memref<1x50xi32, #tpu.memory_space<vmem>>)
        %get3A_447 = arith.constant 0 : i32
        %get3A_448 = arith.index_cast %get3A_447 : i32 to index
        %get3A_449 = arith.constant 0 : index
        %get3A_450 = tpu.vector_load %arg9[%get3A_448, %get3A_449] {strides = array<i32>} : memref<1x50xi32, #tpu.memory_space<vmem>>, vector<1x16xi32>,
        %get3A_451 = vector.shape_cast %get3A_450 : vector<1x16xi32> to vector<16xi32>
        %and3A_452 = arith.constant 65535 : i32
        %and3A_453 = vector.broadcast %and3A_452 : i32 to vector<16xi32>
        %and3A_454 = arith.andi %get3A_451, %and3A_453 : vector<16xi32>
        %swap3A_455 = arith.constant 0 : index
        %swap3A_456 = tpu.vector_load %arg12[%swap3A_455] {strides = array<i32>} : memref<50xi32, #tpu.memory_space<vmem>>, vector<16xi32>,
        %swap3A_457 = vector.shape_cast %swap3A_456 : vector<16xi32> to vector<16xi32>
        %swap3A_458 = vector.shape_cast %and3A_454 : vector<16xi32> to vector<16xi32>
        tpu.vector_store %arg12[%swap3A_455], %swap3A_458 {strides = array<i32>} : memref<50xi32, #tpu.memory_space<vmem>>, vector<16xi32>,
        %shift_right_logical3A_459 = arith.constant 16 : i32
        %shift_right_logical3A_460 = vector.broadcast %shift_right_logical3A_459 : i32 to vector<16xi32>
        %shift_right_logical3A_461 = arith.shrui %get3A_451, %shift_right_logical3A_460 : vector<16xi32>
        %swap3A_462 = arith.constant 0 : index
        %swap3A_463 = tpu.vector_load %arg15[%swap3A_462] {strides = array<i32>} : memref<50xi32, #tpu.memory_space<vmem>>, vector<16xi32>,
        %swap3A_464 = vector.shape_cast %swap3A_463 : vector<16xi32> to vector<16xi32>
        %swap3A_465 = vector.shape_cast %shift_right_logical3A_461 : vector<16xi32> to vector<16xi32>
        tpu.vector_store %arg15[%swap3A_462], %swap3A_465 {strides = array<i32>} : memref<50xi32, #tpu.memory_space<vmem>>, vector<16xi32>,
        %get3A_466 = arith.constant 0 : i32
        %get3A_467 = arith.index_cast %get3A_466 : i32 to index
        %get3A_468 = arith.constant 16 : index
        %get3A_469 = tpu.vector_load %arg9[%get3A_467, %get3A_468] {strides = array<i32>} : memref<1x50xi32, #tpu.memory_space<vmem>>, vector<1x16xi32>,
        %get3A_470 = vector.shape_cast %get3A_469 : vector<1x16xi32> to vector<16xi32>
        %and3A_471 = arith.constant 65535 : i32
        %and3A_472 = vector.broadcast %and3A_471 : i32 to vector<16xi32>
        %and3A_473 = arith.andi %get3A_470, %and3A_472 : vector<16xi32>
        %swap3A_474 = arith.constant 16 : index
        %swap3A_475 = tpu.vector_load %arg12[%swap3A_474] {strides = array<i32>} : memref<50xi32, #tpu.memory_space<vmem>>, vector<16xi32>,
        %swap3A_476 = vector.shape_cast %swap3A_475 : vector<16xi32> to vector<16xi32>
        %swap3A_477 = vector.shape_cast %and3A_473 : vector<16xi32> to vector<16xi32>
        tpu.vector_store %arg12[%swap3A_474], %swap3A_477 {strides = array<i32>} : memref<50xi32, #tpu.memory_space<vmem>>, vector<16xi32>,
        %shift_right_logical3A_478 = arith.constant 16 : i32
        %shift_right_logical3A_479 = vector.broadcast %shift_right_logical3A_478 : i32 to vector<16xi32>
        %shift_right_logical3A_480 = arith.shrui %get3A_470, %shift_right_logical3A_479 : vector<16xi32>
        %swap3A_481 = arith.constant 16 : index
        %swap3A_482 = tpu.vector_load %arg15[%swap3A_481] {strides = array<i32>} : memref<50xi32, #tpu.memory_space<vmem>>, vector<16xi32>,
        %swap3A_483 = vector.shape_cast %swap3A_482 : vector<16xi32> to vector<16xi32>
        %swap3A_484 = vector.shape_cast %shift_right_logical3A_480 : vector<16xi32> to vector<16xi32>
        tpu.vector_store %arg15[%swap3A_481], %swap3A_484 {strides = array<i32>} : memref<50xi32, #tpu.memory_space<vmem>>, vector<16xi32>,
        %get3A_485 = arith.constant 0 : i32
        %get3A_486 = arith.index_cast %get3A_485 : i32 to index
        %get3A_487 = arith.constant 32 : index
        %get3A_488 = tpu.vector_load %arg9[%get3A_486, %get3A_487] {strides = array<i32>} : memref<1x50xi32, #tpu.memory_space<vmem>>, vector<1x16xi32>,
        %get3A_489 = vector.shape_cast %get3A_488 : vector<1x16xi32> to vector<16xi32>
        %and3A_490 = arith.constant 65535 : i32
        %and3A_491 = vector.broadcast %and3A_490 : i32 to vector<16xi32>
        %and3A_492 = arith.andi %get3A_489, %and3A_491 : vector<16xi32>
        %swap3A_493 = arith.constant 32 : index
        %swap3A_494 = tpu.vector_load %arg12[%swap3A_493] {strides = array<i32>} : memref<50xi32, #tpu.memory_space<vmem>>, vector<16xi32>,
        %swap3A_495 = vector.shape_cast %swap3A_494 : vector<16xi32> to vector<16xi32>
        %swap3A_496 = vector.shape_cast %and3A_492 : vector<16xi32> to vector<16xi32>
        tpu.vector_store %arg12[%swap3A_493], %swap3A_496 {strides = array<i32>} : memref<50xi32, #tpu.memory_space<vmem>>, vector<16xi32>,
        %shift_right_logical3A_497 = arith.constant 16 : i32
        %shift_right_logical3A_498 = vector.broadcast %shift_right_logical3A_497 : i32 to vector<16xi32>
        %shift_right_logical3A_499 = arith.shrui %get3A_489, %shift_right_logical3A_498 : vector<16xi32>
        %swap3A_500 = arith.constant 32 : index
        %swap3A_501 = tpu.vector_load %arg15[%swap3A_500] {strides = array<i32>} : memref<50xi32, #tpu.memory_space<vmem>>, vector<16xi32>,
        %swap3A_502 = vector.shape_cast %swap3A_501 : vector<16xi32> to vector<16xi32>
        %swap3A_503 = vector.shape_cast %shift_right_logical3A_499 : vector<16xi32> to vector<16xi32>
        tpu.vector_store %arg15[%swap3A_500], %swap3A_503 {strides = array<i32>} : memref<50xi32, #tpu.memory_space<vmem>>, vector<16xi32>,
        %get3A_504 = arith.constant 0 : i32
        %get3A_505 = arith.index_cast %get3A_504 : i32 to index
        %get3A_506 = arith.constant 34 : index
        %get3A_507 = tpu.vector_load %arg9[%get3A_505, %get3A_506] {strides = array<i32>} : memref<1x50xi32, #tpu.memory_space<vmem>>, vector<1x16xi32>,
        %get3A_508 = vector.shape_cast %get3A_507 : vector<1x16xi32> to vector<16xi32>
        %and3A_509 = arith.constant 65535 : i32
        %and3A_510 = vector.broadcast %and3A_509 : i32 to vector<16xi32>
        %and3A_511 = arith.andi %get3A_508, %and3A_510 : vector<16xi32>
        %swap3A_512 = arith.constant 34 : index
        %swap3A_513 = tpu.vector_load %arg12[%swap3A_512] {strides = array<i32>} : memref<50xi32, #tpu.memory_space<vmem>>, vector<16xi32>,
        %swap3A_514 = vector.shape_cast %swap3A_513 : vector<16xi32> to vector<16xi32>
        %swap3A_515 = vector.shape_cast %and3A_511 : vector<16xi32> to vector<16xi32>
        tpu.vector_store %arg12[%swap3A_512], %swap3A_515 {strides = array<i32>} : memref<50xi32, #tpu.memory_space<vmem>>, vector<16xi32>,
        %shift_right_logical3A_516 = arith.constant 16 : i32
        %shift_right_logical3A_517 = vector.broadcast %shift_right_logical3A_516 : i32 to vector<16xi32>
        %shift_right_logical3A_518 = arith.shrui %get3A_508, %shift_right_logical3A_517 : vector<16xi32>
        %swap3A_519 = arith.constant 34 : index
        %swap3A_520 = tpu.vector_load %arg15[%swap3A_519] {strides = array<i32>} : memref<50xi32, #tpu.memory_space<vmem>>, vector<16xi32>,
        %swap3A_521 = vector.shape_cast %swap3A_520 : vector<16xi32> to vector<16xi32>
        %swap3A_522 = vector.shape_cast %shift_right_logical3A_518 : vector<16xi32> to vector<16xi32>
        tpu.vector_store %arg15[%swap3A_519], %swap3A_522 {strides = array<i32>} : memref<50xi32, #tpu.memory_space<vmem>>, vector<16xi32>,
        %add3A_523 = arith.constant 3 : i32
        %add3A_524 = arith.addi %add3A_420, %add3A_523 : i32
        %lt3A_525 = arith.constant 200 : i32
        %lt3A_526 = arith.cmpi slt, %add3A_524, %lt3A_525 : i32
        %convert_element_type3A_527 = arith.extui %lt3A_526 : i1 to i32
        %cond3A_528 = arith.constant 0 : i32
        %cond3A_529 = arith.cmpi ne, %convert_element_type3A_527, %cond3A_528 : i32
        scf.if %cond3A_529 {
          %add3A_540 = arith.constant 3 : i32
          %add3A_541 = arith.addi %add3A_420, %add3A_540 : i32
          %mul3A_542 = arith.constant 200 : i32
          %mul3A_543 = arith.muli %arg1, %mul3A_542 : i32
          %add3A_544 = arith.addi %mul3A_543, %add3A_541 : i32
          %dma_start3A_545 = arith.constant 0 : i32
          %dma_start3A_546 = arith.constant 0 : i32
          %dma_start3A_547 = tpu.memref_slice %arg4[%add3A_544, %dma_start3A_545, %dma_start3A_546] : memref<3200x1x50xi32, #tpu.memory_space<hbm>> -> memref<1x1x50xi32, #tpu.memory_space<hbm>>
          %dma_start3A_548 = tpu.memref_squeeze %dma_start3A_547 : memref<1x1x50xi32, #tpu.memory_space<hbm>> -> memref<1x50xi32, #tpu.memory_space<hbm>>
          %dma_start3A_549 = arith.constant 0 : i32
          %dma_start3A_550 = arith.constant 0 : i32
          %dma_start3A_551 = tpu.memref_slice %arg4[%add3A_544, %dma_start3A_549, %dma_start3A_550] : memref<3200x1x50xi32, #tpu.memory_space<hbm>> -> memref<1x1x50xi32, #tpu.memory_space<hbm>>
          %dma_start3A_552 = tpu.memref_squeeze %dma_start3A_551 : memref<1x1x50xi32, #tpu.memory_space<hbm>> -> memref<1x50xi32, #tpu.memory_space<hbm>>
          tpu.enqueue_dma source(%dma_start3A_552 : memref<1x50xi32, #tpu.memory_space<hbm>>) target(%arg9 : memref<1x50xi32, #tpu.memory_space<vmem>>) target_semaphore(%arg22 : memref<!tpu.dma_semaphore, #tpu.memory_space<semaphore_mem>>)
        } else {
        }
        %eq3A_530 = arith.constant 0 : i32
        %eq3A_531 = arith.cmpi eq, %arg0, %eq3A_530 : i32
        %convert_element_type3A_532 = arith.extui %eq3A_531 : i1 to i32
        %cond3A_533 = arith.constant 0 : i32
        %cond3A_534 = arith.cmpi ne, %convert_element_type3A_532, %cond3A_533 : i32
        scf.if %cond3A_534 {
          %dma_start3A_540 = arith.constant 0 : i32
          %dma_start3A_541 = arith.constant 0 : i32
          %dma_start3A_542 = tpu.memref_slice %arg2[%dma_start3A_540, %dma_start3A_541] : memref<10000x128xf32, #tpu.memory_space<hbm>> -> memref<10000x128xf32, #tpu.memory_space<hbm>>
          tpu.enqueue_indirect_dma source(%dma_start3A_542 : memref<10000x128xf32, #tpu.memory_space<hbm>>) target(%arg18 : memref<50x128xf32, #tpu.memory_space<vmem>>) offsets(%arg12 : memref<50xi32, #tpu.memory_space<vmem>>) semaphore(%arg25 : memref<!tpu.dma_semaphore, #tpu.memory_space<semaphore_mem>>)
        } else {
        }
        %eq3A_535 = arith.constant 1 : i32
        %eq3A_536 = arith.cmpi eq, %arg0, %eq3A_535 : i32
        %convert_element_type3A_537 = arith.extui %eq3A_536 : i1 to i32
        %cond3A_538 = arith.constant 0 : i32
        %cond3A_539 = arith.cmpi ne, %convert_element_type3A_537, %cond3A_538 : i32
        scf.if %cond3A_539 {
          %dma_start3A_540 = arith.constant 0 : i32
          %dma_start3A_541 = arith.constant 0 : i32
          %dma_start3A_542 = tpu.memref_slice %arg3[%dma_start3A_540, %dma_start3A_541] : memref<10000x128xf32, #tpu.memory_space<hbm>> -> memref<10000x128xf32, #tpu.memory_space<hbm>>
          tpu.enqueue_indirect_dma source(%dma_start3A_542 : memref<10000x128xf32, #tpu.memory_space<hbm>>) target(%arg18 : memref<50x128xf32, #tpu.memory_space<vmem>>) offsets(%arg12 : memref<50xi32, #tpu.memory_space<vmem>>) semaphore(%arg25 : memref<!tpu.dma_semaphore, #tpu.memory_space<semaphore_mem>>)
        } else {
        }
      } else {
      }
      %add3A_426 = arith.constant 3 : i32
      %add3A_427 = arith.addi %mul3A_389, %add3A_426 : i32
      %add3A_428 = arith.constant 2 : i32
      %add3A_429 = arith.addi %add3A_427, %add3A_428 : i32
      %lt3A_430 = arith.constant 200 : i32
      %lt3A_431 = arith.cmpi slt, %add3A_429, %lt3A_430 : i32
      %convert_element_type3A_432 = arith.extui %lt3A_431 : i1 to i32
      %cond3A_433 = arith.constant 0 : i32
      %cond3A_434 = arith.cmpi ne, %convert_element_type3A_432, %cond3A_433 : i32
      scf.if %cond3A_434 {
        %dma_wait3A_435 = arith.constant 0 : i32
        %dma_wait3A_436 = arith.constant 0 : i32
        %dma_wait3A_437 = tpu.memref_slice %arg20[%dma_wait3A_435, %dma_wait3A_436] : memref<10000x128xf32, #tpu.memory_space<vmem_shared>> -> memref<10000x128xf32, #tpu.memory_space<vmem_shared>>
        tpu.wait_indirect_dma semaphore(%arg29 : memref<!tpu.dma_semaphore, #tpu.memory_space<semaphore_mem>>) src(%arg19 : memref<50x128xf32, #tpu.memory_space<vmem>>) dst(%dma_wait3A_437 : memref<10000x128xf32, #tpu.memory_space<vmem_shared>>)
        %dma_wait3A_438 = arith.constant 0 : i32
        %dma_wait3A_439 = arith.constant 0 : i32
        %dma_wait3A_440 = arith.constant 0 : i32
        %dma_wait3A_441 = tpu.memref_slice %arg4[%dma_wait3A_438, %dma_wait3A_439, %dma_wait3A_440] : memref<3200x1x50xi32, #tpu.memory_space<hbm>> -> memref<1x1x50xi32, #tpu.memory_space<hbm>>
        %dma_wait3A_442 = tpu.memref_squeeze %dma_wait3A_441 : memref<1x1x50xi32, #tpu.memory_space<hbm>> -> memref<1x50xi32, #tpu.memory_space<hbm>>
        %dma_wait3A_443 = arith.constant 0 : i32
        %dma_wait3A_444 = arith.constant 0 : i32
        %dma_wait3A_445 = tpu.memref_slice %arg4[%dma_wait3A_438, %dma_wait3A_443, %dma_wait3A_444] : memref<3200x1x50xi32, #tpu.memory_space<hbm>> -> memref<1x1x50xi32, #tpu.memory_space<hbm>>
        %dma_wait3A_446 = tpu.memref_squeeze %dma_wait3A_445 : memref<1x1x50xi32, #tpu.memory_space<hbm>> -> memref<1x50xi32, #tpu.memory_space<hbm>>
        tpu.wait_dma2 semaphore(%arg23 : memref<!tpu.dma_semaphore, #tpu.memory_space<semaphore_mem>>) src(%dma_wait3A_446 : memref<1x50xi32, #tpu.memory_space<hbm>>) dst(%arg10 : memref<1x50xi32, #tpu.memory_space<vmem>>)
        %get3A_447 = arith.constant 0 : i32
        %get3A_448 = arith.index_cast %get3A_447 : i32 to index
        %get3A_449 = arith.constant 0 : index
        %get3A_450 = tpu.vector_load %arg10[%get3A_448, %get3A_449] {strides = array<i32>} : memref<1x50xi32, #tpu.memory_space<vmem>>, vector<1x16xi32>,
        %get3A_451 = vector.shape_cast %get3A_450 : vector<1x16xi32> to vector<16xi32>
        %and3A_452 = arith.constant 65535 : i32
        %and3A_453 = vector.broadcast %and3A_452 : i32 to vector<16xi32>
        %and3A_454 = arith.andi %get3A_451, %and3A_453 : vector<16xi32>
        %swap3A_455 = arith.constant 0 : index
        %swap3A_456 = tpu.vector_load %arg13[%swap3A_455] {strides = array<i32>} : memref<50xi32, #tpu.memory_space<vmem>>, vector<16xi32>,
        %swap3A_457 = vector.shape_cast %swap3A_456 : vector<16xi32> to vector<16xi32>
        %swap3A_458 = vector.shape_cast %and3A_454 : vector<16xi32> to vector<16xi32>
        tpu.vector_store %arg13[%swap3A_455], %swap3A_458 {strides = array<i32>} : memref<50xi32, #tpu.memory_space<vmem>>, vector<16xi32>,
        %shift_right_logical3A_459 = arith.constant 16 : i32
        %shift_right_logical3A_460 = vector.broadcast %shift_right_logical3A_459 : i32 to vector<16xi32>
        %shift_right_logical3A_461 = arith.shrui %get3A_451, %shift_right_logical3A_460 : vector<16xi32>
        %swap3A_462 = arith.constant 0 : index
        %swap3A_463 = tpu.vector_load %arg16[%swap3A_462] {strides = array<i32>} : memref<50xi32, #tpu.memory_space<vmem>>, vector<16xi32>,
        %swap3A_464 = vector.shape_cast %swap3A_463 : vector<16xi32> to vector<16xi32>
        %swap3A_465 = vector.shape_cast %shift_right_logical3A_461 : vector<16xi32> to vector<16xi32>
        tpu.vector_store %arg16[%swap3A_462], %swap3A_465 {strides = array<i32>} : memref<50xi32, #tpu.memory_space<vmem>>, vector<16xi32>,
        %get3A_466 = arith.constant 0 : i32
        %get3A_467 = arith.index_cast %get3A_466 : i32 to index
        %get3A_468 = arith.constant 16 : index
        %get3A_469 = tpu.vector_load %arg10[%get3A_467, %get3A_468] {strides = array<i32>} : memref<1x50xi32, #tpu.memory_space<vmem>>, vector<1x16xi32>,
        %get3A_470 = vector.shape_cast %get3A_469 : vector<1x16xi32> to vector<16xi32>
        %and3A_471 = arith.constant 65535 : i32
        %and3A_472 = vector.broadcast %and3A_471 : i32 to vector<16xi32>
        %and3A_473 = arith.andi %get3A_470, %and3A_472 : vector<16xi32>
        %swap3A_474 = arith.constant 16 : index
        %swap3A_475 = tpu.vector_load %arg13[%swap3A_474] {strides = array<i32>} : memref<50xi32, #tpu.memory_space<vmem>>, vector<16xi32>,
        %swap3A_476 = vector.shape_cast %swap3A_475 : vector<16xi32> to vector<16xi32>
        %swap3A_477 = vector.shape_cast %and3A_473 : vector<16xi32> to vector<16xi32>
        tpu.vector_store %arg13[%swap3A_474], %swap3A_477 {strides = array<i32>} : memref<50xi32, #tpu.memory_space<vmem>>, vector<16xi32>,
        %shift_right_logical3A_478 = arith.constant 16 : i32
        %shift_right_logical3A_479 = vector.broadcast %shift_right_logical3A_478 : i32 to vector<16xi32>
        %shift_right_logical3A_480 = arith.shrui %get3A_470, %shift_right_logical3A_479 : vector<16xi32>
        %swap3A_481 = arith.constant 16 : index
        %swap3A_482 = tpu.vector_load %arg16[%swap3A_481] {strides = array<i32>} : memref<50xi32, #tpu.memory_space<vmem>>, vector<16xi32>,
        %swap3A_483 = vector.shape_cast %swap3A_482 : vector<16xi32> to vector<16xi32>
        %swap3A_484 = vector.shape_cast %shift_right_logical3A_480 : vector<16xi32> to vector<16xi32>
        tpu.vector_store %arg16[%swap3A_481], %swap3A_484 {strides = array<i32>} : memref<50xi32, #tpu.memory_space<vmem>>, vector<16xi32>,
        %get3A_485 = arith.constant 0 : i32
        %get3A_486 = arith.index_cast %get3A_485 : i32 to index
        %get3A_487 = arith.constant 32 : index
        %get3A_488 = tpu.vector_load %arg10[%get3A_486, %get3A_487] {strides = array<i32>} : memref<1x50xi32, #tpu.memory_space<vmem>>, vector<1x16xi32>,
        %get3A_489 = vector.shape_cast %get3A_488 : vector<1x16xi32> to vector<16xi32>
        %and3A_490 = arith.constant 65535 : i32
        %and3A_491 = vector.broadcast %and3A_490 : i32 to vector<16xi32>
        %and3A_492 = arith.andi %get3A_489, %and3A_491 : vector<16xi32>
        %swap3A_493 = arith.constant 32 : index
        %swap3A_494 = tpu.vector_load %arg13[%swap3A_493] {strides = array<i32>} : memref<50xi32, #tpu.memory_space<vmem>>, vector<16xi32>,
        %swap3A_495 = vector.shape_cast %swap3A_494 : vector<16xi32> to vector<16xi32>
        %swap3A_496 = vector.shape_cast %and3A_492 : vector<16xi32> to vector<16xi32>
        tpu.vector_store %arg13[%swap3A_493], %swap3A_496 {strides = array<i32>} : memref<50xi32, #tpu.memory_space<vmem>>, vector<16xi32>,
        %shift_right_logical3A_497 = arith.constant 16 : i32
        %shift_right_logical3A_498 = vector.broadcast %shift_right_logical3A_497 : i32 to vector<16xi32>
        %shift_right_logical3A_499 = arith.shrui %get3A_489, %shift_right_logical3A_498 : vector<16xi32>
        %swap3A_500 = arith.constant 32 : index
        %swap3A_501 = tpu.vector_load %arg16[%swap3A_500] {strides = array<i32>} : memref<50xi32, #tpu.memory_space<vmem>>, vector<16xi32>,
        %swap3A_502 = vector.shape_cast %swap3A_501 : vector<16xi32> to vector<16xi32>
        %swap3A_503 = vector.shape_cast %shift_right_logical3A_499 : vector<16xi32> to vector<16xi32>
        tpu.vector_store %arg16[%swap3A_500], %swap3A_503 {strides = array<i32>} : memref<50xi32, #tpu.memory_space<vmem>>, vector<16xi32>,
        %get3A_504 = arith.constant 0 : i32
        %get3A_505 = arith.index_cast %get3A_504 : i32 to index
        %get3A_506 = arith.constant 34 : index
        %get3A_507 = tpu.vector_load %arg10[%get3A_505, %get3A_506] {strides = array<i32>} : memref<1x50xi32, #tpu.memory_space<vmem>>, vector<1x16xi32>,
        %get3A_508 = vector.shape_cast %get3A_507 : vector<1x16xi32> to vector<16xi32>
        %and3A_509 = arith.constant 65535 : i32
        %and3A_510 = vector.broadcast %and3A_509 : i32 to vector<16xi32>
        %and3A_511 = arith.andi %get3A_508, %and3A_510 : vector<16xi32>
        %swap3A_512 = arith.constant 34 : index
        %swap3A_513 = tpu.vector_load %arg13[%swap3A_512] {strides = array<i32>} : memref<50xi32, #tpu.memory_space<vmem>>, vector<16xi32>,
        %swap3A_514 = vector.shape_cast %swap3A_513 : vector<16xi32> to vector<16xi32>
        %swap3A_515 = vector.shape_cast %and3A_511 : vector<16xi32> to vector<16xi32>
        tpu.vector_store %arg13[%swap3A_512], %swap3A_515 {strides = array<i32>} : memref<50xi32, #tpu.memory_space<vmem>>, vector<16xi32>,
        %shift_right_logical3A_516 = arith.constant 16 : i32
        %shift_right_logical3A_517 = vector.broadcast %shift_right_logical3A_516 : i32 to vector<16xi32>
        %shift_right_logical3A_518 = arith.shrui %get3A_508, %shift_right_logical3A_517 : vector<16xi32>
        %swap3A_519 = arith.constant 34 : index
        %swap3A_520 = tpu.vector_load %arg16[%swap3A_519] {strides = array<i32>} : memref<50xi32, #tpu.memory_space<vmem>>, vector<16xi32>,
        %swap3A_521 = vector.shape_cast %swap3A_520 : vector<16xi32> to vector<16xi32>
        %swap3A_522 = vector.shape_cast %shift_right_logical3A_518 : vector<16xi32> to vector<16xi32>
        tpu.vector_store %arg16[%swap3A_519], %swap3A_522 {strides = array<i32>} : memref<50xi32, #tpu.memory_space<vmem>>, vector<16xi32>,
        %add3A_523 = arith.constant 3 : i32
        %add3A_524 = arith.addi %add3A_429, %add3A_523 : i32
        %lt3A_525 = arith.constant 200 : i32
        %lt3A_526 = arith.cmpi slt, %add3A_524, %lt3A_525 : i32
        %convert_element_type3A_527 = arith.extui %lt3A_526 : i1 to i32
        %cond3A_528 = arith.constant 0 : i32
        %cond3A_529 = arith.cmpi ne, %convert_element_type3A_527, %cond3A_528 : i32
        scf.if %cond3A_529 {
          %add3A_540 = arith.constant 3 : i32
          %add3A_541 = arith.addi %add3A_429, %add3A_540 : i32
          %mul3A_542 = arith.constant 200 : i32
          %mul3A_543 = arith.muli %arg1, %mul3A_542 : i32
          %add3A_544 = arith.addi %mul3A_543, %add3A_541 : i32
          %dma_start3A_545 = arith.constant 0 : i32
          %dma_start3A_546 = arith.constant 0 : i32
          %dma_start3A_547 = tpu.memref_slice %arg4[%add3A_544, %dma_start3A_545, %dma_start3A_546] : memref<3200x1x50xi32, #tpu.memory_space<hbm>> -> memref<1x1x50xi32, #tpu.memory_space<hbm>>
          %dma_start3A_548 = tpu.memref_squeeze %dma_start3A_547 : memref<1x1x50xi32, #tpu.memory_space<hbm>> -> memref<1x50xi32, #tpu.memory_space<hbm>>
          %dma_start3A_549 = arith.constant 0 : i32
          %dma_start3A_550 = arith.constant 0 : i32
          %dma_start3A_551 = tpu.memref_slice %arg4[%add3A_544, %dma_start3A_549, %dma_start3A_550] : memref<3200x1x50xi32, #tpu.memory_space<hbm>> -> memref<1x1x50xi32, #tpu.memory_space<hbm>>
          %dma_start3A_552 = tpu.memref_squeeze %dma_start3A_551 : memref<1x1x50xi32, #tpu.memory_space<hbm>> -> memref<1x50xi32, #tpu.memory_space<hbm>>
          tpu.enqueue_dma source(%dma_start3A_552 : memref<1x50xi32, #tpu.memory_space<hbm>>) target(%arg10 : memref<1x50xi32, #tpu.memory_space<vmem>>) target_semaphore(%arg23 : memref<!tpu.dma_semaphore, #tpu.memory_space<semaphore_mem>>)
        } else {
        }
        %eq3A_530 = arith.constant 0 : i32
        %eq3A_531 = arith.cmpi eq, %arg0, %eq3A_530 : i32
        %convert_element_type3A_532 = arith.extui %eq3A_531 : i1 to i32
        %cond3A_533 = arith.constant 0 : i32
        %cond3A_534 = arith.cmpi ne, %convert_element_type3A_532, %cond3A_533 : i32
        scf.if %cond3A_534 {
          %dma_start3A_540 = arith.constant 0 : i32
          %dma_start3A_541 = arith.constant 0 : i32
          %dma_start3A_542 = tpu.memref_slice %arg2[%dma_start3A_540, %dma_start3A_541] : memref<10000x128xf32, #tpu.memory_space<hbm>> -> memref<10000x128xf32, #tpu.memory_space<hbm>>
          tpu.enqueue_indirect_dma source(%dma_start3A_542 : memref<10000x128xf32, #tpu.memory_space<hbm>>) target(%arg19 : memref<50x128xf32, #tpu.memory_space<vmem>>) offsets(%arg13 : memref<50xi32, #tpu.memory_space<vmem>>) semaphore(%arg26 : memref<!tpu.dma_semaphore, #tpu.memory_space<semaphore_mem>>)
        } else {
        }
        %eq3A_535 = arith.constant 1 : i32
        %eq3A_536 = arith.cmpi eq, %arg0, %eq3A_535 : i32
        %convert_element_type3A_537 = arith.extui %eq3A_536 : i1 to i32
        %cond3A_538 = arith.constant 0 : i32
        %cond3A_539 = arith.cmpi ne, %convert_element_type3A_537, %cond3A_538 : i32
        scf.if %cond3A_539 {
          %dma_start3A_540 = arith.constant 0 : i32
          %dma_start3A_541 = arith.constant 0 : i32
          %dma_start3A_542 = tpu.memref_slice %arg3[%dma_start3A_540, %dma_start3A_541] : memref<10000x128xf32, #tpu.memory_space<hbm>> -> memref<10000x128xf32, #tpu.memory_space<hbm>>
          tpu.enqueue_indirect_dma source(%dma_start3A_542 : memref<10000x128xf32, #tpu.memory_space<hbm>>) target(%arg19 : memref<50x128xf32, #tpu.memory_space<vmem>>) offsets(%arg13 : memref<50xi32, #tpu.memory_space<vmem>>) semaphore(%arg26 : memref<!tpu.dma_semaphore, #tpu.memory_space<semaphore_mem>>)
        } else {
        }
      } else {
      }
    }
    %scan3A_359 = arith.constant 66 : i32
    %dma_wait3A_360 = arith.constant 0 : i32
    %dma_wait3A_361 = arith.constant 0 : i32
    %dma_wait3A_362 = tpu.memref_slice %arg2[%dma_wait3A_360, %dma_wait3A_361] : memref<10000x128xf32, #tpu.memory_space<hbm>> -> memref<10000x128xf32, #tpu.memory_space<hbm>>
    tpu.wait_indirect_dma semaphore(%arg24 : memref<!tpu.dma_semaphore, #tpu.memory_space<semaphore_mem>>) src(%dma_wait3A_362 : memref<10000x128xf32, #tpu.memory_space<hbm>>) dst(%arg17 : memref<50x128xf32, #tpu.memory_space<vmem>>)
    %dma_start3A_363 = arith.constant 0 : i32
    %dma_start3A_364 = arith.constant 0 : i32
    %dma_start3A_365 = tpu.memref_slice %arg20[%dma_start3A_363, %dma_start3A_364] : memref<10000x128xf32, #tpu.memory_space<vmem_shared>> -> memref<10000x128xf32, #tpu.memory_space<vmem_shared>>
    tpu.enqueue_indirect_dma source(%arg17 : memref<50x128xf32, #tpu.memory_space<vmem>>) target(%dma_start3A_365 : memref<10000x128xf32, #tpu.memory_space<vmem_shared>>) offsets(%arg14 : memref<50xi32, #tpu.memory_space<vmem>>) semaphore(%arg27 : memref<!tpu.dma_semaphore, #tpu.memory_space<semaphore_mem>>) {add = true}
    %dma_wait3A_366 = arith.constant 0 : i32
    %dma_wait3A_367 = arith.constant 0 : i32
    %dma_wait3A_368 = tpu.memref_slice %arg2[%dma_wait3A_366, %dma_wait3A_367] : memref<10000x128xf32, #tpu.memory_space<hbm>> -> memref<10000x128xf32, #tpu.memory_space<hbm>>
    tpu.wait_indirect_dma semaphore(%arg25 : memref<!tpu.dma_semaphore, #tpu.memory_space<semaphore_mem>>) src(%dma_wait3A_368 : memref<10000x128xf32, #tpu.memory_space<hbm>>) dst(%arg18 : memref<50x128xf32, #tpu.memory_space<vmem>>)
    %dma_start3A_369 = arith.constant 0 : i32
    %dma_start3A_370 = arith.constant 0 : i32
    %dma_start3A_371 = tpu.memref_slice %arg20[%dma_start3A_369, %dma_start3A_370] : memref<10000x128xf32, #tpu.memory_space<vmem_shared>> -> memref<10000x128xf32, #tpu.memory_space<vmem_shared>>
    tpu.enqueue_indirect_dma source(%arg18 : memref<50x128xf32, #tpu.memory_space<vmem>>) target(%dma_start3A_371 : memref<10000x128xf32, #tpu.memory_space<vmem_shared>>) offsets(%arg15 : memref<50xi32, #tpu.memory_space<vmem>>) semaphore(%arg28 : memref<!tpu.dma_semaphore, #tpu.memory_space<semaphore_mem>>) {add = true}
    %dma_wait3A_372 = arith.constant 0 : i32
    %dma_wait3A_373 = arith.constant 0 : i32
    %dma_wait3A_374 = tpu.memref_slice %arg20[%dma_wait3A_372, %dma_wait3A_373] : memref<10000x128xf32, #tpu.memory_space<vmem_shared>> -> memref<10000x128xf32, #tpu.memory_space<vmem_shared>>
    tpu.wait_indirect_dma semaphore(%arg29 : memref<!tpu.dma_semaphore, #tpu.memory_space<semaphore_mem>>) src(%arg19 : memref<50x128xf32, #tpu.memory_space<vmem>>) dst(%dma_wait3A_374 : memref<10000x128xf32, #tpu.memory_space<vmem_shared>>)
    %dma_wait3A_375 = arith.constant 0 : i32
    %dma_wait3A_376 = arith.constant 0 : i32
    %dma_wait3A_377 = tpu.memref_slice %arg20[%dma_wait3A_375, %dma_wait3A_376] : memref<10000x128xf32, #tpu.memory_space<vmem_shared>> -> memref<10000x128xf32, #tpu.memory_space<vmem_shared>>
    tpu.wait_indirect_dma semaphore(%arg27 : memref<!tpu.dma_semaphore, #tpu.memory_space<semaphore_mem>>) src(%arg17 : memref<50x128xf32, #tpu.memory_space<vmem>>) dst(%dma_wait3A_377 : memref<10000x128xf32, #tpu.memory_space<vmem_shared>>)
    %dma_wait3A_378 = arith.constant 0 : i32
    %dma_wait3A_379 = arith.constant 0 : i32
    %dma_wait3A_380 = tpu.memref_slice %arg20[%dma_wait3A_378, %dma_wait3A_379] : memref<10000x128xf32, #tpu.memory_space<vmem_shared>> -> memref<10000x128xf32, #tpu.memory_space<vmem_shared>>
    tpu.wait_indirect_dma semaphore(%arg28 : memref<!tpu.dma_semaphore, #tpu.memory_space<semaphore_mem>>) src(%arg18 : memref<50x128xf32, #tpu.memory_space<vmem>>) dst(%dma_wait3A_380 : memref<10000x128xf32, #tpu.memory_space<vmem_shared>>)
    %barrier3A_381 = arith.constant 0 : index
    tpu.barrier barrier_id(%barrier3A_381)
    %lt3A_382 = arith.constant 10 : i32
    %lt3A_383 = arith.cmpi slt, %arg1, %lt3A_382 : i32
    %convert_element_type3A_384 = arith.extui %lt3A_383 : i1 to i32
    %cond3A_385 = arith.constant 0 : i32
    %cond3A_386 = arith.cmpi ne, %convert_element_type3A_384, %cond3A_385 : i32
    scf.if %cond3A_386 {
      %mul3A_387 = arith.constant 1000 : i32
      %mul3A_388 = arith.muli %arg1, %mul3A_387 : i32
      %eq3A_389 = arith.constant 0 : i32
      %eq3A_390 = arith.cmpi eq, %arg0, %eq3A_389 : i32
      %convert_element_type3A_391 = arith.extui %eq3A_390 : i1 to i32
      %cond3A_392 = arith.constant 0 : i32
      %cond3A_393 = arith.cmpi ne, %convert_element_type3A_391, %cond3A_392 : i32
      scf.if %cond3A_393 {
        "tpu.region"() ({
          %run_scoped3A = tpu.sem_alloc : memref<!tpu.dma_semaphore, #tpu.memory_space<semaphore_mem>>
          %dma_start3A_399 = arith.constant 0 : i32
          %dma_start3A_400 = tpu.memref_slice %arg6[%mul3A_388, %dma_start3A_399] : memref<10000x128xf32, #tpu.memory_space<hbm>> -> memref<1000x128xf32, #tpu.memory_space<hbm>>
          %dma_start3A_401 = arith.constant 0 : i32
          %dma_start3A_402 = tpu.memref_slice %arg20[%mul3A_388, %dma_start3A_401] : memref<10000x128xf32, #tpu.memory_space<vmem_shared>> -> memref<1000x128xf32, #tpu.memory_space<vmem_shared>>
          tpu.enqueue_dma source(%dma_start3A_402 : memref<1000x128xf32, #tpu.memory_space<vmem_shared>>) target(%dma_start3A_400 : memref<1000x128xf32, #tpu.memory_space<hbm>>) target_semaphore(%run_scoped3A : memref<!tpu.dma_semaphore, #tpu.memory_space<semaphore_mem>>)
          %dma_wait3A_403 = arith.constant 0 : i32
          %dma_wait3A_404 = tpu.memref_slice %arg6[%mul3A_388, %dma_wait3A_403] : memref<10000x128xf32, #tpu.memory_space<hbm>> -> memref<1000x128xf32, #tpu.memory_space<hbm>>
          %dma_wait3A_405 = arith.constant 0 : i32
          %dma_wait3A_406 = tpu.memref_slice %arg20[%mul3A_388, %dma_wait3A_405] : memref<10000x128xf32, #tpu.memory_space<vmem_shared>> -> memref<1000x128xf32, #tpu.memory_space<vmem_shared>>
          tpu.wait_dma2 semaphore(%run_scoped3A : memref<!tpu.dma_semaphore, #tpu.memory_space<semaphore_mem>>) src(%dma_wait3A_406 : memref<1000x128xf32, #tpu.memory_space<vmem_shared>>) dst(%dma_wait3A_404 : memref<1000x128xf32, #tpu.memory_space<hbm>>)
          tpu.yield
        }) : () -> ()
      } else {
      }
      %eq3A_394 = arith.constant 1 : i32
      %eq3A_395 = arith.cmpi eq, %arg0, %eq3A_394 : i32
      %convert_element_type3A_396 = arith.extui %eq3A_395 : i1 to i32
      %cond3A_397 = arith.constant 0 : i32
      %cond3A_398 = arith.cmpi ne, %convert_element_type3A_396, %cond3A_397 : i32
      scf.if %cond3A_398 {
        "tpu.region"() ({
          %run_scoped3A = tpu.sem_alloc : memref<!tpu.dma_semaphore, #tpu.memory_space<semaphore_mem>>
          %dma_start3A_399 = arith.constant 0 : i32
          %dma_start3A_400 = tpu.memref_slice %arg7[%mul3A_388, %dma_start3A_399] : memref<10000x128xf32, #tpu.memory_space<hbm>> -> memref<1000x128xf32, #tpu.memory_space<hbm>>
          %dma_start3A_401 = arith.constant 0 : i32
          %dma_start3A_402 = tpu.memref_slice %arg20[%mul3A_388, %dma_start3A_401] : memref<10000x128xf32, #tpu.memory_space<vmem_shared>> -> memref<1000x128xf32, #tpu.memory_space<vmem_shared>>
          tpu.enqueue_dma source(%dma_start3A_402 : memref<1000x128xf32, #tpu.memory_space<vmem_shared>>) target(%dma_start3A_400 : memref<1000x128xf32, #tpu.memory_space<hbm>>) target_semaphore(%run_scoped3A : memref<!tpu.dma_semaphore, #tpu.memory_space<semaphore_mem>>)
          %dma_wait3A_403 = arith.constant 0 : i32
          %dma_wait3A_404 = tpu.memref_slice %arg7[%mul3A_388, %dma_wait3A_403] : memref<10000x128xf32, #tpu.memory_space<hbm>> -> memref<1000x128xf32, #tpu.memory_space<hbm>>
          %dma_wait3A_405 = arith.constant 0 : i32
          %dma_wait3A_406 = tpu.memref_slice %arg20[%mul3A_388, %dma_wait3A_405] : memref<10000x128xf32, #tpu.memory_space<vmem_shared>> -> memref<1000x128xf32, #tpu.memory_space<vmem_shared>>
          tpu.wait_dma2 semaphore(%run_scoped3A : memref<!tpu.dma_semaphore, #tpu.memory_space<semaphore_mem>>) src(%dma_wait3A_406 : memref<1000x128xf32, #tpu.memory_space<vmem_shared>>) dst(%dma_wait3A_404 : memref<1000x128xf32, #tpu.memory_space<hbm>>)
          tpu.yield
        }) : () -> ()
      } else {
      }
    } else {
    }
    return
  }
}

module attributes {stable_mosaic.version = 14 : i64} {
  func.func @_comb_body(%arg0: i32, %arg1: memref<1000x128xf32, #tpu.memory_space<vmem>>, %arg2: memref<1000x128xf32, #tpu.memory_space<vmem>>, %arg3: memref<1000x1xf32, #tpu.memory_space<vmem>>, %arg4: memref<1000x128xf32, #tpu.memory_space<vmem>>, %arg5: memref<1000x128xf32, #tpu.memory_space<vmem>>, %arg6: memref<1x256xf32, #tpu.memory_space<vmem>>, %arg7: memref<256x256xf32, #tpu.memory_space<vmem>>, %arg8: memref<256x256xf32, #tpu.memory_space<vmem>>, %arg9: memref<1000x128xf32, #tpu.memory_space<vmem>>, %arg10: memref<1000x128xf32, #tpu.memory_space<vmem>>) attributes {dimension_semantics = [#tpu.dimension_semantics<arbitrary>], iteration_bounds = array<i64: 10>, scalar_prefetch = 0 : i64, scratch_operands = 0 : i64, tpu.core_type = #tpu.core_type<tc>, window_params = [{transform_indices = @transform_0, window_bounds = array<i64: 1000, 128>}, {transform_indices = @transform_1, window_bounds = array<i64: 1000, 128>}, {transform_indices = @transform_2, window_bounds = array<i64: 1000, 1>}, {transform_indices = @transform_3, window_bounds = array<i64: 1000, 128>}, {transform_indices = @transform_4, window_bounds = array<i64: 1000, 128>}, {pipeline_mode = #tpu.pipeline_mode<synchronous>, transform_indices = @transform_5, window_bounds = array<i64: 1, 256>}, {pipeline_mode = #tpu.pipeline_mode<synchronous>, transform_indices = @transform_6, window_bounds = array<i64: 256, 256>}, {pipeline_mode = #tpu.pipeline_mode<synchronous>, transform_indices = @transform_7, window_bounds = array<i64: 256, 256>}, {transform_indices = @transform_8, window_bounds = array<i64: 1000, 128>}, {transform_indices = @transform_9, window_bounds = array<i64: 1000, 128>}]} {
    %get3A = arith.constant 0 : index
    %get3A_0 = arith.constant 0 : index
    %get3A_1 = vector.load %arg3[%get3A, %get3A_0] : memref<1000x1xf32, #tpu.memory_space<vmem>>, vector<1000x1xf32>
    %max3A = arith.constant 1.000000e+00 : f32
    %max3A_2 = vector.broadcast %max3A : f32 to vector<1000x1xf32>
    %max3A_3 = arith.maximumf %get3A_1, %max3A_2 : vector<1000x1xf32>
    %div3A = arith.constant 1.000000e+00 : f32
    %div3A_4 = vector.broadcast %div3A : f32 to vector<1000x1xf32>
    %div3A_5 = arith.divf %div3A_4, %max3A_3 : vector<1000x1xf32>
    %get3A_6 = arith.constant 0 : index
    %get3A_7 = arith.constant 0 : index
    %get3A_8 = vector.load %arg1[%get3A_6, %get3A_7] : memref<1000x128xf32, #tpu.memory_space<vmem>>, vector<1000x128xf32>
    %get3A_9 = arith.constant 0 : index
    %get3A_10 = arith.constant 0 : index
    %get3A_11 = vector.load %arg2[%get3A_9, %get3A_10] : memref<1000x128xf32, #tpu.memory_space<vmem>>, vector<1000x128xf32>
    %concatenate3A = tpu.concatenate %get3A_8, %get3A_11 in 1 : vector<1000x128xf32>, vector<1000x128xf32> -> vector<1000x256xf32>
    %mul3A = vector.broadcast %div3A_5 : vector<1000x1xf32> to vector<1000x256xf32>
    %mul3A_12 = arith.mulf %concatenate3A, %mul3A : vector<1000x256xf32>
    %get3A_13 = arith.constant 0 : index
    %get3A_14 = arith.constant 0 : index
    %get3A_15 = vector.load %arg4[%get3A_13, %get3A_14] : memref<1000x128xf32, #tpu.memory_space<vmem>>, vector<1000x128xf32>
    %get3A_16 = arith.constant 0 : index
    %get3A_17 = arith.constant 0 : index
    %get3A_18 = vector.load %arg5[%get3A_16, %get3A_17] : memref<1000x128xf32, #tpu.memory_space<vmem>>, vector<1000x128xf32>
    %concatenate3A_19 = tpu.concatenate %get3A_15, %get3A_18 in 1 : vector<1000x128xf32>, vector<1000x128xf32> -> vector<1000x256xf32>
    %get3A_20 = arith.constant 0 : index
    %get3A_21 = arith.constant 0 : index
    %get3A_22 = vector.load %arg7[%get3A_20, %get3A_21] : memref<256x256xf32, #tpu.memory_space<vmem>>, vector<256x256xf32>
    %dot_general3A = arith.constant dense<0.000000e+00> : vector<1000x256xf32>
    %dot_general3A_23 = tpu.matmul %mul3A_12, %get3A_22, %dot_general3A {dimension_numbers = #tpu.dot_dimension_numbers<[1], [0], [0], [1], [0, 0, 1, 1], [], []>, transpose_lhs_hint = false} : vector<1000x256xf32>, vector<256x256xf32>, vector<1000x256xf32> -> vector<1000x256xf32>
    %get3A_24 = arith.constant 0 : index
    %get3A_25 = arith.constant 0 : index
    %get3A_26 = vector.load %arg6[%get3A_24, %get3A_25] : memref<1x256xf32, #tpu.memory_space<vmem>>, vector<1x256xf32>
    %add3A = vector.broadcast %get3A_26 : vector<1x256xf32> to vector<1000x256xf32>
    %add3A_27 = arith.addf %dot_general3A_23, %add3A : vector<1000x256xf32>
    %get3A_28 = arith.constant 0 : index
    %get3A_29 = arith.constant 0 : index
    %get3A_30 = vector.load %arg8[%get3A_28, %get3A_29] : memref<256x256xf32, #tpu.memory_space<vmem>>, vector<256x256xf32>
    %dot_general3A_31 = arith.constant dense<0.000000e+00> : vector<1000x256xf32>
    %dot_general3A_32 = tpu.matmul %concatenate3A_19, %get3A_30, %dot_general3A_31 {dimension_numbers = #tpu.dot_dimension_numbers<[1], [0], [0], [1], [0, 0, 1, 1], [], []>, transpose_lhs_hint = false} : vector<1000x256xf32>, vector<256x256xf32>, vector<1000x256xf32> -> vector<1000x256xf32>
    %add3A_33 = arith.addf %add3A_27, %dot_general3A_32 : vector<1000x256xf32>
    %max3A_34 = arith.constant 0.000000e+00 : f32
    %max3A_35 = vector.broadcast %max3A_34 : f32 to vector<1000x256xf32>
    %max3A_36 = arith.maximumf %add3A_33, %max3A_35 : vector<1000x256xf32>
    %slice3A = vector.extract_strided_slice %max3A_36 {offsets = [0, 0], sizes = [1000, 128], strides = [1, 1]} : vector<1000x256xf32> to vector<1000x128xf32>
    %swap3A = arith.constant 0 : index
    %swap3A_37 = arith.constant 0 : index
    %swap3A_38 = vector.load %arg9[%swap3A, %swap3A_37] : memref<1000x128xf32, #tpu.memory_space<vmem>>, vector<1000x128xf32>
    tpu.vector_store %arg9[%swap3A, %swap3A_37], %slice3A {strides = array<i32>} : memref<1000x128xf32, #tpu.memory_space<vmem>>, vector<1000x128xf32>,
    %slice3A_39 = vector.extract_strided_slice %max3A_36 {offsets = [0, 128], sizes = [1000, 128], strides = [1, 1]} : vector<1000x256xf32> to vector<1000x128xf32>
    %swap3A_40 = arith.constant 0 : index
    %swap3A_41 = arith.constant 0 : index
    %swap3A_42 = vector.load %arg10[%swap3A_40, %swap3A_41] : memref<1000x128xf32, #tpu.memory_space<vmem>>, vector<1000x128xf32>
    tpu.vector_store %arg10[%swap3A_40, %swap3A_41], %slice3A_39 {strides = array<i32>} : memref<1000x128xf32, #tpu.memory_space<vmem>>, vector<1000x128xf32>,
    return
  }
  func.func @transform_0(%arg0: i32) -> (i32, i32) {
    %c0_i32 = arith.constant 0 : i32
    %c0_i32_0 = arith.constant 0 : i32
    return %arg0, %c0_i32 : i32, i32
  }
  func.func @transform_1(%arg0: i32) -> (i32, i32) {
    %c0_i32 = arith.constant 0 : i32
    %c0_i32_0 = arith.constant 0 : i32
    return %arg0, %c0_i32 : i32, i32
  }
  func.func @transform_2(%arg0: i32) -> (i32, i32) {
    %c0_i32 = arith.constant 0 : i32
    %c0_i32_0 = arith.constant 0 : i32
    return %arg0, %c0_i32 : i32, i32
  }
  func.func @transform_3(%arg0: i32) -> (i32, i32) {
    %c0_i32 = arith.constant 0 : i32
    %c0_i32_0 = arith.constant 0 : i32
    return %arg0, %c0_i32 : i32, i32
  }
  func.func @transform_4(%arg0: i32) -> (i32, i32) {
    %c0_i32 = arith.constant 0 : i32
    %c0_i32_0 = arith.constant 0 : i32
    return %arg0, %c0_i32 : i32, i32
  }
  func.func @transform_5(%arg0: i32) -> (i32, i32) {
    %c0_i32 = arith.constant 0 : i32
    %c0_i32_0 = arith.constant 0 : i32
    %c0_i32_1 = arith.constant 0 : i32
    return %c0_i32, %c0_i32_0 : i32, i32
  }
  func.func @transform_6(%arg0: i32) -> (i32, i32) {
    %c0_i32 = arith.constant 0 : i32
    %c0_i32_0 = arith.constant 0 : i32
    %c0_i32_1 = arith.constant 0 : i32
    return %c0_i32, %c0_i32_0 : i32, i32
  }
  func.func @transform_7(%arg0: i32) -> (i32, i32) {
    %c0_i32 = arith.constant 0 : i32
    %c0_i32_0 = arith.constant 0 : i32
    %c0_i32_1 = arith.constant 0 : i32
    return %c0_i32, %c0_i32_0 : i32, i32
  }
  func.func @transform_8(%arg0: i32) -> (i32, i32) {
    %c0_i32 = arith.constant 0 : i32
    %c0_i32_0 = arith.constant 0 : i32
    return %arg0, %c0_i32 : i32, i32
  }
  func.func @transform_9(%arg0: i32) -> (i32, i32) {
    %c0_i32 = arith.constant 0 : i32
    %c0_i32_0 = arith.constant 0 : i32
    return %arg0, %c0_i32 : i32, i32
  }
}

module attributes {stable_mosaic.version = 14 : i64} {
  func.func @_final_body(%arg0: i32, %arg1: memref<1000x128xf32, #tpu.memory_space<vmem>>, %arg2: memref<1000x128xf32, #tpu.memory_space<vmem>>, %arg3: memref<1000x1xf32, #tpu.memory_space<vmem>>, %arg4: memref<1000x128xf32, #tpu.memory_space<vmem>>, %arg5: memref<1000x128xf32, #tpu.memory_space<vmem>>, %arg6: memref<1x256xf32, #tpu.memory_space<vmem>>, %arg7: memref<256x256xf32, #tpu.memory_space<vmem>>, %arg8: memref<256x256xf32, #tpu.memory_space<vmem>>, %arg9: memref<256x128xf32, #tpu.memory_space<vmem>>, %arg10: memref<1x128xf32, #tpu.memory_space<vmem>>, %arg11: memref<1000x128xf32, #tpu.memory_space<vmem>>) attributes {dimension_semantics = [#tpu.dimension_semantics<arbitrary>], iteration_bounds = array<i64: 10>, scalar_prefetch = 0 : i64, scratch_operands = 0 : i64, tpu.core_type = #tpu.core_type<tc>, window_params = [{transform_indices = @transform_0, window_bounds = array<i64: 1000, 128>}, {transform_indices = @transform_1, window_bounds = array<i64: 1000, 128>}, {transform_indices = @transform_2, window_bounds = array<i64: 1000, 1>}, {transform_indices = @transform_3, window_bounds = array<i64: 1000, 128>}, {transform_indices = @transform_4, window_bounds = array<i64: 1000, 128>}, {pipeline_mode = #tpu.pipeline_mode<synchronous>, transform_indices = @transform_5, window_bounds = array<i64: 1, 256>}, {pipeline_mode = #tpu.pipeline_mode<synchronous>, transform_indices = @transform_6, window_bounds = array<i64: 256, 256>}, {pipeline_mode = #tpu.pipeline_mode<synchronous>, transform_indices = @transform_7, window_bounds = array<i64: 256, 256>}, {pipeline_mode = #tpu.pipeline_mode<synchronous>, transform_indices = @transform_8, window_bounds = array<i64: 256, 128>}, {pipeline_mode = #tpu.pipeline_mode<synchronous>, transform_indices = @transform_9, window_bounds = array<i64: 1, 128>}, {transform_indices = @transform_10, window_bounds = array<i64: 1000, 128>}]} {
    %get3A = arith.constant 0 : index
    %get3A_0 = arith.constant 0 : index
    %get3A_1 = vector.load %arg3[%get3A, %get3A_0] : memref<1000x1xf32, #tpu.memory_space<vmem>>, vector<1000x1xf32>
    %max3A = arith.constant 1.000000e+00 : f32
    %max3A_2 = vector.broadcast %max3A : f32 to vector<1000x1xf32>
    %max3A_3 = arith.maximumf %get3A_1, %max3A_2 : vector<1000x1xf32>
    %div3A = arith.constant 1.000000e+00 : f32
    %div3A_4 = vector.broadcast %div3A : f32 to vector<1000x1xf32>
    %div3A_5 = arith.divf %div3A_4, %max3A_3 : vector<1000x1xf32>
    %get3A_6 = arith.constant 0 : index
    %get3A_7 = arith.constant 0 : index
    %get3A_8 = vector.load %arg1[%get3A_6, %get3A_7] : memref<1000x128xf32, #tpu.memory_space<vmem>>, vector<1000x128xf32>
    %get3A_9 = arith.constant 0 : index
    %get3A_10 = arith.constant 0 : index
    %get3A_11 = vector.load %arg2[%get3A_9, %get3A_10] : memref<1000x128xf32, #tpu.memory_space<vmem>>, vector<1000x128xf32>
    %concatenate3A = tpu.concatenate %get3A_8, %get3A_11 in 1 : vector<1000x128xf32>, vector<1000x128xf32> -> vector<1000x256xf32>
    %mul3A = vector.broadcast %div3A_5 : vector<1000x1xf32> to vector<1000x256xf32>
    %mul3A_12 = arith.mulf %concatenate3A, %mul3A : vector<1000x256xf32>
    %get3A_13 = arith.constant 0 : index
    %get3A_14 = arith.constant 0 : index
    %get3A_15 = vector.load %arg4[%get3A_13, %get3A_14] : memref<1000x128xf32, #tpu.memory_space<vmem>>, vector<1000x128xf32>
    %get3A_16 = arith.constant 0 : index
    %get3A_17 = arith.constant 0 : index
    %get3A_18 = vector.load %arg5[%get3A_16, %get3A_17] : memref<1000x128xf32, #tpu.memory_space<vmem>>, vector<1000x128xf32>
    %concatenate3A_19 = tpu.concatenate %get3A_15, %get3A_18 in 1 : vector<1000x128xf32>, vector<1000x128xf32> -> vector<1000x256xf32>
    %get3A_20 = arith.constant 0 : index
    %get3A_21 = arith.constant 0 : index
    %get3A_22 = vector.load %arg7[%get3A_20, %get3A_21] : memref<256x256xf32, #tpu.memory_space<vmem>>, vector<256x256xf32>
    %dot_general3A = arith.constant dense<0.000000e+00> : vector<1000x256xf32>
    %dot_general3A_23 = tpu.matmul %mul3A_12, %get3A_22, %dot_general3A {dimension_numbers = #tpu.dot_dimension_numbers<[1], [0], [0], [1], [0, 0, 1, 1], [], []>, transpose_lhs_hint = false} : vector<1000x256xf32>, vector<256x256xf32>, vector<1000x256xf32> -> vector<1000x256xf32>
    %get3A_24 = arith.constant 0 : index
    %get3A_25 = arith.constant 0 : index
    %get3A_26 = vector.load %arg6[%get3A_24, %get3A_25] : memref<1x256xf32, #tpu.memory_space<vmem>>, vector<1x256xf32>
    %add3A = vector.broadcast %get3A_26 : vector<1x256xf32> to vector<1000x256xf32>
    %add3A_27 = arith.addf %dot_general3A_23, %add3A : vector<1000x256xf32>
    %get3A_28 = arith.constant 0 : index
    %get3A_29 = arith.constant 0 : index
    %get3A_30 = vector.load %arg8[%get3A_28, %get3A_29] : memref<256x256xf32, #tpu.memory_space<vmem>>, vector<256x256xf32>
    %dot_general3A_31 = arith.constant dense<0.000000e+00> : vector<1000x256xf32>
    %dot_general3A_32 = tpu.matmul %concatenate3A_19, %get3A_30, %dot_general3A_31 {dimension_numbers = #tpu.dot_dimension_numbers<[1], [0], [0], [1], [0, 0, 1, 1], [], []>, transpose_lhs_hint = false} : vector<1000x256xf32>, vector<256x256xf32>, vector<1000x256xf32> -> vector<1000x256xf32>
    %add3A_33 = arith.addf %add3A_27, %dot_general3A_32 : vector<1000x256xf32>
    %get3A_34 = arith.constant 0 : index
    %get3A_35 = arith.constant 0 : index
    %get3A_36 = vector.load %arg9[%get3A_34, %get3A_35] : memref<256x128xf32, #tpu.memory_space<vmem>>, vector<256x128xf32>
    %dot_general3A_37 = arith.constant dense<0.000000e+00> : vector<1000x128xf32>
    %dot_general3A_38 = tpu.matmul %add3A_33, %get3A_36, %dot_general3A_37 {dimension_numbers = #tpu.dot_dimension_numbers<[1], [0], [0], [1], [0, 0, 1, 1], [], []>, transpose_lhs_hint = false} : vector<1000x256xf32>, vector<256x128xf32>, vector<1000x128xf32> -> vector<1000x128xf32>
    %get3A_39 = arith.constant 0 : index
    %get3A_40 = arith.constant 0 : index
    %get3A_41 = vector.load %arg10[%get3A_39, %get3A_40] : memref<1x128xf32, #tpu.memory_space<vmem>>, vector<1x128xf32>
    %add3A_42 = vector.broadcast %get3A_41 : vector<1x128xf32> to vector<1000x128xf32>
    %add3A_43 = arith.addf %dot_general3A_38, %add3A_42 : vector<1000x128xf32>
    %swap3A = arith.constant 0 : index
    %swap3A_44 = arith.constant 0 : index
    %swap3A_45 = vector.load %arg11[%swap3A, %swap3A_44] : memref<1000x128xf32, #tpu.memory_space<vmem>>, vector<1000x128xf32>
    tpu.vector_store %arg11[%swap3A, %swap3A_44], %add3A_43 {strides = array<i32>} : memref<1000x128xf32, #tpu.memory_space<vmem>>, vector<1000x128xf32>,
    return
  }
  func.func @transform_0(%arg0: i32) -> (i32, i32) {
    %c0_i32 = arith.constant 0 : i32
    %c0_i32_0 = arith.constant 0 : i32
    return %arg0, %c0_i32 : i32, i32
  }
  func.func @transform_1(%arg0: i32) -> (i32, i32) {
    %c0_i32 = arith.constant 0 : i32
    %c0_i32_0 = arith.constant 0 : i32
    return %arg0, %c0_i32 : i32, i32
  }
  func.func @transform_2(%arg0: i32) -> (i32, i32) {
    %c0_i32 = arith.constant 0 : i32
    %c0_i32_0 = arith.constant 0 : i32
    return %arg0, %c0_i32 : i32, i32
  }
  func.func @transform_3(%arg0: i32) -> (i32, i32) {
    %c0_i32 = arith.constant 0 : i32
    %c0_i32_0 = arith.constant 0 : i32
    return %arg0, %c0_i32 : i32, i32
  }
  func.func @transform_4(%arg0: i32) -> (i32, i32) {
    %c0_i32 = arith.constant 0 : i32
    %c0_i32_0 = arith.constant 0 : i32
    return %arg0, %c0_i32 : i32, i32
  }
  func.func @transform_5(%arg0: i32) -> (i32, i32) {
    %c0_i32 = arith.constant 0 : i32
    %c0_i32_0 = arith.constant 0 : i32
    %c0_i32_1 = arith.constant 0 : i32
    return %c0_i32, %c0_i32_0 : i32, i32
  }
  func.func @transform_6(%arg0: i32) -> (i32, i32) {
    %c0_i32 = arith.constant 0 : i32
    %c0_i32_0 = arith.constant 0 : i32
    %c0_i32_1 = arith.constant 0 : i32
    return %c0_i32, %c0_i32_0 : i32, i32
  }
  func.func @transform_7(%arg0: i32) -> (i32, i32) {
    %c0_i32 = arith.constant 0 : i32
    %c0_i32_0 = arith.constant 0 : i32
    %c0_i32_1 = arith.constant 0 : i32
    return %c0_i32, %c0_i32_0 : i32, i32
  }
  func.func @transform_8(%arg0: i32) -> (i32, i32) {
    %c0_i32 = arith.constant 0 : i32
    %c0_i32_0 = arith.constant 0 : i32
    %c0_i32_1 = arith.constant 0 : i32
    return %c0_i32, %c0_i32_0 : i32, i32
  }
  func.func @transform_9(%arg0: i32) -> (i32, i32) {
    %c0_i32 = arith.constant 0 : i32
    %c0_i32_0 = arith.constant 0 : i32
    %c0_i32_1 = arith.constant 0 : i32
    return %c0_i32, %c0_i32_0 : i32, i32
  }
  func.func @transform_10(%arg0: i32) -> (i32, i32) {
    %c0_i32 = arith.constant 0 : i32
    %c0_i32_0 = arith.constant 0 : i32
    return %arg0, %c0_i32 : i32, i32
  }
}

</mosaic_0001>

<sc_bundles>
// kernel: kernel.10.cloned.1.call-start
scs
__scs_entry_jumppad:
0x0: {  	(pc) =	sbr.rel $0x88, $3  }
0x1: {  	(tag) =	ssettag $0x0;
	lr =	simm.s32 $0x1  }
0x2: {  	[smem:$0x3F91] =	sst lr;
	_ =	strace $0xD0000000  }
0x3: {  	_ = 	snop  }
0x4: {  	_ = 	snop  }
0x5: {  	_ = 	snop  }
0x6: {  	_ = 	snop  }
0x7: {  	_ = 	snop  }
__scs_overlays_trampoline_lowered:
0x8: {  	[smem:$0x3FA0] =	sst s0  }
0x9: {  	[smem:$0x3FA1] =	sst s1  }
0xa: {  	[smem:$0x3FA2] =	sst s2  }
0xb: {  	[smem:$0x3FA3] =	sst s3  }
0xc: {  	[smem:$0x3FA4] =	sst s4  }
0xd: {  	[smem:$0x3FA5] =	sst s5  }
0xe: {  	[smem:$0x3FA6] =	sst s6  }
0xf: {  	[smem:$0x3FA7] =	sst s7  }
0x10: {  	[smem:$0x3FA8] =	sst s8  }
0x11: {  	[smem:$0x3FA9] =	sst s9;
	s0 =	simm.s32 @!p0 $0x0  }
0x12: {  	s1 =	sld [smem:$0x3F8F];
	s0 =	simm.s32 @p0 $0x1  }
0x13: {  	[smem:$0x3FAA] =	sst s0;
	s0 =	simm.s32 @!p1 $0x0  }
0x14: {  	s2 =	sld [smem:$0x3F8E];
	s0 =	simm.s32 @p1 $0x1  }
0x15: {  	[smem:$0x3FAB] =	sst s0;
	s0 =	simm.s32 @!p2 $0x0  }
0x16: {  	s3 =	sld [smem:$0x3FDB];
	s0 =	simm.s32 @p2 $0x1  }
0x17: {  	s4 =	simm.s32 $0x1BF5;
	[smem:$0x3FAD] =	sst s0  }
0x18: {  	s0 =	sld [smem:$0x3F90];
	_ =	swait.ge [sflag:s4], $0x0  }
0x19: {  	s7 =	sld [smem:$0x3F91]  }
0x1a: {  	s8 =	sadd.s32 $0xFFFFE003, lr  }
0x1b: {  	s9 =	sadd.s32 $0xFFFFFEF7, lr;
	s5 =	simm.s32 $0xFFFFFFFF;
	p2 =	slt.u32 s8, $0xFFFFF086  }
0x1c: {  	p1 =	slt.u32 s9, $0xF7A;
	s5 =	simm.s32 @!p2 $0x0  }
0x1d: {  	s5 =	simm.s32 @p1 $0x1;
	p0 =	seq.s32 s7, s2  }
0x1e: {  	s7 =	smul.u32 @!p0 $0xF7A, s2;
	p2 =	seq.s32 @!p0 s5, $0x0  }
0x1f: {  	s9 =	smul.u32 $0xF7A, s1;
	s8 =	simm.s32 @!p0 $0x1BF5;
	p2 =	por !p2, p0  }
0x20: {  	[sflag:s8] =	ssyncset.s32 @!p0 $0xFFFFF086;
	s6 =	sadd.s32 @!p0 s3, s7;
	s7 =	simm.s32 @!p0 $0x108  }
0x21: {  	s3 =	sadd.s32 s3, s9;
	s6 =	sadd.s32 @!p0 $0x88, s6;
	s7 =	simm.s32 @p2 $0x1082  }
0x22: {  	[simem:s7], [sflag:s8] =	dma.local @!p0 [hbm:s6], $0xF7A  }
0x23: {  	s9 =	sor.u32 $0xD0000000, s2;
	s6 =	simm.s32 $0x108;
	_ =	swait.ge @!p0 [sflag:s8], $0x0  }
0x24: {  	s3 =	sadd.s32 $0x88, s3;
	s6 =	simm.s32 @!p1 $0x1082;
	[sflag:s4] =	ssyncset.s32 $0xFFFFF086  }
0x25: {  	[simem:s6], [sflag:s4] =	dma.local [hbm:s3], $0xF7A  }
0x26: {  	[smem:$0x3F91] =	sst s1;
	(tag) =	ssettag s2;
	_ =	strace s9  }
0x27: {  	s1 =	sld [smem:$0x3FA1]  }
0x28: {  	s2 =	sld [smem:$0x3FA2]  }
0x29: {  	s4 =	sld [smem:$0x3FA4]  }
0x2a: {  	p0 =	seq.s32 s5, $0x0;
	s5 =	sld [smem:$0x3FA5]  }
0x2b: {  	s6 =	sld [smem:$0x3FA6]  }
0x2c: {  	s7 =	sld [smem:$0x3FA7]  }
0x2d: {  	s3 =	simm.s32 $0x108;
	s8 =	sld [smem:$0x3FA8]  }
0x2e: {  	s3 =	simm.s32 @!p0 $0x1082;
	s9 =	sld [smem:$0x3FA9]  }
0x2f: {  	lr =	sadd.s32 s0, s3;
	s0 =	sld [smem:$0x3FA0]  }
0x30: {  	s3 =	sld [smem:$0x3FA3]  }
0x31: {  	[smem:$0x3FAC] =	sst s10  }
0x32: {  	s10 =	sld [smem:$0x3FAA];
	_ =	sdelay $0x3  }
0x33: {  	p0 =	seq.s32 s10, $0x1;
	s10 =	sld [smem:$0x3FAC];
	_ =	sdelay $0x3  }
0x34: {  	[smem:$0x3FAC] =	sst s10  }
0x35: {  	s10 =	sld [smem:$0x3FAB];
	_ =	sdelay $0x3  }
0x36: {  	p1 =	seq.s32 s10, $0x1;
	s10 =	sld [smem:$0x3FAC];
	_ =	sdelay $0x3  }
0x37: {  	[smem:$0x3FAC] =	sst s10  }
0x38: {  	s10 =	sld [smem:$0x3FAD]  }
0x39: {  	_ = 	snop;
	(pc) =	sbr.ind lr, $3  }
0x3a: {  	_ = 	snop  }
0x3b: {  	_ = 	snop  }
0x3c: {  	p2 =	seq.s32 s10, $0x1;
	s10 =	sld [smem:$0x3FAC]  }
0x3d: {  	_ =	shalt  }
0x3e: {  	_ =	shalt  }
0x3f: {  	_ =	shalt  }
0x40: {  	_ =	shalt  }
0x41: {  	_ =	shalt  }
0x42: {  	_ =	shalt  }
0x43: {  	_ =	shalt  }
0x44: {  	_ =	shalt  }
0x45: {  	_ =	shalt  }
0x46: {  	_ =	shalt  }
0x47: {  	_ =	shalt  }
0x48: {  	_ =	shalt  }
0x49: {  	_ =	shalt  }
0x4a: {  	_ =	shalt  }
0x4b: {  	_ =	shalt  }
0x4c: {  	_ =	shalt  }
0x4d: {  	_ =	shalt  }
0x4e: {  	_ =	shalt  }
0x4f: {  	_ =	shalt  }
0x50: {  	_ =	shalt  }
0x51: {  	_ =	shalt  }
0x52: {  	_ =	shalt  }
0x53: {  	_ =	shalt  }
0x54: {  	_ =	shalt  }
0x55: {  	_ =	shalt  }
0x56: {  	_ =	shalt  }
0x57: {  	_ =	shalt  }
0x58: {  	_ =	shalt  }
0x59: {  	_ =	shalt  }
0x5a: {  	_ =	shalt  }
0x5b: {  	_ =	shalt  }
0x5c: {  	_ =	shalt  }
0x5d: {  	_ =	shalt  }
0x5e: {  	_ =	shalt  }
0x5f: {  	_ =	shalt  }
0x60: {  	_ =	shalt  }
0x61: {  	_ =	shalt  }
0x62: {  	_ =	shalt  }
0x63: {  	_ =	shalt  }
0x64: {  	_ =	shalt  }
0x65: {  	_ =	shalt  }
0x66: {  	_ =	shalt  }
0x67: {  	_ =	shalt  }
0x68: {  	_ =	shalt  }
0x69: {  	_ =	shalt  }
0x6a: {  	_ =	shalt  }
0x6b: {  	_ =	shalt  }
0x6c: {  	_ =	shalt  }
0x6d: {  	_ =	shalt  }
0x6e: {  	_ =	shalt  }
0x6f: {  	_ =	shalt  }
0x70: {  	_ =	shalt  }
0x71: {  	_ =	shalt  }
0x72: {  	_ =	shalt  }
0x73: {  	_ =	shalt  }
0x74: {  	_ =	shalt  }
0x75: {  	_ =	shalt  }
0x76: {  	_ =	shalt  }
0x77: {  	_ =	shalt  }
0x78: {  	_ =	shalt  }
0x79: {  	_ =	shalt  }
0x7a: {  	_ =	shalt  }
0x7b: {  	_ =	shalt  }
0x7c: {  	_ =	shalt  }
0x7d: {  	_ =	shalt  }
0x7e: {  	_ =	shalt  }
0x7f: {  	_ =	shalt  }
0x80: {  	_ =	shalt  }
0x81: {  	_ =	shalt  }
0x82: {  	_ =	shalt  }
0x83: {  	_ =	shalt  }
0x84: {  	_ =	shalt  }
0x85: {  	_ =	shalt  }
0x86: {  	_ =	shalt  }
0x87: {  	_ =	shalt  }
.Lfunc_end0:
.L_simem_size_0:
called_computation_lowered:
.L_overlay_start_0:
0x88: {  	s2 =	sld [smem:$0x3FD9]  }
0x89: {  	s3 =	sld [smem:$0x3FFE];
	_ =	sdelay $0x1  }
0x8a: {  	s1 =	srdreg.scid  }
0x8b: {  	s0 =	sand.u32 $0x1, s1  }
0x8c: {  	s17 =	sshll.u32 s0, $0xA;
	s2 =	sadd.s32 s3, s2  }
0x8d: {  	s2 =	sadd.s32 s2, s17  }
0x8e: {  	[smem:$0x3FB8] =	sst s2  }
0x8f: {  	_ = 	snop  }
0x90: {  	s2 =	sld [smem:$0x3FD0];
	(tm) =	ssettm $0x1  }
0x91: {  	s18 =	sld [smem:$0x3FFB];
	_ =	sdelay $0x3  }
0x92: {  	_ =	strace s18  }
0x93: {  	s3 =	sld [smem:$0x3FFC];
	_ =	sdelay $0x3  }
0x94: {  	_ =	strace s3  }
0x95: {  	s3 =	sld [smem:$0x3FFD];
	_ =	sdelay $0x3  }
0x96: {  	_ =	strace s3  }
0x97: {  	_ =	strace $0x8FFFFFFF  }
0x98: {  	s19 =	sld [smem:$0x3FDB];
	_ =	sdelay $0x1  }
0x99: {  	s4 =	simm.s32 $_scs_section_size  }
0x9a: {  	s5 =	simm.s32 $_size__tile_overlayer_lowered;
	s6 =	simm.s32 $_tile_overlayer_lowered  }
0x9b: {  	s22 =	simm.s32 $0x1BFF;
	s21 =	sshll.u32 s6, $0x1;
	s3 =	sadd.s32 s4, s19  }
0x9c: {  	s7 =	simm.s32 $0x0;
	s20 =	sshll.u32 s5, $0x1;
	s5 =	sadd.s32 s21, s3  }
0x9d: {  	[timem:s7], [sflag:s22] =	dma.local [hbm:s5], s20  }
0x9e: {  	_ =	swait.ge [sflag:s22], s20  }
0x9f: {  	s4 =	ssub.s32 $0x0, s20;
	[sflag:s22] =	ssyncset.done $0x0  }
0xa0: {  	[sflag:s22] =	ssyncadd.s32 s4;
	_ =	sdelay $0x1  }
0xa1: {  	s23 =	simm.s32 $0x1B8B  }
0xa2: {  	_ =	swait.ge [sflag:s23], $0x1  }
0xa3: {  	[sflag:s23] =	ssyncset.done $0x0  }
0xa4: {  	s25 =	simm.s32 $0x1B8E;
	s24 =	sld [smem:$0x3FFE];
	[sflag:s23] =	ssyncadd.s32 $0xFFFFFFFF  }
0xa5: {  	s26 =	simm.s32 $execute0_lowered;
	[smem:$0x3FD2] =	sst s25  }
0xa6: {  	s5 =	sshll.u32 s26, $0x1;
	_ =	strace $0x80000046;
	[dreg:$0x1] =	wrdreg $0xFFFFFFFF  }
0xa7: {  	s28 =	simm.s32 $_size_execute0_lowered;
	s3 =	sadd.s32 s3, s5;
	[dreg:$0x0] =	wrdreg $0x0  }
0xa8: {  	s5 =	sshll.u32 s28, $0x1;
	[dreg:$0x2] =	wrdreg s3  }
0xa9: {  	[dreg:$0x3] =	wrdreg s5  }
0xaa: {  	[dreg:$0x4] =	wrdreg $0xC0  }
0xab: {  	_ =	task [dreg:s7], $0x5FFFF  }
0xac: {  	[dreg:$0x1] =	wrdreg $0xFFFFFFFF  }
0xad: {  	[dreg:$0x0] =	wrdreg $0x60  }
0xae: {  	[dreg:$0x2] =	wrdreg s24  }
0xaf: {  	[dreg:$0x3] =	wrdreg s2  }
0xb0: {  	[dreg:$0x4] =	wrdreg $0x59000  }
0xb1: {  	[dreg:$0x5] =	wrdreg $0x191800  }
0xb2: {  	[dreg:$0x6] =	wrdreg $0x9  }
0xb3: {  	_ =	task.clear_ibuf [dreg:s7], $0x7FFFF;
	_ =	strace $0x90000046  }
0xb4: {  	s29 =	simm.s32 $0x9;
	_ =	strace $0x80000048  }
0xb5: {  	_ =	swait.ge [sflag:s29], $0x1  }
0xb6: {  	[sflag:s29] =	ssyncadd.s32 $0xFFFFFFFF  }
0xb7: {  	_ =	strace $0x90000048  }
0xb8: {  	_ =	sfence  }
0xb9: {  	s30 =	sld [smem:$0x0];
	_ =	sdelay $0x2  }
0xba: {  	s31 =	sshll.u32 s1, $0xD;
	s1 =	sshrl.u32 s1, $0x2  }
0xbb: {  	s3 =	sand.u32 $0x4000, s31;
	s1 =	sadd.s32 s1, s30  }
0xbc: {  	s0 =	sor.u32 s3, s0;
	s1 =	sshll.u32 s1, $0x11  }
0xbd: {  	s0 =	sor.u32 s1, s0  }
0xbe: {  	s0 =	sadd.s32 $0x8F2B, s0  }
0xbf: {  	[sflag:s0] =	ssyncadd.remote.s32 $0x1  }
0xc0: {  	_ =	sfence.sel $0xFFFF  }
0xc1: {  	[dreg:$0x0] =	wrdreg $0xFFFFFFFF;
	(pc) =	sbr.abs _section_cstart, $3  }
0xc2: {  	[dreg:$0x1] =	wrdreg $0xFFFFFFFF  }
0xc3: {  	_ =	task.clear_ibuf [dreg:s7], $0x2FFFF;
	_ =	strace $0x9FFFFFFF  }
0xc4: {  	(tm) =	ssettm $0x7FFFFFFF  }
0xc5: {  	_ =	shalt  }
tec
execute0_lowered:
.L_overlay_start_1:
0x0: {  	(tag) =	ssettag $0x1  }
0x1: {  	s0 =	rddreg [dreg:$0x0]  }
0x2: {  	s2 =	rddreg [dreg:$0x2]  }
0x3: {  	s4 =	rddreg [dreg:$0x3];
	s5 =	simm.s32 $0x0  }
0x4: {  	s11 =	stileid.u32;
	s3 =	srdreg.scid;
	s28 =	simm.s32 $0x80  }
0x5: {  	s30 =	simm.s32 $0x1;
	s31 =	simm.s32 $0x32;
	s12 =	simm.s32 $0x3C80  }
0x6: {  	s14 =	simm.s32 $0x400;
	s15 =	simm.s32 $0x5;
	s16 =	simm.s32 $0x9  }
0x7: {  	s17 =	simm.s32 $0x7;
	[smem:$0x7FF] =	sst s5;
	s1 =	smul.u32 $0xC80, s11  }
0x8: {  	s6 =	sadd.s32 $0x39800, s0;
	s7 =	sadd.s32 $0x12600, s0;
	s3 =	sand.u32 $0x1, s3  }
0x9: {  	s8 =	smul.u32 $0x7D000, s11;
	s9 =	sadd.s32 $0x60A00, s0;
	s18 =	sadd.s32 $0x65000, s0  }
0xa: {  	s10 =	sadd.s32 $0x8C200, s0;
	_ =	strace $0x80000047;
	[dreg:$0x5] =	wrdreg s9  }
0xb: {  	p1 =	sgt.u32 s11, $0x9;
	s29 =	smul.u32 $0x3E80, s11;
	[dreg:$0x6] =	wrdreg s18  }
0xc: {  	p4 =	slt.u32 s11, $0xA;
	s19 =	ssub.s32 $0x2, s3;
	[dreg:$0x7] =	wrdreg s10  }
0xd: {  	p0 =	seq.s32 s3, $0x0;
	s22 =	sor.u32 s11, s3;
	p3 =	sne.s32 s3, $0x0  }
0xe: {  	s3 =	simm.s32 $0x480;
	s18 =	simm.s32 $0x8;
	s1 =	sadd.s32 s1, s0  }
0xf: {  	s20 =	sshrl.u32 s19, $0x1;
	s0 =	sadd.s32 $0x64A00, s0;
	[dreg:$0xf] =	wrdreg s29  }
0x10: {  	s8 =	sshrl.u32 s8, $0x2;
	[dreg:$0x8] =	wrdreg s0;
	s23 =	sadd.s32 $0x5E10, s1  }
0x11: {  	p2 =	sne.s32 s22, $0x0;
	s24 =	sadd.s32 $0x5E20, s1;
	[dreg:$0xa] =	wrdreg s23  }
0x12: {  	s21 =	ssub.s32 s19, s20;
	s25 =	sadd.s32 $0x5E30, s1;
	[dreg:$0xb] =	wrdreg s24  }
0x13: {  	s9 =	sadd.s32 s8, s2;
	s26 =	sadd.s32 $0x5E40, s1;
	[dreg:$0xc] =	wrdreg s25  }
0x14: {  	s13 =	sadd.s32 $0x5E00, s1;
	s1 =	sadd.s32 $0x5E50, s1;
	[dreg:$0xd] =	wrdreg s26  }
0x15: {  	s19 =	simm.s32 $0x3;
	s8 =	simm.s32 $0x300;
	[dreg:$0xe] =	wrdreg s1  }
0x16: {  	s20 =	simm.s32 $0x0;
	s0 =	smax.u32 s21, $0x1;
	[dreg:$0x9] =	wrdreg s9  }
0x17: {  	s21 =	smov.u32 s7;
	[dreg:$0x10] =	wrdreg s0;
	s0 =	sshll.u32 @!p1 s11, $0x6  }
.Ltmp0:
0x18: {  	s26 =	sshrl.u32 @!p2 s4, $0x3;
	s0 =	sor.u32 @!p1 $0x1C0D, s0;
	(pc) =	sbr.rel .LBB2_1-.Ltmp0, $4  }
0x19: {  	s1 =	simm.s32 $0x2;
	[dreg:$0x11] =	wrdreg s0;
	s0 =	sshrl.u32 @!p1 s9, $0x3  }
0x1a: {  	s21 =	smov.u32 @p0 s6;
	[dreg:$0x12] =	wrdreg s0;
	s0 =	sshll.u32 @!p2 s11, $0x6  }
0x1b: {  	s9 =	simm.s32 $0x4;
	[dreg:$0x13] =	wrdreg s0;
	s0 =	sor.u32 @!p2 $0x1C0D, s0  }
0x1c: {  	v0 =	vimm.f32 $1.000000000e+00;
	s11 =	simm.s32 $0x6;
	[dreg:$0x14] =	wrdreg s0;
	s0 =	simm.s32 $0x280  }
.LBB2_8:
0x1d: {  	s10 =	stileid.u32;
	s23 =	rddreg [dreg:$0xf]  }
0x1e: {  	s25 =	rddreg [dreg:$0x9];
	s29 =	simm.s32 $0xE;
	s10 =	sshll.u32 s10, $0x6  }
0x1f: {  	s22 =	sadd.s32 s22, s23;
	s23 =	sshrl.u32 s25, $0x3;
	s10 =	sor.u32 $0x1C0E, s10  }
0x20: {  	[hbm:s22], [sflag:s10] =	dma.local [spmem:s23], $0x3E80  }
0x21: {  	_ =	swait.ge [sflag:s29], $0x3E80  }
0x22: {  	[sflag:s29] =	ssyncset.done $0x0  }
0x23: {  	[sflag:s29] =	ssyncadd.s32 $0xFFFFC180  }
.LBB2_9:
0x24: {  	s10 =	rddreg [dreg:$0x13]  }
0x25: {  	s22 =	rddreg [dreg:$0x8];
	s10 =	sor.u32 @!p2 $0x1C0E, s10  }
0x26: {  	[hbm:s22], [sflag:s10] =	dma.local @!p2 [spmem:s26], $0x4F0  }
0x27: {  	s10 =	simm.s32 @!p2 $0xE  }
0x28: {  	_ =	swait.ge @!p2 [sflag:s10], $0x4F0  }
0x29: {  	s20 =	sadd.s32 $0x1, s20;
	s29 =	rddreg [dreg:$0x10]  }
0x2a: {  	p5 =	sne.s32 s20, s29  }
.Ltmp1:
0x2b: {  	_ = 	snop;
	(pc) =	sbr.rel @!p5 .LBB2_10-.Ltmp1, $3  }
0x2c: {  	_ =	sdelay $0x1  }
0x2d: {  	[sflag:s10] =	ssyncset.done @!p2 $0x0  }
0x2e: {  	[sflag:s10] =	ssyncadd.s32 @!p2 $0xFFFFFB10  }
.LBB2_1:
0x2f: {  	s10 =	rddreg [dreg:$0x5]  }
0x30: {  	s22 =	rddreg [dreg:$0x11]  }
0x31: {  	s23 =	rddreg [dreg:$0x12]  }
0x32: {  	[spmem:s23], [sflag:s22] =	dma.local @!p1 [hbm:s10], $0x3E80  }
0x33: {  	s10 =	rddreg [dreg:$0x1]  }
0x34: {  	s22 =	rddreg [dreg:$0x14]  }
0x35: {  	[spmem:s26], [sflag:s22] =	dma.local @!p2 [hbm:s10], $0x4F0;
	[tilespmem:$0x5880] =	vst v0  }
0x36: {  	[tilespmem:$0x5890] =	vst v0  }
0x37: {  	[tilespmem:$0x58A0] =	vst v0  }
0x38: {  	[tilespmem:$0x58A2] =	vst v0  }
0x39: {  	[tilespmem:s5], [sflag:$0x1] =	stream.linear.gather [hbm4b:s13+s5], $0x80, $0x38;
	[tilespmem:$0x193F8] =	vst v63  }
0x3a: {  	s10 =	rddreg [dreg:$0xa]  }
0x3b: {  	[tilespmem:s28], [sflag:$0x2] =	stream.linear.gather [hbm4b:s10+s5], $0x80, $0x38;
	[tilespmem:$0x193F8] =	vst v63  }
0x3c: {  	s22 =	simm.s32 $0x100;
	s24 =	rddreg [dreg:$0xb]  }
0x3d: {  	[tilespmem:s22], [sflag:$0x3] =	stream.linear.gather [hbm4b:s24+s5], $0x80, $0x38;
	[tilespmem:$0x193F8] =	vst v63  }
0x3e: {  	_ =	swait.ge [sflag:s30], $0x80  }
0x3f: {  	[sflag:s30] =	ssyncset.done $0x0  }
0x40: {  	[sflag:s30] =	ssyncadd.s32 $0xFFFFFF80  }
0x41: {  	v1 =	vld [tilespmem:$0x0];
	_ =	sdelay $0x1  }
0x42: {  	v2 =	vld [tilespmem:$0x10];
	_ =	sdelay $0x1  }
0x43: {  	v3 =	vld [tilespmem:$0x20]  }
0x44: {  	v4 =	vand.u32 $0xFFFF, v1  }
0x45: {  	v59 =	vld [tilespmem:$0x22];
	v1 =	vshrl.u32 v1, $0x10;
	[tilespmem:$0x180] =	vst v4  }
0x46: {  	[tilespmem:$0x300] =	vst v1;
	v1 =	vand.u32 $0xFFFF, v2  }
0x47: {  	[tilespmem:$0x190] =	vst v1;
	v1 =	vshrl.u32 v2, $0x10  }
0x48: {  	[tilespmem:$0x310] =	vst v1;
	v1 =	vand.u32 $0xFFFF, v3  }
0x49: {  	[tilespmem:$0x1A0] =	vst v1;
	v1 =	vshrl.u32 v3, $0x10  }
0x4a: {  	[tilespmem:$0x320] =	vst v1;
	v1 =	vand.u32 $0xFFFF, v59  }
0x4b: {  	[tilespmem:$0x1A2] =	vst v1;
	v1 =	vshrl.u32 v59, $0x10  }
0x4c: {  	s25 =	rddreg [dreg:$0xc];
	[tilespmem:$0x322] =	vst v1  }
0x4d: {  	[tilespmem:s5], [sflag:$0x1] =	stream.linear.gather [hbm4b:s25+s5], $0x80, $0x38;
	[tilespmem:$0x193F8] =	vst v63  }
0x4e: {  	s29 =	simm.s32 $0x180  }
0x4f: {  	[tilespmem:s3], [sflag:$0x4] =	stream.indirect.gather [hbm4b:s21+s31], $0x80, s29, s31, $0xb8;
	[tilespmem:$0x193F8] =	vst v63  }
0x50: {  	_ =	swait.ge [sflag:s1], $0x80  }
0x51: {  	[sflag:s1] =	ssyncset.done $0x0  }
0x52: {  	[sflag:s1] =	ssyncadd.s32 $0xFFFFFF80  }
0x53: {  	v1 =	vld [tilespmem:$0x80];
	_ =	sdelay $0x1  }
0x54: {  	v2 =	vld [tilespmem:$0x90];
	_ =	sdelay $0x1  }
0x55: {  	v3 =	vld [tilespmem:$0xA0]  }
0x56: {  	v60 =	vand.u32 $0xFFFF, v1  }
0x57: {  	v61 =	vld [tilespmem:$0xA2];
	v1 =	vshrl.u32 v1, $0x10;
	[tilespmem:$0x200] =	vst v60  }
0x58: {  	[tilespmem:$0x380] =	vst v1;
	v1 =	vand.u32 $0xFFFF, v2  }
0x59: {  	[tilespmem:$0x210] =	vst v1;
	v1 =	vshrl.u32 v2, $0x10  }
0x5a: {  	[tilespmem:$0x390] =	vst v1;
	v1 =	vand.u32 $0xFFFF, v3  }
0x5b: {  	[tilespmem:$0x220] =	vst v1;
	v1 =	vshrl.u32 v3, $0x10  }
0x5c: {  	[tilespmem:$0x3A0] =	vst v1;
	v1 =	vand.u32 $0xFFFF, v61  }
0x5d: {  	[tilespmem:$0x222] =	vst v1;
	v1 =	vshrl.u32 v61, $0x10  }
0x5e: {  	s23 =	rddreg [dreg:$0xd];
	[tilespmem:$0x3A2] =	vst v1  }
0x5f: {  	[tilespmem:s28], [sflag:$0x2] =	stream.linear.gather [hbm4b:s23+s5], $0x80, $0x38;
	[tilespmem:$0x193F8] =	vst v63  }
0x60: {  	s24 =	simm.s32 $0x200;
	s25 =	simm.s32 $0x2080  }
0x61: {  	[tilespmem:s25], [sflag:$0x5] =	stream.indirect.gather [hbm4b:s21+s31], $0x80, s24, s31, $0xb8;
	[tilespmem:$0x193F8] =	vst v63  }
0x62: {  	_ =	swait.ge [sflag:s19], $0x80  }
0x63: {  	[sflag:s19] =	ssyncset.done $0x0  }
0x64: {  	[sflag:s19] =	ssyncadd.s32 $0xFFFFFF80  }
0x65: {  	v1 =	vld [tilespmem:$0x100];
	_ =	sdelay $0x1  }
0x66: {  	v2 =	vld [tilespmem:$0x110];
	_ =	sdelay $0x1  }
0x67: {  	v3 =	vld [tilespmem:$0x120]  }
0x68: {  	v62 =	vand.u32 $0xFFFF, v1  }
0x69: {  	v63 =	vld [tilespmem:$0x122];
	v1 =	vshrl.u32 v1, $0x10;
	[tilespmem:$0x280] =	vst v62  }
0x6a: {  	[tilespmem:$0x400] =	vst v1;
	v1 =	vand.u32 $0xFFFF, v2  }
0x6b: {  	[tilespmem:$0x290] =	vst v1;
	v1 =	vshrl.u32 v2, $0x10  }
0x6c: {  	[tilespmem:$0x410] =	vst v1;
	v1 =	vand.u32 $0xFFFF, v3  }
0x6d: {  	[tilespmem:$0x2A0] =	vst v1;
	v1 =	vshrl.u32 v3, $0x10  }
0x6e: {  	[tilespmem:$0x420] =	vst v1;
	v1 =	vand.u32 $0xFFFF, v63  }
0x6f: {  	[tilespmem:$0x2A2] =	vst v1;
	v1 =	vshrl.u32 v63, $0x10  }
0x70: {  	s29 =	rddreg [dreg:$0xe];
	[tilespmem:$0x422] =	vst v1  }
0x71: {  	[tilespmem:s22], [sflag:$0x3] =	stream.linear.gather [hbm4b:s29+s5], $0x80, $0x38;
	[tilespmem:$0x193F8] =	vst v63  }
0x72: {  	s22 =	simm.s32 @!p1 $0xD  }
0x73: {  	[tilespmem:s12], [sflag:$0x6] =	stream.indirect.gather [hbm4b:s21+s31], $0x80, s0, s31, $0xb8;
	[tilespmem:$0x193F8] =	vst v63  }
0x74: {  	_ =	swait.ge @!p1 [sflag:s22], $0x3E80  }
0x75: {  	[sflag:s22] =	ssyncset.done @!p1 $0x0  }
0x76: {  	[sflag:s22] =	ssyncadd.s32 @!p1 $0xFFFFC180;
	s22 =	simm.s32 @!p2 $0xD  }
0x77: {  	_ =	swait.ge @!p2 [sflag:s22], $0x4F0  }
0x78: {  	[sflag:s22] =	ssyncset.done @!p2 $0x0  }
0x79: {  	[sflag:s22] =	ssyncadd.s32 @!p2 $0xFFFFFB10  }
0x7a: {  	s23 =	simm.s32 $0x0;
	s22 =	simm.s32 $0x0;
	[bflag:$0x0] =	sbarrier.arrive $0xFFFF  }
.LBB2_2:
0x7b: {  	_ =	swait.ge [sflag:s9], $0x1900  }
0x7c: {  	[sflag:s9] =	ssyncset.done $0x0  }
0x7d: {  	s25 =	simm.s32 @p3 $0x5;
	[sflag:s9] =	ssyncadd.s32 $0xFFFFE700  }
0x7e: {  	[spmem:s2] =	stream.indirect.scatter.add.f32 [tilespmem:s3], [sflag:$0x7], $0x80, s8, s31, $0xb8;
	[tilespmem:$0x193F8] =	vst v63  }
0x7f: {  	_ =	swait.ge @p3 [sflag:s25], $0x1900  }
0x80: {  	s29 =	simm.s32 @p3 $0x380;
	[sflag:s25] =	ssyncset.done @p3 $0x0  }
0x81: {  	s24 =	simm.s32 @p3 $0x2080;
	[sflag:s25] =	ssyncadd.s32 @p3 $0xFFFFE700;
	s25 =	simm.s32 @p3 $0x32  }
0x82: {  	[spmem:s2] =	stream.indirect.scatter.add.f32 @p3 [tilespmem:s24], [sflag:$0x8], $0x80, s29, s25, $0xb8;
	[tilespmem:$0x193F8] =	vst v63  }
0x83: {  	s24 =	simm.s32 @!p3 $0x32;
	s25 =	simm.s32 @!p3 $0x300;
	s29 =	simm.s32 @!p3 $0x5880  }
0x84: {  	[spmem:s4] =	stream.indirect.scatter.add.f32 @!p3 [tilespmem:s29], [sflag:$0xA], $0x1, s25, s24, $0xb8;
	[tilespmem:$0x193F8] =	vst v63  }
0x85: {  	s25 =	simm.s32 @!p3 $0x5  }
0x86: {  	_ =	swait.ge @!p3 [sflag:s25], $0x1900  }
0x87: {  	[sflag:s25] =	ssyncset.done @!p3 $0x0  }
0x88: {  	s10 =	simm.s32 @!p3 $0x2080;
	[sflag:s25] =	ssyncadd.s32 @!p3 $0xFFFFE700;
	s25 =	simm.s32 @!p3 $0x380  }
0x89: {  	[spmem:s2] =	stream.indirect.scatter.add.f32 @!p3 [tilespmem:s10], [sflag:$0x8], $0x80, s25, s24, $0xb8;
	[tilespmem:$0x193F8] =	vst v63  }
0x8a: {  	_ = 	snop  }
0x8b: {  	[spmem:s4] =	stream.indirect.scatter.add.f32 @!p3 [tilespmem:s29], [sflag:$0xB], $0x1, s25, s24, $0xb8;
	[tilespmem:$0x193F8] =	vst v63  }
0x8c: {  	_ =	swait.ge [sflag:s11], $0x1900  }
0x8d: {  	[sflag:s11] =	ssyncset.done $0x0  }
0x8e: {  	s10 =	simm.s32 @p3 $0x7;
	[sflag:s11] =	ssyncadd.s32 $0xFFFFE700  }
0x8f: {  	[spmem:s2] =	stream.indirect.scatter.add.f32 [tilespmem:s12], [sflag:$0x9], $0x80, s14, s31, $0xb8;
	[tilespmem:$0x193F8] =	vst v63  }
0x90: {  	_ =	swait.ge @p3 [sflag:s10], $0x1900  }
0x91: {  	[sflag:s10] =	ssyncset.done @p3 $0x0  }
0x92: {  	[sflag:s10] =	ssyncadd.s32 @p3 $0xFFFFE700;
	s10 =	simm.s32 @!p3 $0x400  }
0x93: {  	[spmem:s4] =	stream.indirect.scatter.add.f32 @!p3 [tilespmem:s29], [sflag:$0xC], $0x1, s10, s24, $0xb8;
	[tilespmem:$0x193F8] =	vst v63  }
0x94: {  	s10 =	simm.s32 @!p3 $0x7  }
0x95: {  	_ =	swait.ge @!p3 [sflag:s10], $0x1900  }
0x96: {  	[sflag:s10] =	ssyncset.done @!p3 $0x0  }
0x97: {  	[sflag:s10] =	ssyncadd.s32 @!p3 $0xFFFFE700;
	s10 =	simm.s32 @!p3 $0xA  }
0x98: {  	_ =	swait.ge @!p3 [sflag:s10], $0x32  }
0x99: {  	[sflag:s10] =	ssyncset.done @!p3 $0x0  }
0x9a: {  	[sflag:s10] =	ssyncadd.s32 @!p3 $0xFFFFFFCE  }
0x9b: {  	_ =	swait.ge [sflag:s30], $0x80  }
0x9c: {  	[sflag:s30] =	ssyncset.done $0x0  }
0x9d: {  	[sflag:s30] =	ssyncadd.s32 $0xFFFFFF80  }
0x9e: {  	v1 =	vld [tilespmem:$0x0];
	_ =	sdelay $0x1  }
0x9f: {  	v2 =	vld [tilespmem:$0x10];
	_ =	sdelay $0x1  }
0xa0: {  	v3 =	vld [tilespmem:$0x20]  }
0xa1: {  	v4 =	vand.u32 $0xFFFF, v1  }
0xa2: {  	v61 =	vld [tilespmem:$0x22];
	v1 =	vshrl.u32 v1, $0x10;
	[tilespmem:$0x180] =	vst v4  }
0xa3: {  	[tilespmem:$0x300] =	vst v1;
	v1 =	vand.u32 $0xFFFF, v2  }
0xa4: {  	[tilespmem:$0x190] =	vst v1;
	v1 =	vshrl.u32 v2, $0x10  }
0xa5: {  	[tilespmem:$0x310] =	vst v1;
	v1 =	vand.u32 $0xFFFF, v3  }
0xa6: {  	[tilespmem:$0x1A0] =	vst v1;
	v1 =	vshrl.u32 v3, $0x10  }
0xa7: {  	p5 =	seq.s32 s22, $0xC30;
	[tilespmem:$0x320] =	vst v1;
	v1 =	vand.u32 $0xFFFF, v61  }
0xa8: {  	s10 =	sadd.s32 @!p5 s22, s13;
	[tilespmem:$0x1A2] =	vst v1;
	v1 =	vshrl.u32 v61, $0x10  }
0xa9: {  	s24 =	simm.s32 @!p5 $0x0;
	s10 =	sadd.s32 @!p5 $0x60, s10;
	[tilespmem:$0x322] =	vst v1  }
0xaa: {  	[tilespmem:s24], [sflag:$0x1] =	stream.linear.gather @!p5 [hbm4b:s10+s24], $0x80, $0x38;
	[tilespmem:$0x193F8] =	vst v63  }
0xab: {  	s29 =	simm.s32 @p0 $0x32;
	s10 =	simm.s32 @p0 $0x180;
	s24 =	simm.s32 @p0 $0x480  }
0xac: {  	[tilespmem:s24], [sflag:$0x4] =	stream.indirect.gather @p0 [hbm4b:s6+s29], $0x80, s10, s29, $0xb8;
	[tilespmem:$0x193F8] =	vst v63  }
0xad: {  	s10 =	simm.s32 @p0 $0x8  }
0xae: {  	_ =	swait.ge @p0 [sflag:s10], $0x1900  }
0xaf: {  	[sflag:s10] =	ssyncset.done @p0 $0x0  }
0xb0: {  	[sflag:s10] =	ssyncadd.s32 @p0 $0xFFFFE700;
	s10 =	simm.s32 @p0 $0xB  }
0xb1: {  	_ =	swait.ge @p0 [sflag:s10], $0x32  }
0xb2: {  	s25 =	simm.s32 @!p0 $0x32;
	[sflag:s10] =	ssyncset.done @p0 $0x0  }
0xb3: {  	s24 =	simm.s32 @!p0 $0x480;
	[sflag:s10] =	ssyncadd.s32 @p0 $0xFFFFFFCE;
	s10 =	simm.s32 @!p0 $0x180  }
0xb4: {  	[tilespmem:s24], [sflag:$0x4] =	stream.indirect.gather @!p0 [hbm4b:s7+s25], $0x80, s10, s25, $0xb8;
	[tilespmem:$0x193F8] =	vst v63  }
0xb5: {  	s10 =	simm.s32 @!p0 $0x8  }
0xb6: {  	_ =	swait.ge @!p0 [sflag:s10], $0x1900  }
0xb7: {  	[sflag:s10] =	ssyncset.done @!p0 $0x0  }
0xb8: {  	[sflag:s10] =	ssyncadd.s32 @!p0 $0xFFFFE700  }
0xb9: {  	_ =	swait.ge [sflag:s1], $0x80  }
0xba: {  	[sflag:s1] =	ssyncset.done $0x0  }
0xbb: {  	[sflag:s1] =	ssyncadd.s32 $0xFFFFFF80  }
0xbc: {  	v1 =	vld [tilespmem:$0x80];
	_ =	sdelay $0x1  }
0xbd: {  	v2 =	vld [tilespmem:$0x90];
	_ =	sdelay $0x1  }
0xbe: {  	v3 =	vld [tilespmem:$0xA0]  }
0xbf: {  	v62 =	vand.u32 $0xFFFF, v1  }
0xc0: {  	v63 =	vld [tilespmem:$0xA2];
	v1 =	vshrl.u32 v1, $0x10;
	[tilespmem:$0x200] =	vst v62  }
0xc1: {  	[tilespmem:$0x380] =	vst v1;
	v1 =	vand.u32 $0xFFFF, v2  }
0xc2: {  	p5 =	sne.s32 s22, $0xC30;
	[tilespmem:$0x210] =	vst v1;
	v1 =	vshrl.u32 v2, $0x10  }
.Ltmp2:
0xc3: {  	[tilespmem:$0x390] =	vst v1;
	v1 =	vand.u32 $0xFFFF, v3;
	(pc) =	sbr.rel @!p5 .LBB2_3-.Ltmp2, $4  }
0xc4: {  	[tilespmem:$0x220] =	vst v1;
	v1 =	vshrl.u32 v3, $0x10  }
0xc5: {  	[tilespmem:$0x3A0] =	vst v1;
	v1 =	vand.u32 $0xFFFF, v63  }
0xc6: {  	[tilespmem:$0x222] =	vst v1;
	v1 =	vshrl.u32 v63, $0x10  }
0xc7: {  	[tilespmem:$0x3A2] =	vst v1  }
0xc8: {  	s10 =	sadd.s32 s22, s13  }
0xc9: {  	s10 =	sadd.s32 $0x70, s10  }
0xca: {  	[tilespmem:s28], [sflag:$0x2] =	stream.linear.gather [hbm4b:s10+s5], $0x80, $0x38;
	[tilespmem:$0x193F8] =	vst v63  }
0xcb: {  	s24 =	simm.s32 @p0 $0x2080;
	s10 =	simm.s32 @p0 $0x200  }
0xcc: {  	[tilespmem:s24], [sflag:$0x5] =	stream.indirect.gather @p0 [hbm4b:s6+s29], $0x80, s10, s29, $0xb8;
	[tilespmem:$0x193F8] =	vst v63  }
0xcd: {  	s10 =	simm.s32 @p0 $0x9  }
0xce: {  	_ =	swait.ge @p0 [sflag:s10], $0x1900  }
0xcf: {  	[sflag:s10] =	ssyncset.done @p0 $0x0  }
0xd0: {  	[sflag:s10] =	ssyncadd.s32 @p0 $0xFFFFE700;
	s10 =	simm.s32 @p0 $0xC  }
0xd1: {  	_ =	swait.ge @p0 [sflag:s10], $0x32  }
0xd2: {  	[sflag:s10] =	ssyncset.done @p0 $0x0  }
0xd3: {  	s24 =	simm.s32 @!p0 $0x2080;
	[sflag:s10] =	ssyncadd.s32 @p0 $0xFFFFFFCE;
	s10 =	simm.s32 @!p0 $0x200  }
0xd4: {  	[tilespmem:s24], [sflag:$0x5] =	stream.indirect.gather @!p0 [hbm4b:s7+s25], $0x80, s10, s25, $0xb8;
	[tilespmem:$0x193F8] =	vst v63  }
0xd5: {  	s10 =	simm.s32 @!p0 $0x9  }
0xd6: {  	_ =	swait.ge @!p0 [sflag:s10], $0x1900  }
0xd7: {  	[sflag:s10] =	ssyncset.done @!p0 $0x0  }
0xd8: {  	[sflag:s10] =	ssyncadd.s32 @!p0 $0xFFFFE700  }
0xd9: {  	_ =	swait.ge [sflag:s19], $0x80  }
0xda: {  	[sflag:s19] =	ssyncset.done $0x0  }
0xdb: {  	[sflag:s19] =	ssyncadd.s32 $0xFFFFFF80  }
0xdc: {  	v1 =	vld [tilespmem:$0x100];
	_ =	sdelay $0x1  }
0xdd: {  	v2 =	vld [tilespmem:$0x110];
	_ =	sdelay $0x1  }
0xde: {  	v3 =	vld [tilespmem:$0x120]  }
0xdf: {  	v4 =	vand.u32 $0xFFFF, v1  }
0xe0: {  	v63 =	vld [tilespmem:$0x122];
	v1 =	vshrl.u32 v1, $0x10;
	[tilespmem:$0x280] =	vst v4  }
0xe1: {  	[tilespmem:$0x400] =	vst v1;
	v1 =	vand.u32 $0xFFFF, v2  }
0xe2: {  	[tilespmem:$0x290] =	vst v1;
	v1 =	vshrl.u32 v2, $0x10  }
0xe3: {  	[tilespmem:$0x410] =	vst v1;
	v1 =	vand.u32 $0xFFFF, v3  }
0xe4: {  	[tilespmem:$0x2A0] =	vst v1;
	v1 =	vshrl.u32 v3, $0x10  }
0xe5: {  	p5 =	sgt.u32 s23, $0x3F;
	[tilespmem:$0x420] =	vst v1;
	v1 =	vand.u32 $0xFFFF, v63  }
0xe6: {  	s24 =	simm.s32 @!p5 $0x0;
	s10 =	sadd.s32 @!p5 s22, s13;
	[tilespmem:$0x2A2] =	vst v1;
	v1 =	vshrl.u32 v63, $0x10  }
0xe7: {  	s25 =	simm.s32 @!p5 $0x100;
	s22 =	sadd.s32 $0x30, s22;
	s10 =	sadd.s32 @!p5 $0x80, s10;
	[tilespmem:$0x422] =	vst v1  }
0xe8: {  	[tilespmem:s25], [sflag:$0x3] =	stream.linear.gather @!p5 [hbm4b:s10+s24], $0x80, $0x38;
	[tilespmem:$0x193F8] =	vst v63  }
0xe9: {  	p5 =	sne.s32 s22, $0xC60  }
.Ltmp3:
0xea: {  	_ = 	snop;
	(pc) =	sbr.rel @p5 .LBB2_2-.Ltmp3, $4  }
.Ltmp4:
0xeb: {  	_ = 	snop;
	(pc) =	sbr.rel @!p5 .LBB2_5-.Ltmp4, $4  }
0xec: {  	_ = 	snop  }
0xed: {  	s23 =	sadd.s32 $0x1, s23  }
0xee: {  	[tilespmem:s12], [sflag:$0x6] =	stream.indirect.gather [hbm4b:s21+s31], $0x80, s0, s31, $0xb8;
	[tilespmem:$0x193F8] =	vst v63  }
0xef: {  	_ = 	snop  }
.LBB2_3:
0xf0: {  	s10 =	simm.s32 $0x200;
	s22 =	simm.s32 $0x2080  }
0xf1: {  	[tilespmem:s22], [sflag:$0x5] =	stream.indirect.gather [hbm4b:s21+s31], $0x80, s10, s31, $0xb8;
	[tilespmem:$0x193F8] =	vst v63  }
.LBB2_5:
.Ltmp5:
0xf2: {  	(pc) =	sbr.rel @p3 .LBB2_7-.Ltmp5, $4  }
0xf3: {  	_ =	swait.ge [sflag:s9], $0x1900  }
0xf4: {  	[sflag:s9] =	ssyncset.done $0x0  }
0xf5: {  	[sflag:s9] =	ssyncadd.s32 $0xFFFFE700  }
0xf6: {  	[spmem:s2] =	stream.indirect.scatter.add.f32 [tilespmem:s3], [sflag:$0x7], $0x80, s8, s31, $0xb8;
	[tilespmem:$0x193F8] =	vst v63  }
0xf7: {  	s22 =	simm.s32 $0x5880  }
0xf8: {  	[spmem:s4] =	stream.indirect.scatter.add.f32 [tilespmem:s22], [sflag:$0xA], $0x1, s8, s31, $0xb8;
	[tilespmem:$0x193F8] =	vst v63  }
0xf9: {  	_ =	swait.ge [sflag:s15], $0x1900  }
0xfa: {  	[sflag:s15] =	ssyncset.done $0x0  }
0xfb: {  	s10 =	simm.s32 $0x2080;
	s23 =	simm.s32 $0x380;
	[sflag:s15] =	ssyncadd.s32 $0xFFFFE700  }
0xfc: {  	[spmem:s2] =	stream.indirect.scatter.add.f32 [tilespmem:s10], [sflag:$0x8], $0x80, s23, s31, $0xb8;
	[tilespmem:$0x193F8] =	vst v63  }
0xfd: {  	_ = 	snop  }
0xfe: {  	[spmem:s4] =	stream.indirect.scatter.add.f32 [tilespmem:s22], [sflag:$0xB], $0x1, s23, s31, $0xb8;
	[tilespmem:$0x193F8] =	vst v63  }
0xff: {  	_ =	swait.ge [sflag:s16], $0x1900  }
0x100: {  	[sflag:s16] =	ssyncset.done $0x0  }
0x101: {  	s24 =	simm.s32 $0xC;
	[sflag:s16] =	ssyncadd.s32 $0xFFFFE700  }
0x102: {  	_ =	swait.ge [sflag:s24], $0x32  }
0x103: {  	[sflag:s24] =	ssyncset.done $0x0  }
0x104: {  	[sflag:s24] =	ssyncadd.s32 $0xFFFFFFCE  }
0x105: {  	_ =	swait.ge [sflag:s17], $0x1900  }
0x106: {  	[sflag:s17] =	ssyncset.done $0x0  }
0x107: {  	s25 =	simm.s32 $0xA;
	[sflag:s17] =	ssyncadd.s32 $0xFFFFE700  }
0x108: {  	_ =	swait.ge [sflag:s25], $0x32  }
0x109: {  	[sflag:s25] =	ssyncset.done $0x0  }
0x10a: {  	[sflag:s25] =	ssyncadd.s32 $0xFFFFFFCE  }
0x10b: {  	_ =	swait.ge [sflag:s18], $0x1900  }
0x10c: {  	[sflag:s18] =	ssyncset.done $0x0  }
0x10d: {  	s29 =	simm.s32 $0xB;
	[sflag:s18] =	ssyncadd.s32 $0xFFFFE700  }
.Ltmp6:
0x10e: {  	_ =	swait.ge [sflag:s29], $0x32;
	(pc) =	sbr.rel @p4 .LBB2_8-.Ltmp6, $4  }
.Ltmp7:
0x10f: {  	[sflag:s29] =	ssyncset.done $0x0;
	(pc) =	sbr.rel @!p4 .LBB2_9-.Ltmp7, $4  }
0x110: {  	[sflag:s29] =	ssyncadd.s32 $0xFFFFFFCE  }
0x111: {  	[bflag:$0x0] =	sbarrier.arrive $0xFFFF  }
0x112: {  	s22 =	rddreg [dreg:$0x6]  }
0x113: {  	_ = 	snop  }
.LBB2_7:
0x114: {  	_ =	swait.ge [sflag:s15], $0x1900  }
0x115: {  	[sflag:s15] =	ssyncset.done $0x0  }
0x116: {  	s10 =	simm.s32 $0x2080;
	s22 =	simm.s32 $0x380;
	[sflag:s15] =	ssyncadd.s32 $0xFFFFE700  }
0x117: {  	[spmem:s2] =	stream.indirect.scatter.add.f32 [tilespmem:s10], [sflag:$0x8], $0x80, s22, s31, $0xb8;
	[tilespmem:$0x193F8] =	vst v63  }
0x118: {  	_ =	swait.ge [sflag:s16], $0x1900  }
0x119: {  	[sflag:s16] =	ssyncset.done $0x0  }
0x11a: {  	[sflag:s16] =	ssyncadd.s32 $0xFFFFE700  }
0x11b: {  	_ =	swait.ge [sflag:s17], $0x1900  }
0x11c: {  	[sflag:s17] =	ssyncset.done $0x0  }
0x11d: {  	[sflag:s17] =	ssyncadd.s32 $0xFFFFE700  }
.Ltmp8:
0x11e: {  	_ =	swait.ge [sflag:s18], $0x1900;
	(pc) =	sbr.rel @p1 .LBB2_9-.Ltmp8, $4  }
.Ltmp9:
0x11f: {  	[sflag:s18] =	ssyncset.done $0x0;
	(pc) =	sbr.rel @!p1 .LBB2_8-.Ltmp9, $4  }
0x120: {  	[sflag:s18] =	ssyncadd.s32 $0xFFFFE700  }
0x121: {  	[bflag:$0x0] =	sbarrier.arrive $0xFFFF  }
0x122: {  	s22 =	rddreg [dreg:$0x7]  }
0x123: {  	_ = 	snop  }
.LBB2_10:
0x124: {  	_ =	sfence.sel $0x180000  }
0x125: {  	[bflag:$0x0] =	sbarrier.arrive $0xFFFF  }
0x126: {  	_ =	strace $0x90000047  }
0x127: {  	s0 =	stileid.u32;
	[bflag:$0x2] =	sbarrier.arrive $0xFFFF  }
0x128: {  	p0 =	sne.s32 s0, $0x0;
	s0 =	rddreg [dreg:$0x4]  }
0x129: {  	s0 =	sadd.s32 @!p0 $0x100000, s0  }
0x12a: {  	[sflag:s0] =	ssyncadd.tile.s32 @!p0 $0x1;
	_ =	shalt  }
.Lfunc_end2:
_tile_overlayer_lowered:
.L_overlay_start_2:
0x12b: {  	(tag) =	ssettag $0x2  }
0x12c: {  	s0 =	rddreg [dreg:$0x0];
	s2 =	stileid.u32  }
0x12d: {  	s1 =	rddreg [dreg:$0x1];
	p0 =	sne.s32 s2, $0x0  }
0x12e: {  	s3 =	rddreg [dreg:$0x2];
	[bflag:$0x3] =	sbarrier.arrive $0xFFFF;
	s2 =	simm.s32 @!p0 $0x1C0E  }
0x12f: {  	[timem:s3], [sflag:s2] =	dma.local @!p0 [hbm:s0], s1  }
0x130: {  	s0 =	simm.s32 @!p0 $0xE  }
0x131: {  	_ =	swait.ge @!p0 [sflag:s0], s1  }
0x132: {  	s1 =	ssub.s32 @!p0 $0x0, s1;
	[sflag:s0] =	ssyncset.done @!p0 $0x0  }
0x133: {  	[sflag:s0] =	ssyncadd.s32 @!p0 s1  }
0x134: {  	[bflag:$0x3] =	sbarrier.arrive $0xFFFF  }
0x135: {  	_ =	shalt  }

// kernel: kernel.13.cloned.1.call-start
scs
__scs_entry_jumppad:
0x0: {  	(pc) =	sbr.rel $0x88, $3  }
0x1: {  	(tag) =	ssettag $0x0;
	lr =	simm.s32 $0x1  }
0x2: {  	[smem:$0x3F91] =	sst lr;
	_ =	strace $0xD0000000  }
0x3: {  	_ = 	snop  }
0x4: {  	_ = 	snop  }
0x5: {  	_ = 	snop  }
0x6: {  	_ = 	snop  }
0x7: {  	_ = 	snop  }
__scs_overlays_trampoline_lowered:
0x8: {  	[smem:$0x3FA0] =	sst s0  }
0x9: {  	[smem:$0x3FA1] =	sst s1  }
0xa: {  	[smem:$0x3FA2] =	sst s2  }
0xb: {  	[smem:$0x3FA3] =	sst s3  }
0xc: {  	[smem:$0x3FA4] =	sst s4  }
0xd: {  	[smem:$0x3FA5] =	sst s5  }
0xe: {  	[smem:$0x3FA6] =	sst s6  }
0xf: {  	[smem:$0x3FA7] =	sst s7  }
0x10: {  	[smem:$0x3FA8] =	sst s8  }
0x11: {  	[smem:$0x3FA9] =	sst s9;
	s0 =	simm.s32 @!p0 $0x0  }
0x12: {  	s1 =	sld [smem:$0x3F8F];
	s0 =	simm.s32 @p0 $0x1  }
0x13: {  	[smem:$0x3FAA] =	sst s0;
	s0 =	simm.s32 @!p1 $0x0  }
0x14: {  	s2 =	sld [smem:$0x3F8E];
	s0 =	simm.s32 @p1 $0x1  }
0x15: {  	[smem:$0x3FAB] =	sst s0;
	s0 =	simm.s32 @!p2 $0x0  }
0x16: {  	s3 =	sld [smem:$0x3FDB];
	s0 =	simm.s32 @p2 $0x1  }
0x17: {  	s4 =	simm.s32 $0x1BF5;
	[smem:$0x3FAD] =	sst s0  }
0x18: {  	s0 =	sld [smem:$0x3F90];
	_ =	swait.ge [sflag:s4], $0x0  }
0x19: {  	s7 =	sld [smem:$0x3F91]  }
0x1a: {  	s8 =	sadd.s32 $0xFFFFE003, lr  }
0x1b: {  	s9 =	sadd.s32 $0xFFFFFEF7, lr;
	s5 =	simm.s32 $0xFFFFFFFF;
	p2 =	slt.u32 s8, $0xFFFFF086  }
0x1c: {  	p1 =	slt.u32 s9, $0xF7A;
	s5 =	simm.s32 @!p2 $0x0  }
0x1d: {  	s5 =	simm.s32 @p1 $0x1;
	p0 =	seq.s32 s7, s2  }
0x1e: {  	s7 =	smul.u32 @!p0 $0xF7A, s2;
	p2 =	seq.s32 @!p0 s5, $0x0  }
0x1f: {  	s9 =	smul.u32 $0xF7A, s1;
	s8 =	simm.s32 @!p0 $0x1BF5;
	p2 =	por !p2, p0  }
0x20: {  	[sflag:s8] =	ssyncset.s32 @!p0 $0xFFFFF086;
	s6 =	sadd.s32 @!p0 s3, s7;
	s7 =	simm.s32 @!p0 $0x108  }
0x21: {  	s3 =	sadd.s32 s3, s9;
	s6 =	sadd.s32 @!p0 $0x88, s6;
	s7 =	simm.s32 @p2 $0x1082  }
0x22: {  	[simem:s7], [sflag:s8] =	dma.local @!p0 [hbm:s6], $0xF7A  }
0x23: {  	s9 =	sor.u32 $0xD0000000, s2;
	s6 =	simm.s32 $0x108;
	_ =	swait.ge @!p0 [sflag:s8], $0x0  }
0x24: {  	s3 =	sadd.s32 $0x88, s3;
	s6 =	simm.s32 @!p1 $0x1082;
	[sflag:s4] =	ssyncset.s32 $0xFFFFF086  }
0x25: {  	[simem:s6], [sflag:s4] =	dma.local [hbm:s3], $0xF7A  }
0x26: {  	[smem:$0x3F91] =	sst s1;
	(tag) =	ssettag s2;
	_ =	strace s9  }
0x27: {  	s1 =	sld [smem:$0x3FA1]  }
0x28: {  	s2 =	sld [smem:$0x3FA2]  }
0x29: {  	s4 =	sld [smem:$0x3FA4]  }
0x2a: {  	p0 =	seq.s32 s5, $0x0;
	s5 =	sld [smem:$0x3FA5]  }
0x2b: {  	s6 =	sld [smem:$0x3FA6]  }
0x2c: {  	s7 =	sld [smem:$0x3FA7]  }
0x2d: {  	s3 =	simm.s32 $0x108;
	s8 =	sld [smem:$0x3FA8]  }
0x2e: {  	s3 =	simm.s32 @!p0 $0x1082;
	s9 =	sld [smem:$0x3FA9]  }
0x2f: {  	lr =	sadd.s32 s0, s3;
	s0 =	sld [smem:$0x3FA0]  }
0x30: {  	s3 =	sld [smem:$0x3FA3]  }
0x31: {  	[smem:$0x3FAC] =	sst s10  }
0x32: {  	s10 =	sld [smem:$0x3FAA];
	_ =	sdelay $0x3  }
0x33: {  	p0 =	seq.s32 s10, $0x1;
	s10 =	sld [smem:$0x3FAC];
	_ =	sdelay $0x3  }
0x34: {  	[smem:$0x3FAC] =	sst s10  }
0x35: {  	s10 =	sld [smem:$0x3FAB];
	_ =	sdelay $0x3  }
0x36: {  	p1 =	seq.s32 s10, $0x1;
	s10 =	sld [smem:$0x3FAC];
	_ =	sdelay $0x3  }
0x37: {  	[smem:$0x3FAC] =	sst s10  }
0x38: {  	s10 =	sld [smem:$0x3FAD]  }
0x39: {  	_ = 	snop;
	(pc) =	sbr.ind lr, $3  }
0x3a: {  	_ = 	snop  }
0x3b: {  	_ = 	snop  }
0x3c: {  	p2 =	seq.s32 s10, $0x1;
	s10 =	sld [smem:$0x3FAC]  }
0x3d: {  	_ =	shalt  }
0x3e: {  	_ =	shalt  }
0x3f: {  	_ =	shalt  }
0x40: {  	_ =	shalt  }
0x41: {  	_ =	shalt  }
0x42: {  	_ =	shalt  }
0x43: {  	_ =	shalt  }
0x44: {  	_ =	shalt  }
0x45: {  	_ =	shalt  }
0x46: {  	_ =	shalt  }
0x47: {  	_ =	shalt  }
0x48: {  	_ =	shalt  }
0x49: {  	_ =	shalt  }
0x4a: {  	_ =	shalt  }
0x4b: {  	_ =	shalt  }
0x4c: {  	_ =	shalt  }
0x4d: {  	_ =	shalt  }
0x4e: {  	_ =	shalt  }
0x4f: {  	_ =	shalt  }
0x50: {  	_ =	shalt  }
0x51: {  	_ =	shalt  }
0x52: {  	_ =	shalt  }
0x53: {  	_ =	shalt  }
0x54: {  	_ =	shalt  }
0x55: {  	_ =	shalt  }
0x56: {  	_ =	shalt  }
0x57: {  	_ =	shalt  }
0x58: {  	_ =	shalt  }
0x59: {  	_ =	shalt  }
0x5a: {  	_ =	shalt  }
0x5b: {  	_ =	shalt  }
0x5c: {  	_ =	shalt  }
0x5d: {  	_ =	shalt  }
0x5e: {  	_ =	shalt  }
0x5f: {  	_ =	shalt  }
0x60: {  	_ =	shalt  }
0x61: {  	_ =	shalt  }
0x62: {  	_ =	shalt  }
0x63: {  	_ =	shalt  }
0x64: {  	_ =	shalt  }
0x65: {  	_ =	shalt  }
0x66: {  	_ =	shalt  }
0x67: {  	_ =	shalt  }
0x68: {  	_ =	shalt  }
0x69: {  	_ =	shalt  }
0x6a: {  	_ =	shalt  }
0x6b: {  	_ =	shalt  }
0x6c: {  	_ =	shalt  }
0x6d: {  	_ =	shalt  }
0x6e: {  	_ =	shalt  }
0x6f: {  	_ =	shalt  }
0x70: {  	_ =	shalt  }
0x71: {  	_ =	shalt  }
0x72: {  	_ =	shalt  }
0x73: {  	_ =	shalt  }
0x74: {  	_ =	shalt  }
0x75: {  	_ =	shalt  }
0x76: {  	_ =	shalt  }
0x77: {  	_ =	shalt  }
0x78: {  	_ =	shalt  }
0x79: {  	_ =	shalt  }
0x7a: {  	_ =	shalt  }
0x7b: {  	_ =	shalt  }
0x7c: {  	_ =	shalt  }
0x7d: {  	_ =	shalt  }
0x7e: {  	_ =	shalt  }
0x7f: {  	_ =	shalt  }
0x80: {  	_ =	shalt  }
0x81: {  	_ =	shalt  }
0x82: {  	_ =	shalt  }
0x83: {  	_ =	shalt  }
0x84: {  	_ =	shalt  }
0x85: {  	_ =	shalt  }
0x86: {  	_ =	shalt  }
0x87: {  	_ =	shalt  }
.Lfunc_end0:
.L_simem_size_0:
called_computation.1_lowered:
.L_overlay_start_0:
0x88: {  	s2 =	sld [smem:$0x3FD9]  }
0x89: {  	s3 =	sld [smem:$0x3FFE];
	_ =	sdelay $0x1  }
0x8a: {  	s1 =	srdreg.scid  }
0x8b: {  	s0 =	sand.u32 $0x1, s1  }
0x8c: {  	s16 =	sshll.u32 s0, $0xA;
	s2 =	sadd.s32 s3, s2  }
0x8d: {  	s2 =	sadd.s32 s2, s16  }
0x8e: {  	[smem:$0x3FB8] =	sst s2  }
0x8f: {  	_ = 	snop  }
0x90: {  	(tm) =	ssettm $0x1  }
0x91: {  	s17 =	sld [smem:$0x3FFB];
	_ =	sdelay $0x3  }
0x92: {  	_ =	strace s17  }
0x93: {  	s2 =	sld [smem:$0x3FFC];
	_ =	sdelay $0x3  }
0x94: {  	_ =	strace s2  }
0x95: {  	s2 =	sld [smem:$0x3FFD];
	_ =	sdelay $0x3  }
0x96: {  	_ =	strace s2  }
0x97: {  	_ =	strace $0x8FFFFFFF  }
0x98: {  	s18 =	sld [smem:$0x3FDB];
	_ =	sdelay $0x1  }
0x99: {  	s19 =	simm.s32 $_scs_section_size  }
0x9a: {  	s4 =	simm.s32 $_size__tile_overlayer_lowered;
	s5 =	simm.s32 $_tile_overlayer_lowered  }
0x9b: {  	s22 =	simm.s32 $0x1BFF;
	s21 =	sshll.u32 s5, $0x1;
	s2 =	sadd.s32 s19, s18  }
0x9c: {  	s6 =	simm.s32 $0x0;
	s20 =	sshll.u32 s4, $0x1;
	s4 =	sadd.s32 s21, s2  }
0x9d: {  	[timem:s6], [sflag:s22] =	dma.local [hbm:s4], s20  }
0x9e: {  	_ =	swait.ge [sflag:s22], s20  }
0x9f: {  	s3 =	ssub.s32 $0x0, s20;
	[sflag:s22] =	ssyncset.done $0x0  }
0xa0: {  	[sflag:s22] =	ssyncadd.s32 s3;
	_ =	sdelay $0x1  }
0xa1: {  	s23 =	simm.s32 $0x1B8B  }
0xa2: {  	_ =	swait.ge [sflag:s23], $0x1  }
0xa3: {  	[sflag:s23] =	ssyncset.done $0x0  }
0xa4: {  	s25 =	simm.s32 $0x1B8E;
	s24 =	sld [smem:$0x3FFE];
	[sflag:s23] =	ssyncadd.s32 $0xFFFFFFFF  }
0xa5: {  	s26 =	simm.s32 $execute0_lowered;
	[smem:$0x3FD2] =	sst s25  }
0xa6: {  	s4 =	sshll.u32 s26, $0x1;
	_ =	strace $0x80000049;
	[dreg:$0x1] =	wrdreg $0xFFFFFFFF  }
0xa7: {  	s28 =	simm.s32 $_size_execute0_lowered;
	s2 =	sadd.s32 s2, s4;
	[dreg:$0x0] =	wrdreg $0x0  }
0xa8: {  	s4 =	sshll.u32 s28, $0x1;
	[dreg:$0x2] =	wrdreg s2  }
0xa9: {  	[dreg:$0x3] =	wrdreg s4  }
0xaa: {  	[dreg:$0x4] =	wrdreg $0xC0  }
0xab: {  	_ =	task [dreg:s6], $0x5FFFF  }
0xac: {  	[dreg:$0x1] =	wrdreg $0xFFFFFFFF  }
0xad: {  	[dreg:$0x0] =	wrdreg $0x60  }
0xae: {  	[dreg:$0x2] =	wrdreg s24  }
0xaf: {  	[dreg:$0x3] =	wrdreg $0x58800  }
0xb0: {  	[dreg:$0x4] =	wrdreg $0x9  }
0xb1: {  	_ =	task.clear_ibuf [dreg:s6], $0x5FFFF;
	_ =	strace $0x90000049  }
0xb2: {  	s29 =	simm.s32 $0x9;
	_ =	strace $0x8000004B  }
0xb3: {  	_ =	swait.ge [sflag:s29], $0x1  }
0xb4: {  	[sflag:s29] =	ssyncadd.s32 $0xFFFFFFFF  }
0xb5: {  	_ =	strace $0x9000004B  }
0xb6: {  	_ =	sfence  }
0xb7: {  	s30 =	sld [smem:$0x0];
	_ =	sdelay $0x2  }
0xb8: {  	s31 =	sshll.u32 s1, $0xD;
	s1 =	sshrl.u32 s1, $0x2  }
0xb9: {  	s3 =	sand.u32 $0x4000, s31;
	s1 =	sadd.s32 s1, s30  }
0xba: {  	s0 =	sor.u32 s3, s0;
	s1 =	sshll.u32 s1, $0x11  }
0xbb: {  	s0 =	sor.u32 s1, s0  }
0xbc: {  	s0 =	sadd.s32 $0x8F2B, s0  }
0xbd: {  	[sflag:s0] =	ssyncadd.remote.s32 $0x1  }
0xbe: {  	_ =	sfence.sel $0xFFFF  }
0xbf: {  	[dreg:$0x0] =	wrdreg $0xFFFFFFFF;
	(pc) =	sbr.abs _section_cstart, $3  }
0xc0: {  	[dreg:$0x1] =	wrdreg $0xFFFFFFFF  }
0xc1: {  	_ =	task.clear_ibuf [dreg:s6], $0x2FFFF;
	_ =	strace $0x9FFFFFFF  }
0xc2: {  	(tm) =	ssettm $0x7FFFFFFF  }
0xc3: {  	_ =	shalt  }
tec
execute0_lowered:
.L_overlay_start_1:
0x0: {  	(tag) =	ssettag $0x1  }
0x1: {  	s0 =	rddreg [dreg:$0x0]  }
0x2: {  	s2 =	rddreg [dreg:$0x1];
	s3 =	simm.s32 $0x0  }
0x3: {  	s11 =	stileid.u32;
	s5 =	srdreg.scid;
	s17 =	simm.s32 $0x80  }
0x4: {  	s19 =	simm.s32 $0x1;
	s20 =	simm.s32 $0x32;
	s28 =	simm.s32 $0x280  }
0x5: {  	s29 =	simm.s32 $0x3C80;
	s30 =	simm.s32 $0x4;
	s31 =	simm.s32 $0x300  }
0x6: {  	[smem:$0x7FF] =	sst s3;
	s1 =	smul.u32 $0xC80, s11;
	s7 =	sadd.s32 $0x12600, s0  }
0x7: {  	s4 =	sadd.s32 $0x39800, s0;
	s5 =	sand.u32 $0x1, s5;
	s8 =	smul.u32 $0x7D000, s11  }
0x8: {  	s9 =	sadd.s32 $0x60A00, s0;
	s25 =	smul.u32 $0x3E80, s11;
	_ =	strace $0x8000004A  }
0x9: {  	s6 =	ssub.s32 $0x2, s5;
	[dreg:$0x3] =	wrdreg s9;
	s9 =	sadd.s32 $0x64A00, s0  }
0xa: {  	p0 =	seq.s32 s5, $0x0;
	s5 =	simm.s32 $0x6;
	s1 =	sadd.s32 s1, s0  }
0xb: {  	s10 =	sshrl.u32 s6, $0x1;
	s0 =	sadd.s32 $0x8BC00, s0;
	s21 =	sshrl.u32 s8, $0x2  }
0xc: {  	s4 =	smov.u32 @p0 s7;
	s7 =	simm.s32 $0x400;
	s10 =	ssub.s32 s6, s10  }
0xd: {  	s8 =	sadd.s32 s21, s2;
	s6 =	sadd.s32 $0x5E00, s1;
	s12 =	sadd.s32 $0x5E10, s1  }
0xe: {  	s22 =	sadd.s32 $0x5E20, s1;
	s23 =	sadd.s32 $0x5E30, s1;
	[dreg:$0x4] =	wrdreg s12  }
0xf: {  	s24 =	sadd.s32 $0x5E40, s1;
	s1 =	sadd.s32 $0x5E50, s1;
	[dreg:$0x5] =	wrdreg s22  }
0x10: {  	s0 =	smov.u32 @p0 s9;
	p0 =	sgt.u32 s11, $0x9;
	[dreg:$0x6] =	wrdreg s23  }
0x11: {  	s21 =	simm.s32 $0x180;
	s9 =	simm.s32 $0x8;
	[dreg:$0x7] =	wrdreg s24  }
0x12: {  	[dreg:$0x8] =	wrdreg s1;
	s26 =	smax.u32 s10, $0x1;
	s0 =	sadd.s32 s0, s25  }
0x13: {  	s16 =	sshrl.u32 @!p0 s8, $0x3;
	s22 =	simm.s32 $0x480;
	s23 =	simm.s32 $0x2  }
.Ltmp0:
0x14: {  	s24 =	simm.s32 $0x200;
	s25 =	simm.s32 $0x2080;
	(pc) =	sbr.rel .LBB2_1-.Ltmp0, $4  }
0x15: {  	s1 =	simm.s32 $0x380;
	s8 =	simm.s32 $0x7;
	[dreg:$0x9] =	wrdreg s26  }
0x16: {  	s10 =	simm.s32 $0x9;
	[dreg:$0xa] =	wrdreg s0;
	s0 =	sshll.u32 @!p0 s11, $0x6  }
0x17: {  	s26 =	simm.s32 $0x3;
	[dreg:$0xb] =	wrdreg s0;
	s0 =	sor.u32 @!p0 $0x1C0A, s0  }
0x18: {  	s11 =	simm.s32 $0x0;
	[dreg:$0xc] =	wrdreg s0;
	s0 =	simm.s32 $0x5  }
.LBB2_4:
0x19: {  	[tilespmem:s25], [sflag:$0x5] =	stream.indirect.gather [hbm4b:s4+s20], $0x80, s24, s20, $0xb8;
	[tilespmem:$0x19100] =	vst v63  }
.LBB2_5:
0x1a: {  	_ =	swait.ge [sflag:s30], $0x1900  }
0x1b: {  	[sflag:s30] =	ssyncset.done $0x0  }
0x1c: {  	[sflag:s30] =	ssyncadd.s32 $0xFFFFE700  }
0x1d: {  	[spmem:s2] =	stream.indirect.scatter.add.f32 [tilespmem:s22], [sflag:$0x7], $0x80, s31, s20, $0xb8;
	[tilespmem:$0x19100] =	vst v63  }
0x1e: {  	_ =	swait.ge [sflag:s0], $0x1900  }
0x1f: {  	[sflag:s0] =	ssyncset.done $0x0  }
0x20: {  	[sflag:s0] =	ssyncadd.s32 $0xFFFFE700  }
0x21: {  	[spmem:s2] =	stream.indirect.scatter.add.f32 [tilespmem:s25], [sflag:$0x8], $0x80, s1, s20, $0xb8;
	[tilespmem:$0x19100] =	vst v63  }
0x22: {  	_ =	swait.ge [sflag:s10], $0x1900  }
0x23: {  	[sflag:s10] =	ssyncset.done $0x0  }
0x24: {  	[sflag:s10] =	ssyncadd.s32 $0xFFFFE700  }
0x25: {  	_ =	swait.ge [sflag:s8], $0x1900  }
0x26: {  	[sflag:s8] =	ssyncset.done $0x0  }
0x27: {  	[sflag:s8] =	ssyncadd.s32 $0xFFFFE700  }
0x28: {  	_ =	swait.ge [sflag:s9], $0x1900  }
0x29: {  	[sflag:s9] =	ssyncset.done $0x0  }
0x2a: {  	[sflag:s9] =	ssyncadd.s32 $0xFFFFE700  }
0x2b: {  	[bflag:$0x0] =	sbarrier.arrive $0xFFFF  }
0x2c: {  	s12 =	rddreg [dreg:$0xb]  }
0x2d: {  	s13 =	rddreg [dreg:$0xa];
	s12 =	sor.u32 @!p0 $0x1C0B, s12  }
0x2e: {  	[hbm:s13], [sflag:s12] =	dma.local @!p0 [spmem:s16], $0x3E80  }
0x2f: {  	s12 =	simm.s32 @!p0 $0xB  }
0x30: {  	_ =	swait.ge @!p0 [sflag:s12], $0x3E80  }
0x31: {  	s11 =	sadd.s32 $0x1, s11;
	s18 =	rddreg [dreg:$0x9]  }
0x32: {  	p1 =	sne.s32 s11, s18  }
.Ltmp1:
0x33: {  	_ = 	snop;
	(pc) =	sbr.rel @!p1 .LBB2_6-.Ltmp1, $3  }
0x34: {  	_ =	sdelay $0x1  }
0x35: {  	[sflag:s12] =	ssyncset.done @!p0 $0x0  }
0x36: {  	[sflag:s12] =	ssyncadd.s32 @!p0 $0xFFFFC180  }
.LBB2_1:
0x37: {  	s12 =	rddreg [dreg:$0x3]  }
0x38: {  	s13 =	rddreg [dreg:$0xc]  }
0x39: {  	[spmem:s16], [sflag:s13] =	dma.local @!p0 [hbm:s12], $0x3E80  }
0x3a: {  	[tilespmem:s3], [sflag:$0x1] =	stream.linear.gather [hbm4b:s6+s3], $0x80, $0x38;
	[tilespmem:$0x19100] =	vst v63  }
0x3b: {  	s12 =	rddreg [dreg:$0x4]  }
0x3c: {  	[tilespmem:s17], [sflag:$0x2] =	stream.linear.gather [hbm4b:s12+s3], $0x80, $0x38;
	[tilespmem:$0x19100] =	vst v63  }
0x3d: {  	s13 =	simm.s32 $0x100;
	s18 =	rddreg [dreg:$0x5]  }
0x3e: {  	[tilespmem:s13], [sflag:$0x3] =	stream.linear.gather [hbm4b:s18+s3], $0x80, $0x38;
	[tilespmem:$0x19100] =	vst v63  }
0x3f: {  	_ =	swait.ge [sflag:s19], $0x80  }
0x40: {  	[sflag:s19] =	ssyncset.done $0x0  }
0x41: {  	[sflag:s19] =	ssyncadd.s32 $0xFFFFFF80  }
0x42: {  	v0 =	vld [tilespmem:$0x0];
	_ =	sdelay $0x1  }
0x43: {  	v1 =	vld [tilespmem:$0x10];
	_ =	sdelay $0x1  }
0x44: {  	v2 =	vld [tilespmem:$0x20]  }
0x45: {  	v3 =	vand.u32 $0xFFFF, v0  }
0x46: {  	v35 =	vld [tilespmem:$0x22];
	v0 =	vshrl.u32 v0, $0x10;
	[tilespmem:$0x180] =	vst v3  }
0x47: {  	v36 =	vand.u32 $0xFFFF, v1;
	[tilespmem:$0x300] =	vst v0  }
0x48: {  	v37 =	vshrl.u32 v1, $0x10;
	[tilespmem:$0x190] =	vst v36  }
0x49: {  	v38 =	vand.u32 $0xFFFF, v2;
	[tilespmem:$0x310] =	vst v37  }
0x4a: {  	v39 =	vshrl.u32 v2, $0x10;
	[tilespmem:$0x1A0] =	vst v38  }
0x4b: {  	v40 =	vand.u32 $0xFFFF, v35;
	[tilespmem:$0x320] =	vst v39  }
0x4c: {  	v41 =	vshrl.u32 v35, $0x10;
	[tilespmem:$0x1A2] =	vst v40  }
0x4d: {  	s14 =	rddreg [dreg:$0x6];
	[tilespmem:$0x322] =	vst v41  }
0x4e: {  	[tilespmem:s3], [sflag:$0x1] =	stream.linear.gather [hbm4b:s14+s3], $0x80, $0x38;
	[tilespmem:$0x19100] =	vst v63  }
0x4f: {  	_ = 	snop  }
0x50: {  	[tilespmem:s22], [sflag:$0x4] =	stream.indirect.gather [hbm4b:s4+s20], $0x80, s21, s20, $0xb8;
	[tilespmem:$0x19100] =	vst v63  }
0x51: {  	_ =	swait.ge [sflag:s23], $0x80  }
0x52: {  	[sflag:s23] =	ssyncset.done $0x0  }
0x53: {  	[sflag:s23] =	ssyncadd.s32 $0xFFFFFF80  }
0x54: {  	v42 =	vld [tilespmem:$0x80];
	_ =	sdelay $0x1  }
0x55: {  	v43 =	vld [tilespmem:$0x90];
	_ =	sdelay $0x1  }
0x56: {  	v44 =	vld [tilespmem:$0xA0]  }
0x57: {  	v45 =	vand.u32 $0xFFFF, v42  }
0x58: {  	v46 =	vld [tilespmem:$0xA2];
	v0 =	vshrl.u32 v42, $0x10;
	[tilespmem:$0x200] =	vst v45  }
0x59: {  	v47 =	vand.u32 $0xFFFF, v43;
	[tilespmem:$0x380] =	vst v0  }
0x5a: {  	v48 =	vshrl.u32 v43, $0x10;
	[tilespmem:$0x210] =	vst v47  }
0x5b: {  	v49 =	vand.u32 $0xFFFF, v44;
	[tilespmem:$0x390] =	vst v48  }
0x5c: {  	v50 =	vshrl.u32 v44, $0x10;
	[tilespmem:$0x220] =	vst v49  }
0x5d: {  	v51 =	vand.u32 $0xFFFF, v46;
	[tilespmem:$0x3A0] =	vst v50  }
0x5e: {  	v52 =	vshrl.u32 v46, $0x10;
	[tilespmem:$0x222] =	vst v51  }
0x5f: {  	s15 =	rddreg [dreg:$0x7];
	[tilespmem:$0x3A2] =	vst v52  }
0x60: {  	[tilespmem:s17], [sflag:$0x2] =	stream.linear.gather [hbm4b:s15+s3], $0x80, $0x38;
	[tilespmem:$0x19100] =	vst v63  }
0x61: {  	_ = 	snop  }
0x62: {  	[tilespmem:s25], [sflag:$0x5] =	stream.indirect.gather [hbm4b:s4+s20], $0x80, s24, s20, $0xb8;
	[tilespmem:$0x19100] =	vst v63  }
0x63: {  	_ =	swait.ge [sflag:s26], $0x80  }
0x64: {  	[sflag:s26] =	ssyncset.done $0x0  }
0x65: {  	[sflag:s26] =	ssyncadd.s32 $0xFFFFFF80  }
0x66: {  	v53 =	vld [tilespmem:$0x100];
	_ =	sdelay $0x1  }
0x67: {  	v54 =	vld [tilespmem:$0x110];
	_ =	sdelay $0x1  }
0x68: {  	v55 =	vld [tilespmem:$0x120]  }
0x69: {  	v56 =	vand.u32 $0xFFFF, v53  }
0x6a: {  	v57 =	vld [tilespmem:$0x122];
	v0 =	vshrl.u32 v53, $0x10;
	[tilespmem:$0x280] =	vst v56  }
0x6b: {  	v58 =	vand.u32 $0xFFFF, v54;
	[tilespmem:$0x400] =	vst v0  }
0x6c: {  	v59 =	vshrl.u32 v54, $0x10;
	[tilespmem:$0x290] =	vst v58  }
0x6d: {  	v60 =	vand.u32 $0xFFFF, v55;
	[tilespmem:$0x410] =	vst v59  }
0x6e: {  	v61 =	vshrl.u32 v55, $0x10;
	[tilespmem:$0x2A0] =	vst v60  }
0x6f: {  	v62 =	vand.u32 $0xFFFF, v57;
	[tilespmem:$0x420] =	vst v61  }
0x70: {  	v63 =	vshrl.u32 v57, $0x10;
	[tilespmem:$0x2A2] =	vst v62  }
0x71: {  	s18 =	rddreg [dreg:$0x8];
	[tilespmem:$0x422] =	vst v63  }
0x72: {  	[tilespmem:s13], [sflag:$0x3] =	stream.linear.gather [hbm4b:s18+s3], $0x80, $0x38;
	[tilespmem:$0x19100] =	vst v63  }
0x73: {  	s12 =	simm.s32 @!p0 $0xA  }
0x74: {  	[tilespmem:s29], [sflag:$0x6] =	stream.indirect.gather [hbm4b:s4+s20], $0x80, s28, s20, $0xb8;
	[tilespmem:$0x19100] =	vst v63  }
0x75: {  	_ =	swait.ge @!p0 [sflag:s12], $0x3E80  }
0x76: {  	[sflag:s12] =	ssyncset.done @!p0 $0x0  }
0x77: {  	[sflag:s12] =	ssyncadd.s32 @!p0 $0xFFFFC180  }
0x78: {  	s13 =	simm.s32 $0x0;
	s12 =	simm.s32 $0x0;
	[bflag:$0x0] =	sbarrier.arrive $0xFFFF  }
.LBB2_2:
0x79: {  	_ =	swait.ge [sflag:s30], $0x1900  }
0x7a: {  	[sflag:s30] =	ssyncset.done $0x0  }
0x7b: {  	[sflag:s30] =	ssyncadd.s32 $0xFFFFE700  }
0x7c: {  	[spmem:s2] =	stream.indirect.scatter.add.f32 [tilespmem:s22], [sflag:$0x7], $0x80, s31, s20, $0xb8;
	[tilespmem:$0x19100] =	vst v63  }
0x7d: {  	_ =	swait.ge [sflag:s0], $0x1900  }
0x7e: {  	[sflag:s0] =	ssyncset.done $0x0  }
0x7f: {  	[sflag:s0] =	ssyncadd.s32 $0xFFFFE700  }
0x80: {  	[spmem:s2] =	stream.indirect.scatter.add.f32 [tilespmem:s25], [sflag:$0x8], $0x80, s1, s20, $0xb8;
	[tilespmem:$0x19100] =	vst v63  }
0x81: {  	_ =	swait.ge [sflag:s5], $0x1900  }
0x82: {  	[sflag:s5] =	ssyncset.done $0x0  }
0x83: {  	[sflag:s5] =	ssyncadd.s32 $0xFFFFE700  }
0x84: {  	[spmem:s2] =	stream.indirect.scatter.add.f32 [tilespmem:s29], [sflag:$0x9], $0x80, s7, s20, $0xb8;
	[tilespmem:$0x19100] =	vst v63  }
0x85: {  	_ =	swait.ge [sflag:s8], $0x1900  }
0x86: {  	[sflag:s8] =	ssyncset.done $0x0  }
0x87: {  	[sflag:s8] =	ssyncadd.s32 $0xFFFFE700  }
0x88: {  	_ =	swait.ge [sflag:s19], $0x80  }
0x89: {  	[sflag:s19] =	ssyncset.done $0x0  }
0x8a: {  	[sflag:s19] =	ssyncadd.s32 $0xFFFFFF80  }
0x8b: {  	v0 =	vld [tilespmem:$0x0];
	_ =	sdelay $0x1  }
0x8c: {  	v1 =	vld [tilespmem:$0x10];
	_ =	sdelay $0x1  }
0x8d: {  	v2 =	vld [tilespmem:$0x20]  }
0x8e: {  	v3 =	vand.u32 $0xFFFF, v0  }
0x8f: {  	v46 =	vld [tilespmem:$0x22];
	v0 =	vshrl.u32 v0, $0x10;
	[tilespmem:$0x180] =	vst v3  }
0x90: {  	v47 =	vand.u32 $0xFFFF, v1;
	[tilespmem:$0x300] =	vst v0  }
0x91: {  	v48 =	vshrl.u32 v1, $0x10;
	[tilespmem:$0x190] =	vst v47  }
0x92: {  	v49 =	vand.u32 $0xFFFF, v2;
	[tilespmem:$0x310] =	vst v48  }
0x93: {  	v50 =	vshrl.u32 v2, $0x10;
	[tilespmem:$0x1A0] =	vst v49  }
0x94: {  	p1 =	seq.s32 s12, $0xC30;
	v51 =	vand.u32 $0xFFFF, v46;
	[tilespmem:$0x320] =	vst v50  }
0x95: {  	s18 =	sadd.s32 @!p1 s12, s6;
	v52 =	vshrl.u32 v46, $0x10;
	[tilespmem:$0x1A2] =	vst v51  }
0x96: {  	s15 =	simm.s32 @!p1 $0x0;
	s18 =	sadd.s32 @!p1 $0x60, s18;
	[tilespmem:$0x322] =	vst v52  }
0x97: {  	[tilespmem:s15], [sflag:$0x1] =	stream.linear.gather @!p1 [hbm4b:s18+s15], $0x80, $0x38;
	[tilespmem:$0x19100] =	vst v63  }
0x98: {  	_ = 	snop  }
0x99: {  	[tilespmem:s22], [sflag:$0x4] =	stream.indirect.gather [hbm4b:s4+s20], $0x80, s21, s20, $0xb8;
	[tilespmem:$0x19100] =	vst v63  }
0x9a: {  	_ =	swait.ge [sflag:s9], $0x1900  }
0x9b: {  	[sflag:s9] =	ssyncset.done $0x0  }
0x9c: {  	[sflag:s9] =	ssyncadd.s32 $0xFFFFE700  }
0x9d: {  	_ =	swait.ge [sflag:s23], $0x80  }
0x9e: {  	[sflag:s23] =	ssyncset.done $0x0  }
0x9f: {  	[sflag:s23] =	ssyncadd.s32 $0xFFFFFF80  }
0xa0: {  	v53 =	vld [tilespmem:$0x80];
	_ =	sdelay $0x1  }
0xa1: {  	v54 =	vld [tilespmem:$0x90];
	_ =	sdelay $0x1  }
0xa2: {  	v55 =	vld [tilespmem:$0xA0]  }
0xa3: {  	v56 =	vand.u32 $0xFFFF, v53  }
0xa4: {  	v57 =	vld [tilespmem:$0xA2];
	v0 =	vshrl.u32 v53, $0x10;
	[tilespmem:$0x200] =	vst v56  }
0xa5: {  	v58 =	vand.u32 $0xFFFF, v54;
	[tilespmem:$0x380] =	vst v0  }
0xa6: {  	v59 =	vshrl.u32 v54, $0x10;
	[tilespmem:$0x210] =	vst v58  }
.Ltmp2:
0xa7: {  	v60 =	vand.u32 $0xFFFF, v55;
	[tilespmem:$0x390] =	vst v59;
	(pc) =	sbr.rel @p1 .LBB2_4-.Ltmp2, $4  }
0xa8: {  	v61 =	vshrl.u32 v55, $0x10;
	[tilespmem:$0x220] =	vst v60  }
0xa9: {  	v62 =	vand.u32 $0xFFFF, v57;
	[tilespmem:$0x3A0] =	vst v61  }
0xaa: {  	v63 =	vshrl.u32 v57, $0x10;
	[tilespmem:$0x222] =	vst v62  }
0xab: {  	[tilespmem:$0x3A2] =	vst v63  }
0xac: {  	s15 =	sadd.s32 s12, s6  }
0xad: {  	s15 =	sadd.s32 $0x70, s15  }
0xae: {  	[tilespmem:s17], [sflag:$0x2] =	stream.linear.gather [hbm4b:s15+s3], $0x80, $0x38;
	[tilespmem:$0x19100] =	vst v63  }
0xaf: {  	_ = 	snop  }
0xb0: {  	[tilespmem:s25], [sflag:$0x5] =	stream.indirect.gather [hbm4b:s4+s20], $0x80, s24, s20, $0xb8;
	[tilespmem:$0x19100] =	vst v63  }
0xb1: {  	_ =	swait.ge [sflag:s10], $0x1900  }
0xb2: {  	[sflag:s10] =	ssyncset.done $0x0  }
0xb3: {  	[sflag:s10] =	ssyncadd.s32 $0xFFFFE700  }
0xb4: {  	_ =	swait.ge [sflag:s26], $0x80  }
0xb5: {  	[sflag:s26] =	ssyncset.done $0x0  }
0xb6: {  	[sflag:s26] =	ssyncadd.s32 $0xFFFFFF80  }
0xb7: {  	v0 =	vld [tilespmem:$0x100];
	_ =	sdelay $0x1  }
0xb8: {  	v1 =	vld [tilespmem:$0x110];
	_ =	sdelay $0x1  }
0xb9: {  	v2 =	vld [tilespmem:$0x120]  }
0xba: {  	v3 =	vand.u32 $0xFFFF, v0  }
0xbb: {  	v57 =	vld [tilespmem:$0x122];
	v0 =	vshrl.u32 v0, $0x10;
	[tilespmem:$0x280] =	vst v3  }
0xbc: {  	v58 =	vand.u32 $0xFFFF, v1;
	[tilespmem:$0x400] =	vst v0  }
0xbd: {  	v59 =	vshrl.u32 v1, $0x10;
	[tilespmem:$0x290] =	vst v58  }
0xbe: {  	v60 =	vand.u32 $0xFFFF, v2;
	[tilespmem:$0x410] =	vst v59  }
0xbf: {  	v61 =	vshrl.u32 v2, $0x10;
	[tilespmem:$0x2A0] =	vst v60  }
0xc0: {  	p1 =	sgt.u32 s13, $0x3F;
	v62 =	vand.u32 $0xFFFF, v57;
	[tilespmem:$0x420] =	vst v61  }
0xc1: {  	s18 =	simm.s32 @!p1 $0x0;
	s15 =	sadd.s32 @!p1 s12, s6;
	v63 =	vshrl.u32 v57, $0x10;
	[tilespmem:$0x2A2] =	vst v62  }
0xc2: {  	s14 =	simm.s32 @!p1 $0x100;
	s12 =	sadd.s32 $0x30, s12;
	s15 =	sadd.s32 @!p1 $0x80, s15;
	[tilespmem:$0x422] =	vst v63  }
0xc3: {  	[tilespmem:s14], [sflag:$0x3] =	stream.linear.gather @!p1 [hbm4b:s15+s18], $0x80, $0x38;
	[tilespmem:$0x19100] =	vst v63  }
0xc4: {  	p1 =	seq.s32 s12, $0xC60  }
.Ltmp3:
0xc5: {  	_ = 	snop;
	(pc) =	sbr.rel @!p1 .LBB2_2-.Ltmp3, $4  }
.Ltmp4:
0xc6: {  	_ = 	snop;
	(pc) =	sbr.rel @p1 .LBB2_5-.Ltmp4, $4  }
0xc7: {  	_ = 	snop  }
0xc8: {  	s13 =	sadd.s32 $0x1, s13  }
0xc9: {  	[tilespmem:s29], [sflag:$0x6] =	stream.indirect.gather [hbm4b:s4+s20], $0x80, s28, s20, $0xb8;
	[tilespmem:$0x19100] =	vst v63  }
0xca: {  	_ = 	snop  }
.LBB2_6:
0xcb: {  	_ =	sfence.sel $0x180000  }
0xcc: {  	[bflag:$0x0] =	sbarrier.arrive $0xFFFF  }
0xcd: {  	_ =	strace $0x9000004A  }
0xce: {  	s0 =	stileid.u32;
	[bflag:$0x2] =	sbarrier.arrive $0xFFFF  }
0xcf: {  	p0 =	sne.s32 s0, $0x0;
	s0 =	rddreg [dreg:$0x2]  }
0xd0: {  	s0 =	sadd.s32 @!p0 $0x100000, s0  }
0xd1: {  	[sflag:s0] =	ssyncadd.tile.s32 @!p0 $0x1;
	_ =	shalt  }
.Lfunc_end2:
_tile_overlayer_lowered:
.L_overlay_start_2:
0xd2: {  	(tag) =	ssettag $0x2  }
0xd3: {  	s0 =	rddreg [dreg:$0x0];
	s2 =	stileid.u32  }
0xd4: {  	s1 =	rddreg [dreg:$0x1];
	p0 =	sne.s32 s2, $0x0  }
0xd5: {  	s3 =	rddreg [dreg:$0x2];
	[bflag:$0x3] =	sbarrier.arrive $0xFFFF;
	s2 =	simm.s32 @!p0 $0x1C0B  }
0xd6: {  	[timem:s3], [sflag:s2] =	dma.local @!p0 [hbm:s0], s1  }
0xd7: {  	s0 =	simm.s32 @!p0 $0xB  }
0xd8: {  	_ =	swait.ge @!p0 [sflag:s0], s1  }
0xd9: {  	s1 =	ssub.s32 @!p0 $0x0, s1;
	[sflag:s0] =	ssyncset.done @!p0 $0x0  }
0xda: {  	[sflag:s0] =	ssyncadd.s32 @!p0 s1  }
0xdb: {  	[bflag:$0x3] =	sbarrier.arrive $0xFFFF  }
0xdc: {  	_ =	shalt  }

// kernel: kernel.16.cloned.1.call-start
scs
__scs_entry_jumppad:
0x0: {  	(pc) =	sbr.rel $0x88, $3  }
0x1: {  	(tag) =	ssettag $0x0;
	lr =	simm.s32 $0x1  }
0x2: {  	[smem:$0x3F91] =	sst lr;
	_ =	strace $0xD0000000  }
0x3: {  	_ = 	snop  }
0x4: {  	_ = 	snop  }
0x5: {  	_ = 	snop  }
0x6: {  	_ = 	snop  }
0x7: {  	_ = 	snop  }
__scs_overlays_trampoline_lowered:
0x8: {  	[smem:$0x3FA0] =	sst s0  }
0x9: {  	[smem:$0x3FA1] =	sst s1  }
0xa: {  	[smem:$0x3FA2] =	sst s2  }
0xb: {  	[smem:$0x3FA3] =	sst s3  }
0xc: {  	[smem:$0x3FA4] =	sst s4  }
0xd: {  	[smem:$0x3FA5] =	sst s5  }
0xe: {  	[smem:$0x3FA6] =	sst s6  }
0xf: {  	[smem:$0x3FA7] =	sst s7  }
0x10: {  	[smem:$0x3FA8] =	sst s8  }
0x11: {  	[smem:$0x3FA9] =	sst s9;
	s0 =	simm.s32 @!p0 $0x0  }
0x12: {  	s1 =	sld [smem:$0x3F8F];
	s0 =	simm.s32 @p0 $0x1  }
0x13: {  	[smem:$0x3FAA] =	sst s0;
	s0 =	simm.s32 @!p1 $0x0  }
0x14: {  	s2 =	sld [smem:$0x3F8E];
	s0 =	simm.s32 @p1 $0x1  }
0x15: {  	[smem:$0x3FAB] =	sst s0;
	s0 =	simm.s32 @!p2 $0x0  }
0x16: {  	s3 =	sld [smem:$0x3FDB];
	s0 =	simm.s32 @p2 $0x1  }
0x17: {  	s4 =	simm.s32 $0x1BF5;
	[smem:$0x3FAD] =	sst s0  }
0x18: {  	s0 =	sld [smem:$0x3F90];
	_ =	swait.ge [sflag:s4], $0x0  }
0x19: {  	s7 =	sld [smem:$0x3F91]  }
0x1a: {  	s8 =	sadd.s32 $0xFFFFE003, lr  }
0x1b: {  	s9 =	sadd.s32 $0xFFFFFEF7, lr;
	s5 =	simm.s32 $0xFFFFFFFF;
	p2 =	slt.u32 s8, $0xFFFFF086  }
0x1c: {  	p1 =	slt.u32 s9, $0xF7A;
	s5 =	simm.s32 @!p2 $0x0  }
0x1d: {  	s5 =	simm.s32 @p1 $0x1;
	p0 =	seq.s32 s7, s2  }
0x1e: {  	s7 =	smul.u32 @!p0 $0xF7A, s2;
	p2 =	seq.s32 @!p0 s5, $0x0  }
0x1f: {  	s9 =	smul.u32 $0xF7A, s1;
	s8 =	simm.s32 @!p0 $0x1BF5;
	p2 =	por !p2, p0  }
0x20: {  	[sflag:s8] =	ssyncset.s32 @!p0 $0xFFFFF086;
	s6 =	sadd.s32 @!p0 s3, s7;
	s7 =	simm.s32 @!p0 $0x108  }
0x21: {  	s3 =	sadd.s32 s3, s9;
	s6 =	sadd.s32 @!p0 $0x88, s6;
	s7 =	simm.s32 @p2 $0x1082  }
0x22: {  	[simem:s7], [sflag:s8] =	dma.local @!p0 [hbm:s6], $0xF7A  }
0x23: {  	s9 =	sor.u32 $0xD0000000, s2;
	s6 =	simm.s32 $0x108;
	_ =	swait.ge @!p0 [sflag:s8], $0x0  }
0x24: {  	s3 =	sadd.s32 $0x88, s3;
	s6 =	simm.s32 @!p1 $0x1082;
	[sflag:s4] =	ssyncset.s32 $0xFFFFF086  }
0x25: {  	[simem:s6], [sflag:s4] =	dma.local [hbm:s3], $0xF7A  }
0x26: {  	[smem:$0x3F91] =	sst s1;
	(tag) =	ssettag s2;
	_ =	strace s9  }
0x27: {  	s1 =	sld [smem:$0x3FA1]  }
0x28: {  	s2 =	sld [smem:$0x3FA2]  }
0x29: {  	s4 =	sld [smem:$0x3FA4]  }
0x2a: {  	p0 =	seq.s32 s5, $0x0;
	s5 =	sld [smem:$0x3FA5]  }
0x2b: {  	s6 =	sld [smem:$0x3FA6]  }
0x2c: {  	s7 =	sld [smem:$0x3FA7]  }
0x2d: {  	s3 =	simm.s32 $0x108;
	s8 =	sld [smem:$0x3FA8]  }
0x2e: {  	s3 =	simm.s32 @!p0 $0x1082;
	s9 =	sld [smem:$0x3FA9]  }
0x2f: {  	lr =	sadd.s32 s0, s3;
	s0 =	sld [smem:$0x3FA0]  }
0x30: {  	s3 =	sld [smem:$0x3FA3]  }
0x31: {  	[smem:$0x3FAC] =	sst s10  }
0x32: {  	s10 =	sld [smem:$0x3FAA];
	_ =	sdelay $0x3  }
0x33: {  	p0 =	seq.s32 s10, $0x1;
	s10 =	sld [smem:$0x3FAC];
	_ =	sdelay $0x3  }
0x34: {  	[smem:$0x3FAC] =	sst s10  }
0x35: {  	s10 =	sld [smem:$0x3FAB];
	_ =	sdelay $0x3  }
0x36: {  	p1 =	seq.s32 s10, $0x1;
	s10 =	sld [smem:$0x3FAC];
	_ =	sdelay $0x3  }
0x37: {  	[smem:$0x3FAC] =	sst s10  }
0x38: {  	s10 =	sld [smem:$0x3FAD]  }
0x39: {  	_ = 	snop;
	(pc) =	sbr.ind lr, $3  }
0x3a: {  	_ = 	snop  }
0x3b: {  	_ = 	snop  }
0x3c: {  	p2 =	seq.s32 s10, $0x1;
	s10 =	sld [smem:$0x3FAC]  }
0x3d: {  	_ =	shalt  }
0x3e: {  	_ =	shalt  }
0x3f: {  	_ =	shalt  }
0x40: {  	_ =	shalt  }
0x41: {  	_ =	shalt  }
0x42: {  	_ =	shalt  }
0x43: {  	_ =	shalt  }
0x44: {  	_ =	shalt  }
0x45: {  	_ =	shalt  }
0x46: {  	_ =	shalt  }
0x47: {  	_ =	shalt  }
0x48: {  	_ =	shalt  }
0x49: {  	_ =	shalt  }
0x4a: {  	_ =	shalt  }
0x4b: {  	_ =	shalt  }
0x4c: {  	_ =	shalt  }
0x4d: {  	_ =	shalt  }
0x4e: {  	_ =	shalt  }
0x4f: {  	_ =	shalt  }
0x50: {  	_ =	shalt  }
0x51: {  	_ =	shalt  }
0x52: {  	_ =	shalt  }
0x53: {  	_ =	shalt  }
0x54: {  	_ =	shalt  }
0x55: {  	_ =	shalt  }
0x56: {  	_ =	shalt  }
0x57: {  	_ =	shalt  }
0x58: {  	_ =	shalt  }
0x59: {  	_ =	shalt  }
0x5a: {  	_ =	shalt  }
0x5b: {  	_ =	shalt  }
0x5c: {  	_ =	shalt  }
0x5d: {  	_ =	shalt  }
0x5e: {  	_ =	shalt  }
0x5f: {  	_ =	shalt  }
0x60: {  	_ =	shalt  }
0x61: {  	_ =	shalt  }
0x62: {  	_ =	shalt  }
0x63: {  	_ =	shalt  }
0x64: {  	_ =	shalt  }
0x65: {  	_ =	shalt  }
0x66: {  	_ =	shalt  }
0x67: {  	_ =	shalt  }
0x68: {  	_ =	shalt  }
0x69: {  	_ =	shalt  }
0x6a: {  	_ =	shalt  }
0x6b: {  	_ =	shalt  }
0x6c: {  	_ =	shalt  }
0x6d: {  	_ =	shalt  }
0x6e: {  	_ =	shalt  }
0x6f: {  	_ =	shalt  }
0x70: {  	_ =	shalt  }
0x71: {  	_ =	shalt  }
0x72: {  	_ =	shalt  }
0x73: {  	_ =	shalt  }
0x74: {  	_ =	shalt  }
0x75: {  	_ =	shalt  }
0x76: {  	_ =	shalt  }
0x77: {  	_ =	shalt  }
0x78: {  	_ =	shalt  }
0x79: {  	_ =	shalt  }
0x7a: {  	_ =	shalt  }
0x7b: {  	_ =	shalt  }
0x7c: {  	_ =	shalt  }
0x7d: {  	_ =	shalt  }
0x7e: {  	_ =	shalt  }
0x7f: {  	_ =	shalt  }
0x80: {  	_ =	shalt  }
0x81: {  	_ =	shalt  }
0x82: {  	_ =	shalt  }
0x83: {  	_ =	shalt  }
0x84: {  	_ =	shalt  }
0x85: {  	_ =	shalt  }
0x86: {  	_ =	shalt  }
0x87: {  	_ =	shalt  }
.Lfunc_end0:
.L_simem_size_0:
called_computation.2_lowered:
.L_overlay_start_0:
0x88: {  	s2 =	sld [smem:$0x3FD9]  }
0x89: {  	s3 =	sld [smem:$0x3FFE];
	_ =	sdelay $0x1  }
0x8a: {  	s1 =	srdreg.scid  }
0x8b: {  	s0 =	sand.u32 $0x1, s1  }
0x8c: {  	s16 =	sshll.u32 s0, $0xA;
	s2 =	sadd.s32 s3, s2  }
0x8d: {  	s2 =	sadd.s32 s2, s16  }
0x8e: {  	[smem:$0x3FB8] =	sst s2  }
0x8f: {  	_ = 	snop  }
0x90: {  	(tm) =	ssettm $0x1  }
0x91: {  	s17 =	sld [smem:$0x3FFB];
	_ =	sdelay $0x3  }
0x92: {  	_ =	strace s17  }
0x93: {  	s2 =	sld [smem:$0x3FFC];
	_ =	sdelay $0x3  }
0x94: {  	_ =	strace s2  }
0x95: {  	s2 =	sld [smem:$0x3FFD];
	_ =	sdelay $0x3  }
0x96: {  	_ =	strace s2  }
0x97: {  	_ =	strace $0x8FFFFFFF  }
0x98: {  	s18 =	sld [smem:$0x3FDB];
	_ =	sdelay $0x1  }
0x99: {  	s19 =	simm.s32 $_scs_section_size  }
0x9a: {  	s4 =	simm.s32 $_size__tile_overlayer_lowered;
	s5 =	simm.s32 $_tile_overlayer_lowered  }
0x9b: {  	s22 =	simm.s32 $0x1BFF;
	s21 =	sshll.u32 s5, $0x1;
	s2 =	sadd.s32 s19, s18  }
0x9c: {  	s6 =	simm.s32 $0x0;
	s20 =	sshll.u32 s4, $0x1;
	s4 =	sadd.s32 s21, s2  }
0x9d: {  	[timem:s6], [sflag:s22] =	dma.local [hbm:s4], s20  }
0x9e: {  	_ =	swait.ge [sflag:s22], s20  }
0x9f: {  	s3 =	ssub.s32 $0x0, s20;
	[sflag:s22] =	ssyncset.done $0x0  }
0xa0: {  	[sflag:s22] =	ssyncadd.s32 s3;
	_ =	sdelay $0x1  }
0xa1: {  	s23 =	simm.s32 $0x1B8B  }
0xa2: {  	_ =	swait.ge [sflag:s23], $0x1  }
0xa3: {  	[sflag:s23] =	ssyncset.done $0x0  }
0xa4: {  	s25 =	simm.s32 $0x1B8E;
	s24 =	sld [smem:$0x3FFE];
	[sflag:s23] =	ssyncadd.s32 $0xFFFFFFFF  }
0xa5: {  	s26 =	simm.s32 $execute0_lowered;
	[smem:$0x3FD2] =	sst s25  }
0xa6: {  	s4 =	sshll.u32 s26, $0x1;
	_ =	strace $0x8000004C;
	[dreg:$0x1] =	wrdreg $0xFFFFFFFF  }
0xa7: {  	s28 =	simm.s32 $_size_execute0_lowered;
	s2 =	sadd.s32 s2, s4;
	[dreg:$0x0] =	wrdreg $0x0  }
0xa8: {  	s4 =	sshll.u32 s28, $0x1;
	[dreg:$0x2] =	wrdreg s2  }
0xa9: {  	[dreg:$0x3] =	wrdreg s4  }
0xaa: {  	[dreg:$0x4] =	wrdreg $0xC0  }
0xab: {  	_ =	task [dreg:s6], $0x5FFFF  }
0xac: {  	[dreg:$0x1] =	wrdreg $0xFFFFFFFF  }
0xad: {  	[dreg:$0x0] =	wrdreg $0x60  }
0xae: {  	[dreg:$0x2] =	wrdreg s24  }
0xaf: {  	[dreg:$0x3] =	wrdreg $0x58800  }
0xb0: {  	[dreg:$0x4] =	wrdreg $0x9  }
0xb1: {  	_ =	task.clear_ibuf [dreg:s6], $0x5FFFF;
	_ =	strace $0x9000004C  }
0xb2: {  	s29 =	simm.s32 $0x9;
	_ =	strace $0x8000004E  }
0xb3: {  	_ =	swait.ge [sflag:s29], $0x1  }
0xb4: {  	[sflag:s29] =	ssyncadd.s32 $0xFFFFFFFF  }
0xb5: {  	_ =	strace $0x9000004E  }
0xb6: {  	_ =	sfence  }
0xb7: {  	s30 =	sld [smem:$0x0];
	_ =	sdelay $0x2  }
0xb8: {  	s31 =	sshll.u32 s1, $0xD;
	s1 =	sshrl.u32 s1, $0x2  }
0xb9: {  	s3 =	sand.u32 $0x4000, s31;
	s1 =	sadd.s32 s1, s30  }
0xba: {  	s0 =	sor.u32 s3, s0;
	s1 =	sshll.u32 s1, $0x11  }
0xbb: {  	s0 =	sor.u32 s1, s0  }
0xbc: {  	s0 =	sadd.s32 $0x8F2B, s0  }
0xbd: {  	[sflag:s0] =	ssyncadd.remote.s32 $0x1  }
0xbe: {  	_ =	sfence.sel $0xFFFF  }
0xbf: {  	[dreg:$0x0] =	wrdreg $0xFFFFFFFF;
	(pc) =	sbr.abs _section_cstart, $3  }
0xc0: {  	[dreg:$0x1] =	wrdreg $0xFFFFFFFF  }
0xc1: {  	_ =	task.clear_ibuf [dreg:s6], $0x2FFFF;
	_ =	strace $0x9FFFFFFF  }
0xc2: {  	(tm) =	ssettm $0x7FFFFFFF  }
0xc3: {  	_ =	shalt  }
tec
execute0_lowered:
.L_overlay_start_1:
0x0: {  	(tag) =	ssettag $0x1  }
0x1: {  	s0 =	rddreg [dreg:$0x0]  }
0x2: {  	s2 =	rddreg [dreg:$0x1];
	s3 =	simm.s32 $0x0  }
0x3: {  	s11 =	stileid.u32;
	s5 =	srdreg.scid;
	s17 =	simm.s32 $0x80  }
0x4: {  	s19 =	simm.s32 $0x1;
	s20 =	simm.s32 $0x32;
	s28 =	simm.s32 $0x280  }
0x5: {  	s29 =	simm.s32 $0x3C80;
	s30 =	simm.s32 $0x4;
	s31 =	simm.s32 $0x300  }
0x6: {  	[smem:$0x7FF] =	sst s3;
	s1 =	smul.u32 $0xC80, s11;
	s7 =	sadd.s32 $0x12600, s0  }
0x7: {  	s4 =	sadd.s32 $0x39800, s0;
	s5 =	sand.u32 $0x1, s5;
	s8 =	smul.u32 $0x7D000, s11  }
0x8: {  	s9 =	sadd.s32 $0x60A00, s0;
	s25 =	smul.u32 $0x3E80, s11;
	_ =	strace $0x8000004D  }
0x9: {  	s6 =	ssub.s32 $0x2, s5;
	[dreg:$0x3] =	wrdreg s9;
	s9 =	sadd.s32 $0x64A00, s0  }
0xa: {  	p0 =	seq.s32 s5, $0x0;
	s5 =	simm.s32 $0x6;
	s1 =	sadd.s32 s1, s0  }
0xb: {  	s10 =	sshrl.u32 s6, $0x1;
	s0 =	sadd.s32 $0x8BC00, s0;
	s21 =	sshrl.u32 s8, $0x2  }
0xc: {  	s4 =	smov.u32 @p0 s7;
	s7 =	simm.s32 $0x400;
	s10 =	ssub.s32 s6, s10  }
0xd: {  	s8 =	sadd.s32 s21, s2;
	s6 =	sadd.s32 $0x5E00, s1;
	s12 =	sadd.s32 $0x5E10, s1  }
0xe: {  	s22 =	sadd.s32 $0x5E20, s1;
	s23 =	sadd.s32 $0x5E30, s1;
	[dreg:$0x4] =	wrdreg s12  }
0xf: {  	s24 =	sadd.s32 $0x5E40, s1;
	s1 =	sadd.s32 $0x5E50, s1;
	[dreg:$0x5] =	wrdreg s22  }
0x10: {  	s0 =	smov.u32 @p0 s9;
	p0 =	sgt.u32 s11, $0x9;
	[dreg:$0x6] =	wrdreg s23  }
0x11: {  	s21 =	simm.s32 $0x180;
	s9 =	simm.s32 $0x8;
	[dreg:$0x7] =	wrdreg s24  }
0x12: {  	[dreg:$0x8] =	wrdreg s1;
	s26 =	smax.u32 s10, $0x1;
	s0 =	sadd.s32 s0, s25  }
0x13: {  	s16 =	sshrl.u32 @!p0 s8, $0x3;
	s22 =	simm.s32 $0x480;
	s23 =	simm.s32 $0x2  }
.Ltmp0:
0x14: {  	s24 =	simm.s32 $0x200;
	s25 =	simm.s32 $0x2080;
	(pc) =	sbr.rel .LBB2_1-.Ltmp0, $4  }
0x15: {  	s1 =	simm.s32 $0x380;
	s8 =	simm.s32 $0x7;
	[dreg:$0x9] =	wrdreg s26  }
0x16: {  	s10 =	simm.s32 $0x9;
	[dreg:$0xa] =	wrdreg s0;
	s0 =	sshll.u32 @!p0 s11, $0x6  }
0x17: {  	s26 =	simm.s32 $0x3;
	[dreg:$0xb] =	wrdreg s0;
	s0 =	sor.u32 @!p0 $0x1C0A, s0  }
0x18: {  	s11 =	simm.s32 $0x0;
	[dreg:$0xc] =	wrdreg s0;
	s0 =	simm.s32 $0x5  }
.LBB2_4:
0x19: {  	[tilespmem:s25], [sflag:$0x5] =	stream.indirect.gather [hbm4b:s4+s20], $0x80, s24, s20, $0xb8;
	[tilespmem:$0x19100] =	vst v63  }
.LBB2_5:
0x1a: {  	_ =	swait.ge [sflag:s30], $0x1900  }
0x1b: {  	[sflag:s30] =	ssyncset.done $0x0  }
0x1c: {  	[sflag:s30] =	ssyncadd.s32 $0xFFFFE700  }
0x1d: {  	[spmem:s2] =	stream.indirect.scatter.add.f32 [tilespmem:s22], [sflag:$0x7], $0x80, s31, s20, $0xb8;
	[tilespmem:$0x19100] =	vst v63  }
0x1e: {  	_ =	swait.ge [sflag:s0], $0x1900  }
0x1f: {  	[sflag:s0] =	ssyncset.done $0x0  }
0x20: {  	[sflag:s0] =	ssyncadd.s32 $0xFFFFE700  }
0x21: {  	[spmem:s2] =	stream.indirect.scatter.add.f32 [tilespmem:s25], [sflag:$0x8], $0x80, s1, s20, $0xb8;
	[tilespmem:$0x19100] =	vst v63  }
0x22: {  	_ =	swait.ge [sflag:s10], $0x1900  }
0x23: {  	[sflag:s10] =	ssyncset.done $0x0  }
0x24: {  	[sflag:s10] =	ssyncadd.s32 $0xFFFFE700  }
0x25: {  	_ =	swait.ge [sflag:s8], $0x1900  }
0x26: {  	[sflag:s8] =	ssyncset.done $0x0  }
0x27: {  	[sflag:s8] =	ssyncadd.s32 $0xFFFFE700  }
0x28: {  	_ =	swait.ge [sflag:s9], $0x1900  }
0x29: {  	[sflag:s9] =	ssyncset.done $0x0  }
0x2a: {  	[sflag:s9] =	ssyncadd.s32 $0xFFFFE700  }
0x2b: {  	[bflag:$0x0] =	sbarrier.arrive $0xFFFF  }
0x2c: {  	s12 =	rddreg [dreg:$0xb]  }
0x2d: {  	s13 =	rddreg [dreg:$0xa];
	s12 =	sor.u32 @!p0 $0x1C0B, s12  }
0x2e: {  	[hbm:s13], [sflag:s12] =	dma.local @!p0 [spmem:s16], $0x3E80  }
0x2f: {  	s12 =	simm.s32 @!p0 $0xB  }
0x30: {  	_ =	swait.ge @!p0 [sflag:s12], $0x3E80  }
0x31: {  	s11 =	sadd.s32 $0x1, s11;
	s18 =	rddreg [dreg:$0x9]  }
0x32: {  	p1 =	sne.s32 s11, s18  }
.Ltmp1:
0x33: {  	_ = 	snop;
	(pc) =	sbr.rel @!p1 .LBB2_6-.Ltmp1, $3  }
0x34: {  	_ =	sdelay $0x1  }
0x35: {  	[sflag:s12] =	ssyncset.done @!p0 $0x0  }
0x36: {  	[sflag:s12] =	ssyncadd.s32 @!p0 $0xFFFFC180  }
.LBB2_1:
0x37: {  	s12 =	rddreg [dreg:$0x3]  }
0x38: {  	s13 =	rddreg [dreg:$0xc]  }
0x39: {  	[spmem:s16], [sflag:s13] =	dma.local @!p0 [hbm:s12], $0x3E80  }
0x3a: {  	[tilespmem:s3], [sflag:$0x1] =	stream.linear.gather [hbm4b:s6+s3], $0x80, $0x38;
	[tilespmem:$0x19100] =	vst v63  }
0x3b: {  	s12 =	rddreg [dreg:$0x4]  }
0x3c: {  	[tilespmem:s17], [sflag:$0x2] =	stream.linear.gather [hbm4b:s12+s3], $0x80, $0x38;
	[tilespmem:$0x19100] =	vst v63  }
0x3d: {  	s13 =	simm.s32 $0x100;
	s18 =	rddreg [dreg:$0x5]  }
0x3e: {  	[tilespmem:s13], [sflag:$0x3] =	stream.linear.gather [hbm4b:s18+s3], $0x80, $0x38;
	[tilespmem:$0x19100] =	vst v63  }
0x3f: {  	_ =	swait.ge [sflag:s19], $0x80  }
0x40: {  	[sflag:s19] =	ssyncset.done $0x0  }
0x41: {  	[sflag:s19] =	ssyncadd.s32 $0xFFFFFF80  }
0x42: {  	v0 =	vld [tilespmem:$0x0];
	_ =	sdelay $0x1  }
0x43: {  	v1 =	vld [tilespmem:$0x10];
	_ =	sdelay $0x1  }
0x44: {  	v2 =	vld [tilespmem:$0x20]  }
0x45: {  	v3 =	vand.u32 $0xFFFF, v0  }
0x46: {  	v35 =	vld [tilespmem:$0x22];
	v0 =	vshrl.u32 v0, $0x10;
	[tilespmem:$0x180] =	vst v3  }
0x47: {  	v36 =	vand.u32 $0xFFFF, v1;
	[tilespmem:$0x300] =	vst v0  }
0x48: {  	v37 =	vshrl.u32 v1, $0x10;
	[tilespmem:$0x190] =	vst v36  }
0x49: {  	v38 =	vand.u32 $0xFFFF, v2;
	[tilespmem:$0x310] =	vst v37  }
0x4a: {  	v39 =	vshrl.u32 v2, $0x10;
	[tilespmem:$0x1A0] =	vst v38  }
0x4b: {  	v40 =	vand.u32 $0xFFFF, v35;
	[tilespmem:$0x320] =	vst v39  }
0x4c: {  	v41 =	vshrl.u32 v35, $0x10;
	[tilespmem:$0x1A2] =	vst v40  }
0x4d: {  	s14 =	rddreg [dreg:$0x6];
	[tilespmem:$0x322] =	vst v41  }
0x4e: {  	[tilespmem:s3], [sflag:$0x1] =	stream.linear.gather [hbm4b:s14+s3], $0x80, $0x38;
	[tilespmem:$0x19100] =	vst v63  }
0x4f: {  	_ = 	snop  }
0x50: {  	[tilespmem:s22], [sflag:$0x4] =	stream.indirect.gather [hbm4b:s4+s20], $0x80, s21, s20, $0xb8;
	[tilespmem:$0x19100] =	vst v63  }
0x51: {  	_ =	swait.ge [sflag:s23], $0x80  }
0x52: {  	[sflag:s23] =	ssyncset.done $0x0  }
0x53: {  	[sflag:s23] =	ssyncadd.s32 $0xFFFFFF80  }
0x54: {  	v42 =	vld [tilespmem:$0x80];
	_ =	sdelay $0x1  }
0x55: {  	v43 =	vld [tilespmem:$0x90];
	_ =	sdelay $0x1  }
0x56: {  	v44 =	vld [tilespmem:$0xA0]  }
0x57: {  	v45 =	vand.u32 $0xFFFF, v42  }
0x58: {  	v46 =	vld [tilespmem:$0xA2];
	v0 =	vshrl.u32 v42, $0x10;
	[tilespmem:$0x200] =	vst v45  }
0x59: {  	v47 =	vand.u32 $0xFFFF, v43;
	[tilespmem:$0x380] =	vst v0  }
0x5a: {  	v48 =	vshrl.u32 v43, $0x10;
	[tilespmem:$0x210] =	vst v47  }
0x5b: {  	v49 =	vand.u32 $0xFFFF, v44;
	[tilespmem:$0x390] =	vst v48  }
0x5c: {  	v50 =	vshrl.u32 v44, $0x10;
	[tilespmem:$0x220] =	vst v49  }
0x5d: {  	v51 =	vand.u32 $0xFFFF, v46;
	[tilespmem:$0x3A0] =	vst v50  }
0x5e: {  	v52 =	vshrl.u32 v46, $0x10;
	[tilespmem:$0x222] =	vst v51  }
0x5f: {  	s15 =	rddreg [dreg:$0x7];
	[tilespmem:$0x3A2] =	vst v52  }
0x60: {  	[tilespmem:s17], [sflag:$0x2] =	stream.linear.gather [hbm4b:s15+s3], $0x80, $0x38;
	[tilespmem:$0x19100] =	vst v63  }
0x61: {  	_ = 	snop  }
0x62: {  	[tilespmem:s25], [sflag:$0x5] =	stream.indirect.gather [hbm4b:s4+s20], $0x80, s24, s20, $0xb8;
	[tilespmem:$0x19100] =	vst v63  }
0x63: {  	_ =	swait.ge [sflag:s26], $0x80  }
0x64: {  	[sflag:s26] =	ssyncset.done $0x0  }
0x65: {  	[sflag:s26] =	ssyncadd.s32 $0xFFFFFF80  }
0x66: {  	v53 =	vld [tilespmem:$0x100];
	_ =	sdelay $0x1  }
0x67: {  	v54 =	vld [tilespmem:$0x110];
	_ =	sdelay $0x1  }
0x68: {  	v55 =	vld [tilespmem:$0x120]  }
0x69: {  	v56 =	vand.u32 $0xFFFF, v53  }
0x6a: {  	v57 =	vld [tilespmem:$0x122];
	v0 =	vshrl.u32 v53, $0x10;
	[tilespmem:$0x280] =	vst v56  }
0x6b: {  	v58 =	vand.u32 $0xFFFF, v54;
	[tilespmem:$0x400] =	vst v0  }
0x6c: {  	v59 =	vshrl.u32 v54, $0x10;
	[tilespmem:$0x290] =	vst v58  }
0x6d: {  	v60 =	vand.u32 $0xFFFF, v55;
	[tilespmem:$0x410] =	vst v59  }
0x6e: {  	v61 =	vshrl.u32 v55, $0x10;
	[tilespmem:$0x2A0] =	vst v60  }
0x6f: {  	v62 =	vand.u32 $0xFFFF, v57;
	[tilespmem:$0x420] =	vst v61  }
0x70: {  	v63 =	vshrl.u32 v57, $0x10;
	[tilespmem:$0x2A2] =	vst v62  }
0x71: {  	s18 =	rddreg [dreg:$0x8];
	[tilespmem:$0x422] =	vst v63  }
0x72: {  	[tilespmem:s13], [sflag:$0x3] =	stream.linear.gather [hbm4b:s18+s3], $0x80, $0x38;
	[tilespmem:$0x19100] =	vst v63  }
0x73: {  	s12 =	simm.s32 @!p0 $0xA  }
0x74: {  	[tilespmem:s29], [sflag:$0x6] =	stream.indirect.gather [hbm4b:s4+s20], $0x80, s28, s20, $0xb8;
	[tilespmem:$0x19100] =	vst v63  }
0x75: {  	_ =	swait.ge @!p0 [sflag:s12], $0x3E80  }
0x76: {  	[sflag:s12] =	ssyncset.done @!p0 $0x0  }
0x77: {  	[sflag:s12] =	ssyncadd.s32 @!p0 $0xFFFFC180  }
0x78: {  	s13 =	simm.s32 $0x0;
	s12 =	simm.s32 $0x0;
	[bflag:$0x0] =	sbarrier.arrive $0xFFFF  }
.LBB2_2:
0x79: {  	_ =	swait.ge [sflag:s30], $0x1900  }
0x7a: {  	[sflag:s30] =	ssyncset.done $0x0  }
0x7b: {  	[sflag:s30] =	ssyncadd.s32 $0xFFFFE700  }
0x7c: {  	[spmem:s2] =	stream.indirect.scatter.add.f32 [tilespmem:s22], [sflag:$0x7], $0x80, s31, s20, $0xb8;
	[tilespmem:$0x19100] =	vst v63  }
0x7d: {  	_ =	swait.ge [sflag:s0], $0x1900  }
0x7e: {  	[sflag:s0] =	ssyncset.done $0x0  }
0x7f: {  	[sflag:s0] =	ssyncadd.s32 $0xFFFFE700  }
0x80: {  	[spmem:s2] =	stream.indirect.scatter.add.f32 [tilespmem:s25], [sflag:$0x8], $0x80, s1, s20, $0xb8;
	[tilespmem:$0x19100] =	vst v63  }
0x81: {  	_ =	swait.ge [sflag:s5], $0x1900  }
0x82: {  	[sflag:s5] =	ssyncset.done $0x0  }
0x83: {  	[sflag:s5] =	ssyncadd.s32 $0xFFFFE700  }
0x84: {  	[spmem:s2] =	stream.indirect.scatter.add.f32 [tilespmem:s29], [sflag:$0x9], $0x80, s7, s20, $0xb8;
	[tilespmem:$0x19100] =	vst v63  }
0x85: {  	_ =	swait.ge [sflag:s8], $0x1900  }
0x86: {  	[sflag:s8] =	ssyncset.done $0x0  }
0x87: {  	[sflag:s8] =	ssyncadd.s32 $0xFFFFE700  }
0x88: {  	_ =	swait.ge [sflag:s19], $0x80  }
0x89: {  	[sflag:s19] =	ssyncset.done $0x0  }
0x8a: {  	[sflag:s19] =	ssyncadd.s32 $0xFFFFFF80  }
0x8b: {  	v0 =	vld [tilespmem:$0x0];
	_ =	sdelay $0x1  }
0x8c: {  	v1 =	vld [tilespmem:$0x10];
	_ =	sdelay $0x1  }
0x8d: {  	v2 =	vld [tilespmem:$0x20]  }
0x8e: {  	v3 =	vand.u32 $0xFFFF, v0  }
0x8f: {  	v46 =	vld [tilespmem:$0x22];
	v0 =	vshrl.u32 v0, $0x10;
	[tilespmem:$0x180] =	vst v3  }
0x90: {  	v47 =	vand.u32 $0xFFFF, v1;
	[tilespmem:$0x300] =	vst v0  }
0x91: {  	v48 =	vshrl.u32 v1, $0x10;
	[tilespmem:$0x190] =	vst v47  }
0x92: {  	v49 =	vand.u32 $0xFFFF, v2;
	[tilespmem:$0x310] =	vst v48  }
0x93: {  	v50 =	vshrl.u32 v2, $0x10;
	[tilespmem:$0x1A0] =	vst v49  }
0x94: {  	p1 =	seq.s32 s12, $0xC30;
	v51 =	vand.u32 $0xFFFF, v46;
	[tilespmem:$0x320] =	vst v50  }
0x95: {  	s18 =	sadd.s32 @!p1 s12, s6;
	v52 =	vshrl.u32 v46, $0x10;
	[tilespmem:$0x1A2] =	vst v51  }
0x96: {  	s15 =	simm.s32 @!p1 $0x0;
	s18 =	sadd.s32 @!p1 $0x60, s18;
	[tilespmem:$0x322] =	vst v52  }
0x97: {  	[tilespmem:s15], [sflag:$0x1] =	stream.linear.gather @!p1 [hbm4b:s18+s15], $0x80, $0x38;
	[tilespmem:$0x19100] =	vst v63  }
0x98: {  	_ = 	snop  }
0x99: {  	[tilespmem:s22], [sflag:$0x4] =	stream.indirect.gather [hbm4b:s4+s20], $0x80, s21, s20, $0xb8;
	[tilespmem:$0x19100] =	vst v63  }
0x9a: {  	_ =	swait.ge [sflag:s9], $0x1900  }
0x9b: {  	[sflag:s9] =	ssyncset.done $0x0  }
0x9c: {  	[sflag:s9] =	ssyncadd.s32 $0xFFFFE700  }
0x9d: {  	_ =	swait.ge [sflag:s23], $0x80  }
0x9e: {  	[sflag:s23] =	ssyncset.done $0x0  }
0x9f: {  	[sflag:s23] =	ssyncadd.s32 $0xFFFFFF80  }
0xa0: {  	v53 =	vld [tilespmem:$0x80];
	_ =	sdelay $0x1  }
0xa1: {  	v54 =	vld [tilespmem:$0x90];
	_ =	sdelay $0x1  }
0xa2: {  	v55 =	vld [tilespmem:$0xA0]  }
0xa3: {  	v56 =	vand.u32 $0xFFFF, v53  }
0xa4: {  	v57 =	vld [tilespmem:$0xA2];
	v0 =	vshrl.u32 v53, $0x10;
	[tilespmem:$0x200] =	vst v56  }
0xa5: {  	v58 =	vand.u32 $0xFFFF, v54;
	[tilespmem:$0x380] =	vst v0  }
0xa6: {  	v59 =	vshrl.u32 v54, $0x10;
	[tilespmem:$0x210] =	vst v58  }
.Ltmp2:
0xa7: {  	v60 =	vand.u32 $0xFFFF, v55;
	[tilespmem:$0x390] =	vst v59;
	(pc) =	sbr.rel @p1 .LBB2_4-.Ltmp2, $4  }
0xa8: {  	v61 =	vshrl.u32 v55, $0x10;
	[tilespmem:$0x220] =	vst v60  }
0xa9: {  	v62 =	vand.u32 $0xFFFF, v57;
	[tilespmem:$0x3A0] =	vst v61  }
0xaa: {  	v63 =	vshrl.u32 v57, $0x10;
	[tilespmem:$0x222] =	vst v62  }
0xab: {  	[tilespmem:$0x3A2] =	vst v63  }
0xac: {  	s15 =	sadd.s32 s12, s6  }
0xad: {  	s15 =	sadd.s32 $0x70, s15  }
0xae: {  	[tilespmem:s17], [sflag:$0x2] =	stream.linear.gather [hbm4b:s15+s3], $0x80, $0x38;
	[tilespmem:$0x19100] =	vst v63  }
0xaf: {  	_ = 	snop  }
0xb0: {  	[tilespmem:s25], [sflag:$0x5] =	stream.indirect.gather [hbm4b:s4+s20], $0x80, s24, s20, $0xb8;
	[tilespmem:$0x19100] =	vst v63  }
0xb1: {  	_ =	swait.ge [sflag:s10], $0x1900  }
0xb2: {  	[sflag:s10] =	ssyncset.done $0x0  }
0xb3: {  	[sflag:s10] =	ssyncadd.s32 $0xFFFFE700  }
0xb4: {  	_ =	swait.ge [sflag:s26], $0x80  }
0xb5: {  	[sflag:s26] =	ssyncset.done $0x0  }
0xb6: {  	[sflag:s26] =	ssyncadd.s32 $0xFFFFFF80  }
0xb7: {  	v0 =	vld [tilespmem:$0x100];
	_ =	sdelay $0x1  }
0xb8: {  	v1 =	vld [tilespmem:$0x110];
	_ =	sdelay $0x1  }
0xb9: {  	v2 =	vld [tilespmem:$0x120]  }
0xba: {  	v3 =	vand.u32 $0xFFFF, v0  }
0xbb: {  	v57 =	vld [tilespmem:$0x122];
	v0 =	vshrl.u32 v0, $0x10;
	[tilespmem:$0x280] =	vst v3  }
0xbc: {  	v58 =	vand.u32 $0xFFFF, v1;
	[tilespmem:$0x400] =	vst v0  }
0xbd: {  	v59 =	vshrl.u32 v1, $0x10;
	[tilespmem:$0x290] =	vst v58  }
0xbe: {  	v60 =	vand.u32 $0xFFFF, v2;
	[tilespmem:$0x410] =	vst v59  }
0xbf: {  	v61 =	vshrl.u32 v2, $0x10;
	[tilespmem:$0x2A0] =	vst v60  }
0xc0: {  	p1 =	sgt.u32 s13, $0x3F;
	v62 =	vand.u32 $0xFFFF, v57;
	[tilespmem:$0x420] =	vst v61  }
0xc1: {  	s18 =	simm.s32 @!p1 $0x0;
	s15 =	sadd.s32 @!p1 s12, s6;
	v63 =	vshrl.u32 v57, $0x10;
	[tilespmem:$0x2A2] =	vst v62  }
0xc2: {  	s14 =	simm.s32 @!p1 $0x100;
	s12 =	sadd.s32 $0x30, s12;
	s15 =	sadd.s32 @!p1 $0x80, s15;
	[tilespmem:$0x422] =	vst v63  }
0xc3: {  	[tilespmem:s14], [sflag:$0x3] =	stream.linear.gather @!p1 [hbm4b:s15+s18], $0x80, $0x38;
	[tilespmem:$0x19100] =	vst v63  }
0xc4: {  	p1 =	seq.s32 s12, $0xC60  }
.Ltmp3:
0xc5: {  	_ = 	snop;
	(pc) =	sbr.rel @!p1 .LBB2_2-.Ltmp3, $4  }
.Ltmp4:
0xc6: {  	_ = 	snop;
	(pc) =	sbr.rel @p1 .LBB2_5-.Ltmp4, $4  }
0xc7: {  	_ = 	snop  }
0xc8: {  	s13 =	sadd.s32 $0x1, s13  }
0xc9: {  	[tilespmem:s29], [sflag:$0x6] =	stream.indirect.gather [hbm4b:s4+s20], $0x80, s28, s20, $0xb8;
	[tilespmem:$0x19100] =	vst v63  }
0xca: {  	_ = 	snop  }
.LBB2_6:
0xcb: {  	_ =	sfence.sel $0x180000  }
0xcc: {  	[bflag:$0x0] =	sbarrier.arrive $0xFFFF  }
0xcd: {  	_ =	strace $0x9000004D  }
0xce: {  	s0 =	stileid.u32;
	[bflag:$0x2] =	sbarrier.arrive $0xFFFF  }
0xcf: {  	p0 =	sne.s32 s0, $0x0;
	s0 =	rddreg [dreg:$0x2]  }
0xd0: {  	s0 =	sadd.s32 @!p0 $0x100000, s0  }
0xd1: {  	[sflag:s0] =	ssyncadd.tile.s32 @!p0 $0x1;
	_ =	shalt  }
.Lfunc_end2:
_tile_overlayer_lowered:
.L_overlay_start_2:
0xd2: {  	(tag) =	ssettag $0x2  }
0xd3: {  	s0 =	rddreg [dreg:$0x0];
	s2 =	stileid.u32  }
0xd4: {  	s1 =	rddreg [dreg:$0x1];
	p0 =	sne.s32 s2, $0x0  }
0xd5: {  	s3 =	rddreg [dreg:$0x2];
	[bflag:$0x3] =	sbarrier.arrive $0xFFFF;
	s2 =	simm.s32 @!p0 $0x1C0B  }
0xd6: {  	[timem:s3], [sflag:s2] =	dma.local @!p0 [hbm:s0], s1  }
0xd7: {  	s0 =	simm.s32 @!p0 $0xB  }
0xd8: {  	_ =	swait.ge @!p0 [sflag:s0], s1  }
0xd9: {  	s1 =	ssub.s32 @!p0 $0x0, s1;
	[sflag:s0] =	ssyncset.done @!p0 $0x0  }
0xda: {  	[sflag:s0] =	ssyncadd.s32 @!p0 s1  }
0xdb: {  	[bflag:$0x3] =	sbarrier.arrive $0xFFFF  }
0xdc: {  	_ =	shalt  }

// kernel: kernel.19.cloned.1.call-start
scs
__scs_entry_jumppad:
0x0: {  	(pc) =	sbr.rel $0x88, $3  }
0x1: {  	(tag) =	ssettag $0x0;
	lr =	simm.s32 $0x1  }
0x2: {  	[smem:$0x3F91] =	sst lr;
	_ =	strace $0xD0000000  }
0x3: {  	_ = 	snop  }
0x4: {  	_ = 	snop  }
0x5: {  	_ = 	snop  }
0x6: {  	_ = 	snop  }
0x7: {  	_ = 	snop  }
__scs_overlays_trampoline_lowered:
0x8: {  	[smem:$0x3FA0] =	sst s0  }
0x9: {  	[smem:$0x3FA1] =	sst s1  }
0xa: {  	[smem:$0x3FA2] =	sst s2  }
0xb: {  	[smem:$0x3FA3] =	sst s3  }
0xc: {  	[smem:$0x3FA4] =	sst s4  }
0xd: {  	[smem:$0x3FA5] =	sst s5  }
0xe: {  	[smem:$0x3FA6] =	sst s6  }
0xf: {  	[smem:$0x3FA7] =	sst s7  }
0x10: {  	[smem:$0x3FA8] =	sst s8  }
0x11: {  	[smem:$0x3FA9] =	sst s9;
	s0 =	simm.s32 @!p0 $0x0  }
0x12: {  	s1 =	sld [smem:$0x3F8F];
	s0 =	simm.s32 @p0 $0x1  }
0x13: {  	[smem:$0x3FAA] =	sst s0;
	s0 =	simm.s32 @!p1 $0x0  }
0x14: {  	s2 =	sld [smem:$0x3F8E];
	s0 =	simm.s32 @p1 $0x1  }
0x15: {  	[smem:$0x3FAB] =	sst s0;
	s0 =	simm.s32 @!p2 $0x0  }
0x16: {  	s3 =	sld [smem:$0x3FDB];
	s0 =	simm.s32 @p2 $0x1  }
0x17: {  	s4 =	simm.s32 $0x1BF5;
	[smem:$0x3FAD] =	sst s0  }
0x18: {  	s0 =	sld [smem:$0x3F90];
	_ =	swait.ge [sflag:s4], $0x0  }
0x19: {  	s7 =	sld [smem:$0x3F91]  }
0x1a: {  	s8 =	sadd.s32 $0xFFFFE003, lr  }
0x1b: {  	s9 =	sadd.s32 $0xFFFFFEF7, lr;
	s5 =	simm.s32 $0xFFFFFFFF;
	p2 =	slt.u32 s8, $0xFFFFF086  }
0x1c: {  	p1 =	slt.u32 s9, $0xF7A;
	s5 =	simm.s32 @!p2 $0x0  }
0x1d: {  	s5 =	simm.s32 @p1 $0x1;
	p0 =	seq.s32 s7, s2  }
0x1e: {  	s7 =	smul.u32 @!p0 $0xF7A, s2;
	p2 =	seq.s32 @!p0 s5, $0x0  }
0x1f: {  	s9 =	smul.u32 $0xF7A, s1;
	s8 =	simm.s32 @!p0 $0x1BF5;
	p2 =	por !p2, p0  }
0x20: {  	[sflag:s8] =	ssyncset.s32 @!p0 $0xFFFFF086;
	s6 =	sadd.s32 @!p0 s3, s7;
	s7 =	simm.s32 @!p0 $0x108  }
0x21: {  	s3 =	sadd.s32 s3, s9;
	s6 =	sadd.s32 @!p0 $0x88, s6;
	s7 =	simm.s32 @p2 $0x1082  }
0x22: {  	[simem:s7], [sflag:s8] =	dma.local @!p0 [hbm:s6], $0xF7A  }
0x23: {  	s9 =	sor.u32 $0xD0000000, s2;
	s6 =	simm.s32 $0x108;
	_ =	swait.ge @!p0 [sflag:s8], $0x0  }
0x24: {  	s3 =	sadd.s32 $0x88, s3;
	s6 =	simm.s32 @!p1 $0x1082;
	[sflag:s4] =	ssyncset.s32 $0xFFFFF086  }
0x25: {  	[simem:s6], [sflag:s4] =	dma.local [hbm:s3], $0xF7A  }
0x26: {  	[smem:$0x3F91] =	sst s1;
	(tag) =	ssettag s2;
	_ =	strace s9  }
0x27: {  	s1 =	sld [smem:$0x3FA1]  }
0x28: {  	s2 =	sld [smem:$0x3FA2]  }
0x29: {  	s4 =	sld [smem:$0x3FA4]  }
0x2a: {  	p0 =	seq.s32 s5, $0x0;
	s5 =	sld [smem:$0x3FA5]  }
0x2b: {  	s6 =	sld [smem:$0x3FA6]  }
0x2c: {  	s7 =	sld [smem:$0x3FA7]  }
0x2d: {  	s3 =	simm.s32 $0x108;
	s8 =	sld [smem:$0x3FA8]  }
0x2e: {  	s3 =	simm.s32 @!p0 $0x1082;
	s9 =	sld [smem:$0x3FA9]  }
0x2f: {  	lr =	sadd.s32 s0, s3;
	s0 =	sld [smem:$0x3FA0]  }
0x30: {  	s3 =	sld [smem:$0x3FA3]  }
0x31: {  	[smem:$0x3FAC] =	sst s10  }
0x32: {  	s10 =	sld [smem:$0x3FAA];
	_ =	sdelay $0x3  }
0x33: {  	p0 =	seq.s32 s10, $0x1;
	s10 =	sld [smem:$0x3FAC];
	_ =	sdelay $0x3  }
0x34: {  	[smem:$0x3FAC] =	sst s10  }
0x35: {  	s10 =	sld [smem:$0x3FAB];
	_ =	sdelay $0x3  }
0x36: {  	p1 =	seq.s32 s10, $0x1;
	s10 =	sld [smem:$0x3FAC];
	_ =	sdelay $0x3  }
0x37: {  	[smem:$0x3FAC] =	sst s10  }
0x38: {  	s10 =	sld [smem:$0x3FAD]  }
0x39: {  	_ = 	snop;
	(pc) =	sbr.ind lr, $3  }
0x3a: {  	_ = 	snop  }
0x3b: {  	_ = 	snop  }
0x3c: {  	p2 =	seq.s32 s10, $0x1;
	s10 =	sld [smem:$0x3FAC]  }
0x3d: {  	_ =	shalt  }
0x3e: {  	_ =	shalt  }
0x3f: {  	_ =	shalt  }
0x40: {  	_ =	shalt  }
0x41: {  	_ =	shalt  }
0x42: {  	_ =	shalt  }
0x43: {  	_ =	shalt  }
0x44: {  	_ =	shalt  }
0x45: {  	_ =	shalt  }
0x46: {  	_ =	shalt  }
0x47: {  	_ =	shalt  }
0x48: {  	_ =	shalt  }
0x49: {  	_ =	shalt  }
0x4a: {  	_ =	shalt  }
0x4b: {  	_ =	shalt  }
0x4c: {  	_ =	shalt  }
0x4d: {  	_ =	shalt  }
0x4e: {  	_ =	shalt  }
0x4f: {  	_ =	shalt  }
0x50: {  	_ =	shalt  }
0x51: {  	_ =	shalt  }
0x52: {  	_ =	shalt  }
0x53: {  	_ =	shalt  }
0x54: {  	_ =	shalt  }
0x55: {  	_ =	shalt  }
0x56: {  	_ =	shalt  }
0x57: {  	_ =	shalt  }
0x58: {  	_ =	shalt  }
0x59: {  	_ =	shalt  }
0x5a: {  	_ =	shalt  }
0x5b: {  	_ =	shalt  }
0x5c: {  	_ =	shalt  }
0x5d: {  	_ =	shalt  }
0x5e: {  	_ =	shalt  }
0x5f: {  	_ =	shalt  }
0x60: {  	_ =	shalt  }
0x61: {  	_ =	shalt  }
0x62: {  	_ =	shalt  }
0x63: {  	_ =	shalt  }
0x64: {  	_ =	shalt  }
0x65: {  	_ =	shalt  }
0x66: {  	_ =	shalt  }
0x67: {  	_ =	shalt  }
0x68: {  	_ =	shalt  }
0x69: {  	_ =	shalt  }
0x6a: {  	_ =	shalt  }
0x6b: {  	_ =	shalt  }
0x6c: {  	_ =	shalt  }
0x6d: {  	_ =	shalt  }
0x6e: {  	_ =	shalt  }
0x6f: {  	_ =	shalt  }
0x70: {  	_ =	shalt  }
0x71: {  	_ =	shalt  }
0x72: {  	_ =	shalt  }
0x73: {  	_ =	shalt  }
0x74: {  	_ =	shalt  }
0x75: {  	_ =	shalt  }
0x76: {  	_ =	shalt  }
0x77: {  	_ =	shalt  }
0x78: {  	_ =	shalt  }
0x79: {  	_ =	shalt  }
0x7a: {  	_ =	shalt  }
0x7b: {  	_ =	shalt  }
0x7c: {  	_ =	shalt  }
0x7d: {  	_ =	shalt  }
0x7e: {  	_ =	shalt  }
0x7f: {  	_ =	shalt  }
0x80: {  	_ =	shalt  }
0x81: {  	_ =	shalt  }
0x82: {  	_ =	shalt  }
0x83: {  	_ =	shalt  }
0x84: {  	_ =	shalt  }
0x85: {  	_ =	shalt  }
0x86: {  	_ =	shalt  }
0x87: {  	_ =	shalt  }
.Lfunc_end0:
.L_simem_size_0:
called_computation.3_lowered:
.L_overlay_start_0:
0x88: {  	s2 =	sld [smem:$0x3FD9]  }
0x89: {  	s3 =	sld [smem:$0x3FFE];
	_ =	sdelay $0x1  }
0x8a: {  	s1 =	srdreg.scid  }
0x8b: {  	s0 =	sand.u32 $0x1, s1  }
0x8c: {  	s16 =	sshll.u32 s0, $0xA;
	s2 =	sadd.s32 s3, s2  }
0x8d: {  	s2 =	sadd.s32 s2, s16  }
0x8e: {  	[smem:$0x3FB8] =	sst s2  }
0x8f: {  	_ = 	snop  }
0x90: {  	(tm) =	ssettm $0x1  }
0x91: {  	s17 =	sld [smem:$0x3FFB];
	_ =	sdelay $0x3  }
0x92: {  	_ =	strace s17  }
0x93: {  	s2 =	sld [smem:$0x3FFC];
	_ =	sdelay $0x3  }
0x94: {  	_ =	strace s2  }
0x95: {  	s2 =	sld [smem:$0x3FFD];
	_ =	sdelay $0x3  }
0x96: {  	_ =	strace s2  }
0x97: {  	_ =	strace $0x8FFFFFFF  }
0x98: {  	s18 =	sld [smem:$0x3FDB];
	_ =	sdelay $0x1  }
0x99: {  	s19 =	simm.s32 $_scs_section_size  }
0x9a: {  	s4 =	simm.s32 $_size__tile_overlayer_lowered;
	s5 =	simm.s32 $_tile_overlayer_lowered  }
0x9b: {  	s22 =	simm.s32 $0x1BFF;
	s21 =	sshll.u32 s5, $0x1;
	s2 =	sadd.s32 s19, s18  }
0x9c: {  	s6 =	simm.s32 $0x0;
	s20 =	sshll.u32 s4, $0x1;
	s4 =	sadd.s32 s21, s2  }
0x9d: {  	[timem:s6], [sflag:s22] =	dma.local [hbm:s4], s20  }
0x9e: {  	_ =	swait.ge [sflag:s22], s20  }
0x9f: {  	s3 =	ssub.s32 $0x0, s20;
	[sflag:s22] =	ssyncset.done $0x0  }
0xa0: {  	[sflag:s22] =	ssyncadd.s32 s3;
	_ =	sdelay $0x1  }
0xa1: {  	s23 =	simm.s32 $0x1B8B  }
0xa2: {  	_ =	swait.ge [sflag:s23], $0x1  }
0xa3: {  	[sflag:s23] =	ssyncset.done $0x0  }
0xa4: {  	s25 =	simm.s32 $0x1B8E;
	s24 =	sld [smem:$0x3FFE];
	[sflag:s23] =	ssyncadd.s32 $0xFFFFFFFF  }
0xa5: {  	s26 =	simm.s32 $execute0_lowered;
	[smem:$0x3FD2] =	sst s25  }
0xa6: {  	s4 =	sshll.u32 s26, $0x1;
	_ =	strace $0x8000004F;
	[dreg:$0x1] =	wrdreg $0xFFFFFFFF  }
0xa7: {  	s28 =	simm.s32 $_size_execute0_lowered;
	s2 =	sadd.s32 s2, s4;
	[dreg:$0x0] =	wrdreg $0x0  }
0xa8: {  	s4 =	sshll.u32 s28, $0x1;
	[dreg:$0x2] =	wrdreg s2  }
0xa9: {  	[dreg:$0x3] =	wrdreg s4  }
0xaa: {  	[dreg:$0x4] =	wrdreg $0xC0  }
0xab: {  	_ =	task [dreg:s6], $0x5FFFF  }
0xac: {  	[dreg:$0x1] =	wrdreg $0xFFFFFFFF  }
0xad: {  	[dreg:$0x0] =	wrdreg $0x60  }
0xae: {  	[dreg:$0x2] =	wrdreg s24  }
0xaf: {  	[dreg:$0x3] =	wrdreg $0x58800  }
0xb0: {  	[dreg:$0x4] =	wrdreg $0x9  }
0xb1: {  	_ =	task.clear_ibuf [dreg:s6], $0x5FFFF;
	_ =	strace $0x9000004F  }
0xb2: {  	s29 =	simm.s32 $0x9;
	_ =	strace $0x80000051  }
0xb3: {  	_ =	swait.ge [sflag:s29], $0x1  }
0xb4: {  	[sflag:s29] =	ssyncadd.s32 $0xFFFFFFFF  }
0xb5: {  	_ =	strace $0x90000051  }
0xb6: {  	_ =	sfence  }
0xb7: {  	s30 =	sld [smem:$0x0];
	_ =	sdelay $0x2  }
0xb8: {  	s31 =	sshll.u32 s1, $0xD;
	s1 =	sshrl.u32 s1, $0x2  }
0xb9: {  	s3 =	sand.u32 $0x4000, s31;
	s1 =	sadd.s32 s1, s30  }
0xba: {  	s0 =	sor.u32 s3, s0;
	s1 =	sshll.u32 s1, $0x11  }
0xbb: {  	s0 =	sor.u32 s1, s0  }
0xbc: {  	s0 =	sadd.s32 $0x8F2B, s0  }
0xbd: {  	[sflag:s0] =	ssyncadd.remote.s32 $0x1  }
0xbe: {  	_ =	sfence.sel $0xFFFF  }
0xbf: {  	[dreg:$0x0] =	wrdreg $0xFFFFFFFF;
	(pc) =	sbr.abs _section_cstart, $3  }
0xc0: {  	[dreg:$0x1] =	wrdreg $0xFFFFFFFF  }
0xc1: {  	_ =	task.clear_ibuf [dreg:s6], $0x2FFFF;
	_ =	strace $0x9FFFFFFF  }
0xc2: {  	(tm) =	ssettm $0x7FFFFFFF  }
0xc3: {  	_ =	shalt  }
tec
execute0_lowered:
.L_overlay_start_1:
0x0: {  	(tag) =	ssettag $0x1  }
0x1: {  	s0 =	rddreg [dreg:$0x0]  }
0x2: {  	s2 =	rddreg [dreg:$0x1];
	s3 =	simm.s32 $0x0  }
0x3: {  	s11 =	stileid.u32;
	s5 =	srdreg.scid;
	s17 =	simm.s32 $0x80  }
0x4: {  	s19 =	simm.s32 $0x1;
	s20 =	simm.s32 $0x32;
	s28 =	simm.s32 $0x280  }
0x5: {  	s29 =	simm.s32 $0x3C80;
	s30 =	simm.s32 $0x4;
	s31 =	simm.s32 $0x300  }
0x6: {  	[smem:$0x7FF] =	sst s3;
	s1 =	smul.u32 $0xC80, s11;
	s7 =	sadd.s32 $0x12600, s0  }
0x7: {  	s4 =	sadd.s32 $0x39800, s0;
	s5 =	sand.u32 $0x1, s5;
	s8 =	smul.u32 $0x7D000, s11  }
0x8: {  	s9 =	sadd.s32 $0x60A00, s0;
	s25 =	smul.u32 $0x3E80, s11;
	_ =	strace $0x80000050  }
0x9: {  	s6 =	ssub.s32 $0x2, s5;
	[dreg:$0x3] =	wrdreg s9;
	s9 =	sadd.s32 $0x64A00, s0  }
0xa: {  	p0 =	seq.s32 s5, $0x0;
	s5 =	simm.s32 $0x6;
	s1 =	sadd.s32 s1, s0  }
0xb: {  	s10 =	sshrl.u32 s6, $0x1;
	s0 =	sadd.s32 $0x8BC00, s0;
	s21 =	sshrl.u32 s8, $0x2  }
0xc: {  	s4 =	smov.u32 @p0 s7;
	s7 =	simm.s32 $0x400;
	s10 =	ssub.s32 s6, s10  }
0xd: {  	s8 =	sadd.s32 s21, s2;
	s6 =	sadd.s32 $0x5E00, s1;
	s12 =	sadd.s32 $0x5E10, s1  }
0xe: {  	s22 =	sadd.s32 $0x5E20, s1;
	s23 =	sadd.s32 $0x5E30, s1;
	[dreg:$0x4] =	wrdreg s12  }
0xf: {  	s24 =	sadd.s32 $0x5E40, s1;
	s1 =	sadd.s32 $0x5E50, s1;
	[dreg:$0x5] =	wrdreg s22  }
0x10: {  	s0 =	smov.u32 @p0 s9;
	p0 =	sgt.u32 s11, $0x9;
	[dreg:$0x6] =	wrdreg s23  }
0x11: {  	s21 =	simm.s32 $0x180;
	s9 =	simm.s32 $0x8;
	[dreg:$0x7] =	wrdreg s24  }
0x12: {  	[dreg:$0x8] =	wrdreg s1;
	s26 =	smax.u32 s10, $0x1;
	s0 =	sadd.s32 s0, s25  }
0x13: {  	s16 =	sshrl.u32 @!p0 s8, $0x3;
	s22 =	simm.s32 $0x480;
	s23 =	simm.s32 $0x2  }
.Ltmp0:
0x14: {  	s24 =	simm.s32 $0x200;
	s25 =	simm.s32 $0x2080;
	(pc) =	sbr.rel .LBB2_1-.Ltmp0, $4  }
0x15: {  	s1 =	simm.s32 $0x380;
	s8 =	simm.s32 $0x7;
	[dreg:$0x9] =	wrdreg s26  }
0x16: {  	s10 =	simm.s32 $0x9;
	[dreg:$0xa] =	wrdreg s0;
	s0 =	sshll.u32 @!p0 s11, $0x6  }
0x17: {  	s26 =	simm.s32 $0x3;
	[dreg:$0xb] =	wrdreg s0;
	s0 =	sor.u32 @!p0 $0x1C0A, s0  }
0x18: {  	s11 =	simm.s32 $0x0;
	[dreg:$0xc] =	wrdreg s0;
	s0 =	simm.s32 $0x5  }
.LBB2_4:
0x19: {  	[tilespmem:s25], [sflag:$0x5] =	stream.indirect.gather [hbm4b:s4+s20], $0x80, s24, s20, $0xb8;
	[tilespmem:$0x19100] =	vst v63  }
.LBB2_5:
0x1a: {  	_ =	swait.ge [sflag:s30], $0x1900  }
0x1b: {  	[sflag:s30] =	ssyncset.done $0x0  }
0x1c: {  	[sflag:s30] =	ssyncadd.s32 $0xFFFFE700  }
0x1d: {  	[spmem:s2] =	stream.indirect.scatter.add.f32 [tilespmem:s22], [sflag:$0x7], $0x80, s31, s20, $0xb8;
	[tilespmem:$0x19100] =	vst v63  }
0x1e: {  	_ =	swait.ge [sflag:s0], $0x1900  }
0x1f: {  	[sflag:s0] =	ssyncset.done $0x0  }
0x20: {  	[sflag:s0] =	ssyncadd.s32 $0xFFFFE700  }
0x21: {  	[spmem:s2] =	stream.indirect.scatter.add.f32 [tilespmem:s25], [sflag:$0x8], $0x80, s1, s20, $0xb8;
	[tilespmem:$0x19100] =	vst v63  }
0x22: {  	_ =	swait.ge [sflag:s10], $0x1900  }
0x23: {  	[sflag:s10] =	ssyncset.done $0x0  }
0x24: {  	[sflag:s10] =	ssyncadd.s32 $0xFFFFE700  }
0x25: {  	_ =	swait.ge [sflag:s8], $0x1900  }
0x26: {  	[sflag:s8] =	ssyncset.done $0x0  }
0x27: {  	[sflag:s8] =	ssyncadd.s32 $0xFFFFE700  }
0x28: {  	_ =	swait.ge [sflag:s9], $0x1900  }
0x29: {  	[sflag:s9] =	ssyncset.done $0x0  }
0x2a: {  	[sflag:s9] =	ssyncadd.s32 $0xFFFFE700  }
0x2b: {  	[bflag:$0x0] =	sbarrier.arrive $0xFFFF  }
0x2c: {  	s12 =	rddreg [dreg:$0xb]  }
0x2d: {  	s13 =	rddreg [dreg:$0xa];
	s12 =	sor.u32 @!p0 $0x1C0B, s12  }
0x2e: {  	[hbm:s13], [sflag:s12] =	dma.local @!p0 [spmem:s16], $0x3E80  }
0x2f: {  	s12 =	simm.s32 @!p0 $0xB  }
0x30: {  	_ =	swait.ge @!p0 [sflag:s12], $0x3E80  }
0x31: {  	s11 =	sadd.s32 $0x1, s11;
	s18 =	rddreg [dreg:$0x9]  }
0x32: {  	p1 =	sne.s32 s11, s18  }
.Ltmp1:
0x33: {  	_ = 	snop;
	(pc) =	sbr.rel @!p1 .LBB2_6-.Ltmp1, $3  }
0x34: {  	_ =	sdelay $0x1  }
0x35: {  	[sflag:s12] =	ssyncset.done @!p0 $0x0  }
0x36: {  	[sflag:s12] =	ssyncadd.s32 @!p0 $0xFFFFC180  }
.LBB2_1:
0x37: {  	s12 =	rddreg [dreg:$0x3]  }
0x38: {  	s13 =	rddreg [dreg:$0xc]  }
0x39: {  	[spmem:s16], [sflag:s13] =	dma.local @!p0 [hbm:s12], $0x3E80  }
0x3a: {  	[tilespmem:s3], [sflag:$0x1] =	stream.linear.gather [hbm4b:s6+s3], $0x80, $0x38;
	[tilespmem:$0x19100] =	vst v63  }
0x3b: {  	s12 =	rddreg [dreg:$0x4]  }
0x3c: {  	[tilespmem:s17], [sflag:$0x2] =	stream.linear.gather [hbm4b:s12+s3], $0x80, $0x38;
	[tilespmem:$0x19100] =	vst v63  }
0x3d: {  	s13 =	simm.s32 $0x100;
	s18 =	rddreg [dreg:$0x5]  }
0x3e: {  	[tilespmem:s13], [sflag:$0x3] =	stream.linear.gather [hbm4b:s18+s3], $0x80, $0x38;
	[tilespmem:$0x19100] =	vst v63  }
0x3f: {  	_ =	swait.ge [sflag:s19], $0x80  }
0x40: {  	[sflag:s19] =	ssyncset.done $0x0  }
0x41: {  	[sflag:s19] =	ssyncadd.s32 $0xFFFFFF80  }
0x42: {  	v0 =	vld [tilespmem:$0x0];
	_ =	sdelay $0x1  }
0x43: {  	v1 =	vld [tilespmem:$0x10];
	_ =	sdelay $0x1  }
0x44: {  	v2 =	vld [tilespmem:$0x20]  }
0x45: {  	v3 =	vand.u32 $0xFFFF, v0  }
0x46: {  	v35 =	vld [tilespmem:$0x22];
	v0 =	vshrl.u32 v0, $0x10;
	[tilespmem:$0x180] =	vst v3  }
0x47: {  	v36 =	vand.u32 $0xFFFF, v1;
	[tilespmem:$0x300] =	vst v0  }
0x48: {  	v37 =	vshrl.u32 v1, $0x10;
	[tilespmem:$0x190] =	vst v36  }
0x49: {  	v38 =	vand.u32 $0xFFFF, v2;
	[tilespmem:$0x310] =	vst v37  }
0x4a: {  	v39 =	vshrl.u32 v2, $0x10;
	[tilespmem:$0x1A0] =	vst v38  }
0x4b: {  	v40 =	vand.u32 $0xFFFF, v35;
	[tilespmem:$0x320] =	vst v39  }
0x4c: {  	v41 =	vshrl.u32 v35, $0x10;
	[tilespmem:$0x1A2] =	vst v40  }
0x4d: {  	s14 =	rddreg [dreg:$0x6];
	[tilespmem:$0x322] =	vst v41  }
0x4e: {  	[tilespmem:s3], [sflag:$0x1] =	stream.linear.gather [hbm4b:s14+s3], $0x80, $0x38;
	[tilespmem:$0x19100] =	vst v63  }
0x4f: {  	_ = 	snop  }
0x50: {  	[tilespmem:s22], [sflag:$0x4] =	stream.indirect.gather [hbm4b:s4+s20], $0x80, s21, s20, $0xb8;
	[tilespmem:$0x19100] =	vst v63  }
0x51: {  	_ =	swait.ge [sflag:s23], $0x80  }
0x52: {  	[sflag:s23] =	ssyncset.done $0x0  }
0x53: {  	[sflag:s23] =	ssyncadd.s32 $0xFFFFFF80  }
0x54: {  	v42 =	vld [tilespmem:$0x80];
	_ =	sdelay $0x1  }
0x55: {  	v43 =	vld [tilespmem:$0x90];
	_ =	sdelay $0x1  }
0x56: {  	v44 =	vld [tilespmem:$0xA0]  }
0x57: {  	v45 =	vand.u32 $0xFFFF, v42  }
0x58: {  	v46 =	vld [tilespmem:$0xA2];
	v0 =	vshrl.u32 v42, $0x10;
	[tilespmem:$0x200] =	vst v45  }
0x59: {  	v47 =	vand.u32 $0xFFFF, v43;
	[tilespmem:$0x380] =	vst v0  }
0x5a: {  	v48 =	vshrl.u32 v43, $0x10;
	[tilespmem:$0x210] =	vst v47  }
0x5b: {  	v49 =	vand.u32 $0xFFFF, v44;
	[tilespmem:$0x390] =	vst v48  }
0x5c: {  	v50 =	vshrl.u32 v44, $0x10;
	[tilespmem:$0x220] =	vst v49  }
0x5d: {  	v51 =	vand.u32 $0xFFFF, v46;
	[tilespmem:$0x3A0] =	vst v50  }
0x5e: {  	v52 =	vshrl.u32 v46, $0x10;
	[tilespmem:$0x222] =	vst v51  }
0x5f: {  	s15 =	rddreg [dreg:$0x7];
	[tilespmem:$0x3A2] =	vst v52  }
0x60: {  	[tilespmem:s17], [sflag:$0x2] =	stream.linear.gather [hbm4b:s15+s3], $0x80, $0x38;
	[tilespmem:$0x19100] =	vst v63  }
0x61: {  	_ = 	snop  }
0x62: {  	[tilespmem:s25], [sflag:$0x5] =	stream.indirect.gather [hbm4b:s4+s20], $0x80, s24, s20, $0xb8;
	[tilespmem:$0x19100] =	vst v63  }
0x63: {  	_ =	swait.ge [sflag:s26], $0x80  }
0x64: {  	[sflag:s26] =	ssyncset.done $0x0  }
0x65: {  	[sflag:s26] =	ssyncadd.s32 $0xFFFFFF80  }
0x66: {  	v53 =	vld [tilespmem:$0x100];
	_ =	sdelay $0x1  }
0x67: {  	v54 =	vld [tilespmem:$0x110];
	_ =	sdelay $0x1  }
0x68: {  	v55 =	vld [tilespmem:$0x120]  }
0x69: {  	v56 =	vand.u32 $0xFFFF, v53  }
0x6a: {  	v57 =	vld [tilespmem:$0x122];
	v0 =	vshrl.u32 v53, $0x10;
	[tilespmem:$0x280] =	vst v56  }
0x6b: {  	v58 =	vand.u32 $0xFFFF, v54;
	[tilespmem:$0x400] =	vst v0  }
0x6c: {  	v59 =	vshrl.u32 v54, $0x10;
	[tilespmem:$0x290] =	vst v58  }
0x6d: {  	v60 =	vand.u32 $0xFFFF, v55;
	[tilespmem:$0x410] =	vst v59  }
0x6e: {  	v61 =	vshrl.u32 v55, $0x10;
	[tilespmem:$0x2A0] =	vst v60  }
0x6f: {  	v62 =	vand.u32 $0xFFFF, v57;
	[tilespmem:$0x420] =	vst v61  }
0x70: {  	v63 =	vshrl.u32 v57, $0x10;
	[tilespmem:$0x2A2] =	vst v62  }
0x71: {  	s18 =	rddreg [dreg:$0x8];
	[tilespmem:$0x422] =	vst v63  }
0x72: {  	[tilespmem:s13], [sflag:$0x3] =	stream.linear.gather [hbm4b:s18+s3], $0x80, $0x38;
	[tilespmem:$0x19100] =	vst v63  }
0x73: {  	s12 =	simm.s32 @!p0 $0xA  }
0x74: {  	[tilespmem:s29], [sflag:$0x6] =	stream.indirect.gather [hbm4b:s4+s20], $0x80, s28, s20, $0xb8;
	[tilespmem:$0x19100] =	vst v63  }
0x75: {  	_ =	swait.ge @!p0 [sflag:s12], $0x3E80  }
0x76: {  	[sflag:s12] =	ssyncset.done @!p0 $0x0  }
0x77: {  	[sflag:s12] =	ssyncadd.s32 @!p0 $0xFFFFC180  }
0x78: {  	s13 =	simm.s32 $0x0;
	s12 =	simm.s32 $0x0;
	[bflag:$0x0] =	sbarrier.arrive $0xFFFF  }
.LBB2_2:
0x79: {  	_ =	swait.ge [sflag:s30], $0x1900  }
0x7a: {  	[sflag:s30] =	ssyncset.done $0x0  }
0x7b: {  	[sflag:s30] =	ssyncadd.s32 $0xFFFFE700  }
0x7c: {  	[spmem:s2] =	stream.indirect.scatter.add.f32 [tilespmem:s22], [sflag:$0x7], $0x80, s31, s20, $0xb8;
	[tilespmem:$0x19100] =	vst v63  }
0x7d: {  	_ =	swait.ge [sflag:s0], $0x1900  }
0x7e: {  	[sflag:s0] =	ssyncset.done $0x0  }
0x7f: {  	[sflag:s0] =	ssyncadd.s32 $0xFFFFE700  }
0x80: {  	[spmem:s2] =	stream.indirect.scatter.add.f32 [tilespmem:s25], [sflag:$0x8], $0x80, s1, s20, $0xb8;
	[tilespmem:$0x19100] =	vst v63  }
0x81: {  	_ =	swait.ge [sflag:s5], $0x1900  }
0x82: {  	[sflag:s5] =	ssyncset.done $0x0  }
0x83: {  	[sflag:s5] =	ssyncadd.s32 $0xFFFFE700  }
0x84: {  	[spmem:s2] =	stream.indirect.scatter.add.f32 [tilespmem:s29], [sflag:$0x9], $0x80, s7, s20, $0xb8;
	[tilespmem:$0x19100] =	vst v63  }
0x85: {  	_ =	swait.ge [sflag:s8], $0x1900  }
0x86: {  	[sflag:s8] =	ssyncset.done $0x0  }
0x87: {  	[sflag:s8] =	ssyncadd.s32 $0xFFFFE700  }
0x88: {  	_ =	swait.ge [sflag:s19], $0x80  }
0x89: {  	[sflag:s19] =	ssyncset.done $0x0  }
0x8a: {  	[sflag:s19] =	ssyncadd.s32 $0xFFFFFF80  }
0x8b: {  	v0 =	vld [tilespmem:$0x0];
	_ =	sdelay $0x1  }
0x8c: {  	v1 =	vld [tilespmem:$0x10];
	_ =	sdelay $0x1  }
0x8d: {  	v2 =	vld [tilespmem:$0x20]  }
0x8e: {  	v3 =	vand.u32 $0xFFFF, v0  }
0x8f: {  	v46 =	vld [tilespmem:$0x22];
	v0 =	vshrl.u32 v0, $0x10;
	[tilespmem:$0x180] =	vst v3  }
0x90: {  	v47 =	vand.u32 $0xFFFF, v1;
	[tilespmem:$0x300] =	vst v0  }
0x91: {  	v48 =	vshrl.u32 v1, $0x10;
	[tilespmem:$0x190] =	vst v47  }
0x92: {  	v49 =	vand.u32 $0xFFFF, v2;
	[tilespmem:$0x310] =	vst v48  }
0x93: {  	v50 =	vshrl.u32 v2, $0x10;
	[tilespmem:$0x1A0] =	vst v49  }
0x94: {  	p1 =	seq.s32 s12, $0xC30;
	v51 =	vand.u32 $0xFFFF, v46;
	[tilespmem:$0x320] =	vst v50  }
0x95: {  	s18 =	sadd.s32 @!p1 s12, s6;
	v52 =	vshrl.u32 v46, $0x10;
	[tilespmem:$0x1A2] =	vst v51  }
0x96: {  	s15 =	simm.s32 @!p1 $0x0;
	s18 =	sadd.s32 @!p1 $0x60, s18;
	[tilespmem:$0x322] =	vst v52  }
0x97: {  	[tilespmem:s15], [sflag:$0x1] =	stream.linear.gather @!p1 [hbm4b:s18+s15], $0x80, $0x38;
	[tilespmem:$0x19100] =	vst v63  }
0x98: {  	_ = 	snop  }
0x99: {  	[tilespmem:s22], [sflag:$0x4] =	stream.indirect.gather [hbm4b:s4+s20], $0x80, s21, s20, $0xb8;
	[tilespmem:$0x19100] =	vst v63  }
0x9a: {  	_ =	swait.ge [sflag:s9], $0x1900  }
0x9b: {  	[sflag:s9] =	ssyncset.done $0x0  }
0x9c: {  	[sflag:s9] =	ssyncadd.s32 $0xFFFFE700  }
0x9d: {  	_ =	swait.ge [sflag:s23], $0x80  }
0x9e: {  	[sflag:s23] =	ssyncset.done $0x0  }
0x9f: {  	[sflag:s23] =	ssyncadd.s32 $0xFFFFFF80  }
0xa0: {  	v53 =	vld [tilespmem:$0x80];
	_ =	sdelay $0x1  }
0xa1: {  	v54 =	vld [tilespmem:$0x90];
	_ =	sdelay $0x1  }
0xa2: {  	v55 =	vld [tilespmem:$0xA0]  }
0xa3: {  	v56 =	vand.u32 $0xFFFF, v53  }
0xa4: {  	v57 =	vld [tilespmem:$0xA2];
	v0 =	vshrl.u32 v53, $0x10;
	[tilespmem:$0x200] =	vst v56  }
0xa5: {  	v58 =	vand.u32 $0xFFFF, v54;
	[tilespmem:$0x380] =	vst v0  }
0xa6: {  	v59 =	vshrl.u32 v54, $0x10;
	[tilespmem:$0x210] =	vst v58  }
.Ltmp2:
0xa7: {  	v60 =	vand.u32 $0xFFFF, v55;
	[tilespmem:$0x390] =	vst v59;
	(pc) =	sbr.rel @p1 .LBB2_4-.Ltmp2, $4  }
0xa8: {  	v61 =	vshrl.u32 v55, $0x10;
	[tilespmem:$0x220] =	vst v60  }
0xa9: {  	v62 =	vand.u32 $0xFFFF, v57;
	[tilespmem:$0x3A0] =	vst v61  }
0xaa: {  	v63 =	vshrl.u32 v57, $0x10;
	[tilespmem:$0x222] =	vst v62  }
0xab: {  	[tilespmem:$0x3A2] =	vst v63  }
0xac: {  	s15 =	sadd.s32 s12, s6  }
0xad: {  	s15 =	sadd.s32 $0x70, s15  }
0xae: {  	[tilespmem:s17], [sflag:$0x2] =	stream.linear.gather [hbm4b:s15+s3], $0x80, $0x38;
	[tilespmem:$0x19100] =	vst v63  }
0xaf: {  	_ = 	snop  }
0xb0: {  	[tilespmem:s25], [sflag:$0x5] =	stream.indirect.gather [hbm4b:s4+s20], $0x80, s24, s20, $0xb8;
	[tilespmem:$0x19100] =	vst v63  }
0xb1: {  	_ =	swait.ge [sflag:s10], $0x1900  }
0xb2: {  	[sflag:s10] =	ssyncset.done $0x0  }
0xb3: {  	[sflag:s10] =	ssyncadd.s32 $0xFFFFE700  }
0xb4: {  	_ =	swait.ge [sflag:s26], $0x80  }
0xb5: {  	[sflag:s26] =	ssyncset.done $0x0  }
0xb6: {  	[sflag:s26] =	ssyncadd.s32 $0xFFFFFF80  }
0xb7: {  	v0 =	vld [tilespmem:$0x100];
	_ =	sdelay $0x1  }
0xb8: {  	v1 =	vld [tilespmem:$0x110];
	_ =	sdelay $0x1  }
0xb9: {  	v2 =	vld [tilespmem:$0x120]  }
0xba: {  	v3 =	vand.u32 $0xFFFF, v0  }
0xbb: {  	v57 =	vld [tilespmem:$0x122];
	v0 =	vshrl.u32 v0, $0x10;
	[tilespmem:$0x280] =	vst v3  }
0xbc: {  	v58 =	vand.u32 $0xFFFF, v1;
	[tilespmem:$0x400] =	vst v0  }
0xbd: {  	v59 =	vshrl.u32 v1, $0x10;
	[tilespmem:$0x290] =	vst v58  }
0xbe: {  	v60 =	vand.u32 $0xFFFF, v2;
	[tilespmem:$0x410] =	vst v59  }
0xbf: {  	v61 =	vshrl.u32 v2, $0x10;
	[tilespmem:$0x2A0] =	vst v60  }
0xc0: {  	p1 =	sgt.u32 s13, $0x3F;
	v62 =	vand.u32 $0xFFFF, v57;
	[tilespmem:$0x420] =	vst v61  }
0xc1: {  	s18 =	simm.s32 @!p1 $0x0;
	s15 =	sadd.s32 @!p1 s12, s6;
	v63 =	vshrl.u32 v57, $0x10;
	[tilespmem:$0x2A2] =	vst v62  }
0xc2: {  	s14 =	simm.s32 @!p1 $0x100;
	s12 =	sadd.s32 $0x30, s12;
	s15 =	sadd.s32 @!p1 $0x80, s15;
	[tilespmem:$0x422] =	vst v63  }
0xc3: {  	[tilespmem:s14], [sflag:$0x3] =	stream.linear.gather @!p1 [hbm4b:s15+s18], $0x80, $0x38;
	[tilespmem:$0x19100] =	vst v63  }
0xc4: {  	p1 =	seq.s32 s12, $0xC60  }
.Ltmp3:
0xc5: {  	_ = 	snop;
	(pc) =	sbr.rel @!p1 .LBB2_2-.Ltmp3, $4  }
.Ltmp4:
0xc6: {  	_ = 	snop;
	(pc) =	sbr.rel @p1 .LBB2_5-.Ltmp4, $4  }
0xc7: {  	_ = 	snop  }
0xc8: {  	s13 =	sadd.s32 $0x1, s13  }
0xc9: {  	[tilespmem:s29], [sflag:$0x6] =	stream.indirect.gather [hbm4b:s4+s20], $0x80, s28, s20, $0xb8;
	[tilespmem:$0x19100] =	vst v63  }
0xca: {  	_ = 	snop  }
.LBB2_6:
0xcb: {  	_ =	sfence.sel $0x180000  }
0xcc: {  	[bflag:$0x0] =	sbarrier.arrive $0xFFFF  }
0xcd: {  	_ =	strace $0x90000050  }
0xce: {  	s0 =	stileid.u32;
	[bflag:$0x2] =	sbarrier.arrive $0xFFFF  }
0xcf: {  	p0 =	sne.s32 s0, $0x0;
	s0 =	rddreg [dreg:$0x2]  }
0xd0: {  	s0 =	sadd.s32 @!p0 $0x100000, s0  }
0xd1: {  	[sflag:s0] =	ssyncadd.tile.s32 @!p0 $0x1;
	_ =	shalt  }
.Lfunc_end2:
_tile_overlayer_lowered:
.L_overlay_start_2:
0xd2: {  	(tag) =	ssettag $0x2  }
0xd3: {  	s0 =	rddreg [dreg:$0x0];
	s2 =	stileid.u32  }
0xd4: {  	s1 =	rddreg [dreg:$0x1];
	p0 =	sne.s32 s2, $0x0  }
0xd5: {  	s3 =	rddreg [dreg:$0x2];
	[bflag:$0x3] =	sbarrier.arrive $0xFFFF;
	s2 =	simm.s32 @!p0 $0x1C0B  }
0xd6: {  	[timem:s3], [sflag:s2] =	dma.local @!p0 [hbm:s0], s1  }
0xd7: {  	s0 =	simm.s32 @!p0 $0xB  }
0xd8: {  	_ =	swait.ge @!p0 [sflag:s0], s1  }
0xd9: {  	s1 =	ssub.s32 @!p0 $0x0, s1;
	[sflag:s0] =	ssyncset.done @!p0 $0x0  }
0xda: {  	[sflag:s0] =	ssyncadd.s32 @!p0 s1  }
0xdb: {  	[bflag:$0x3] =	sbarrier.arrive $0xFFFF  }
0xdc: {  	_ =	shalt  }

</sc_bundles>
